<compile_context>
chip_gen: v7x
topology: tpu7x:2x2x1
jax: 0.10.2.dev20260603
libtpu: 0.0.44.dev20260713+nightly
codegen_flags: <defaults>
</compile_context>

<pallas_src>
import functools

import jax
import jax.numpy as jnp
from jax import lax
from jax.experimental import pallas as pl
from jax.experimental.pallas import tpu as pltpu
from jax.experimental.pallas import tpu_sc as plsc


def _sc_gather_one(idx, table):
    B = idx.shape[0]
    E = table.shape[1]
    info = plsc.get_sparse_core_info()
    NC, NS = info.num_cores, info.num_subcores
    NW = NC * NS
    BPW = B // NW
    G = BPW // 16

    mesh = plsc.VectorSubcoreMesh(core_axis_name="c", subcore_axis_name="s")

    @functools.partial(
        pl.kernel,
        mesh=mesh,
        out_type=jax.ShapeDtypeStruct((B, E), jnp.float32),
        scratch_types=[
            pltpu.VMEM((BPW,), jnp.int32),
            pltpu.VMEM((BPW // 2, E), jnp.float32),
            pltpu.SemaphoreType.DMA,
        ],
    )
    def gather_kernel(idx_hbm, tab_hbm, out_hbm, idx_v, rows_v, sem):
        wid = lax.axis_index("s") * NC + lax.axis_index("c")
        base = wid * BPW
        half = BPW // 2
        pltpu.sync_copy(idx_hbm.at[pl.ds(base, BPW)], idx_v)

        def fire_group(h, g):
            vec = idx_v[pl.ds(h * half + g * 16, 16)]
            for j in range(16):
                pltpu.async_copy(tab_hbm.at[pl.ds(vec[j], 1)],
                                 rows_v.at[pl.ds(g * 16 + j, 1)], sem)

        def drain_group():
            for _ in range(16):
                pltpu.make_async_copy(tab_hbm.at[pl.ds(0, 1)],
                                      rows_v.at[pl.ds(0, 1)], sem).wait()

        for h in range(2):
            fire_group(h, 0)

            def body(g, _, h=h):
                fire_group(h, g)
                drain_group()
                return ()

            lax.fori_loop(1, G // 2, body, ())
            drain_group()
            pltpu.sync_copy(rows_v, out_hbm.at[pl.ds(base + h * half, half)])

    return gather_kernel(idx, table)


def _mlp_body(u_ref, m_ref, w1u_ref, w1m_ref, b1_ref, w2_ref, b2_ref,
              w3_ref, b3_ref, out_ref):
    x = jnp.dot(u_ref[...], w1u_ref[...], preferred_element_type=jnp.float32)
    x = x + jnp.dot(m_ref[...], w1m_ref[...],
                    preferred_element_type=jnp.float32)
    h1 = jnp.maximum(x + b1_ref[...], 0.0)
    h2 = jnp.dot(h1, w2_ref[...], preferred_element_type=jnp.float32)
    h2 = jnp.maximum(h2 + b2_ref[...], 0.0)
    o = jnp.sum(h2 * w3_ref[...], axis=1) + b3_ref[0, 0]
    out_ref[...] = o


def _tc_mlp(u, m, W1, b1, W2, b2, W3, b3, blk=4096):
    B, E = u.shape
    H1 = W1.shape[0]
    H2 = W2.shape[0]
    w1u = W1[:, :E].T
    w1m = W1[:, E:].T
    w2t = W2.T
    b1r = b1.reshape(1, H1)
    b2r = b2.reshape(1, H2)
    w3r = W3.reshape(1, H2)
    b3r = b3.reshape(1, 1)

    grid = (B // blk,)
    full = lambda i: (0, 0)
    return pl.pallas_call(
        _mlp_body,
        grid=grid,
        in_specs=[
            pl.BlockSpec((blk, E), lambda i: (i, 0)),
            pl.BlockSpec((blk, E), lambda i: (i, 0)),
            pl.BlockSpec((E, H1), full),
            pl.BlockSpec((E, H1), full),
            pl.BlockSpec((1, H1), full),
            pl.BlockSpec((H1, H2), full),
            pl.BlockSpec((1, H2), full),
            pl.BlockSpec((1, H2), full),
            pl.BlockSpec((1, 1), full),
        ],
        out_specs=pl.BlockSpec((blk,), lambda i: (i,)),
        out_shape=jax.ShapeDtypeStruct((B,), jnp.float32),
    )(u, m, w1u, w1m, b1r, w2t, b2r, w3r, b3r)


def kernel(users, movies, user_table, movie_table, W1, b1, W2, b2, W3, b3):
    m = _sc_gather_one(movies, movie_table)
    u = _sc_gather_one(users, user_table)
    return _tc_mlp(u, m, W1, b1, W2, b2, W3, b3)

# --- scband reference (transcript-rebuilt; emitter-appended) ---
"""Pipeline reference for scband-neural-cf-429496730313 (READ-ONLY COPY).

The authoritative reference and input builder live on the scoring server;
editing this copy changes nothing except your own understanding.
"""

import jax, jax.numpy as jnp
import numpy as np

NUM_USERS = 1000000
NUM_MOVIES = 100000
EMBED = 32
BATCH = 16384


def setup_inputs(seed: int = 0) -> dict:
    key = jax.random.key(seed)
    ks = jax.random.split(key, 12)
    users = jax.random.randint(ks[0], (BATCH,), 0, NUM_USERS, dtype=jnp.int64 if jax.config.jax_enable_x64 else jnp.int32).astype(jnp.int32)
    movies = jax.random.randint(ks[1], (BATCH,), 0, NUM_MOVIES, dtype=jnp.int32)
    user_table = jax.random.normal(ks[2], (NUM_USERS, EMBED), dtype=jnp.float32) * 0.02
    movie_table = jax.random.normal(ks[3], (NUM_MOVIES, EMBED), dtype=jnp.float32) * 0.02
    W1 = jax.random.normal(ks[4], (128, EMBED * 2), dtype=jnp.float32) * (1.0 / np.sqrt(EMBED * 2))
    b1 = jnp.zeros((128,), dtype=jnp.float32)
    W2 = jax.random.normal(ks[5], (64, 128), dtype=jnp.float32) * (1.0 / np.sqrt(128))
    b2 = jnp.zeros((64,), dtype=jnp.float32)
    W3 = jax.random.normal(ks[6], (1, 64), dtype=jnp.float32) * (1.0 / np.sqrt(64))
    b3 = jnp.zeros((1,), dtype=jnp.float32)
    return {"users": users, "movies": movies, "user_table": user_table, "movie_table": movie_table,
            "W1": W1, "b1": b1, "W2": W2, "b2": b2, "W3": W3, "b3": b3}


def reference(users, movies, user_table, movie_table, W1, b1, W2, b2, W3, b3):
    u = jnp.take(user_table, users, axis=0)   # [B, E] gather
    m = jnp.take(movie_table, movies, axis=0) # [B, E] gather
    x = jnp.concatenate([u, m], axis=1)       # [B, 2E]
    h = jax.nn.relu(x @ W1.T + b1)
    h = jax.nn.relu(h @ W2.T + b2)
    out = h @ W3.T + b3                        # [B, 1]
    return jnp.squeeze(out, axis=-1)           # [B]

if __name__ == "__main__":
    import jax
    _d = setup_inputs()
    print(jax.jit(kernel)(*tuple(_d.values())))

</pallas_src>

<mosaic_0001>
#map = affine_map<(d0, d1) -> (0)>
#map1 = affine_map<(d0, d1) -> (0, 0)>
module attributes {stable_mosaic.version = 14 : i64} {
  func.func @gather_kernel(%arg0: i32, %arg1: i32, %arg2: memref<16384xi32, #tpu.memory_space<hbm>>, %arg3: memref<100000x32xf32, #tpu.memory_space<hbm>>, %arg4: memref<16384x32xf32, #tpu.memory_space<hbm>>, %arg5: memref<512xi32, #tpu.memory_space<vmem>>, %arg6: memref<256x32xf32, #tpu.memory_space<vmem>>, %arg7: memref<!tpu.dma_semaphore, #tpu.memory_space<semaphore_mem>>) attributes {dimension_semantics = [#tpu.dimension_semantics<core_parallel>, #tpu.dimension_semantics<subcore_parallel>], iteration_bounds = array<i64: 2, 16>, scalar_prefetch = 0 : i64, scratch_operands = 3 : i64, tpu.core_type = #tpu.core_type<sc_vector_subcore>, window_params = [{transform_indices = #map}, {transform_indices = #map1}, {transform_indices = #map1}]} {
    %mul3A = arith.constant 2 : i32
    %mul3A_0 = arith.muli %arg1, %mul3A : i32
    %add3A = arith.addi %mul3A_0, %arg0 : i32
    %mul3A_1 = arith.constant 512 : i32
    %mul3A_2 = arith.muli %add3A, %mul3A_1 : i32
    "tpu.region"() ({
      %run_scoped3A = tpu.sem_alloc : memref<!tpu.dma_semaphore, #tpu.memory_space<semaphore_mem>>
      %dma_start3A_785 = tpu.memref_slice %arg2[%mul3A_2] : memref<16384xi32, #tpu.memory_space<hbm>> -> memref<512xi32, #tpu.memory_space<hbm>>
      %dma_start3A_786 = tpu.memref_slice %arg2[%mul3A_2] : memref<16384xi32, #tpu.memory_space<hbm>> -> memref<512xi32, #tpu.memory_space<hbm>>
      tpu.enqueue_dma source(%dma_start3A_786 : memref<512xi32, #tpu.memory_space<hbm>>) target(%arg5 : memref<512xi32, #tpu.memory_space<vmem>>) target_semaphore(%run_scoped3A : memref<!tpu.dma_semaphore, #tpu.memory_space<semaphore_mem>>)
      %dma_wait3A_787 = tpu.memref_slice %arg2[%mul3A_2] : memref<16384xi32, #tpu.memory_space<hbm>> -> memref<512xi32, #tpu.memory_space<hbm>>
      %dma_wait3A_788 = tpu.memref_slice %arg2[%mul3A_2] : memref<16384xi32, #tpu.memory_space<hbm>> -> memref<512xi32, #tpu.memory_space<hbm>>
      tpu.wait_dma2 semaphore(%run_scoped3A : memref<!tpu.dma_semaphore, #tpu.memory_space<semaphore_mem>>) src(%dma_wait3A_788 : memref<512xi32, #tpu.memory_space<hbm>>) dst(%arg5 : memref<512xi32, #tpu.memory_space<vmem>>)
      tpu.yield
    }) : () -> ()
    %get3A = arith.constant 0 : index
    %get3A_3 = tpu.vector_load %arg5[%get3A] {strides = array<i32>} : memref<512xi32, #tpu.memory_space<vmem>>, vector<16xi32>,
    %get3A_4 = vector.shape_cast %get3A_3 : vector<16xi32> to vector<16xi32>
    %slice3A = vector.extract_strided_slice %get3A_4 {offsets = [0], sizes = [1], strides = [1]} : vector<16xi32> to vector<1xi32>
    %squeeze3A = vector.extract %slice3A[0] : i32 from vector<1xi32>
    %dma_start3A = arith.constant 0 : i32
    %dma_start3A_5 = arith.constant 0 : i32
    %dma_start3A_6 = tpu.memref_slice %arg6[%dma_start3A, %dma_start3A_5] : memref<256x32xf32, #tpu.memory_space<vmem>> -> memref<1x32xf32, #tpu.memory_space<vmem>>
    %dma_start3A_7 = arith.constant 0 : i32
    %dma_start3A_8 = tpu.memref_slice %arg3[%squeeze3A, %dma_start3A_7] : memref<100000x32xf32, #tpu.memory_space<hbm>> -> memref<1x32xf32, #tpu.memory_space<hbm>>
    %dma_start3A_9 = arith.constant 0 : i32
    %dma_start3A_10 = arith.constant 0 : i32
    %dma_start3A_11 = tpu.memref_slice %arg6[%dma_start3A_9, %dma_start3A_10] : memref<256x32xf32, #tpu.memory_space<vmem>> -> memref<1x32xf32, #tpu.memory_space<vmem>>
    %dma_start3A_12 = arith.constant 0 : i32
    %dma_start3A_13 = tpu.memref_slice %arg3[%squeeze3A, %dma_start3A_12] : memref<100000x32xf32, #tpu.memory_space<hbm>> -> memref<1x32xf32, #tpu.memory_space<hbm>>
    tpu.enqueue_dma source(%dma_start3A_13 : memref<1x32xf32, #tpu.memory_space<hbm>>) target(%dma_start3A_11 : memref<1x32xf32, #tpu.memory_space<vmem>>) target_semaphore(%arg7 : memref<!tpu.dma_semaphore, #tpu.memory_space<semaphore_mem>>)
    %slice3A_14 = vector.extract_strided_slice %get3A_4 {offsets = [1], sizes = [1], strides = [1]} : vector<16xi32> to vector<1xi32>
    %squeeze3A_15 = vector.extract %slice3A_14[0] : i32 from vector<1xi32>
    %dma_start3A_16 = arith.constant 1 : i32
    %dma_start3A_17 = arith.constant 0 : i32
    %dma_start3A_18 = tpu.memref_slice %arg6[%dma_start3A_16, %dma_start3A_17] : memref<256x32xf32, #tpu.memory_space<vmem>> -> memref<1x32xf32, #tpu.memory_space<vmem>>
    %dma_start3A_19 = arith.constant 0 : i32
    %dma_start3A_20 = tpu.memref_slice %arg3[%squeeze3A_15, %dma_start3A_19] : memref<100000x32xf32, #tpu.memory_space<hbm>> -> memref<1x32xf32, #tpu.memory_space<hbm>>
    %dma_start3A_21 = arith.constant 1 : i32
    %dma_start3A_22 = arith.constant 0 : i32
    %dma_start3A_23 = tpu.memref_slice %arg6[%dma_start3A_21, %dma_start3A_22] : memref<256x32xf32, #tpu.memory_space<vmem>> -> memref<1x32xf32, #tpu.memory_space<vmem>>
    %dma_start3A_24 = arith.constant 0 : i32
    %dma_start3A_25 = tpu.memref_slice %arg3[%squeeze3A_15, %dma_start3A_24] : memref<100000x32xf32, #tpu.memory_space<hbm>> -> memref<1x32xf32, #tpu.memory_space<hbm>>
    tpu.enqueue_dma source(%dma_start3A_25 : memref<1x32xf32, #tpu.memory_space<hbm>>) target(%dma_start3A_23 : memref<1x32xf32, #tpu.memory_space<vmem>>) target_semaphore(%arg7 : memref<!tpu.dma_semaphore, #tpu.memory_space<semaphore_mem>>)
    %slice3A_26 = vector.extract_strided_slice %get3A_4 {offsets = [2], sizes = [1], strides = [1]} : vector<16xi32> to vector<1xi32>
    %squeeze3A_27 = vector.extract %slice3A_26[0] : i32 from vector<1xi32>
    %dma_start3A_28 = arith.constant 2 : i32
    %dma_start3A_29 = arith.constant 0 : i32
    %dma_start3A_30 = tpu.memref_slice %arg6[%dma_start3A_28, %dma_start3A_29] : memref<256x32xf32, #tpu.memory_space<vmem>> -> memref<1x32xf32, #tpu.memory_space<vmem>>
    %dma_start3A_31 = arith.constant 0 : i32
    %dma_start3A_32 = tpu.memref_slice %arg3[%squeeze3A_27, %dma_start3A_31] : memref<100000x32xf32, #tpu.memory_space<hbm>> -> memref<1x32xf32, #tpu.memory_space<hbm>>
    %dma_start3A_33 = arith.constant 2 : i32
    %dma_start3A_34 = arith.constant 0 : i32
    %dma_start3A_35 = tpu.memref_slice %arg6[%dma_start3A_33, %dma_start3A_34] : memref<256x32xf32, #tpu.memory_space<vmem>> -> memref<1x32xf32, #tpu.memory_space<vmem>>
    %dma_start3A_36 = arith.constant 0 : i32
    %dma_start3A_37 = tpu.memref_slice %arg3[%squeeze3A_27, %dma_start3A_36] : memref<100000x32xf32, #tpu.memory_space<hbm>> -> memref<1x32xf32, #tpu.memory_space<hbm>>
    tpu.enqueue_dma source(%dma_start3A_37 : memref<1x32xf32, #tpu.memory_space<hbm>>) target(%dma_start3A_35 : memref<1x32xf32, #tpu.memory_space<vmem>>) target_semaphore(%arg7 : memref<!tpu.dma_semaphore, #tpu.memory_space<semaphore_mem>>)
    %slice3A_38 = vector.extract_strided_slice %get3A_4 {offsets = [3], sizes = [1], strides = [1]} : vector<16xi32> to vector<1xi32>
    %squeeze3A_39 = vector.extract %slice3A_38[0] : i32 from vector<1xi32>
    %dma_start3A_40 = arith.constant 3 : i32
    %dma_start3A_41 = arith.constant 0 : i32
    %dma_start3A_42 = tpu.memref_slice %arg6[%dma_start3A_40, %dma_start3A_41] : memref<256x32xf32, #tpu.memory_space<vmem>> -> memref<1x32xf32, #tpu.memory_space<vmem>>
    %dma_start3A_43 = arith.constant 0 : i32
    %dma_start3A_44 = tpu.memref_slice %arg3[%squeeze3A_39, %dma_start3A_43] : memref<100000x32xf32, #tpu.memory_space<hbm>> -> memref<1x32xf32, #tpu.memory_space<hbm>>
    %dma_start3A_45 = arith.constant 3 : i32
    %dma_start3A_46 = arith.constant 0 : i32
    %dma_start3A_47 = tpu.memref_slice %arg6[%dma_start3A_45, %dma_start3A_46] : memref<256x32xf32, #tpu.memory_space<vmem>> -> memref<1x32xf32, #tpu.memory_space<vmem>>
    %dma_start3A_48 = arith.constant 0 : i32
    %dma_start3A_49 = tpu.memref_slice %arg3[%squeeze3A_39, %dma_start3A_48] : memref<100000x32xf32, #tpu.memory_space<hbm>> -> memref<1x32xf32, #tpu.memory_space<hbm>>
    tpu.enqueue_dma source(%dma_start3A_49 : memref<1x32xf32, #tpu.memory_space<hbm>>) target(%dma_start3A_47 : memref<1x32xf32, #tpu.memory_space<vmem>>) target_semaphore(%arg7 : memref<!tpu.dma_semaphore, #tpu.memory_space<semaphore_mem>>)
    %slice3A_50 = vector.extract_strided_slice %get3A_4 {offsets = [4], sizes = [1], strides = [1]} : vector<16xi32> to vector<1xi32>
    %squeeze3A_51 = vector.extract %slice3A_50[0] : i32 from vector<1xi32>
    %dma_start3A_52 = arith.constant 4 : i32
    %dma_start3A_53 = arith.constant 0 : i32
    %dma_start3A_54 = tpu.memref_slice %arg6[%dma_start3A_52, %dma_start3A_53] : memref<256x32xf32, #tpu.memory_space<vmem>> -> memref<1x32xf32, #tpu.memory_space<vmem>>
    %dma_start3A_55 = arith.constant 0 : i32
    %dma_start3A_56 = tpu.memref_slice %arg3[%squeeze3A_51, %dma_start3A_55] : memref<100000x32xf32, #tpu.memory_space<hbm>> -> memref<1x32xf32, #tpu.memory_space<hbm>>
    %dma_start3A_57 = arith.constant 4 : i32
    %dma_start3A_58 = arith.constant 0 : i32
    %dma_start3A_59 = tpu.memref_slice %arg6[%dma_start3A_57, %dma_start3A_58] : memref<256x32xf32, #tpu.memory_space<vmem>> -> memref<1x32xf32, #tpu.memory_space<vmem>>
    %dma_start3A_60 = arith.constant 0 : i32
    %dma_start3A_61 = tpu.memref_slice %arg3[%squeeze3A_51, %dma_start3A_60] : memref<100000x32xf32, #tpu.memory_space<hbm>> -> memref<1x32xf32, #tpu.memory_space<hbm>>
    tpu.enqueue_dma source(%dma_start3A_61 : memref<1x32xf32, #tpu.memory_space<hbm>>) target(%dma_start3A_59 : memref<1x32xf32, #tpu.memory_space<vmem>>) target_semaphore(%arg7 : memref<!tpu.dma_semaphore, #tpu.memory_space<semaphore_mem>>)
    %slice3A_62 = vector.extract_strided_slice %get3A_4 {offsets = [5], sizes = [1], strides = [1]} : vector<16xi32> to vector<1xi32>
    %squeeze3A_63 = vector.extract %slice3A_62[0] : i32 from vector<1xi32>
    %dma_start3A_64 = arith.constant 5 : i32
    %dma_start3A_65 = arith.constant 0 : i32
    %dma_start3A_66 = tpu.memref_slice %arg6[%dma_start3A_64, %dma_start3A_65] : memref<256x32xf32, #tpu.memory_space<vmem>> -> memref<1x32xf32, #tpu.memory_space<vmem>>
    %dma_start3A_67 = arith.constant 0 : i32
    %dma_start3A_68 = tpu.memref_slice %arg3[%squeeze3A_63, %dma_start3A_67] : memref<100000x32xf32, #tpu.memory_space<hbm>> -> memref<1x32xf32, #tpu.memory_space<hbm>>
    %dma_start3A_69 = arith.constant 5 : i32
    %dma_start3A_70 = arith.constant 0 : i32
    %dma_start3A_71 = tpu.memref_slice %arg6[%dma_start3A_69, %dma_start3A_70] : memref<256x32xf32, #tpu.memory_space<vmem>> -> memref<1x32xf32, #tpu.memory_space<vmem>>
    %dma_start3A_72 = arith.constant 0 : i32
    %dma_start3A_73 = tpu.memref_slice %arg3[%squeeze3A_63, %dma_start3A_72] : memref<100000x32xf32, #tpu.memory_space<hbm>> -> memref<1x32xf32, #tpu.memory_space<hbm>>
    tpu.enqueue_dma source(%dma_start3A_73 : memref<1x32xf32, #tpu.memory_space<hbm>>) target(%dma_start3A_71 : memref<1x32xf32, #tpu.memory_space<vmem>>) target_semaphore(%arg7 : memref<!tpu.dma_semaphore, #tpu.memory_space<semaphore_mem>>)
    %slice3A_74 = vector.extract_strided_slice %get3A_4 {offsets = [6], sizes = [1], strides = [1]} : vector<16xi32> to vector<1xi32>
    %squeeze3A_75 = vector.extract %slice3A_74[0] : i32 from vector<1xi32>
    %dma_start3A_76 = arith.constant 6 : i32
    %dma_start3A_77 = arith.constant 0 : i32
    %dma_start3A_78 = tpu.memref_slice %arg6[%dma_start3A_76, %dma_start3A_77] : memref<256x32xf32, #tpu.memory_space<vmem>> -> memref<1x32xf32, #tpu.memory_space<vmem>>
    %dma_start3A_79 = arith.constant 0 : i32
    %dma_start3A_80 = tpu.memref_slice %arg3[%squeeze3A_75, %dma_start3A_79] : memref<100000x32xf32, #tpu.memory_space<hbm>> -> memref<1x32xf32, #tpu.memory_space<hbm>>
    %dma_start3A_81 = arith.constant 6 : i32
    %dma_start3A_82 = arith.constant 0 : i32
    %dma_start3A_83 = tpu.memref_slice %arg6[%dma_start3A_81, %dma_start3A_82] : memref<256x32xf32, #tpu.memory_space<vmem>> -> memref<1x32xf32, #tpu.memory_space<vmem>>
    %dma_start3A_84 = arith.constant 0 : i32
    %dma_start3A_85 = tpu.memref_slice %arg3[%squeeze3A_75, %dma_start3A_84] : memref<100000x32xf32, #tpu.memory_space<hbm>> -> memref<1x32xf32, #tpu.memory_space<hbm>>
    tpu.enqueue_dma source(%dma_start3A_85 : memref<1x32xf32, #tpu.memory_space<hbm>>) target(%dma_start3A_83 : memref<1x32xf32, #tpu.memory_space<vmem>>) target_semaphore(%arg7 : memref<!tpu.dma_semaphore, #tpu.memory_space<semaphore_mem>>)
    %slice3A_86 = vector.extract_strided_slice %get3A_4 {offsets = [7], sizes = [1], strides = [1]} : vector<16xi32> to vector<1xi32>
    %squeeze3A_87 = vector.extract %slice3A_86[0] : i32 from vector<1xi32>
    %dma_start3A_88 = arith.constant 7 : i32
    %dma_start3A_89 = arith.constant 0 : i32
    %dma_start3A_90 = tpu.memref_slice %arg6[%dma_start3A_88, %dma_start3A_89] : memref<256x32xf32, #tpu.memory_space<vmem>> -> memref<1x32xf32, #tpu.memory_space<vmem>>
    %dma_start3A_91 = arith.constant 0 : i32
    %dma_start3A_92 = tpu.memref_slice %arg3[%squeeze3A_87, %dma_start3A_91] : memref<100000x32xf32, #tpu.memory_space<hbm>> -> memref<1x32xf32, #tpu.memory_space<hbm>>
    %dma_start3A_93 = arith.constant 7 : i32
    %dma_start3A_94 = arith.constant 0 : i32
    %dma_start3A_95 = tpu.memref_slice %arg6[%dma_start3A_93, %dma_start3A_94] : memref<256x32xf32, #tpu.memory_space<vmem>> -> memref<1x32xf32, #tpu.memory_space<vmem>>
    %dma_start3A_96 = arith.constant 0 : i32
    %dma_start3A_97 = tpu.memref_slice %arg3[%squeeze3A_87, %dma_start3A_96] : memref<100000x32xf32, #tpu.memory_space<hbm>> -> memref<1x32xf32, #tpu.memory_space<hbm>>
    tpu.enqueue_dma source(%dma_start3A_97 : memref<1x32xf32, #tpu.memory_space<hbm>>) target(%dma_start3A_95 : memref<1x32xf32, #tpu.memory_space<vmem>>) target_semaphore(%arg7 : memref<!tpu.dma_semaphore, #tpu.memory_space<semaphore_mem>>)
    %slice3A_98 = vector.extract_strided_slice %get3A_4 {offsets = [8], sizes = [1], strides = [1]} : vector<16xi32> to vector<1xi32>
    %squeeze3A_99 = vector.extract %slice3A_98[0] : i32 from vector<1xi32>
    %dma_start3A_100 = arith.constant 8 : i32
    %dma_start3A_101 = arith.constant 0 : i32
    %dma_start3A_102 = tpu.memref_slice %arg6[%dma_start3A_100, %dma_start3A_101] : memref<256x32xf32, #tpu.memory_space<vmem>> -> memref<1x32xf32, #tpu.memory_space<vmem>>
    %dma_start3A_103 = arith.constant 0 : i32
    %dma_start3A_104 = tpu.memref_slice %arg3[%squeeze3A_99, %dma_start3A_103] : memref<100000x32xf32, #tpu.memory_space<hbm>> -> memref<1x32xf32, #tpu.memory_space<hbm>>
    %dma_start3A_105 = arith.constant 8 : i32
    %dma_start3A_106 = arith.constant 0 : i32
    %dma_start3A_107 = tpu.memref_slice %arg6[%dma_start3A_105, %dma_start3A_106] : memref<256x32xf32, #tpu.memory_space<vmem>> -> memref<1x32xf32, #tpu.memory_space<vmem>>
    %dma_start3A_108 = arith.constant 0 : i32
    %dma_start3A_109 = tpu.memref_slice %arg3[%squeeze3A_99, %dma_start3A_108] : memref<100000x32xf32, #tpu.memory_space<hbm>> -> memref<1x32xf32, #tpu.memory_space<hbm>>
    tpu.enqueue_dma source(%dma_start3A_109 : memref<1x32xf32, #tpu.memory_space<hbm>>) target(%dma_start3A_107 : memref<1x32xf32, #tpu.memory_space<vmem>>) target_semaphore(%arg7 : memref<!tpu.dma_semaphore, #tpu.memory_space<semaphore_mem>>)
    %slice3A_110 = vector.extract_strided_slice %get3A_4 {offsets = [9], sizes = [1], strides = [1]} : vector<16xi32> to vector<1xi32>
    %squeeze3A_111 = vector.extract %slice3A_110[0] : i32 from vector<1xi32>
    %dma_start3A_112 = arith.constant 9 : i32
    %dma_start3A_113 = arith.constant 0 : i32
    %dma_start3A_114 = tpu.memref_slice %arg6[%dma_start3A_112, %dma_start3A_113] : memref<256x32xf32, #tpu.memory_space<vmem>> -> memref<1x32xf32, #tpu.memory_space<vmem>>
    %dma_start3A_115 = arith.constant 0 : i32
    %dma_start3A_116 = tpu.memref_slice %arg3[%squeeze3A_111, %dma_start3A_115] : memref<100000x32xf32, #tpu.memory_space<hbm>> -> memref<1x32xf32, #tpu.memory_space<hbm>>
    %dma_start3A_117 = arith.constant 9 : i32
    %dma_start3A_118 = arith.constant 0 : i32
    %dma_start3A_119 = tpu.memref_slice %arg6[%dma_start3A_117, %dma_start3A_118] : memref<256x32xf32, #tpu.memory_space<vmem>> -> memref<1x32xf32, #tpu.memory_space<vmem>>
    %dma_start3A_120 = arith.constant 0 : i32
    %dma_start3A_121 = tpu.memref_slice %arg3[%squeeze3A_111, %dma_start3A_120] : memref<100000x32xf32, #tpu.memory_space<hbm>> -> memref<1x32xf32, #tpu.memory_space<hbm>>
    tpu.enqueue_dma source(%dma_start3A_121 : memref<1x32xf32, #tpu.memory_space<hbm>>) target(%dma_start3A_119 : memref<1x32xf32, #tpu.memory_space<vmem>>) target_semaphore(%arg7 : memref<!tpu.dma_semaphore, #tpu.memory_space<semaphore_mem>>)
    %slice3A_122 = vector.extract_strided_slice %get3A_4 {offsets = [10], sizes = [1], strides = [1]} : vector<16xi32> to vector<1xi32>
    %squeeze3A_123 = vector.extract %slice3A_122[0] : i32 from vector<1xi32>
    %dma_start3A_124 = arith.constant 10 : i32
    %dma_start3A_125 = arith.constant 0 : i32
    %dma_start3A_126 = tpu.memref_slice %arg6[%dma_start3A_124, %dma_start3A_125] : memref<256x32xf32, #tpu.memory_space<vmem>> -> memref<1x32xf32, #tpu.memory_space<vmem>>
    %dma_start3A_127 = arith.constant 0 : i32
    %dma_start3A_128 = tpu.memref_slice %arg3[%squeeze3A_123, %dma_start3A_127] : memref<100000x32xf32, #tpu.memory_space<hbm>> -> memref<1x32xf32, #tpu.memory_space<hbm>>
    %dma_start3A_129 = arith.constant 10 : i32
    %dma_start3A_130 = arith.constant 0 : i32
    %dma_start3A_131 = tpu.memref_slice %arg6[%dma_start3A_129, %dma_start3A_130] : memref<256x32xf32, #tpu.memory_space<vmem>> -> memref<1x32xf32, #tpu.memory_space<vmem>>
    %dma_start3A_132 = arith.constant 0 : i32
    %dma_start3A_133 = tpu.memref_slice %arg3[%squeeze3A_123, %dma_start3A_132] : memref<100000x32xf32, #tpu.memory_space<hbm>> -> memref<1x32xf32, #tpu.memory_space<hbm>>
    tpu.enqueue_dma source(%dma_start3A_133 : memref<1x32xf32, #tpu.memory_space<hbm>>) target(%dma_start3A_131 : memref<1x32xf32, #tpu.memory_space<vmem>>) target_semaphore(%arg7 : memref<!tpu.dma_semaphore, #tpu.memory_space<semaphore_mem>>)
    %slice3A_134 = vector.extract_strided_slice %get3A_4 {offsets = [11], sizes = [1], strides = [1]} : vector<16xi32> to vector<1xi32>
    %squeeze3A_135 = vector.extract %slice3A_134[0] : i32 from vector<1xi32>
    %dma_start3A_136 = arith.constant 11 : i32
    %dma_start3A_137 = arith.constant 0 : i32
    %dma_start3A_138 = tpu.memref_slice %arg6[%dma_start3A_136, %dma_start3A_137] : memref<256x32xf32, #tpu.memory_space<vmem>> -> memref<1x32xf32, #tpu.memory_space<vmem>>
    %dma_start3A_139 = arith.constant 0 : i32
    %dma_start3A_140 = tpu.memref_slice %arg3[%squeeze3A_135, %dma_start3A_139] : memref<100000x32xf32, #tpu.memory_space<hbm>> -> memref<1x32xf32, #tpu.memory_space<hbm>>
    %dma_start3A_141 = arith.constant 11 : i32
    %dma_start3A_142 = arith.constant 0 : i32
    %dma_start3A_143 = tpu.memref_slice %arg6[%dma_start3A_141, %dma_start3A_142] : memref<256x32xf32, #tpu.memory_space<vmem>> -> memref<1x32xf32, #tpu.memory_space<vmem>>
    %dma_start3A_144 = arith.constant 0 : i32
    %dma_start3A_145 = tpu.memref_slice %arg3[%squeeze3A_135, %dma_start3A_144] : memref<100000x32xf32, #tpu.memory_space<hbm>> -> memref<1x32xf32, #tpu.memory_space<hbm>>
    tpu.enqueue_dma source(%dma_start3A_145 : memref<1x32xf32, #tpu.memory_space<hbm>>) target(%dma_start3A_143 : memref<1x32xf32, #tpu.memory_space<vmem>>) target_semaphore(%arg7 : memref<!tpu.dma_semaphore, #tpu.memory_space<semaphore_mem>>)
    %slice3A_146 = vector.extract_strided_slice %get3A_4 {offsets = [12], sizes = [1], strides = [1]} : vector<16xi32> to vector<1xi32>
    %squeeze3A_147 = vector.extract %slice3A_146[0] : i32 from vector<1xi32>
    %dma_start3A_148 = arith.constant 12 : i32
    %dma_start3A_149 = arith.constant 0 : i32
    %dma_start3A_150 = tpu.memref_slice %arg6[%dma_start3A_148, %dma_start3A_149] : memref<256x32xf32, #tpu.memory_space<vmem>> -> memref<1x32xf32, #tpu.memory_space<vmem>>
    %dma_start3A_151 = arith.constant 0 : i32
    %dma_start3A_152 = tpu.memref_slice %arg3[%squeeze3A_147, %dma_start3A_151] : memref<100000x32xf32, #tpu.memory_space<hbm>> -> memref<1x32xf32, #tpu.memory_space<hbm>>
    %dma_start3A_153 = arith.constant 12 : i32
    %dma_start3A_154 = arith.constant 0 : i32
    %dma_start3A_155 = tpu.memref_slice %arg6[%dma_start3A_153, %dma_start3A_154] : memref<256x32xf32, #tpu.memory_space<vmem>> -> memref<1x32xf32, #tpu.memory_space<vmem>>
    %dma_start3A_156 = arith.constant 0 : i32
    %dma_start3A_157 = tpu.memref_slice %arg3[%squeeze3A_147, %dma_start3A_156] : memref<100000x32xf32, #tpu.memory_space<hbm>> -> memref<1x32xf32, #tpu.memory_space<hbm>>
    tpu.enqueue_dma source(%dma_start3A_157 : memref<1x32xf32, #tpu.memory_space<hbm>>) target(%dma_start3A_155 : memref<1x32xf32, #tpu.memory_space<vmem>>) target_semaphore(%arg7 : memref<!tpu.dma_semaphore, #tpu.memory_space<semaphore_mem>>)
    %slice3A_158 = vector.extract_strided_slice %get3A_4 {offsets = [13], sizes = [1], strides = [1]} : vector<16xi32> to vector<1xi32>
    %squeeze3A_159 = vector.extract %slice3A_158[0] : i32 from vector<1xi32>
    %dma_start3A_160 = arith.constant 13 : i32
    %dma_start3A_161 = arith.constant 0 : i32
    %dma_start3A_162 = tpu.memref_slice %arg6[%dma_start3A_160, %dma_start3A_161] : memref<256x32xf32, #tpu.memory_space<vmem>> -> memref<1x32xf32, #tpu.memory_space<vmem>>
    %dma_start3A_163 = arith.constant 0 : i32
    %dma_start3A_164 = tpu.memref_slice %arg3[%squeeze3A_159, %dma_start3A_163] : memref<100000x32xf32, #tpu.memory_space<hbm>> -> memref<1x32xf32, #tpu.memory_space<hbm>>
    %dma_start3A_165 = arith.constant 13 : i32
    %dma_start3A_166 = arith.constant 0 : i32
    %dma_start3A_167 = tpu.memref_slice %arg6[%dma_start3A_165, %dma_start3A_166] : memref<256x32xf32, #tpu.memory_space<vmem>> -> memref<1x32xf32, #tpu.memory_space<vmem>>
    %dma_start3A_168 = arith.constant 0 : i32
    %dma_start3A_169 = tpu.memref_slice %arg3[%squeeze3A_159, %dma_start3A_168] : memref<100000x32xf32, #tpu.memory_space<hbm>> -> memref<1x32xf32, #tpu.memory_space<hbm>>
    tpu.enqueue_dma source(%dma_start3A_169 : memref<1x32xf32, #tpu.memory_space<hbm>>) target(%dma_start3A_167 : memref<1x32xf32, #tpu.memory_space<vmem>>) target_semaphore(%arg7 : memref<!tpu.dma_semaphore, #tpu.memory_space<semaphore_mem>>)
    %slice3A_170 = vector.extract_strided_slice %get3A_4 {offsets = [14], sizes = [1], strides = [1]} : vector<16xi32> to vector<1xi32>
    %squeeze3A_171 = vector.extract %slice3A_170[0] : i32 from vector<1xi32>
    %dma_start3A_172 = arith.constant 14 : i32
    %dma_start3A_173 = arith.constant 0 : i32
    %dma_start3A_174 = tpu.memref_slice %arg6[%dma_start3A_172, %dma_start3A_173] : memref<256x32xf32, #tpu.memory_space<vmem>> -> memref<1x32xf32, #tpu.memory_space<vmem>>
    %dma_start3A_175 = arith.constant 0 : i32
    %dma_start3A_176 = tpu.memref_slice %arg3[%squeeze3A_171, %dma_start3A_175] : memref<100000x32xf32, #tpu.memory_space<hbm>> -> memref<1x32xf32, #tpu.memory_space<hbm>>
    %dma_start3A_177 = arith.constant 14 : i32
    %dma_start3A_178 = arith.constant 0 : i32
    %dma_start3A_179 = tpu.memref_slice %arg6[%dma_start3A_177, %dma_start3A_178] : memref<256x32xf32, #tpu.memory_space<vmem>> -> memref<1x32xf32, #tpu.memory_space<vmem>>
    %dma_start3A_180 = arith.constant 0 : i32
    %dma_start3A_181 = tpu.memref_slice %arg3[%squeeze3A_171, %dma_start3A_180] : memref<100000x32xf32, #tpu.memory_space<hbm>> -> memref<1x32xf32, #tpu.memory_space<hbm>>
    tpu.enqueue_dma source(%dma_start3A_181 : memref<1x32xf32, #tpu.memory_space<hbm>>) target(%dma_start3A_179 : memref<1x32xf32, #tpu.memory_space<vmem>>) target_semaphore(%arg7 : memref<!tpu.dma_semaphore, #tpu.memory_space<semaphore_mem>>)
    %slice3A_182 = vector.extract_strided_slice %get3A_4 {offsets = [15], sizes = [1], strides = [1]} : vector<16xi32> to vector<1xi32>
    %squeeze3A_183 = vector.extract %slice3A_182[0] : i32 from vector<1xi32>
    %dma_start3A_184 = arith.constant 15 : i32
    %dma_start3A_185 = arith.constant 0 : i32
    %dma_start3A_186 = tpu.memref_slice %arg6[%dma_start3A_184, %dma_start3A_185] : memref<256x32xf32, #tpu.memory_space<vmem>> -> memref<1x32xf32, #tpu.memory_space<vmem>>
    %dma_start3A_187 = arith.constant 0 : i32
    %dma_start3A_188 = tpu.memref_slice %arg3[%squeeze3A_183, %dma_start3A_187] : memref<100000x32xf32, #tpu.memory_space<hbm>> -> memref<1x32xf32, #tpu.memory_space<hbm>>
    %dma_start3A_189 = arith.constant 15 : i32
    %dma_start3A_190 = arith.constant 0 : i32
    %dma_start3A_191 = tpu.memref_slice %arg6[%dma_start3A_189, %dma_start3A_190] : memref<256x32xf32, #tpu.memory_space<vmem>> -> memref<1x32xf32, #tpu.memory_space<vmem>>
    %dma_start3A_192 = arith.constant 0 : i32
    %dma_start3A_193 = tpu.memref_slice %arg3[%squeeze3A_183, %dma_start3A_192] : memref<100000x32xf32, #tpu.memory_space<hbm>> -> memref<1x32xf32, #tpu.memory_space<hbm>>
    tpu.enqueue_dma source(%dma_start3A_193 : memref<1x32xf32, #tpu.memory_space<hbm>>) target(%dma_start3A_191 : memref<1x32xf32, #tpu.memory_space<vmem>>) target_semaphore(%arg7 : memref<!tpu.dma_semaphore, #tpu.memory_space<semaphore_mem>>)
    %scan3A = arith.constant 1 : i32
    %scan3A_194 = arith.constant 15 : i32
    %scan3A_195 = arith.addi %scan3A, %scan3A_194 : i32
    %scan3A_196 = arith.constant 1 : i32
    scf.for %scan3A_785 = %scan3A to %scan3A_195 step %scan3A_196  : i32 {
      %mul3A_786 = arith.constant 16 : i32
      %mul3A_787 = arith.muli %scan3A_785, %mul3A_786 : i32
      %add3A_788 = arith.constant 0 : i32
      %add3A_789 = arith.addi %add3A_788, %mul3A_787 : i32
      %get3A_790 = arith.index_cast %add3A_789 : i32 to index
      %get3A_791 = tpu.vector_load %arg5[%get3A_790] {strides = array<i32>} : memref<512xi32, #tpu.memory_space<vmem>>, vector<16xi32>,
      %get3A_792 = vector.shape_cast %get3A_791 : vector<16xi32> to vector<16xi32>
      %slice3A_793 = vector.extract_strided_slice %get3A_792 {offsets = [0], sizes = [1], strides = [1]} : vector<16xi32> to vector<1xi32>
      %squeeze3A_794 = vector.extract %slice3A_793[0] : i32 from vector<1xi32>
      %mul3A_795 = arith.constant 16 : i32
      %mul3A_796 = arith.muli %scan3A_785, %mul3A_795 : i32
      %add3A_797 = arith.constant 0 : i32
      %add3A_798 = arith.addi %mul3A_796, %add3A_797 : i32
      %dma_start3A_799 = arith.constant 0 : i32
      %dma_start3A_800 = tpu.memref_slice %arg6[%add3A_798, %dma_start3A_799] : memref<256x32xf32, #tpu.memory_space<vmem>> -> memref<1x32xf32, #tpu.memory_space<vmem>>
      %dma_start3A_801 = arith.constant 0 : i32
      %dma_start3A_802 = tpu.memref_slice %arg3[%squeeze3A_794, %dma_start3A_801] : memref<100000x32xf32, #tpu.memory_space<hbm>> -> memref<1x32xf32, #tpu.memory_space<hbm>>
      %dma_start3A_803 = arith.constant 0 : i32
      %dma_start3A_804 = tpu.memref_slice %arg6[%add3A_798, %dma_start3A_803] : memref<256x32xf32, #tpu.memory_space<vmem>> -> memref<1x32xf32, #tpu.memory_space<vmem>>
      %dma_start3A_805 = arith.constant 0 : i32
      %dma_start3A_806 = tpu.memref_slice %arg3[%squeeze3A_794, %dma_start3A_805] : memref<100000x32xf32, #tpu.memory_space<hbm>> -> memref<1x32xf32, #tpu.memory_space<hbm>>
      tpu.enqueue_dma source(%dma_start3A_806 : memref<1x32xf32, #tpu.memory_space<hbm>>) target(%dma_start3A_804 : memref<1x32xf32, #tpu.memory_space<vmem>>) target_semaphore(%arg7 : memref<!tpu.dma_semaphore, #tpu.memory_space<semaphore_mem>>)
      %slice3A_807 = vector.extract_strided_slice %get3A_792 {offsets = [1], sizes = [1], strides = [1]} : vector<16xi32> to vector<1xi32>
      %squeeze3A_808 = vector.extract %slice3A_807[0] : i32 from vector<1xi32>
      %mul3A_809 = arith.constant 16 : i32
      %mul3A_810 = arith.muli %scan3A_785, %mul3A_809 : i32
      %add3A_811 = arith.constant 1 : i32
      %add3A_812 = arith.addi %mul3A_810, %add3A_811 : i32
      %dma_start3A_813 = arith.constant 0 : i32
      %dma_start3A_814 = tpu.memref_slice %arg6[%add3A_812, %dma_start3A_813] : memref<256x32xf32, #tpu.memory_space<vmem>> -> memref<1x32xf32, #tpu.memory_space<vmem>>
      %dma_start3A_815 = arith.constant 0 : i32
      %dma_start3A_816 = tpu.memref_slice %arg3[%squeeze3A_808, %dma_start3A_815] : memref<100000x32xf32, #tpu.memory_space<hbm>> -> memref<1x32xf32, #tpu.memory_space<hbm>>
      %dma_start3A_817 = arith.constant 0 : i32
      %dma_start3A_818 = tpu.memref_slice %arg6[%add3A_812, %dma_start3A_817] : memref<256x32xf32, #tpu.memory_space<vmem>> -> memref<1x32xf32, #tpu.memory_space<vmem>>
      %dma_start3A_819 = arith.constant 0 : i32
      %dma_start3A_820 = tpu.memref_slice %arg3[%squeeze3A_808, %dma_start3A_819] : memref<100000x32xf32, #tpu.memory_space<hbm>> -> memref<1x32xf32, #tpu.memory_space<hbm>>
      tpu.enqueue_dma source(%dma_start3A_820 : memref<1x32xf32, #tpu.memory_space<hbm>>) target(%dma_start3A_818 : memref<1x32xf32, #tpu.memory_space<vmem>>) target_semaphore(%arg7 : memref<!tpu.dma_semaphore, #tpu.memory_space<semaphore_mem>>)
      %slice3A_821 = vector.extract_strided_slice %get3A_792 {offsets = [2], sizes = [1], strides = [1]} : vector<16xi32> to vector<1xi32>
      %squeeze3A_822 = vector.extract %slice3A_821[0] : i32 from vector<1xi32>
      %mul3A_823 = arith.constant 16 : i32
      %mul3A_824 = arith.muli %scan3A_785, %mul3A_823 : i32
      %add3A_825 = arith.constant 2 : i32
      %add3A_826 = arith.addi %mul3A_824, %add3A_825 : i32
      %dma_start3A_827 = arith.constant 0 : i32
      %dma_start3A_828 = tpu.memref_slice %arg6[%add3A_826, %dma_start3A_827] : memref<256x32xf32, #tpu.memory_space<vmem>> -> memref<1x32xf32, #tpu.memory_space<vmem>>
      %dma_start3A_829 = arith.constant 0 : i32
      %dma_start3A_830 = tpu.memref_slice %arg3[%squeeze3A_822, %dma_start3A_829] : memref<100000x32xf32, #tpu.memory_space<hbm>> -> memref<1x32xf32, #tpu.memory_space<hbm>>
      %dma_start3A_831 = arith.constant 0 : i32
      %dma_start3A_832 = tpu.memref_slice %arg6[%add3A_826, %dma_start3A_831] : memref<256x32xf32, #tpu.memory_space<vmem>> -> memref<1x32xf32, #tpu.memory_space<vmem>>
      %dma_start3A_833 = arith.constant 0 : i32
      %dma_start3A_834 = tpu.memref_slice %arg3[%squeeze3A_822, %dma_start3A_833] : memref<100000x32xf32, #tpu.memory_space<hbm>> -> memref<1x32xf32, #tpu.memory_space<hbm>>
      tpu.enqueue_dma source(%dma_start3A_834 : memref<1x32xf32, #tpu.memory_space<hbm>>) target(%dma_start3A_832 : memref<1x32xf32, #tpu.memory_space<vmem>>) target_semaphore(%arg7 : memref<!tpu.dma_semaphore, #tpu.memory_space<semaphore_mem>>)
      %slice3A_835 = vector.extract_strided_slice %get3A_792 {offsets = [3], sizes = [1], strides = [1]} : vector<16xi32> to vector<1xi32>
      %squeeze3A_836 = vector.extract %slice3A_835[0] : i32 from vector<1xi32>
      %mul3A_837 = arith.constant 16 : i32
      %mul3A_838 = arith.muli %scan3A_785, %mul3A_837 : i32
      %add3A_839 = arith.constant 3 : i32
      %add3A_840 = arith.addi %mul3A_838, %add3A_839 : i32
      %dma_start3A_841 = arith.constant 0 : i32
      %dma_start3A_842 = tpu.memref_slice %arg6[%add3A_840, %dma_start3A_841] : memref<256x32xf32, #tpu.memory_space<vmem>> -> memref<1x32xf32, #tpu.memory_space<vmem>>
      %dma_start3A_843 = arith.constant 0 : i32
      %dma_start3A_844 = tpu.memref_slice %arg3[%squeeze3A_836, %dma_start3A_843] : memref<100000x32xf32, #tpu.memory_space<hbm>> -> memref<1x32xf32, #tpu.memory_space<hbm>>
      %dma_start3A_845 = arith.constant 0 : i32
      %dma_start3A_846 = tpu.memref_slice %arg6[%add3A_840, %dma_start3A_845] : memref<256x32xf32, #tpu.memory_space<vmem>> -> memref<1x32xf32, #tpu.memory_space<vmem>>
      %dma_start3A_847 = arith.constant 0 : i32
      %dma_start3A_848 = tpu.memref_slice %arg3[%squeeze3A_836, %dma_start3A_847] : memref<100000x32xf32, #tpu.memory_space<hbm>> -> memref<1x32xf32, #tpu.memory_space<hbm>>
      tpu.enqueue_dma source(%dma_start3A_848 : memref<1x32xf32, #tpu.memory_space<hbm>>) target(%dma_start3A_846 : memref<1x32xf32, #tpu.memory_space<vmem>>) target_semaphore(%arg7 : memref<!tpu.dma_semaphore, #tpu.memory_space<semaphore_mem>>)
      %slice3A_849 = vector.extract_strided_slice %get3A_792 {offsets = [4], sizes = [1], strides = [1]} : vector<16xi32> to vector<1xi32>
      %squeeze3A_850 = vector.extract %slice3A_849[0] : i32 from vector<1xi32>
      %mul3A_851 = arith.constant 16 : i32
      %mul3A_852 = arith.muli %scan3A_785, %mul3A_851 : i32
      %add3A_853 = arith.constant 4 : i32
      %add3A_854 = arith.addi %mul3A_852, %add3A_853 : i32
      %dma_start3A_855 = arith.constant 0 : i32
      %dma_start3A_856 = tpu.memref_slice %arg6[%add3A_854, %dma_start3A_855] : memref<256x32xf32, #tpu.memory_space<vmem>> -> memref<1x32xf32, #tpu.memory_space<vmem>>
      %dma_start3A_857 = arith.constant 0 : i32
      %dma_start3A_858 = tpu.memref_slice %arg3[%squeeze3A_850, %dma_start3A_857] : memref<100000x32xf32, #tpu.memory_space<hbm>> -> memref<1x32xf32, #tpu.memory_space<hbm>>
      %dma_start3A_859 = arith.constant 0 : i32
      %dma_start3A_860 = tpu.memref_slice %arg6[%add3A_854, %dma_start3A_859] : memref<256x32xf32, #tpu.memory_space<vmem>> -> memref<1x32xf32, #tpu.memory_space<vmem>>
      %dma_start3A_861 = arith.constant 0 : i32
      %dma_start3A_862 = tpu.memref_slice %arg3[%squeeze3A_850, %dma_start3A_861] : memref<100000x32xf32, #tpu.memory_space<hbm>> -> memref<1x32xf32, #tpu.memory_space<hbm>>
      tpu.enqueue_dma source(%dma_start3A_862 : memref<1x32xf32, #tpu.memory_space<hbm>>) target(%dma_start3A_860 : memref<1x32xf32, #tpu.memory_space<vmem>>) target_semaphore(%arg7 : memref<!tpu.dma_semaphore, #tpu.memory_space<semaphore_mem>>)
      %slice3A_863 = vector.extract_strided_slice %get3A_792 {offsets = [5], sizes = [1], strides = [1]} : vector<16xi32> to vector<1xi32>
      %squeeze3A_864 = vector.extract %slice3A_863[0] : i32 from vector<1xi32>
      %mul3A_865 = arith.constant 16 : i32
      %mul3A_866 = arith.muli %scan3A_785, %mul3A_865 : i32
      %add3A_867 = arith.constant 5 : i32
      %add3A_868 = arith.addi %mul3A_866, %add3A_867 : i32
      %dma_start3A_869 = arith.constant 0 : i32
      %dma_start3A_870 = tpu.memref_slice %arg6[%add3A_868, %dma_start3A_869] : memref<256x32xf32, #tpu.memory_space<vmem>> -> memref<1x32xf32, #tpu.memory_space<vmem>>
      %dma_start3A_871 = arith.constant 0 : i32
      %dma_start3A_872 = tpu.memref_slice %arg3[%squeeze3A_864, %dma_start3A_871] : memref<100000x32xf32, #tpu.memory_space<hbm>> -> memref<1x32xf32, #tpu.memory_space<hbm>>
      %dma_start3A_873 = arith.constant 0 : i32
      %dma_start3A_874 = tpu.memref_slice %arg6[%add3A_868, %dma_start3A_873] : memref<256x32xf32, #tpu.memory_space<vmem>> -> memref<1x32xf32, #tpu.memory_space<vmem>>
      %dma_start3A_875 = arith.constant 0 : i32
      %dma_start3A_876 = tpu.memref_slice %arg3[%squeeze3A_864, %dma_start3A_875] : memref<100000x32xf32, #tpu.memory_space<hbm>> -> memref<1x32xf32, #tpu.memory_space<hbm>>
      tpu.enqueue_dma source(%dma_start3A_876 : memref<1x32xf32, #tpu.memory_space<hbm>>) target(%dma_start3A_874 : memref<1x32xf32, #tpu.memory_space<vmem>>) target_semaphore(%arg7 : memref<!tpu.dma_semaphore, #tpu.memory_space<semaphore_mem>>)
      %slice3A_877 = vector.extract_strided_slice %get3A_792 {offsets = [6], sizes = [1], strides = [1]} : vector<16xi32> to vector<1xi32>
      %squeeze3A_878 = vector.extract %slice3A_877[0] : i32 from vector<1xi32>
      %mul3A_879 = arith.constant 16 : i32
      %mul3A_880 = arith.muli %scan3A_785, %mul3A_879 : i32
      %add3A_881 = arith.constant 6 : i32
      %add3A_882 = arith.addi %mul3A_880, %add3A_881 : i32
      %dma_start3A_883 = arith.constant 0 : i32
      %dma_start3A_884 = tpu.memref_slice %arg6[%add3A_882, %dma_start3A_883] : memref<256x32xf32, #tpu.memory_space<vmem>> -> memref<1x32xf32, #tpu.memory_space<vmem>>
      %dma_start3A_885 = arith.constant 0 : i32
      %dma_start3A_886 = tpu.memref_slice %arg3[%squeeze3A_878, %dma_start3A_885] : memref<100000x32xf32, #tpu.memory_space<hbm>> -> memref<1x32xf32, #tpu.memory_space<hbm>>
      %dma_start3A_887 = arith.constant 0 : i32
      %dma_start3A_888 = tpu.memref_slice %arg6[%add3A_882, %dma_start3A_887] : memref<256x32xf32, #tpu.memory_space<vmem>> -> memref<1x32xf32, #tpu.memory_space<vmem>>
      %dma_start3A_889 = arith.constant 0 : i32
      %dma_start3A_890 = tpu.memref_slice %arg3[%squeeze3A_878, %dma_start3A_889] : memref<100000x32xf32, #tpu.memory_space<hbm>> -> memref<1x32xf32, #tpu.memory_space<hbm>>
      tpu.enqueue_dma source(%dma_start3A_890 : memref<1x32xf32, #tpu.memory_space<hbm>>) target(%dma_start3A_888 : memref<1x32xf32, #tpu.memory_space<vmem>>) target_semaphore(%arg7 : memref<!tpu.dma_semaphore, #tpu.memory_space<semaphore_mem>>)
      %slice3A_891 = vector.extract_strided_slice %get3A_792 {offsets = [7], sizes = [1], strides = [1]} : vector<16xi32> to vector<1xi32>
      %squeeze3A_892 = vector.extract %slice3A_891[0] : i32 from vector<1xi32>
      %mul3A_893 = arith.constant 16 : i32
      %mul3A_894 = arith.muli %scan3A_785, %mul3A_893 : i32
      %add3A_895 = arith.constant 7 : i32
      %add3A_896 = arith.addi %mul3A_894, %add3A_895 : i32
      %dma_start3A_897 = arith.constant 0 : i32
      %dma_start3A_898 = tpu.memref_slice %arg6[%add3A_896, %dma_start3A_897] : memref<256x32xf32, #tpu.memory_space<vmem>> -> memref<1x32xf32, #tpu.memory_space<vmem>>
      %dma_start3A_899 = arith.constant 0 : i32
      %dma_start3A_900 = tpu.memref_slice %arg3[%squeeze3A_892, %dma_start3A_899] : memref<100000x32xf32, #tpu.memory_space<hbm>> -> memref<1x32xf32, #tpu.memory_space<hbm>>
      %dma_start3A_901 = arith.constant 0 : i32
      %dma_start3A_902 = tpu.memref_slice %arg6[%add3A_896, %dma_start3A_901] : memref<256x32xf32, #tpu.memory_space<vmem>> -> memref<1x32xf32, #tpu.memory_space<vmem>>
      %dma_start3A_903 = arith.constant 0 : i32
      %dma_start3A_904 = tpu.memref_slice %arg3[%squeeze3A_892, %dma_start3A_903] : memref<100000x32xf32, #tpu.memory_space<hbm>> -> memref<1x32xf32, #tpu.memory_space<hbm>>
      tpu.enqueue_dma source(%dma_start3A_904 : memref<1x32xf32, #tpu.memory_space<hbm>>) target(%dma_start3A_902 : memref<1x32xf32, #tpu.memory_space<vmem>>) target_semaphore(%arg7 : memref<!tpu.dma_semaphore, #tpu.memory_space<semaphore_mem>>)
      %slice3A_905 = vector.extract_strided_slice %get3A_792 {offsets = [8], sizes = [1], strides = [1]} : vector<16xi32> to vector<1xi32>
      %squeeze3A_906 = vector.extract %slice3A_905[0] : i32 from vector<1xi32>
      %mul3A_907 = arith.constant 16 : i32
      %mul3A_908 = arith.muli %scan3A_785, %mul3A_907 : i32
      %add3A_909 = arith.constant 8 : i32
      %add3A_910 = arith.addi %mul3A_908, %add3A_909 : i32
      %dma_start3A_911 = arith.constant 0 : i32
      %dma_start3A_912 = tpu.memref_slice %arg6[%add3A_910, %dma_start3A_911] : memref<256x32xf32, #tpu.memory_space<vmem>> -> memref<1x32xf32, #tpu.memory_space<vmem>>
      %dma_start3A_913 = arith.constant 0 : i32
      %dma_start3A_914 = tpu.memref_slice %arg3[%squeeze3A_906, %dma_start3A_913] : memref<100000x32xf32, #tpu.memory_space<hbm>> -> memref<1x32xf32, #tpu.memory_space<hbm>>
      %dma_start3A_915 = arith.constant 0 : i32
      %dma_start3A_916 = tpu.memref_slice %arg6[%add3A_910, %dma_start3A_915] : memref<256x32xf32, #tpu.memory_space<vmem>> -> memref<1x32xf32, #tpu.memory_space<vmem>>
      %dma_start3A_917 = arith.constant 0 : i32
      %dma_start3A_918 = tpu.memref_slice %arg3[%squeeze3A_906, %dma_start3A_917] : memref<100000x32xf32, #tpu.memory_space<hbm>> -> memref<1x32xf32, #tpu.memory_space<hbm>>
      tpu.enqueue_dma source(%dma_start3A_918 : memref<1x32xf32, #tpu.memory_space<hbm>>) target(%dma_start3A_916 : memref<1x32xf32, #tpu.memory_space<vmem>>) target_semaphore(%arg7 : memref<!tpu.dma_semaphore, #tpu.memory_space<semaphore_mem>>)
      %slice3A_919 = vector.extract_strided_slice %get3A_792 {offsets = [9], sizes = [1], strides = [1]} : vector<16xi32> to vector<1xi32>
      %squeeze3A_920 = vector.extract %slice3A_919[0] : i32 from vector<1xi32>
      %mul3A_921 = arith.constant 16 : i32
      %mul3A_922 = arith.muli %scan3A_785, %mul3A_921 : i32
      %add3A_923 = arith.constant 9 : i32
      %add3A_924 = arith.addi %mul3A_922, %add3A_923 : i32
      %dma_start3A_925 = arith.constant 0 : i32
      %dma_start3A_926 = tpu.memref_slice %arg6[%add3A_924, %dma_start3A_925] : memref<256x32xf32, #tpu.memory_space<vmem>> -> memref<1x32xf32, #tpu.memory_space<vmem>>
      %dma_start3A_927 = arith.constant 0 : i32
      %dma_start3A_928 = tpu.memref_slice %arg3[%squeeze3A_920, %dma_start3A_927] : memref<100000x32xf32, #tpu.memory_space<hbm>> -> memref<1x32xf32, #tpu.memory_space<hbm>>
      %dma_start3A_929 = arith.constant 0 : i32
      %dma_start3A_930 = tpu.memref_slice %arg6[%add3A_924, %dma_start3A_929] : memref<256x32xf32, #tpu.memory_space<vmem>> -> memref<1x32xf32, #tpu.memory_space<vmem>>
      %dma_start3A_931 = arith.constant 0 : i32
      %dma_start3A_932 = tpu.memref_slice %arg3[%squeeze3A_920, %dma_start3A_931] : memref<100000x32xf32, #tpu.memory_space<hbm>> -> memref<1x32xf32, #tpu.memory_space<hbm>>
      tpu.enqueue_dma source(%dma_start3A_932 : memref<1x32xf32, #tpu.memory_space<hbm>>) target(%dma_start3A_930 : memref<1x32xf32, #tpu.memory_space<vmem>>) target_semaphore(%arg7 : memref<!tpu.dma_semaphore, #tpu.memory_space<semaphore_mem>>)
      %slice3A_933 = vector.extract_strided_slice %get3A_792 {offsets = [10], sizes = [1], strides = [1]} : vector<16xi32> to vector<1xi32>
      %squeeze3A_934 = vector.extract %slice3A_933[0] : i32 from vector<1xi32>
      %mul3A_935 = arith.constant 16 : i32
      %mul3A_936 = arith.muli %scan3A_785, %mul3A_935 : i32
      %add3A_937 = arith.constant 10 : i32
      %add3A_938 = arith.addi %mul3A_936, %add3A_937 : i32
      %dma_start3A_939 = arith.constant 0 : i32
      %dma_start3A_940 = tpu.memref_slice %arg6[%add3A_938, %dma_start3A_939] : memref<256x32xf32, #tpu.memory_space<vmem>> -> memref<1x32xf32, #tpu.memory_space<vmem>>
      %dma_start3A_941 = arith.constant 0 : i32
      %dma_start3A_942 = tpu.memref_slice %arg3[%squeeze3A_934, %dma_start3A_941] : memref<100000x32xf32, #tpu.memory_space<hbm>> -> memref<1x32xf32, #tpu.memory_space<hbm>>
      %dma_start3A_943 = arith.constant 0 : i32
      %dma_start3A_944 = tpu.memref_slice %arg6[%add3A_938, %dma_start3A_943] : memref<256x32xf32, #tpu.memory_space<vmem>> -> memref<1x32xf32, #tpu.memory_space<vmem>>
      %dma_start3A_945 = arith.constant 0 : i32
      %dma_start3A_946 = tpu.memref_slice %arg3[%squeeze3A_934, %dma_start3A_945] : memref<100000x32xf32, #tpu.memory_space<hbm>> -> memref<1x32xf32, #tpu.memory_space<hbm>>
      tpu.enqueue_dma source(%dma_start3A_946 : memref<1x32xf32, #tpu.memory_space<hbm>>) target(%dma_start3A_944 : memref<1x32xf32, #tpu.memory_space<vmem>>) target_semaphore(%arg7 : memref<!tpu.dma_semaphore, #tpu.memory_space<semaphore_mem>>)
      %slice3A_947 = vector.extract_strided_slice %get3A_792 {offsets = [11], sizes = [1], strides = [1]} : vector<16xi32> to vector<1xi32>
      %squeeze3A_948 = vector.extract %slice3A_947[0] : i32 from vector<1xi32>
      %mul3A_949 = arith.constant 16 : i32
      %mul3A_950 = arith.muli %scan3A_785, %mul3A_949 : i32
      %add3A_951 = arith.constant 11 : i32
      %add3A_952 = arith.addi %mul3A_950, %add3A_951 : i32
      %dma_start3A_953 = arith.constant 0 : i32
      %dma_start3A_954 = tpu.memref_slice %arg6[%add3A_952, %dma_start3A_953] : memref<256x32xf32, #tpu.memory_space<vmem>> -> memref<1x32xf32, #tpu.memory_space<vmem>>
      %dma_start3A_955 = arith.constant 0 : i32
      %dma_start3A_956 = tpu.memref_slice %arg3[%squeeze3A_948, %dma_start3A_955] : memref<100000x32xf32, #tpu.memory_space<hbm>> -> memref<1x32xf32, #tpu.memory_space<hbm>>
      %dma_start3A_957 = arith.constant 0 : i32
      %dma_start3A_958 = tpu.memref_slice %arg6[%add3A_952, %dma_start3A_957] : memref<256x32xf32, #tpu.memory_space<vmem>> -> memref<1x32xf32, #tpu.memory_space<vmem>>
      %dma_start3A_959 = arith.constant 0 : i32
      %dma_start3A_960 = tpu.memref_slice %arg3[%squeeze3A_948, %dma_start3A_959] : memref<100000x32xf32, #tpu.memory_space<hbm>> -> memref<1x32xf32, #tpu.memory_space<hbm>>
      tpu.enqueue_dma source(%dma_start3A_960 : memref<1x32xf32, #tpu.memory_space<hbm>>) target(%dma_start3A_958 : memref<1x32xf32, #tpu.memory_space<vmem>>) target_semaphore(%arg7 : memref<!tpu.dma_semaphore, #tpu.memory_space<semaphore_mem>>)
      %slice3A_961 = vector.extract_strided_slice %get3A_792 {offsets = [12], sizes = [1], strides = [1]} : vector<16xi32> to vector<1xi32>
      %squeeze3A_962 = vector.extract %slice3A_961[0] : i32 from vector<1xi32>
      %mul3A_963 = arith.constant 16 : i32
      %mul3A_964 = arith.muli %scan3A_785, %mul3A_963 : i32
      %add3A_965 = arith.constant 12 : i32
      %add3A_966 = arith.addi %mul3A_964, %add3A_965 : i32
      %dma_start3A_967 = arith.constant 0 : i32
      %dma_start3A_968 = tpu.memref_slice %arg6[%add3A_966, %dma_start3A_967] : memref<256x32xf32, #tpu.memory_space<vmem>> -> memref<1x32xf32, #tpu.memory_space<vmem>>
      %dma_start3A_969 = arith.constant 0 : i32
      %dma_start3A_970 = tpu.memref_slice %arg3[%squeeze3A_962, %dma_start3A_969] : memref<100000x32xf32, #tpu.memory_space<hbm>> -> memref<1x32xf32, #tpu.memory_space<hbm>>
      %dma_start3A_971 = arith.constant 0 : i32
      %dma_start3A_972 = tpu.memref_slice %arg6[%add3A_966, %dma_start3A_971] : memref<256x32xf32, #tpu.memory_space<vmem>> -> memref<1x32xf32, #tpu.memory_space<vmem>>
      %dma_start3A_973 = arith.constant 0 : i32
      %dma_start3A_974 = tpu.memref_slice %arg3[%squeeze3A_962, %dma_start3A_973] : memref<100000x32xf32, #tpu.memory_space<hbm>> -> memref<1x32xf32, #tpu.memory_space<hbm>>
      tpu.enqueue_dma source(%dma_start3A_974 : memref<1x32xf32, #tpu.memory_space<hbm>>) target(%dma_start3A_972 : memref<1x32xf32, #tpu.memory_space<vmem>>) target_semaphore(%arg7 : memref<!tpu.dma_semaphore, #tpu.memory_space<semaphore_mem>>)
      %slice3A_975 = vector.extract_strided_slice %get3A_792 {offsets = [13], sizes = [1], strides = [1]} : vector<16xi32> to vector<1xi32>
      %squeeze3A_976 = vector.extract %slice3A_975[0] : i32 from vector<1xi32>
      %mul3A_977 = arith.constant 16 : i32
      %mul3A_978 = arith.muli %scan3A_785, %mul3A_977 : i32
      %add3A_979 = arith.constant 13 : i32
      %add3A_980 = arith.addi %mul3A_978, %add3A_979 : i32
      %dma_start3A_981 = arith.constant 0 : i32
      %dma_start3A_982 = tpu.memref_slice %arg6[%add3A_980, %dma_start3A_981] : memref<256x32xf32, #tpu.memory_space<vmem>> -> memref<1x32xf32, #tpu.memory_space<vmem>>
      %dma_start3A_983 = arith.constant 0 : i32
      %dma_start3A_984 = tpu.memref_slice %arg3[%squeeze3A_976, %dma_start3A_983] : memref<100000x32xf32, #tpu.memory_space<hbm>> -> memref<1x32xf32, #tpu.memory_space<hbm>>
      %dma_start3A_985 = arith.constant 0 : i32
      %dma_start3A_986 = tpu.memref_slice %arg6[%add3A_980, %dma_start3A_985] : memref<256x32xf32, #tpu.memory_space<vmem>> -> memref<1x32xf32, #tpu.memory_space<vmem>>
      %dma_start3A_987 = arith.constant 0 : i32
      %dma_start3A_988 = tpu.memref_slice %arg3[%squeeze3A_976, %dma_start3A_987] : memref<100000x32xf32, #tpu.memory_space<hbm>> -> memref<1x32xf32, #tpu.memory_space<hbm>>
      tpu.enqueue_dma source(%dma_start3A_988 : memref<1x32xf32, #tpu.memory_space<hbm>>) target(%dma_start3A_986 : memref<1x32xf32, #tpu.memory_space<vmem>>) target_semaphore(%arg7 : memref<!tpu.dma_semaphore, #tpu.memory_space<semaphore_mem>>)
      %slice3A_989 = vector.extract_strided_slice %get3A_792 {offsets = [14], sizes = [1], strides = [1]} : vector<16xi32> to vector<1xi32>
      %squeeze3A_990 = vector.extract %slice3A_989[0] : i32 from vector<1xi32>
      %mul3A_991 = arith.constant 16 : i32
      %mul3A_992 = arith.muli %scan3A_785, %mul3A_991 : i32
      %add3A_993 = arith.constant 14 : i32
      %add3A_994 = arith.addi %mul3A_992, %add3A_993 : i32
      %dma_start3A_995 = arith.constant 0 : i32
      %dma_start3A_996 = tpu.memref_slice %arg6[%add3A_994, %dma_start3A_995] : memref<256x32xf32, #tpu.memory_space<vmem>> -> memref<1x32xf32, #tpu.memory_space<vmem>>
      %dma_start3A_997 = arith.constant 0 : i32
      %dma_start3A_998 = tpu.memref_slice %arg3[%squeeze3A_990, %dma_start3A_997] : memref<100000x32xf32, #tpu.memory_space<hbm>> -> memref<1x32xf32, #tpu.memory_space<hbm>>
      %dma_start3A_999 = arith.constant 0 : i32
      %dma_start3A_1000 = tpu.memref_slice %arg6[%add3A_994, %dma_start3A_999] : memref<256x32xf32, #tpu.memory_space<vmem>> -> memref<1x32xf32, #tpu.memory_space<vmem>>
      %dma_start3A_1001 = arith.constant 0 : i32
      %dma_start3A_1002 = tpu.memref_slice %arg3[%squeeze3A_990, %dma_start3A_1001] : memref<100000x32xf32, #tpu.memory_space<hbm>> -> memref<1x32xf32, #tpu.memory_space<hbm>>
      tpu.enqueue_dma source(%dma_start3A_1002 : memref<1x32xf32, #tpu.memory_space<hbm>>) target(%dma_start3A_1000 : memref<1x32xf32, #tpu.memory_space<vmem>>) target_semaphore(%arg7 : memref<!tpu.dma_semaphore, #tpu.memory_space<semaphore_mem>>)
      %slice3A_1003 = vector.extract_strided_slice %get3A_792 {offsets = [15], sizes = [1], strides = [1]} : vector<16xi32> to vector<1xi32>
      %squeeze3A_1004 = vector.extract %slice3A_1003[0] : i32 from vector<1xi32>
      %mul3A_1005 = arith.constant 16 : i32
      %mul3A_1006 = arith.muli %scan3A_785, %mul3A_1005 : i32
      %add3A_1007 = arith.constant 15 : i32
      %add3A_1008 = arith.addi %mul3A_1006, %add3A_1007 : i32
      %dma_start3A_1009 = arith.constant 0 : i32
      %dma_start3A_1010 = tpu.memref_slice %arg6[%add3A_1008, %dma_start3A_1009] : memref<256x32xf32, #tpu.memory_space<vmem>> -> memref<1x32xf32, #tpu.memory_space<vmem>>
      %dma_start3A_1011 = arith.constant 0 : i32
      %dma_start3A_1012 = tpu.memref_slice %arg3[%squeeze3A_1004, %dma_start3A_1011] : memref<100000x32xf32, #tpu.memory_space<hbm>> -> memref<1x32xf32, #tpu.memory_space<hbm>>
      %dma_start3A_1013 = arith.constant 0 : i32
      %dma_start3A_1014 = tpu.memref_slice %arg6[%add3A_1008, %dma_start3A_1013] : memref<256x32xf32, #tpu.memory_space<vmem>> -> memref<1x32xf32, #tpu.memory_space<vmem>>
      %dma_start3A_1015 = arith.constant 0 : i32
      %dma_start3A_1016 = tpu.memref_slice %arg3[%squeeze3A_1004, %dma_start3A_1015] : memref<100000x32xf32, #tpu.memory_space<hbm>> -> memref<1x32xf32, #tpu.memory_space<hbm>>
      tpu.enqueue_dma source(%dma_start3A_1016 : memref<1x32xf32, #tpu.memory_space<hbm>>) target(%dma_start3A_1014 : memref<1x32xf32, #tpu.memory_space<vmem>>) target_semaphore(%arg7 : memref<!tpu.dma_semaphore, #tpu.memory_space<semaphore_mem>>)
      %dma_wait3A_1017 = arith.constant 0 : i32
      %dma_wait3A_1018 = arith.constant 0 : i32
      %dma_wait3A_1019 = tpu.memref_slice %arg6[%dma_wait3A_1017, %dma_wait3A_1018] : memref<256x32xf32, #tpu.memory_space<vmem>> -> memref<1x32xf32, #tpu.memory_space<vmem>>
      %dma_wait3A_1020 = arith.constant 0 : i32
      %dma_wait3A_1021 = arith.constant 0 : i32
      %dma_wait3A_1022 = tpu.memref_slice %arg3[%dma_wait3A_1020, %dma_wait3A_1021] : memref<100000x32xf32, #tpu.memory_space<hbm>> -> memref<1x32xf32, #tpu.memory_space<hbm>>
      %dma_wait3A_1023 = arith.constant 0 : i32
      %dma_wait3A_1024 = arith.constant 0 : i32
      %dma_wait3A_1025 = tpu.memref_slice %arg6[%dma_wait3A_1023, %dma_wait3A_1024] : memref<256x32xf32, #tpu.memory_space<vmem>> -> memref<1x32xf32, #tpu.memory_space<vmem>>
      %dma_wait3A_1026 = arith.constant 0 : i32
      %dma_wait3A_1027 = arith.constant 0 : i32
      %dma_wait3A_1028 = tpu.memref_slice %arg3[%dma_wait3A_1026, %dma_wait3A_1027] : memref<100000x32xf32, #tpu.memory_space<hbm>> -> memref<1x32xf32, #tpu.memory_space<hbm>>
      tpu.wait_dma2 semaphore(%arg7 : memref<!tpu.dma_semaphore, #tpu.memory_space<semaphore_mem>>) src(%dma_wait3A_1028 : memref<1x32xf32, #tpu.memory_space<hbm>>) dst(%dma_wait3A_1025 : memref<1x32xf32, #tpu.memory_space<vmem>>)
      %dma_wait3A_1029 = arith.constant 0 : i32
      %dma_wait3A_1030 = arith.constant 0 : i32
      %dma_wait3A_1031 = tpu.memref_slice %arg6[%dma_wait3A_1029, %dma_wait3A_1030] : memref<256x32xf32, #tpu.memory_space<vmem>> -> memref<1x32xf32, #tpu.memory_space<vmem>>
      %dma_wait3A_1032 = arith.constant 0 : i32
      %dma_wait3A_1033 = arith.constant 0 : i32
      %dma_wait3A_1034 = tpu.memref_slice %arg3[%dma_wait3A_1032, %dma_wait3A_1033] : memref<100000x32xf32, #tpu.memory_space<hbm>> -> memref<1x32xf32, #tpu.memory_space<hbm>>
      %dma_wait3A_1035 = arith.constant 0 : i32
      %dma_wait3A_1036 = arith.constant 0 : i32
      %dma_wait3A_1037 = tpu.memref_slice %arg6[%dma_wait3A_1035, %dma_wait3A_1036] : memref<256x32xf32, #tpu.memory_space<vmem>> -> memref<1x32xf32, #tpu.memory_space<vmem>>
      %dma_wait3A_1038 = arith.constant 0 : i32
      %dma_wait3A_1039 = arith.constant 0 : i32
      %dma_wait3A_1040 = tpu.memref_slice %arg3[%dma_wait3A_1038, %dma_wait3A_1039] : memref<100000x32xf32, #tpu.memory_space<hbm>> -> memref<1x32xf32, #tpu.memory_space<hbm>>
      tpu.wait_dma2 semaphore(%arg7 : memref<!tpu.dma_semaphore, #tpu.memory_space<semaphore_mem>>) src(%dma_wait3A_1040 : memref<1x32xf32, #tpu.memory_space<hbm>>) dst(%dma_wait3A_1037 : memref<1x32xf32, #tpu.memory_space<vmem>>)
      %dma_wait3A_1041 = arith.constant 0 : i32
      %dma_wait3A_1042 = arith.constant 0 : i32
      %dma_wait3A_1043 = tpu.memref_slice %arg6[%dma_wait3A_1041, %dma_wait3A_1042] : memref<256x32xf32, #tpu.memory_space<vmem>> -> memref<1x32xf32, #tpu.memory_space<vmem>>
      %dma_wait3A_1044 = arith.constant 0 : i32
      %dma_wait3A_1045 = arith.constant 0 : i32
      %dma_wait3A_1046 = tpu.memref_slice %arg3[%dma_wait3A_1044, %dma_wait3A_1045] : memref<100000x32xf32, #tpu.memory_space<hbm>> -> memref<1x32xf32, #tpu.memory_space<hbm>>
      %dma_wait3A_1047 = arith.constant 0 : i32
      %dma_wait3A_1048 = arith.constant 0 : i32
      %dma_wait3A_1049 = tpu.memref_slice %arg6[%dma_wait3A_1047, %dma_wait3A_1048] : memref<256x32xf32, #tpu.memory_space<vmem>> -> memref<1x32xf32, #tpu.memory_space<vmem>>
      %dma_wait3A_1050 = arith.constant 0 : i32
      %dma_wait3A_1051 = arith.constant 0 : i32
      %dma_wait3A_1052 = tpu.memref_slice %arg3[%dma_wait3A_1050, %dma_wait3A_1051] : memref<100000x32xf32, #tpu.memory_space<hbm>> -> memref<1x32xf32, #tpu.memory_space<hbm>>
      tpu.wait_dma2 semaphore(%arg7 : memref<!tpu.dma_semaphore, #tpu.memory_space<semaphore_mem>>) src(%dma_wait3A_1052 : memref<1x32xf32, #tpu.memory_space<hbm>>) dst(%dma_wait3A_1049 : memref<1x32xf32, #tpu.memory_space<vmem>>)
      %dma_wait3A_1053 = arith.constant 0 : i32
      %dma_wait3A_1054 = arith.constant 0 : i32
      %dma_wait3A_1055 = tpu.memref_slice %arg6[%dma_wait3A_1053, %dma_wait3A_1054] : memref<256x32xf32, #tpu.memory_space<vmem>> -> memref<1x32xf32, #tpu.memory_space<vmem>>
      %dma_wait3A_1056 = arith.constant 0 : i32
      %dma_wait3A_1057 = arith.constant 0 : i32
      %dma_wait3A_1058 = tpu.memref_slice %arg3[%dma_wait3A_1056, %dma_wait3A_1057] : memref<100000x32xf32, #tpu.memory_space<hbm>> -> memref<1x32xf32, #tpu.memory_space<hbm>>
      %dma_wait3A_1059 = arith.constant 0 : i32
      %dma_wait3A_1060 = arith.constant 0 : i32
      %dma_wait3A_1061 = tpu.memref_slice %arg6[%dma_wait3A_1059, %dma_wait3A_1060] : memref<256x32xf32, #tpu.memory_space<vmem>> -> memref<1x32xf32, #tpu.memory_space<vmem>>
      %dma_wait3A_1062 = arith.constant 0 : i32
      %dma_wait3A_1063 = arith.constant 0 : i32
      %dma_wait3A_1064 = tpu.memref_slice %arg3[%dma_wait3A_1062, %dma_wait3A_1063] : memref<100000x32xf32, #tpu.memory_space<hbm>> -> memref<1x32xf32, #tpu.memory_space<hbm>>
      tpu.wait_dma2 semaphore(%arg7 : memref<!tpu.dma_semaphore, #tpu.memory_space<semaphore_mem>>) src(%dma_wait3A_1064 : memref<1x32xf32, #tpu.memory_space<hbm>>) dst(%dma_wait3A_1061 : memref<1x32xf32, #tpu.memory_space<vmem>>)
      %dma_wait3A_1065 = arith.constant 0 : i32
      %dma_wait3A_1066 = arith.constant 0 : i32
      %dma_wait3A_1067 = tpu.memref_slice %arg6[%dma_wait3A_1065, %dma_wait3A_1066] : memref<256x32xf32, #tpu.memory_space<vmem>> -> memref<1x32xf32, #tpu.memory_space<vmem>>
      %dma_wait3A_1068 = arith.constant 0 : i32
      %dma_wait3A_1069 = arith.constant 0 : i32
      %dma_wait3A_1070 = tpu.memref_slice %arg3[%dma_wait3A_1068, %dma_wait3A_1069] : memref<100000x32xf32, #tpu.memory_space<hbm>> -> memref<1x32xf32, #tpu.memory_space<hbm>>
      %dma_wait3A_1071 = arith.constant 0 : i32
      %dma_wait3A_1072 = arith.constant 0 : i32
      %dma_wait3A_1073 = tpu.memref_slice %arg6[%dma_wait3A_1071, %dma_wait3A_1072] : memref<256x32xf32, #tpu.memory_space<vmem>> -> memref<1x32xf32, #tpu.memory_space<vmem>>
      %dma_wait3A_1074 = arith.constant 0 : i32
      %dma_wait3A_1075 = arith.constant 0 : i32
      %dma_wait3A_1076 = tpu.memref_slice %arg3[%dma_wait3A_1074, %dma_wait3A_1075] : memref<100000x32xf32, #tpu.memory_space<hbm>> -> memref<1x32xf32, #tpu.memory_space<hbm>>
      tpu.wait_dma2 semaphore(%arg7 : memref<!tpu.dma_semaphore, #tpu.memory_space<semaphore_mem>>) src(%dma_wait3A_1076 : memref<1x32xf32, #tpu.memory_space<hbm>>) dst(%dma_wait3A_1073 : memref<1x32xf32, #tpu.memory_space<vmem>>)
      %dma_wait3A_1077 = arith.constant 0 : i32
      %dma_wait3A_1078 = arith.constant 0 : i32
      %dma_wait3A_1079 = tpu.memref_slice %arg6[%dma_wait3A_1077, %dma_wait3A_1078] : memref<256x32xf32, #tpu.memory_space<vmem>> -> memref<1x32xf32, #tpu.memory_space<vmem>>
      %dma_wait3A_1080 = arith.constant 0 : i32
      %dma_wait3A_1081 = arith.constant 0 : i32
      %dma_wait3A_1082 = tpu.memref_slice %arg3[%dma_wait3A_1080, %dma_wait3A_1081] : memref<100000x32xf32, #tpu.memory_space<hbm>> -> memref<1x32xf32, #tpu.memory_space<hbm>>
      %dma_wait3A_1083 = arith.constant 0 : i32
      %dma_wait3A_1084 = arith.constant 0 : i32
      %dma_wait3A_1085 = tpu.memref_slice %arg6[%dma_wait3A_1083, %dma_wait3A_1084] : memref<256x32xf32, #tpu.memory_space<vmem>> -> memref<1x32xf32, #tpu.memory_space<vmem>>
      %dma_wait3A_1086 = arith.constant 0 : i32
      %dma_wait3A_1087 = arith.constant 0 : i32
      %dma_wait3A_1088 = tpu.memref_slice %arg3[%dma_wait3A_1086, %dma_wait3A_1087] : memref<100000x32xf32, #tpu.memory_space<hbm>> -> memref<1x32xf32, #tpu.memory_space<hbm>>
      tpu.wait_dma2 semaphore(%arg7 : memref<!tpu.dma_semaphore, #tpu.memory_space<semaphore_mem>>) src(%dma_wait3A_1088 : memref<1x32xf32, #tpu.memory_space<hbm>>) dst(%dma_wait3A_1085 : memref<1x32xf32, #tpu.memory_space<vmem>>)
      %dma_wait3A_1089 = arith.constant 0 : i32
      %dma_wait3A_1090 = arith.constant 0 : i32
      %dma_wait3A_1091 = tpu.memref_slice %arg6[%dma_wait3A_1089, %dma_wait3A_1090] : memref<256x32xf32, #tpu.memory_space<vmem>> -> memref<1x32xf32, #tpu.memory_space<vmem>>
      %dma_wait3A_1092 = arith.constant 0 : i32
      %dma_wait3A_1093 = arith.constant 0 : i32
      %dma_wait3A_1094 = tpu.memref_slice %arg3[%dma_wait3A_1092, %dma_wait3A_1093] : memref<100000x32xf32, #tpu.memory_space<hbm>> -> memref<1x32xf32, #tpu.memory_space<hbm>>
      %dma_wait3A_1095 = arith.constant 0 : i32
      %dma_wait3A_1096 = arith.constant 0 : i32
      %dma_wait3A_1097 = tpu.memref_slice %arg6[%dma_wait3A_1095, %dma_wait3A_1096] : memref<256x32xf32, #tpu.memory_space<vmem>> -> memref<1x32xf32, #tpu.memory_space<vmem>>
      %dma_wait3A_1098 = arith.constant 0 : i32
      %dma_wait3A_1099 = arith.constant 0 : i32
      %dma_wait3A_1100 = tpu.memref_slice %arg3[%dma_wait3A_1098, %dma_wait3A_1099] : memref<100000x32xf32, #tpu.memory_space<hbm>> -> memref<1x32xf32, #tpu.memory_space<hbm>>
      tpu.wait_dma2 semaphore(%arg7 : memref<!tpu.dma_semaphore, #tpu.memory_space<semaphore_mem>>) src(%dma_wait3A_1100 : memref<1x32xf32, #tpu.memory_space<hbm>>) dst(%dma_wait3A_1097 : memref<1x32xf32, #tpu.memory_space<vmem>>)
      %dma_wait3A_1101 = arith.constant 0 : i32
      %dma_wait3A_1102 = arith.constant 0 : i32
      %dma_wait3A_1103 = tpu.memref_slice %arg6[%dma_wait3A_1101, %dma_wait3A_1102] : memref<256x32xf32, #tpu.memory_space<vmem>> -> memref<1x32xf32, #tpu.memory_space<vmem>>
      %dma_wait3A_1104 = arith.constant 0 : i32
      %dma_wait3A_1105 = arith.constant 0 : i32
      %dma_wait3A_1106 = tpu.memref_slice %arg3[%dma_wait3A_1104, %dma_wait3A_1105] : memref<100000x32xf32, #tpu.memory_space<hbm>> -> memref<1x32xf32, #tpu.memory_space<hbm>>
      %dma_wait3A_1107 = arith.constant 0 : i32
      %dma_wait3A_1108 = arith.constant 0 : i32
      %dma_wait3A_1109 = tpu.memref_slice %arg6[%dma_wait3A_1107, %dma_wait3A_1108] : memref<256x32xf32, #tpu.memory_space<vmem>> -> memref<1x32xf32, #tpu.memory_space<vmem>>
      %dma_wait3A_1110 = arith.constant 0 : i32
      %dma_wait3A_1111 = arith.constant 0 : i32
      %dma_wait3A_1112 = tpu.memref_slice %arg3[%dma_wait3A_1110, %dma_wait3A_1111] : memref<100000x32xf32, #tpu.memory_space<hbm>> -> memref<1x32xf32, #tpu.memory_space<hbm>>
      tpu.wait_dma2 semaphore(%arg7 : memref<!tpu.dma_semaphore, #tpu.memory_space<semaphore_mem>>) src(%dma_wait3A_1112 : memref<1x32xf32, #tpu.memory_space<hbm>>) dst(%dma_wait3A_1109 : memref<1x32xf32, #tpu.memory_space<vmem>>)
      %dma_wait3A_1113 = arith.constant 0 : i32
      %dma_wait3A_1114 = arith.constant 0 : i32
      %dma_wait3A_1115 = tpu.memref_slice %arg6[%dma_wait3A_1113, %dma_wait3A_1114] : memref<256x32xf32, #tpu.memory_space<vmem>> -> memref<1x32xf32, #tpu.memory_space<vmem>>
      %dma_wait3A_1116 = arith.constant 0 : i32
      %dma_wait3A_1117 = arith.constant 0 : i32
      %dma_wait3A_1118 = tpu.memref_slice %arg3[%dma_wait3A_1116, %dma_wait3A_1117] : memref<100000x32xf32, #tpu.memory_space<hbm>> -> memref<1x32xf32, #tpu.memory_space<hbm>>
      %dma_wait3A_1119 = arith.constant 0 : i32
      %dma_wait3A_1120 = arith.constant 0 : i32
      %dma_wait3A_1121 = tpu.memref_slice %arg6[%dma_wait3A_1119, %dma_wait3A_1120] : memref<256x32xf32, #tpu.memory_space<vmem>> -> memref<1x32xf32, #tpu.memory_space<vmem>>
      %dma_wait3A_1122 = arith.constant 0 : i32
      %dma_wait3A_1123 = arith.constant 0 : i32
      %dma_wait3A_1124 = tpu.memref_slice %arg3[%dma_wait3A_1122, %dma_wait3A_1123] : memref<100000x32xf32, #tpu.memory_space<hbm>> -> memref<1x32xf32, #tpu.memory_space<hbm>>
      tpu.wait_dma2 semaphore(%arg7 : memref<!tpu.dma_semaphore, #tpu.memory_space<semaphore_mem>>) src(%dma_wait3A_1124 : memref<1x32xf32, #tpu.memory_space<hbm>>) dst(%dma_wait3A_1121 : memref<1x32xf32, #tpu.memory_space<vmem>>)
      %dma_wait3A_1125 = arith.constant 0 : i32
      %dma_wait3A_1126 = arith.constant 0 : i32
      %dma_wait3A_1127 = tpu.memref_slice %arg6[%dma_wait3A_1125, %dma_wait3A_1126] : memref<256x32xf32, #tpu.memory_space<vmem>> -> memref<1x32xf32, #tpu.memory_space<vmem>>
      %dma_wait3A_1128 = arith.constant 0 : i32
      %dma_wait3A_1129 = arith.constant 0 : i32
      %dma_wait3A_1130 = tpu.memref_slice %arg3[%dma_wait3A_1128, %dma_wait3A_1129] : memref<100000x32xf32, #tpu.memory_space<hbm>> -> memref<1x32xf32, #tpu.memory_space<hbm>>
      %dma_wait3A_1131 = arith.constant 0 : i32
      %dma_wait3A_1132 = arith.constant 0 : i32
      %dma_wait3A_1133 = tpu.memref_slice %arg6[%dma_wait3A_1131, %dma_wait3A_1132] : memref<256x32xf32, #tpu.memory_space<vmem>> -> memref<1x32xf32, #tpu.memory_space<vmem>>
      %dma_wait3A_1134 = arith.constant 0 : i32
      %dma_wait3A_1135 = arith.constant 0 : i32
      %dma_wait3A_1136 = tpu.memref_slice %arg3[%dma_wait3A_1134, %dma_wait3A_1135] : memref<100000x32xf32, #tpu.memory_space<hbm>> -> memref<1x32xf32, #tpu.memory_space<hbm>>
      tpu.wait_dma2 semaphore(%arg7 : memref<!tpu.dma_semaphore, #tpu.memory_space<semaphore_mem>>) src(%dma_wait3A_1136 : memref<1x32xf32, #tpu.memory_space<hbm>>) dst(%dma_wait3A_1133 : memref<1x32xf32, #tpu.memory_space<vmem>>)
      %dma_wait3A_1137 = arith.constant 0 : i32
      %dma_wait3A_1138 = arith.constant 0 : i32
      %dma_wait3A_1139 = tpu.memref_slice %arg6[%dma_wait3A_1137, %dma_wait3A_1138] : memref<256x32xf32, #tpu.memory_space<vmem>> -> memref<1x32xf32, #tpu.memory_space<vmem>>
      %dma_wait3A_1140 = arith.constant 0 : i32
      %dma_wait3A_1141 = arith.constant 0 : i32
      %dma_wait3A_1142 = tpu.memref_slice %arg3[%dma_wait3A_1140, %dma_wait3A_1141] : memref<100000x32xf32, #tpu.memory_space<hbm>> -> memref<1x32xf32, #tpu.memory_space<hbm>>
      %dma_wait3A_1143 = arith.constant 0 : i32
      %dma_wait3A_1144 = arith.constant 0 : i32
      %dma_wait3A_1145 = tpu.memref_slice %arg6[%dma_wait3A_1143, %dma_wait3A_1144] : memref<256x32xf32, #tpu.memory_space<vmem>> -> memref<1x32xf32, #tpu.memory_space<vmem>>
      %dma_wait3A_1146 = arith.constant 0 : i32
      %dma_wait3A_1147 = arith.constant 0 : i32
      %dma_wait3A_1148 = tpu.memref_slice %arg3[%dma_wait3A_1146, %dma_wait3A_1147] : memref<100000x32xf32, #tpu.memory_space<hbm>> -> memref<1x32xf32, #tpu.memory_space<hbm>>
      tpu.wait_dma2 semaphore(%arg7 : memref<!tpu.dma_semaphore, #tpu.memory_space<semaphore_mem>>) src(%dma_wait3A_1148 : memref<1x32xf32, #tpu.memory_space<hbm>>) dst(%dma_wait3A_1145 : memref<1x32xf32, #tpu.memory_space<vmem>>)
      %dma_wait3A_1149 = arith.constant 0 : i32
      %dma_wait3A_1150 = arith.constant 0 : i32
      %dma_wait3A_1151 = tpu.memref_slice %arg6[%dma_wait3A_1149, %dma_wait3A_1150] : memref<256x32xf32, #tpu.memory_space<vmem>> -> memref<1x32xf32, #tpu.memory_space<vmem>>
      %dma_wait3A_1152 = arith.constant 0 : i32
      %dma_wait3A_1153 = arith.constant 0 : i32
      %dma_wait3A_1154 = tpu.memref_slice %arg3[%dma_wait3A_1152, %dma_wait3A_1153] : memref<100000x32xf32, #tpu.memory_space<hbm>> -> memref<1x32xf32, #tpu.memory_space<hbm>>
      %dma_wait3A_1155 = arith.constant 0 : i32
      %dma_wait3A_1156 = arith.constant 0 : i32
      %dma_wait3A_1157 = tpu.memref_slice %arg6[%dma_wait3A_1155, %dma_wait3A_1156] : memref<256x32xf32, #tpu.memory_space<vmem>> -> memref<1x32xf32, #tpu.memory_space<vmem>>
      %dma_wait3A_1158 = arith.constant 0 : i32
      %dma_wait3A_1159 = arith.constant 0 : i32
      %dma_wait3A_1160 = tpu.memref_slice %arg3[%dma_wait3A_1158, %dma_wait3A_1159] : memref<100000x32xf32, #tpu.memory_space<hbm>> -> memref<1x32xf32, #tpu.memory_space<hbm>>
      tpu.wait_dma2 semaphore(%arg7 : memref<!tpu.dma_semaphore, #tpu.memory_space<semaphore_mem>>) src(%dma_wait3A_1160 : memref<1x32xf32, #tpu.memory_space<hbm>>) dst(%dma_wait3A_1157 : memref<1x32xf32, #tpu.memory_space<vmem>>)
      %dma_wait3A_1161 = arith.constant 0 : i32
      %dma_wait3A_1162 = arith.constant 0 : i32
      %dma_wait3A_1163 = tpu.memref_slice %arg6[%dma_wait3A_1161, %dma_wait3A_1162] : memref<256x32xf32, #tpu.memory_space<vmem>> -> memref<1x32xf32, #tpu.memory_space<vmem>>
      %dma_wait3A_1164 = arith.constant 0 : i32
      %dma_wait3A_1165 = arith.constant 0 : i32
      %dma_wait3A_1166 = tpu.memref_slice %arg3[%dma_wait3A_1164, %dma_wait3A_1165] : memref<100000x32xf32, #tpu.memory_space<hbm>> -> memref<1x32xf32, #tpu.memory_space<hbm>>
      %dma_wait3A_1167 = arith.constant 0 : i32
      %dma_wait3A_1168 = arith.constant 0 : i32
      %dma_wait3A_1169 = tpu.memref_slice %arg6[%dma_wait3A_1167, %dma_wait3A_1168] : memref<256x32xf32, #tpu.memory_space<vmem>> -> memref<1x32xf32, #tpu.memory_space<vmem>>
      %dma_wait3A_1170 = arith.constant 0 : i32
      %dma_wait3A_1171 = arith.constant 0 : i32
      %dma_wait3A_1172 = tpu.memref_slice %arg3[%dma_wait3A_1170, %dma_wait3A_1171] : memref<100000x32xf32, #tpu.memory_space<hbm>> -> memref<1x32xf32, #tpu.memory_space<hbm>>
      tpu.wait_dma2 semaphore(%arg7 : memref<!tpu.dma_semaphore, #tpu.memory_space<semaphore_mem>>) src(%dma_wait3A_1172 : memref<1x32xf32, #tpu.memory_space<hbm>>) dst(%dma_wait3A_1169 : memref<1x32xf32, #tpu.memory_space<vmem>>)
      %dma_wait3A_1173 = arith.constant 0 : i32
      %dma_wait3A_1174 = arith.constant 0 : i32
      %dma_wait3A_1175 = tpu.memref_slice %arg6[%dma_wait3A_1173, %dma_wait3A_1174] : memref<256x32xf32, #tpu.memory_space<vmem>> -> memref<1x32xf32, #tpu.memory_space<vmem>>
      %dma_wait3A_1176 = arith.constant 0 : i32
      %dma_wait3A_1177 = arith.constant 0 : i32
      %dma_wait3A_1178 = tpu.memref_slice %arg3[%dma_wait3A_1176, %dma_wait3A_1177] : memref<100000x32xf32, #tpu.memory_space<hbm>> -> memref<1x32xf32, #tpu.memory_space<hbm>>
      %dma_wait3A_1179 = arith.constant 0 : i32
      %dma_wait3A_1180 = arith.constant 0 : i32
      %dma_wait3A_1181 = tpu.memref_slice %arg6[%dma_wait3A_1179, %dma_wait3A_1180] : memref<256x32xf32, #tpu.memory_space<vmem>> -> memref<1x32xf32, #tpu.memory_space<vmem>>
      %dma_wait3A_1182 = arith.constant 0 : i32
      %dma_wait3A_1183 = arith.constant 0 : i32
      %dma_wait3A_1184 = tpu.memref_slice %arg3[%dma_wait3A_1182, %dma_wait3A_1183] : memref<100000x32xf32, #tpu.memory_space<hbm>> -> memref<1x32xf32, #tpu.memory_space<hbm>>
      tpu.wait_dma2 semaphore(%arg7 : memref<!tpu.dma_semaphore, #tpu.memory_space<semaphore_mem>>) src(%dma_wait3A_1184 : memref<1x32xf32, #tpu.memory_space<hbm>>) dst(%dma_wait3A_1181 : memref<1x32xf32, #tpu.memory_space<vmem>>)
      %dma_wait3A_1185 = arith.constant 0 : i32
      %dma_wait3A_1186 = arith.constant 0 : i32
      %dma_wait3A_1187 = tpu.memref_slice %arg6[%dma_wait3A_1185, %dma_wait3A_1186] : memref<256x32xf32, #tpu.memory_space<vmem>> -> memref<1x32xf32, #tpu.memory_space<vmem>>
      %dma_wait3A_1188 = arith.constant 0 : i32
      %dma_wait3A_1189 = arith.constant 0 : i32
      %dma_wait3A_1190 = tpu.memref_slice %arg3[%dma_wait3A_1188, %dma_wait3A_1189] : memref<100000x32xf32, #tpu.memory_space<hbm>> -> memref<1x32xf32, #tpu.memory_space<hbm>>
      %dma_wait3A_1191 = arith.constant 0 : i32
      %dma_wait3A_1192 = arith.constant 0 : i32
      %dma_wait3A_1193 = tpu.memref_slice %arg6[%dma_wait3A_1191, %dma_wait3A_1192] : memref<256x32xf32, #tpu.memory_space<vmem>> -> memref<1x32xf32, #tpu.memory_space<vmem>>
      %dma_wait3A_1194 = arith.constant 0 : i32
      %dma_wait3A_1195 = arith.constant 0 : i32
      %dma_wait3A_1196 = tpu.memref_slice %arg3[%dma_wait3A_1194, %dma_wait3A_1195] : memref<100000x32xf32, #tpu.memory_space<hbm>> -> memref<1x32xf32, #tpu.memory_space<hbm>>
      tpu.wait_dma2 semaphore(%arg7 : memref<!tpu.dma_semaphore, #tpu.memory_space<semaphore_mem>>) src(%dma_wait3A_1196 : memref<1x32xf32, #tpu.memory_space<hbm>>) dst(%dma_wait3A_1193 : memref<1x32xf32, #tpu.memory_space<vmem>>)
      %dma_wait3A_1197 = arith.constant 0 : i32
      %dma_wait3A_1198 = arith.constant 0 : i32
      %dma_wait3A_1199 = tpu.memref_slice %arg6[%dma_wait3A_1197, %dma_wait3A_1198] : memref<256x32xf32, #tpu.memory_space<vmem>> -> memref<1x32xf32, #tpu.memory_space<vmem>>
      %dma_wait3A_1200 = arith.constant 0 : i32
      %dma_wait3A_1201 = arith.constant 0 : i32
      %dma_wait3A_1202 = tpu.memref_slice %arg3[%dma_wait3A_1200, %dma_wait3A_1201] : memref<100000x32xf32, #tpu.memory_space<hbm>> -> memref<1x32xf32, #tpu.memory_space<hbm>>
      %dma_wait3A_1203 = arith.constant 0 : i32
      %dma_wait3A_1204 = arith.constant 0 : i32
      %dma_wait3A_1205 = tpu.memref_slice %arg6[%dma_wait3A_1203, %dma_wait3A_1204] : memref<256x32xf32, #tpu.memory_space<vmem>> -> memref<1x32xf32, #tpu.memory_space<vmem>>
      %dma_wait3A_1206 = arith.constant 0 : i32
      %dma_wait3A_1207 = arith.constant 0 : i32
      %dma_wait3A_1208 = tpu.memref_slice %arg3[%dma_wait3A_1206, %dma_wait3A_1207] : memref<100000x32xf32, #tpu.memory_space<hbm>> -> memref<1x32xf32, #tpu.memory_space<hbm>>
      tpu.wait_dma2 semaphore(%arg7 : memref<!tpu.dma_semaphore, #tpu.memory_space<semaphore_mem>>) src(%dma_wait3A_1208 : memref<1x32xf32, #tpu.memory_space<hbm>>) dst(%dma_wait3A_1205 : memref<1x32xf32, #tpu.memory_space<vmem>>)
    }
    %scan3A_197 = arith.constant 15 : i32
    %dma_wait3A = arith.constant 0 : i32
    %dma_wait3A_198 = arith.constant 0 : i32
    %dma_wait3A_199 = tpu.memref_slice %arg6[%dma_wait3A, %dma_wait3A_198] : memref<256x32xf32, #tpu.memory_space<vmem>> -> memref<1x32xf32, #tpu.memory_space<vmem>>
    %dma_wait3A_200 = arith.constant 0 : i32
    %dma_wait3A_201 = arith.constant 0 : i32
    %dma_wait3A_202 = tpu.memref_slice %arg3[%dma_wait3A_200, %dma_wait3A_201] : memref<100000x32xf32, #tpu.memory_space<hbm>> -> memref<1x32xf32, #tpu.memory_space<hbm>>
    %dma_wait3A_203 = arith.constant 0 : i32
    %dma_wait3A_204 = arith.constant 0 : i32
    %dma_wait3A_205 = tpu.memref_slice %arg6[%dma_wait3A_203, %dma_wait3A_204] : memref<256x32xf32, #tpu.memory_space<vmem>> -> memref<1x32xf32, #tpu.memory_space<vmem>>
    %dma_wait3A_206 = arith.constant 0 : i32
    %dma_wait3A_207 = arith.constant 0 : i32
    %dma_wait3A_208 = tpu.memref_slice %arg3[%dma_wait3A_206, %dma_wait3A_207] : memref<100000x32xf32, #tpu.memory_space<hbm>> -> memref<1x32xf32, #tpu.memory_space<hbm>>
    tpu.wait_dma2 semaphore(%arg7 : memref<!tpu.dma_semaphore, #tpu.memory_space<semaphore_mem>>) src(%dma_wait3A_208 : memref<1x32xf32, #tpu.memory_space<hbm>>) dst(%dma_wait3A_205 : memref<1x32xf32, #tpu.memory_space<vmem>>)
    %dma_wait3A_209 = arith.constant 0 : i32
    %dma_wait3A_210 = arith.constant 0 : i32
    %dma_wait3A_211 = tpu.memref_slice %arg6[%dma_wait3A_209, %dma_wait3A_210] : memref<256x32xf32, #tpu.memory_space<vmem>> -> memref<1x32xf32, #tpu.memory_space<vmem>>
    %dma_wait3A_212 = arith.constant 0 : i32
    %dma_wait3A_213 = arith.constant 0 : i32
    %dma_wait3A_214 = tpu.memref_slice %arg3[%dma_wait3A_212, %dma_wait3A_213] : memref<100000x32xf32, #tpu.memory_space<hbm>> -> memref<1x32xf32, #tpu.memory_space<hbm>>
    %dma_wait3A_215 = arith.constant 0 : i32
    %dma_wait3A_216 = arith.constant 0 : i32
    %dma_wait3A_217 = tpu.memref_slice %arg6[%dma_wait3A_215, %dma_wait3A_216] : memref<256x32xf32, #tpu.memory_space<vmem>> -> memref<1x32xf32, #tpu.memory_space<vmem>>
    %dma_wait3A_218 = arith.constant 0 : i32
    %dma_wait3A_219 = arith.constant 0 : i32
    %dma_wait3A_220 = tpu.memref_slice %arg3[%dma_wait3A_218, %dma_wait3A_219] : memref<100000x32xf32, #tpu.memory_space<hbm>> -> memref<1x32xf32, #tpu.memory_space<hbm>>
    tpu.wait_dma2 semaphore(%arg7 : memref<!tpu.dma_semaphore, #tpu.memory_space<semaphore_mem>>) src(%dma_wait3A_220 : memref<1x32xf32, #tpu.memory_space<hbm>>) dst(%dma_wait3A_217 : memref<1x32xf32, #tpu.memory_space<vmem>>)
    %dma_wait3A_221 = arith.constant 0 : i32
    %dma_wait3A_222 = arith.constant 0 : i32
    %dma_wait3A_223 = tpu.memref_slice %arg6[%dma_wait3A_221, %dma_wait3A_222] : memref<256x32xf32, #tpu.memory_space<vmem>> -> memref<1x32xf32, #tpu.memory_space<vmem>>
    %dma_wait3A_224 = arith.constant 0 : i32
    %dma_wait3A_225 = arith.constant 0 : i32
    %dma_wait3A_226 = tpu.memref_slice %arg3[%dma_wait3A_224, %dma_wait3A_225] : memref<100000x32xf32, #tpu.memory_space<hbm>> -> memref<1x32xf32, #tpu.memory_space<hbm>>
    %dma_wait3A_227 = arith.constant 0 : i32
    %dma_wait3A_228 = arith.constant 0 : i32
    %dma_wait3A_229 = tpu.memref_slice %arg6[%dma_wait3A_227, %dma_wait3A_228] : memref<256x32xf32, #tpu.memory_space<vmem>> -> memref<1x32xf32, #tpu.memory_space<vmem>>
    %dma_wait3A_230 = arith.constant 0 : i32
    %dma_wait3A_231 = arith.constant 0 : i32
    %dma_wait3A_232 = tpu.memref_slice %arg3[%dma_wait3A_230, %dma_wait3A_231] : memref<100000x32xf32, #tpu.memory_space<hbm>> -> memref<1x32xf32, #tpu.memory_space<hbm>>
    tpu.wait_dma2 semaphore(%arg7 : memref<!tpu.dma_semaphore, #tpu.memory_space<semaphore_mem>>) src(%dma_wait3A_232 : memref<1x32xf32, #tpu.memory_space<hbm>>) dst(%dma_wait3A_229 : memref<1x32xf32, #tpu.memory_space<vmem>>)
    %dma_wait3A_233 = arith.constant 0 : i32
    %dma_wait3A_234 = arith.constant 0 : i32
    %dma_wait3A_235 = tpu.memref_slice %arg6[%dma_wait3A_233, %dma_wait3A_234] : memref<256x32xf32, #tpu.memory_space<vmem>> -> memref<1x32xf32, #tpu.memory_space<vmem>>
    %dma_wait3A_236 = arith.constant 0 : i32
    %dma_wait3A_237 = arith.constant 0 : i32
    %dma_wait3A_238 = tpu.memref_slice %arg3[%dma_wait3A_236, %dma_wait3A_237] : memref<100000x32xf32, #tpu.memory_space<hbm>> -> memref<1x32xf32, #tpu.memory_space<hbm>>
    %dma_wait3A_239 = arith.constant 0 : i32
    %dma_wait3A_240 = arith.constant 0 : i32
    %dma_wait3A_241 = tpu.memref_slice %arg6[%dma_wait3A_239, %dma_wait3A_240] : memref<256x32xf32, #tpu.memory_space<vmem>> -> memref<1x32xf32, #tpu.memory_space<vmem>>
    %dma_wait3A_242 = arith.constant 0 : i32
    %dma_wait3A_243 = arith.constant 0 : i32
    %dma_wait3A_244 = tpu.memref_slice %arg3[%dma_wait3A_242, %dma_wait3A_243] : memref<100000x32xf32, #tpu.memory_space<hbm>> -> memref<1x32xf32, #tpu.memory_space<hbm>>
    tpu.wait_dma2 semaphore(%arg7 : memref<!tpu.dma_semaphore, #tpu.memory_space<semaphore_mem>>) src(%dma_wait3A_244 : memref<1x32xf32, #tpu.memory_space<hbm>>) dst(%dma_wait3A_241 : memref<1x32xf32, #tpu.memory_space<vmem>>)
    %dma_wait3A_245 = arith.constant 0 : i32
    %dma_wait3A_246 = arith.constant 0 : i32
    %dma_wait3A_247 = tpu.memref_slice %arg6[%dma_wait3A_245, %dma_wait3A_246] : memref<256x32xf32, #tpu.memory_space<vmem>> -> memref<1x32xf32, #tpu.memory_space<vmem>>
    %dma_wait3A_248 = arith.constant 0 : i32
    %dma_wait3A_249 = arith.constant 0 : i32
    %dma_wait3A_250 = tpu.memref_slice %arg3[%dma_wait3A_248, %dma_wait3A_249] : memref<100000x32xf32, #tpu.memory_space<hbm>> -> memref<1x32xf32, #tpu.memory_space<hbm>>
    %dma_wait3A_251 = arith.constant 0 : i32
    %dma_wait3A_252 = arith.constant 0 : i32
    %dma_wait3A_253 = tpu.memref_slice %arg6[%dma_wait3A_251, %dma_wait3A_252] : memref<256x32xf32, #tpu.memory_space<vmem>> -> memref<1x32xf32, #tpu.memory_space<vmem>>
    %dma_wait3A_254 = arith.constant 0 : i32
    %dma_wait3A_255 = arith.constant 0 : i32
    %dma_wait3A_256 = tpu.memref_slice %arg3[%dma_wait3A_254, %dma_wait3A_255] : memref<100000x32xf32, #tpu.memory_space<hbm>> -> memref<1x32xf32, #tpu.memory_space<hbm>>
    tpu.wait_dma2 semaphore(%arg7 : memref<!tpu.dma_semaphore, #tpu.memory_space<semaphore_mem>>) src(%dma_wait3A_256 : memref<1x32xf32, #tpu.memory_space<hbm>>) dst(%dma_wait3A_253 : memref<1x32xf32, #tpu.memory_space<vmem>>)
    %dma_wait3A_257 = arith.constant 0 : i32
    %dma_wait3A_258 = arith.constant 0 : i32
    %dma_wait3A_259 = tpu.memref_slice %arg6[%dma_wait3A_257, %dma_wait3A_258] : memref<256x32xf32, #tpu.memory_space<vmem>> -> memref<1x32xf32, #tpu.memory_space<vmem>>
    %dma_wait3A_260 = arith.constant 0 : i32
    %dma_wait3A_261 = arith.constant 0 : i32
    %dma_wait3A_262 = tpu.memref_slice %arg3[%dma_wait3A_260, %dma_wait3A_261] : memref<100000x32xf32, #tpu.memory_space<hbm>> -> memref<1x32xf32, #tpu.memory_space<hbm>>
    %dma_wait3A_263 = arith.constant 0 : i32
    %dma_wait3A_264 = arith.constant 0 : i32
    %dma_wait3A_265 = tpu.memref_slice %arg6[%dma_wait3A_263, %dma_wait3A_264] : memref<256x32xf32, #tpu.memory_space<vmem>> -> memref<1x32xf32, #tpu.memory_space<vmem>>
    %dma_wait3A_266 = arith.constant 0 : i32
    %dma_wait3A_267 = arith.constant 0 : i32
    %dma_wait3A_268 = tpu.memref_slice %arg3[%dma_wait3A_266, %dma_wait3A_267] : memref<100000x32xf32, #tpu.memory_space<hbm>> -> memref<1x32xf32, #tpu.memory_space<hbm>>
    tpu.wait_dma2 semaphore(%arg7 : memref<!tpu.dma_semaphore, #tpu.memory_space<semaphore_mem>>) src(%dma_wait3A_268 : memref<1x32xf32, #tpu.memory_space<hbm>>) dst(%dma_wait3A_265 : memref<1x32xf32, #tpu.memory_space<vmem>>)
    %dma_wait3A_269 = arith.constant 0 : i32
    %dma_wait3A_270 = arith.constant 0 : i32
    %dma_wait3A_271 = tpu.memref_slice %arg6[%dma_wait3A_269, %dma_wait3A_270] : memref<256x32xf32, #tpu.memory_space<vmem>> -> memref<1x32xf32, #tpu.memory_space<vmem>>
    %dma_wait3A_272 = arith.constant 0 : i32
    %dma_wait3A_273 = arith.constant 0 : i32
    %dma_wait3A_274 = tpu.memref_slice %arg3[%dma_wait3A_272, %dma_wait3A_273] : memref<100000x32xf32, #tpu.memory_space<hbm>> -> memref<1x32xf32, #tpu.memory_space<hbm>>
    %dma_wait3A_275 = arith.constant 0 : i32
    %dma_wait3A_276 = arith.constant 0 : i32
    %dma_wait3A_277 = tpu.memref_slice %arg6[%dma_wait3A_275, %dma_wait3A_276] : memref<256x32xf32, #tpu.memory_space<vmem>> -> memref<1x32xf32, #tpu.memory_space<vmem>>
    %dma_wait3A_278 = arith.constant 0 : i32
    %dma_wait3A_279 = arith.constant 0 : i32
    %dma_wait3A_280 = tpu.memref_slice %arg3[%dma_wait3A_278, %dma_wait3A_279] : memref<100000x32xf32, #tpu.memory_space<hbm>> -> memref<1x32xf32, #tpu.memory_space<hbm>>
    tpu.wait_dma2 semaphore(%arg7 : memref<!tpu.dma_semaphore, #tpu.memory_space<semaphore_mem>>) src(%dma_wait3A_280 : memref<1x32xf32, #tpu.memory_space<hbm>>) dst(%dma_wait3A_277 : memref<1x32xf32, #tpu.memory_space<vmem>>)
    %dma_wait3A_281 = arith.constant 0 : i32
    %dma_wait3A_282 = arith.constant 0 : i32
    %dma_wait3A_283 = tpu.memref_slice %arg6[%dma_wait3A_281, %dma_wait3A_282] : memref<256x32xf32, #tpu.memory_space<vmem>> -> memref<1x32xf32, #tpu.memory_space<vmem>>
    %dma_wait3A_284 = arith.constant 0 : i32
    %dma_wait3A_285 = arith.constant 0 : i32
    %dma_wait3A_286 = tpu.memref_slice %arg3[%dma_wait3A_284, %dma_wait3A_285] : memref<100000x32xf32, #tpu.memory_space<hbm>> -> memref<1x32xf32, #tpu.memory_space<hbm>>
    %dma_wait3A_287 = arith.constant 0 : i32
    %dma_wait3A_288 = arith.constant 0 : i32
    %dma_wait3A_289 = tpu.memref_slice %arg6[%dma_wait3A_287, %dma_wait3A_288] : memref<256x32xf32, #tpu.memory_space<vmem>> -> memref<1x32xf32, #tpu.memory_space<vmem>>
    %dma_wait3A_290 = arith.constant 0 : i32
    %dma_wait3A_291 = arith.constant 0 : i32
    %dma_wait3A_292 = tpu.memref_slice %arg3[%dma_wait3A_290, %dma_wait3A_291] : memref<100000x32xf32, #tpu.memory_space<hbm>> -> memref<1x32xf32, #tpu.memory_space<hbm>>
    tpu.wait_dma2 semaphore(%arg7 : memref<!tpu.dma_semaphore, #tpu.memory_space<semaphore_mem>>) src(%dma_wait3A_292 : memref<1x32xf32, #tpu.memory_space<hbm>>) dst(%dma_wait3A_289 : memref<1x32xf32, #tpu.memory_space<vmem>>)
    %dma_wait3A_293 = arith.constant 0 : i32
    %dma_wait3A_294 = arith.constant 0 : i32
    %dma_wait3A_295 = tpu.memref_slice %arg6[%dma_wait3A_293, %dma_wait3A_294] : memref<256x32xf32, #tpu.memory_space<vmem>> -> memref<1x32xf32, #tpu.memory_space<vmem>>
    %dma_wait3A_296 = arith.constant 0 : i32
    %dma_wait3A_297 = arith.constant 0 : i32
    %dma_wait3A_298 = tpu.memref_slice %arg3[%dma_wait3A_296, %dma_wait3A_297] : memref<100000x32xf32, #tpu.memory_space<hbm>> -> memref<1x32xf32, #tpu.memory_space<hbm>>
    %dma_wait3A_299 = arith.constant 0 : i32
    %dma_wait3A_300 = arith.constant 0 : i32
    %dma_wait3A_301 = tpu.memref_slice %arg6[%dma_wait3A_299, %dma_wait3A_300] : memref<256x32xf32, #tpu.memory_space<vmem>> -> memref<1x32xf32, #tpu.memory_space<vmem>>
    %dma_wait3A_302 = arith.constant 0 : i32
    %dma_wait3A_303 = arith.constant 0 : i32
    %dma_wait3A_304 = tpu.memref_slice %arg3[%dma_wait3A_302, %dma_wait3A_303] : memref<100000x32xf32, #tpu.memory_space<hbm>> -> memref<1x32xf32, #tpu.memory_space<hbm>>
    tpu.wait_dma2 semaphore(%arg7 : memref<!tpu.dma_semaphore, #tpu.memory_space<semaphore_mem>>) src(%dma_wait3A_304 : memref<1x32xf32, #tpu.memory_space<hbm>>) dst(%dma_wait3A_301 : memref<1x32xf32, #tpu.memory_space<vmem>>)
    %dma_wait3A_305 = arith.constant 0 : i32
    %dma_wait3A_306 = arith.constant 0 : i32
    %dma_wait3A_307 = tpu.memref_slice %arg6[%dma_wait3A_305, %dma_wait3A_306] : memref<256x32xf32, #tpu.memory_space<vmem>> -> memref<1x32xf32, #tpu.memory_space<vmem>>
    %dma_wait3A_308 = arith.constant 0 : i32
    %dma_wait3A_309 = arith.constant 0 : i32
    %dma_wait3A_310 = tpu.memref_slice %arg3[%dma_wait3A_308, %dma_wait3A_309] : memref<100000x32xf32, #tpu.memory_space<hbm>> -> memref<1x32xf32, #tpu.memory_space<hbm>>
    %dma_wait3A_311 = arith.constant 0 : i32
    %dma_wait3A_312 = arith.constant 0 : i32
    %dma_wait3A_313 = tpu.memref_slice %arg6[%dma_wait3A_311, %dma_wait3A_312] : memref<256x32xf32, #tpu.memory_space<vmem>> -> memref<1x32xf32, #tpu.memory_space<vmem>>
    %dma_wait3A_314 = arith.constant 0 : i32
    %dma_wait3A_315 = arith.constant 0 : i32
    %dma_wait3A_316 = tpu.memref_slice %arg3[%dma_wait3A_314, %dma_wait3A_315] : memref<100000x32xf32, #tpu.memory_space<hbm>> -> memref<1x32xf32, #tpu.memory_space<hbm>>
    tpu.wait_dma2 semaphore(%arg7 : memref<!tpu.dma_semaphore, #tpu.memory_space<semaphore_mem>>) src(%dma_wait3A_316 : memref<1x32xf32, #tpu.memory_space<hbm>>) dst(%dma_wait3A_313 : memref<1x32xf32, #tpu.memory_space<vmem>>)
    %dma_wait3A_317 = arith.constant 0 : i32
    %dma_wait3A_318 = arith.constant 0 : i32
    %dma_wait3A_319 = tpu.memref_slice %arg6[%dma_wait3A_317, %dma_wait3A_318] : memref<256x32xf32, #tpu.memory_space<vmem>> -> memref<1x32xf32, #tpu.memory_space<vmem>>
    %dma_wait3A_320 = arith.constant 0 : i32
    %dma_wait3A_321 = arith.constant 0 : i32
    %dma_wait3A_322 = tpu.memref_slice %arg3[%dma_wait3A_320, %dma_wait3A_321] : memref<100000x32xf32, #tpu.memory_space<hbm>> -> memref<1x32xf32, #tpu.memory_space<hbm>>
    %dma_wait3A_323 = arith.constant 0 : i32
    %dma_wait3A_324 = arith.constant 0 : i32
    %dma_wait3A_325 = tpu.memref_slice %arg6[%dma_wait3A_323, %dma_wait3A_324] : memref<256x32xf32, #tpu.memory_space<vmem>> -> memref<1x32xf32, #tpu.memory_space<vmem>>
    %dma_wait3A_326 = arith.constant 0 : i32
    %dma_wait3A_327 = arith.constant 0 : i32
    %dma_wait3A_328 = tpu.memref_slice %arg3[%dma_wait3A_326, %dma_wait3A_327] : memref<100000x32xf32, #tpu.memory_space<hbm>> -> memref<1x32xf32, #tpu.memory_space<hbm>>
    tpu.wait_dma2 semaphore(%arg7 : memref<!tpu.dma_semaphore, #tpu.memory_space<semaphore_mem>>) src(%dma_wait3A_328 : memref<1x32xf32, #tpu.memory_space<hbm>>) dst(%dma_wait3A_325 : memref<1x32xf32, #tpu.memory_space<vmem>>)
    %dma_wait3A_329 = arith.constant 0 : i32
    %dma_wait3A_330 = arith.constant 0 : i32
    %dma_wait3A_331 = tpu.memref_slice %arg6[%dma_wait3A_329, %dma_wait3A_330] : memref<256x32xf32, #tpu.memory_space<vmem>> -> memref<1x32xf32, #tpu.memory_space<vmem>>
    %dma_wait3A_332 = arith.constant 0 : i32
    %dma_wait3A_333 = arith.constant 0 : i32
    %dma_wait3A_334 = tpu.memref_slice %arg3[%dma_wait3A_332, %dma_wait3A_333] : memref<100000x32xf32, #tpu.memory_space<hbm>> -> memref<1x32xf32, #tpu.memory_space<hbm>>
    %dma_wait3A_335 = arith.constant 0 : i32
    %dma_wait3A_336 = arith.constant 0 : i32
    %dma_wait3A_337 = tpu.memref_slice %arg6[%dma_wait3A_335, %dma_wait3A_336] : memref<256x32xf32, #tpu.memory_space<vmem>> -> memref<1x32xf32, #tpu.memory_space<vmem>>
    %dma_wait3A_338 = arith.constant 0 : i32
    %dma_wait3A_339 = arith.constant 0 : i32
    %dma_wait3A_340 = tpu.memref_slice %arg3[%dma_wait3A_338, %dma_wait3A_339] : memref<100000x32xf32, #tpu.memory_space<hbm>> -> memref<1x32xf32, #tpu.memory_space<hbm>>
    tpu.wait_dma2 semaphore(%arg7 : memref<!tpu.dma_semaphore, #tpu.memory_space<semaphore_mem>>) src(%dma_wait3A_340 : memref<1x32xf32, #tpu.memory_space<hbm>>) dst(%dma_wait3A_337 : memref<1x32xf32, #tpu.memory_space<vmem>>)
    %dma_wait3A_341 = arith.constant 0 : i32
    %dma_wait3A_342 = arith.constant 0 : i32
    %dma_wait3A_343 = tpu.memref_slice %arg6[%dma_wait3A_341, %dma_wait3A_342] : memref<256x32xf32, #tpu.memory_space<vmem>> -> memref<1x32xf32, #tpu.memory_space<vmem>>
    %dma_wait3A_344 = arith.constant 0 : i32
    %dma_wait3A_345 = arith.constant 0 : i32
    %dma_wait3A_346 = tpu.memref_slice %arg3[%dma_wait3A_344, %dma_wait3A_345] : memref<100000x32xf32, #tpu.memory_space<hbm>> -> memref<1x32xf32, #tpu.memory_space<hbm>>
    %dma_wait3A_347 = arith.constant 0 : i32
    %dma_wait3A_348 = arith.constant 0 : i32
    %dma_wait3A_349 = tpu.memref_slice %arg6[%dma_wait3A_347, %dma_wait3A_348] : memref<256x32xf32, #tpu.memory_space<vmem>> -> memref<1x32xf32, #tpu.memory_space<vmem>>
    %dma_wait3A_350 = arith.constant 0 : i32
    %dma_wait3A_351 = arith.constant 0 : i32
    %dma_wait3A_352 = tpu.memref_slice %arg3[%dma_wait3A_350, %dma_wait3A_351] : memref<100000x32xf32, #tpu.memory_space<hbm>> -> memref<1x32xf32, #tpu.memory_space<hbm>>
    tpu.wait_dma2 semaphore(%arg7 : memref<!tpu.dma_semaphore, #tpu.memory_space<semaphore_mem>>) src(%dma_wait3A_352 : memref<1x32xf32, #tpu.memory_space<hbm>>) dst(%dma_wait3A_349 : memref<1x32xf32, #tpu.memory_space<vmem>>)
    %dma_wait3A_353 = arith.constant 0 : i32
    %dma_wait3A_354 = arith.constant 0 : i32
    %dma_wait3A_355 = tpu.memref_slice %arg6[%dma_wait3A_353, %dma_wait3A_354] : memref<256x32xf32, #tpu.memory_space<vmem>> -> memref<1x32xf32, #tpu.memory_space<vmem>>
    %dma_wait3A_356 = arith.constant 0 : i32
    %dma_wait3A_357 = arith.constant 0 : i32
    %dma_wait3A_358 = tpu.memref_slice %arg3[%dma_wait3A_356, %dma_wait3A_357] : memref<100000x32xf32, #tpu.memory_space<hbm>> -> memref<1x32xf32, #tpu.memory_space<hbm>>
    %dma_wait3A_359 = arith.constant 0 : i32
    %dma_wait3A_360 = arith.constant 0 : i32
    %dma_wait3A_361 = tpu.memref_slice %arg6[%dma_wait3A_359, %dma_wait3A_360] : memref<256x32xf32, #tpu.memory_space<vmem>> -> memref<1x32xf32, #tpu.memory_space<vmem>>
    %dma_wait3A_362 = arith.constant 0 : i32
    %dma_wait3A_363 = arith.constant 0 : i32
    %dma_wait3A_364 = tpu.memref_slice %arg3[%dma_wait3A_362, %dma_wait3A_363] : memref<100000x32xf32, #tpu.memory_space<hbm>> -> memref<1x32xf32, #tpu.memory_space<hbm>>
    tpu.wait_dma2 semaphore(%arg7 : memref<!tpu.dma_semaphore, #tpu.memory_space<semaphore_mem>>) src(%dma_wait3A_364 : memref<1x32xf32, #tpu.memory_space<hbm>>) dst(%dma_wait3A_361 : memref<1x32xf32, #tpu.memory_space<vmem>>)
    %dma_wait3A_365 = arith.constant 0 : i32
    %dma_wait3A_366 = arith.constant 0 : i32
    %dma_wait3A_367 = tpu.memref_slice %arg6[%dma_wait3A_365, %dma_wait3A_366] : memref<256x32xf32, #tpu.memory_space<vmem>> -> memref<1x32xf32, #tpu.memory_space<vmem>>
    %dma_wait3A_368 = arith.constant 0 : i32
    %dma_wait3A_369 = arith.constant 0 : i32
    %dma_wait3A_370 = tpu.memref_slice %arg3[%dma_wait3A_368, %dma_wait3A_369] : memref<100000x32xf32, #tpu.memory_space<hbm>> -> memref<1x32xf32, #tpu.memory_space<hbm>>
    %dma_wait3A_371 = arith.constant 0 : i32
    %dma_wait3A_372 = arith.constant 0 : i32
    %dma_wait3A_373 = tpu.memref_slice %arg6[%dma_wait3A_371, %dma_wait3A_372] : memref<256x32xf32, #tpu.memory_space<vmem>> -> memref<1x32xf32, #tpu.memory_space<vmem>>
    %dma_wait3A_374 = arith.constant 0 : i32
    %dma_wait3A_375 = arith.constant 0 : i32
    %dma_wait3A_376 = tpu.memref_slice %arg3[%dma_wait3A_374, %dma_wait3A_375] : memref<100000x32xf32, #tpu.memory_space<hbm>> -> memref<1x32xf32, #tpu.memory_space<hbm>>
    tpu.wait_dma2 semaphore(%arg7 : memref<!tpu.dma_semaphore, #tpu.memory_space<semaphore_mem>>) src(%dma_wait3A_376 : memref<1x32xf32, #tpu.memory_space<hbm>>) dst(%dma_wait3A_373 : memref<1x32xf32, #tpu.memory_space<vmem>>)
    %dma_wait3A_377 = arith.constant 0 : i32
    %dma_wait3A_378 = arith.constant 0 : i32
    %dma_wait3A_379 = tpu.memref_slice %arg6[%dma_wait3A_377, %dma_wait3A_378] : memref<256x32xf32, #tpu.memory_space<vmem>> -> memref<1x32xf32, #tpu.memory_space<vmem>>
    %dma_wait3A_380 = arith.constant 0 : i32
    %dma_wait3A_381 = arith.constant 0 : i32
    %dma_wait3A_382 = tpu.memref_slice %arg3[%dma_wait3A_380, %dma_wait3A_381] : memref<100000x32xf32, #tpu.memory_space<hbm>> -> memref<1x32xf32, #tpu.memory_space<hbm>>
    %dma_wait3A_383 = arith.constant 0 : i32
    %dma_wait3A_384 = arith.constant 0 : i32
    %dma_wait3A_385 = tpu.memref_slice %arg6[%dma_wait3A_383, %dma_wait3A_384] : memref<256x32xf32, #tpu.memory_space<vmem>> -> memref<1x32xf32, #tpu.memory_space<vmem>>
    %dma_wait3A_386 = arith.constant 0 : i32
    %dma_wait3A_387 = arith.constant 0 : i32
    %dma_wait3A_388 = tpu.memref_slice %arg3[%dma_wait3A_386, %dma_wait3A_387] : memref<100000x32xf32, #tpu.memory_space<hbm>> -> memref<1x32xf32, #tpu.memory_space<hbm>>
    tpu.wait_dma2 semaphore(%arg7 : memref<!tpu.dma_semaphore, #tpu.memory_space<semaphore_mem>>) src(%dma_wait3A_388 : memref<1x32xf32, #tpu.memory_space<hbm>>) dst(%dma_wait3A_385 : memref<1x32xf32, #tpu.memory_space<vmem>>)
    %add3A_389 = arith.constant 0 : i32
    %add3A_390 = arith.addi %mul3A_2, %add3A_389 : i32
    "tpu.region"() ({
      %run_scoped3A = tpu.sem_alloc : memref<!tpu.dma_semaphore, #tpu.memory_space<semaphore_mem>>
      %dma_start3A_785 = arith.constant 0 : i32
      %dma_start3A_786 = tpu.memref_slice %arg4[%add3A_390, %dma_start3A_785] : memref<16384x32xf32, #tpu.memory_space<hbm>> -> memref<256x32xf32, #tpu.memory_space<hbm>>
      %dma_start3A_787 = arith.constant 0 : i32
      %dma_start3A_788 = tpu.memref_slice %arg4[%add3A_390, %dma_start3A_787] : memref<16384x32xf32, #tpu.memory_space<hbm>> -> memref<256x32xf32, #tpu.memory_space<hbm>>
      tpu.enqueue_dma source(%arg6 : memref<256x32xf32, #tpu.memory_space<vmem>>) target(%dma_start3A_788 : memref<256x32xf32, #tpu.memory_space<hbm>>) target_semaphore(%run_scoped3A : memref<!tpu.dma_semaphore, #tpu.memory_space<semaphore_mem>>)
      %dma_wait3A_789 = arith.constant 0 : i32
      %dma_wait3A_790 = tpu.memref_slice %arg4[%add3A_390, %dma_wait3A_789] : memref<16384x32xf32, #tpu.memory_space<hbm>> -> memref<256x32xf32, #tpu.memory_space<hbm>>
      %dma_wait3A_791 = arith.constant 0 : i32
      %dma_wait3A_792 = tpu.memref_slice %arg4[%add3A_390, %dma_wait3A_791] : memref<16384x32xf32, #tpu.memory_space<hbm>> -> memref<256x32xf32, #tpu.memory_space<hbm>>
      tpu.wait_dma2 semaphore(%run_scoped3A : memref<!tpu.dma_semaphore, #tpu.memory_space<semaphore_mem>>) src(%arg6 : memref<256x32xf32, #tpu.memory_space<vmem>>) dst(%dma_wait3A_792 : memref<256x32xf32, #tpu.memory_space<hbm>>)
      tpu.yield
    }) : () -> ()
    %get3A_391 = arith.constant 256 : index
    %get3A_392 = tpu.vector_load %arg5[%get3A_391] {strides = array<i32>} : memref<512xi32, #tpu.memory_space<vmem>>, vector<16xi32>,
    %get3A_393 = vector.shape_cast %get3A_392 : vector<16xi32> to vector<16xi32>
    %slice3A_394 = vector.extract_strided_slice %get3A_393 {offsets = [0], sizes = [1], strides = [1]} : vector<16xi32> to vector<1xi32>
    %squeeze3A_395 = vector.extract %slice3A_394[0] : i32 from vector<1xi32>
    %dma_start3A_396 = arith.constant 0 : i32
    %dma_start3A_397 = arith.constant 0 : i32
    %dma_start3A_398 = tpu.memref_slice %arg6[%dma_start3A_396, %dma_start3A_397] : memref<256x32xf32, #tpu.memory_space<vmem>> -> memref<1x32xf32, #tpu.memory_space<vmem>>
    %dma_start3A_399 = arith.constant 0 : i32
    %dma_start3A_400 = tpu.memref_slice %arg3[%squeeze3A_395, %dma_start3A_399] : memref<100000x32xf32, #tpu.memory_space<hbm>> -> memref<1x32xf32, #tpu.memory_space<hbm>>
    %dma_start3A_401 = arith.constant 0 : i32
    %dma_start3A_402 = arith.constant 0 : i32
    %dma_start3A_403 = tpu.memref_slice %arg6[%dma_start3A_401, %dma_start3A_402] : memref<256x32xf32, #tpu.memory_space<vmem>> -> memref<1x32xf32, #tpu.memory_space<vmem>>
    %dma_start3A_404 = arith.constant 0 : i32
    %dma_start3A_405 = tpu.memref_slice %arg3[%squeeze3A_395, %dma_start3A_404] : memref<100000x32xf32, #tpu.memory_space<hbm>> -> memref<1x32xf32, #tpu.memory_space<hbm>>
    tpu.enqueue_dma source(%dma_start3A_405 : memref<1x32xf32, #tpu.memory_space<hbm>>) target(%dma_start3A_403 : memref<1x32xf32, #tpu.memory_space<vmem>>) target_semaphore(%arg7 : memref<!tpu.dma_semaphore, #tpu.memory_space<semaphore_mem>>)
    %slice3A_406 = vector.extract_strided_slice %get3A_393 {offsets = [1], sizes = [1], strides = [1]} : vector<16xi32> to vector<1xi32>
    %squeeze3A_407 = vector.extract %slice3A_406[0] : i32 from vector<1xi32>
    %dma_start3A_408 = arith.constant 1 : i32
    %dma_start3A_409 = arith.constant 0 : i32
    %dma_start3A_410 = tpu.memref_slice %arg6[%dma_start3A_408, %dma_start3A_409] : memref<256x32xf32, #tpu.memory_space<vmem>> -> memref<1x32xf32, #tpu.memory_space<vmem>>
    %dma_start3A_411 = arith.constant 0 : i32
    %dma_start3A_412 = tpu.memref_slice %arg3[%squeeze3A_407, %dma_start3A_411] : memref<100000x32xf32, #tpu.memory_space<hbm>> -> memref<1x32xf32, #tpu.memory_space<hbm>>
    %dma_start3A_413 = arith.constant 1 : i32
    %dma_start3A_414 = arith.constant 0 : i32
    %dma_start3A_415 = tpu.memref_slice %arg6[%dma_start3A_413, %dma_start3A_414] : memref<256x32xf32, #tpu.memory_space<vmem>> -> memref<1x32xf32, #tpu.memory_space<vmem>>
    %dma_start3A_416 = arith.constant 0 : i32
    %dma_start3A_417 = tpu.memref_slice %arg3[%squeeze3A_407, %dma_start3A_416] : memref<100000x32xf32, #tpu.memory_space<hbm>> -> memref<1x32xf32, #tpu.memory_space<hbm>>
    tpu.enqueue_dma source(%dma_start3A_417 : memref<1x32xf32, #tpu.memory_space<hbm>>) target(%dma_start3A_415 : memref<1x32xf32, #tpu.memory_space<vmem>>) target_semaphore(%arg7 : memref<!tpu.dma_semaphore, #tpu.memory_space<semaphore_mem>>)
    %slice3A_418 = vector.extract_strided_slice %get3A_393 {offsets = [2], sizes = [1], strides = [1]} : vector<16xi32> to vector<1xi32>
    %squeeze3A_419 = vector.extract %slice3A_418[0] : i32 from vector<1xi32>
    %dma_start3A_420 = arith.constant 2 : i32
    %dma_start3A_421 = arith.constant 0 : i32
    %dma_start3A_422 = tpu.memref_slice %arg6[%dma_start3A_420, %dma_start3A_421] : memref<256x32xf32, #tpu.memory_space<vmem>> -> memref<1x32xf32, #tpu.memory_space<vmem>>
    %dma_start3A_423 = arith.constant 0 : i32
    %dma_start3A_424 = tpu.memref_slice %arg3[%squeeze3A_419, %dma_start3A_423] : memref<100000x32xf32, #tpu.memory_space<hbm>> -> memref<1x32xf32, #tpu.memory_space<hbm>>
    %dma_start3A_425 = arith.constant 2 : i32
    %dma_start3A_426 = arith.constant 0 : i32
    %dma_start3A_427 = tpu.memref_slice %arg6[%dma_start3A_425, %dma_start3A_426] : memref<256x32xf32, #tpu.memory_space<vmem>> -> memref<1x32xf32, #tpu.memory_space<vmem>>
    %dma_start3A_428 = arith.constant 0 : i32
    %dma_start3A_429 = tpu.memref_slice %arg3[%squeeze3A_419, %dma_start3A_428] : memref<100000x32xf32, #tpu.memory_space<hbm>> -> memref<1x32xf32, #tpu.memory_space<hbm>>
    tpu.enqueue_dma source(%dma_start3A_429 : memref<1x32xf32, #tpu.memory_space<hbm>>) target(%dma_start3A_427 : memref<1x32xf32, #tpu.memory_space<vmem>>) target_semaphore(%arg7 : memref<!tpu.dma_semaphore, #tpu.memory_space<semaphore_mem>>)
    %slice3A_430 = vector.extract_strided_slice %get3A_393 {offsets = [3], sizes = [1], strides = [1]} : vector<16xi32> to vector<1xi32>
    %squeeze3A_431 = vector.extract %slice3A_430[0] : i32 from vector<1xi32>
    %dma_start3A_432 = arith.constant 3 : i32
    %dma_start3A_433 = arith.constant 0 : i32
    %dma_start3A_434 = tpu.memref_slice %arg6[%dma_start3A_432, %dma_start3A_433] : memref<256x32xf32, #tpu.memory_space<vmem>> -> memref<1x32xf32, #tpu.memory_space<vmem>>
    %dma_start3A_435 = arith.constant 0 : i32
    %dma_start3A_436 = tpu.memref_slice %arg3[%squeeze3A_431, %dma_start3A_435] : memref<100000x32xf32, #tpu.memory_space<hbm>> -> memref<1x32xf32, #tpu.memory_space<hbm>>
    %dma_start3A_437 = arith.constant 3 : i32
    %dma_start3A_438 = arith.constant 0 : i32
    %dma_start3A_439 = tpu.memref_slice %arg6[%dma_start3A_437, %dma_start3A_438] : memref<256x32xf32, #tpu.memory_space<vmem>> -> memref<1x32xf32, #tpu.memory_space<vmem>>
    %dma_start3A_440 = arith.constant 0 : i32
    %dma_start3A_441 = tpu.memref_slice %arg3[%squeeze3A_431, %dma_start3A_440] : memref<100000x32xf32, #tpu.memory_space<hbm>> -> memref<1x32xf32, #tpu.memory_space<hbm>>
    tpu.enqueue_dma source(%dma_start3A_441 : memref<1x32xf32, #tpu.memory_space<hbm>>) target(%dma_start3A_439 : memref<1x32xf32, #tpu.memory_space<vmem>>) target_semaphore(%arg7 : memref<!tpu.dma_semaphore, #tpu.memory_space<semaphore_mem>>)
    %slice3A_442 = vector.extract_strided_slice %get3A_393 {offsets = [4], sizes = [1], strides = [1]} : vector<16xi32> to vector<1xi32>
    %squeeze3A_443 = vector.extract %slice3A_442[0] : i32 from vector<1xi32>
    %dma_start3A_444 = arith.constant 4 : i32
    %dma_start3A_445 = arith.constant 0 : i32
    %dma_start3A_446 = tpu.memref_slice %arg6[%dma_start3A_444, %dma_start3A_445] : memref<256x32xf32, #tpu.memory_space<vmem>> -> memref<1x32xf32, #tpu.memory_space<vmem>>
    %dma_start3A_447 = arith.constant 0 : i32
    %dma_start3A_448 = tpu.memref_slice %arg3[%squeeze3A_443, %dma_start3A_447] : memref<100000x32xf32, #tpu.memory_space<hbm>> -> memref<1x32xf32, #tpu.memory_space<hbm>>
    %dma_start3A_449 = arith.constant 4 : i32
    %dma_start3A_450 = arith.constant 0 : i32
    %dma_start3A_451 = tpu.memref_slice %arg6[%dma_start3A_449, %dma_start3A_450] : memref<256x32xf32, #tpu.memory_space<vmem>> -> memref<1x32xf32, #tpu.memory_space<vmem>>
    %dma_start3A_452 = arith.constant 0 : i32
    %dma_start3A_453 = tpu.memref_slice %arg3[%squeeze3A_443, %dma_start3A_452] : memref<100000x32xf32, #tpu.memory_space<hbm>> -> memref<1x32xf32, #tpu.memory_space<hbm>>
    tpu.enqueue_dma source(%dma_start3A_453 : memref<1x32xf32, #tpu.memory_space<hbm>>) target(%dma_start3A_451 : memref<1x32xf32, #tpu.memory_space<vmem>>) target_semaphore(%arg7 : memref<!tpu.dma_semaphore, #tpu.memory_space<semaphore_mem>>)
    %slice3A_454 = vector.extract_strided_slice %get3A_393 {offsets = [5], sizes = [1], strides = [1]} : vector<16xi32> to vector<1xi32>
    %squeeze3A_455 = vector.extract %slice3A_454[0] : i32 from vector<1xi32>
    %dma_start3A_456 = arith.constant 5 : i32
    %dma_start3A_457 = arith.constant 0 : i32
    %dma_start3A_458 = tpu.memref_slice %arg6[%dma_start3A_456, %dma_start3A_457] : memref<256x32xf32, #tpu.memory_space<vmem>> -> memref<1x32xf32, #tpu.memory_space<vmem>>
    %dma_start3A_459 = arith.constant 0 : i32
    %dma_start3A_460 = tpu.memref_slice %arg3[%squeeze3A_455, %dma_start3A_459] : memref<100000x32xf32, #tpu.memory_space<hbm>> -> memref<1x32xf32, #tpu.memory_space<hbm>>
    %dma_start3A_461 = arith.constant 5 : i32
    %dma_start3A_462 = arith.constant 0 : i32
    %dma_start3A_463 = tpu.memref_slice %arg6[%dma_start3A_461, %dma_start3A_462] : memref<256x32xf32, #tpu.memory_space<vmem>> -> memref<1x32xf32, #tpu.memory_space<vmem>>
    %dma_start3A_464 = arith.constant 0 : i32
    %dma_start3A_465 = tpu.memref_slice %arg3[%squeeze3A_455, %dma_start3A_464] : memref<100000x32xf32, #tpu.memory_space<hbm>> -> memref<1x32xf32, #tpu.memory_space<hbm>>
    tpu.enqueue_dma source(%dma_start3A_465 : memref<1x32xf32, #tpu.memory_space<hbm>>) target(%dma_start3A_463 : memref<1x32xf32, #tpu.memory_space<vmem>>) target_semaphore(%arg7 : memref<!tpu.dma_semaphore, #tpu.memory_space<semaphore_mem>>)
    %slice3A_466 = vector.extract_strided_slice %get3A_393 {offsets = [6], sizes = [1], strides = [1]} : vector<16xi32> to vector<1xi32>
    %squeeze3A_467 = vector.extract %slice3A_466[0] : i32 from vector<1xi32>
    %dma_start3A_468 = arith.constant 6 : i32
    %dma_start3A_469 = arith.constant 0 : i32
    %dma_start3A_470 = tpu.memref_slice %arg6[%dma_start3A_468, %dma_start3A_469] : memref<256x32xf32, #tpu.memory_space<vmem>> -> memref<1x32xf32, #tpu.memory_space<vmem>>
    %dma_start3A_471 = arith.constant 0 : i32
    %dma_start3A_472 = tpu.memref_slice %arg3[%squeeze3A_467, %dma_start3A_471] : memref<100000x32xf32, #tpu.memory_space<hbm>> -> memref<1x32xf32, #tpu.memory_space<hbm>>
    %dma_start3A_473 = arith.constant 6 : i32
    %dma_start3A_474 = arith.constant 0 : i32
    %dma_start3A_475 = tpu.memref_slice %arg6[%dma_start3A_473, %dma_start3A_474] : memref<256x32xf32, #tpu.memory_space<vmem>> -> memref<1x32xf32, #tpu.memory_space<vmem>>
    %dma_start3A_476 = arith.constant 0 : i32
    %dma_start3A_477 = tpu.memref_slice %arg3[%squeeze3A_467, %dma_start3A_476] : memref<100000x32xf32, #tpu.memory_space<hbm>> -> memref<1x32xf32, #tpu.memory_space<hbm>>
    tpu.enqueue_dma source(%dma_start3A_477 : memref<1x32xf32, #tpu.memory_space<hbm>>) target(%dma_start3A_475 : memref<1x32xf32, #tpu.memory_space<vmem>>) target_semaphore(%arg7 : memref<!tpu.dma_semaphore, #tpu.memory_space<semaphore_mem>>)
    %slice3A_478 = vector.extract_strided_slice %get3A_393 {offsets = [7], sizes = [1], strides = [1]} : vector<16xi32> to vector<1xi32>
    %squeeze3A_479 = vector.extract %slice3A_478[0] : i32 from vector<1xi32>
    %dma_start3A_480 = arith.constant 7 : i32
    %dma_start3A_481 = arith.constant 0 : i32
    %dma_start3A_482 = tpu.memref_slice %arg6[%dma_start3A_480, %dma_start3A_481] : memref<256x32xf32, #tpu.memory_space<vmem>> -> memref<1x32xf32, #tpu.memory_space<vmem>>
    %dma_start3A_483 = arith.constant 0 : i32
    %dma_start3A_484 = tpu.memref_slice %arg3[%squeeze3A_479, %dma_start3A_483] : memref<100000x32xf32, #tpu.memory_space<hbm>> -> memref<1x32xf32, #tpu.memory_space<hbm>>
    %dma_start3A_485 = arith.constant 7 : i32
    %dma_start3A_486 = arith.constant 0 : i32
    %dma_start3A_487 = tpu.memref_slice %arg6[%dma_start3A_485, %dma_start3A_486] : memref<256x32xf32, #tpu.memory_space<vmem>> -> memref<1x32xf32, #tpu.memory_space<vmem>>
    %dma_start3A_488 = arith.constant 0 : i32
    %dma_start3A_489 = tpu.memref_slice %arg3[%squeeze3A_479, %dma_start3A_488] : memref<100000x32xf32, #tpu.memory_space<hbm>> -> memref<1x32xf32, #tpu.memory_space<hbm>>
    tpu.enqueue_dma source(%dma_start3A_489 : memref<1x32xf32, #tpu.memory_space<hbm>>) target(%dma_start3A_487 : memref<1x32xf32, #tpu.memory_space<vmem>>) target_semaphore(%arg7 : memref<!tpu.dma_semaphore, #tpu.memory_space<semaphore_mem>>)
    %slice3A_490 = vector.extract_strided_slice %get3A_393 {offsets = [8], sizes = [1], strides = [1]} : vector<16xi32> to vector<1xi32>
    %squeeze3A_491 = vector.extract %slice3A_490[0] : i32 from vector<1xi32>
    %dma_start3A_492 = arith.constant 8 : i32
    %dma_start3A_493 = arith.constant 0 : i32
    %dma_start3A_494 = tpu.memref_slice %arg6[%dma_start3A_492, %dma_start3A_493] : memref<256x32xf32, #tpu.memory_space<vmem>> -> memref<1x32xf32, #tpu.memory_space<vmem>>
    %dma_start3A_495 = arith.constant 0 : i32
    %dma_start3A_496 = tpu.memref_slice %arg3[%squeeze3A_491, %dma_start3A_495] : memref<100000x32xf32, #tpu.memory_space<hbm>> -> memref<1x32xf32, #tpu.memory_space<hbm>>
    %dma_start3A_497 = arith.constant 8 : i32
    %dma_start3A_498 = arith.constant 0 : i32
    %dma_start3A_499 = tpu.memref_slice %arg6[%dma_start3A_497, %dma_start3A_498] : memref<256x32xf32, #tpu.memory_space<vmem>> -> memref<1x32xf32, #tpu.memory_space<vmem>>
    %dma_start3A_500 = arith.constant 0 : i32
    %dma_start3A_501 = tpu.memref_slice %arg3[%squeeze3A_491, %dma_start3A_500] : memref<100000x32xf32, #tpu.memory_space<hbm>> -> memref<1x32xf32, #tpu.memory_space<hbm>>
    tpu.enqueue_dma source(%dma_start3A_501 : memref<1x32xf32, #tpu.memory_space<hbm>>) target(%dma_start3A_499 : memref<1x32xf32, #tpu.memory_space<vmem>>) target_semaphore(%arg7 : memref<!tpu.dma_semaphore, #tpu.memory_space<semaphore_mem>>)
    %slice3A_502 = vector.extract_strided_slice %get3A_393 {offsets = [9], sizes = [1], strides = [1]} : vector<16xi32> to vector<1xi32>
    %squeeze3A_503 = vector.extract %slice3A_502[0] : i32 from vector<1xi32>
    %dma_start3A_504 = arith.constant 9 : i32
    %dma_start3A_505 = arith.constant 0 : i32
    %dma_start3A_506 = tpu.memref_slice %arg6[%dma_start3A_504, %dma_start3A_505] : memref<256x32xf32, #tpu.memory_space<vmem>> -> memref<1x32xf32, #tpu.memory_space<vmem>>
    %dma_start3A_507 = arith.constant 0 : i32
    %dma_start3A_508 = tpu.memref_slice %arg3[%squeeze3A_503, %dma_start3A_507] : memref<100000x32xf32, #tpu.memory_space<hbm>> -> memref<1x32xf32, #tpu.memory_space<hbm>>
    %dma_start3A_509 = arith.constant 9 : i32
    %dma_start3A_510 = arith.constant 0 : i32
    %dma_start3A_511 = tpu.memref_slice %arg6[%dma_start3A_509, %dma_start3A_510] : memref<256x32xf32, #tpu.memory_space<vmem>> -> memref<1x32xf32, #tpu.memory_space<vmem>>
    %dma_start3A_512 = arith.constant 0 : i32
    %dma_start3A_513 = tpu.memref_slice %arg3[%squeeze3A_503, %dma_start3A_512] : memref<100000x32xf32, #tpu.memory_space<hbm>> -> memref<1x32xf32, #tpu.memory_space<hbm>>
    tpu.enqueue_dma source(%dma_start3A_513 : memref<1x32xf32, #tpu.memory_space<hbm>>) target(%dma_start3A_511 : memref<1x32xf32, #tpu.memory_space<vmem>>) target_semaphore(%arg7 : memref<!tpu.dma_semaphore, #tpu.memory_space<semaphore_mem>>)
    %slice3A_514 = vector.extract_strided_slice %get3A_393 {offsets = [10], sizes = [1], strides = [1]} : vector<16xi32> to vector<1xi32>
    %squeeze3A_515 = vector.extract %slice3A_514[0] : i32 from vector<1xi32>
    %dma_start3A_516 = arith.constant 10 : i32
    %dma_start3A_517 = arith.constant 0 : i32
    %dma_start3A_518 = tpu.memref_slice %arg6[%dma_start3A_516, %dma_start3A_517] : memref<256x32xf32, #tpu.memory_space<vmem>> -> memref<1x32xf32, #tpu.memory_space<vmem>>
    %dma_start3A_519 = arith.constant 0 : i32
    %dma_start3A_520 = tpu.memref_slice %arg3[%squeeze3A_515, %dma_start3A_519] : memref<100000x32xf32, #tpu.memory_space<hbm>> -> memref<1x32xf32, #tpu.memory_space<hbm>>
    %dma_start3A_521 = arith.constant 10 : i32
    %dma_start3A_522 = arith.constant 0 : i32
    %dma_start3A_523 = tpu.memref_slice %arg6[%dma_start3A_521, %dma_start3A_522] : memref<256x32xf32, #tpu.memory_space<vmem>> -> memref<1x32xf32, #tpu.memory_space<vmem>>
    %dma_start3A_524 = arith.constant 0 : i32
    %dma_start3A_525 = tpu.memref_slice %arg3[%squeeze3A_515, %dma_start3A_524] : memref<100000x32xf32, #tpu.memory_space<hbm>> -> memref<1x32xf32, #tpu.memory_space<hbm>>
    tpu.enqueue_dma source(%dma_start3A_525 : memref<1x32xf32, #tpu.memory_space<hbm>>) target(%dma_start3A_523 : memref<1x32xf32, #tpu.memory_space<vmem>>) target_semaphore(%arg7 : memref<!tpu.dma_semaphore, #tpu.memory_space<semaphore_mem>>)
    %slice3A_526 = vector.extract_strided_slice %get3A_393 {offsets = [11], sizes = [1], strides = [1]} : vector<16xi32> to vector<1xi32>
    %squeeze3A_527 = vector.extract %slice3A_526[0] : i32 from vector<1xi32>
    %dma_start3A_528 = arith.constant 11 : i32
    %dma_start3A_529 = arith.constant 0 : i32
    %dma_start3A_530 = tpu.memref_slice %arg6[%dma_start3A_528, %dma_start3A_529] : memref<256x32xf32, #tpu.memory_space<vmem>> -> memref<1x32xf32, #tpu.memory_space<vmem>>
    %dma_start3A_531 = arith.constant 0 : i32
    %dma_start3A_532 = tpu.memref_slice %arg3[%squeeze3A_527, %dma_start3A_531] : memref<100000x32xf32, #tpu.memory_space<hbm>> -> memref<1x32xf32, #tpu.memory_space<hbm>>
    %dma_start3A_533 = arith.constant 11 : i32
    %dma_start3A_534 = arith.constant 0 : i32
    %dma_start3A_535 = tpu.memref_slice %arg6[%dma_start3A_533, %dma_start3A_534] : memref<256x32xf32, #tpu.memory_space<vmem>> -> memref<1x32xf32, #tpu.memory_space<vmem>>
    %dma_start3A_536 = arith.constant 0 : i32
    %dma_start3A_537 = tpu.memref_slice %arg3[%squeeze3A_527, %dma_start3A_536] : memref<100000x32xf32, #tpu.memory_space<hbm>> -> memref<1x32xf32, #tpu.memory_space<hbm>>
    tpu.enqueue_dma source(%dma_start3A_537 : memref<1x32xf32, #tpu.memory_space<hbm>>) target(%dma_start3A_535 : memref<1x32xf32, #tpu.memory_space<vmem>>) target_semaphore(%arg7 : memref<!tpu.dma_semaphore, #tpu.memory_space<semaphore_mem>>)
    %slice3A_538 = vector.extract_strided_slice %get3A_393 {offsets = [12], sizes = [1], strides = [1]} : vector<16xi32> to vector<1xi32>
    %squeeze3A_539 = vector.extract %slice3A_538[0] : i32 from vector<1xi32>
    %dma_start3A_540 = arith.constant 12 : i32
    %dma_start3A_541 = arith.constant 0 : i32
    %dma_start3A_542 = tpu.memref_slice %arg6[%dma_start3A_540, %dma_start3A_541] : memref<256x32xf32, #tpu.memory_space<vmem>> -> memref<1x32xf32, #tpu.memory_space<vmem>>
    %dma_start3A_543 = arith.constant 0 : i32
    %dma_start3A_544 = tpu.memref_slice %arg3[%squeeze3A_539, %dma_start3A_543] : memref<100000x32xf32, #tpu.memory_space<hbm>> -> memref<1x32xf32, #tpu.memory_space<hbm>>
    %dma_start3A_545 = arith.constant 12 : i32
    %dma_start3A_546 = arith.constant 0 : i32
    %dma_start3A_547 = tpu.memref_slice %arg6[%dma_start3A_545, %dma_start3A_546] : memref<256x32xf32, #tpu.memory_space<vmem>> -> memref<1x32xf32, #tpu.memory_space<vmem>>
    %dma_start3A_548 = arith.constant 0 : i32
    %dma_start3A_549 = tpu.memref_slice %arg3[%squeeze3A_539, %dma_start3A_548] : memref<100000x32xf32, #tpu.memory_space<hbm>> -> memref<1x32xf32, #tpu.memory_space<hbm>>
    tpu.enqueue_dma source(%dma_start3A_549 : memref<1x32xf32, #tpu.memory_space<hbm>>) target(%dma_start3A_547 : memref<1x32xf32, #tpu.memory_space<vmem>>) target_semaphore(%arg7 : memref<!tpu.dma_semaphore, #tpu.memory_space<semaphore_mem>>)
    %slice3A_550 = vector.extract_strided_slice %get3A_393 {offsets = [13], sizes = [1], strides = [1]} : vector<16xi32> to vector<1xi32>
    %squeeze3A_551 = vector.extract %slice3A_550[0] : i32 from vector<1xi32>
    %dma_start3A_552 = arith.constant 13 : i32
    %dma_start3A_553 = arith.constant 0 : i32
    %dma_start3A_554 = tpu.memref_slice %arg6[%dma_start3A_552, %dma_start3A_553] : memref<256x32xf32, #tpu.memory_space<vmem>> -> memref<1x32xf32, #tpu.memory_space<vmem>>
    %dma_start3A_555 = arith.constant 0 : i32
    %dma_start3A_556 = tpu.memref_slice %arg3[%squeeze3A_551, %dma_start3A_555] : memref<100000x32xf32, #tpu.memory_space<hbm>> -> memref<1x32xf32, #tpu.memory_space<hbm>>
    %dma_start3A_557 = arith.constant 13 : i32
    %dma_start3A_558 = arith.constant 0 : i32
    %dma_start3A_559 = tpu.memref_slice %arg6[%dma_start3A_557, %dma_start3A_558] : memref<256x32xf32, #tpu.memory_space<vmem>> -> memref<1x32xf32, #tpu.memory_space<vmem>>
    %dma_start3A_560 = arith.constant 0 : i32
    %dma_start3A_561 = tpu.memref_slice %arg3[%squeeze3A_551, %dma_start3A_560] : memref<100000x32xf32, #tpu.memory_space<hbm>> -> memref<1x32xf32, #tpu.memory_space<hbm>>
    tpu.enqueue_dma source(%dma_start3A_561 : memref<1x32xf32, #tpu.memory_space<hbm>>) target(%dma_start3A_559 : memref<1x32xf32, #tpu.memory_space<vmem>>) target_semaphore(%arg7 : memref<!tpu.dma_semaphore, #tpu.memory_space<semaphore_mem>>)
    %slice3A_562 = vector.extract_strided_slice %get3A_393 {offsets = [14], sizes = [1], strides = [1]} : vector<16xi32> to vector<1xi32>
    %squeeze3A_563 = vector.extract %slice3A_562[0] : i32 from vector<1xi32>
    %dma_start3A_564 = arith.constant 14 : i32
    %dma_start3A_565 = arith.constant 0 : i32
    %dma_start3A_566 = tpu.memref_slice %arg6[%dma_start3A_564, %dma_start3A_565] : memref<256x32xf32, #tpu.memory_space<vmem>> -> memref<1x32xf32, #tpu.memory_space<vmem>>
    %dma_start3A_567 = arith.constant 0 : i32
    %dma_start3A_568 = tpu.memref_slice %arg3[%squeeze3A_563, %dma_start3A_567] : memref<100000x32xf32, #tpu.memory_space<hbm>> -> memref<1x32xf32, #tpu.memory_space<hbm>>
    %dma_start3A_569 = arith.constant 14 : i32
    %dma_start3A_570 = arith.constant 0 : i32
    %dma_start3A_571 = tpu.memref_slice %arg6[%dma_start3A_569, %dma_start3A_570] : memref<256x32xf32, #tpu.memory_space<vmem>> -> memref<1x32xf32, #tpu.memory_space<vmem>>
    %dma_start3A_572 = arith.constant 0 : i32
    %dma_start3A_573 = tpu.memref_slice %arg3[%squeeze3A_563, %dma_start3A_572] : memref<100000x32xf32, #tpu.memory_space<hbm>> -> memref<1x32xf32, #tpu.memory_space<hbm>>
    tpu.enqueue_dma source(%dma_start3A_573 : memref<1x32xf32, #tpu.memory_space<hbm>>) target(%dma_start3A_571 : memref<1x32xf32, #tpu.memory_space<vmem>>) target_semaphore(%arg7 : memref<!tpu.dma_semaphore, #tpu.memory_space<semaphore_mem>>)
    %slice3A_574 = vector.extract_strided_slice %get3A_393 {offsets = [15], sizes = [1], strides = [1]} : vector<16xi32> to vector<1xi32>
    %squeeze3A_575 = vector.extract %slice3A_574[0] : i32 from vector<1xi32>
    %dma_start3A_576 = arith.constant 15 : i32
    %dma_start3A_577 = arith.constant 0 : i32
    %dma_start3A_578 = tpu.memref_slice %arg6[%dma_start3A_576, %dma_start3A_577] : memref<256x32xf32, #tpu.memory_space<vmem>> -> memref<1x32xf32, #tpu.memory_space<vmem>>
    %dma_start3A_579 = arith.constant 0 : i32
    %dma_start3A_580 = tpu.memref_slice %arg3[%squeeze3A_575, %dma_start3A_579] : memref<100000x32xf32, #tpu.memory_space<hbm>> -> memref<1x32xf32, #tpu.memory_space<hbm>>
    %dma_start3A_581 = arith.constant 15 : i32
    %dma_start3A_582 = arith.constant 0 : i32
    %dma_start3A_583 = tpu.memref_slice %arg6[%dma_start3A_581, %dma_start3A_582] : memref<256x32xf32, #tpu.memory_space<vmem>> -> memref<1x32xf32, #tpu.memory_space<vmem>>
    %dma_start3A_584 = arith.constant 0 : i32
    %dma_start3A_585 = tpu.memref_slice %arg3[%squeeze3A_575, %dma_start3A_584] : memref<100000x32xf32, #tpu.memory_space<hbm>> -> memref<1x32xf32, #tpu.memory_space<hbm>>
    tpu.enqueue_dma source(%dma_start3A_585 : memref<1x32xf32, #tpu.memory_space<hbm>>) target(%dma_start3A_583 : memref<1x32xf32, #tpu.memory_space<vmem>>) target_semaphore(%arg7 : memref<!tpu.dma_semaphore, #tpu.memory_space<semaphore_mem>>)
    %scan3A_586 = arith.constant 1 : i32
    %scan3A_587 = arith.constant 15 : i32
    %scan3A_588 = arith.addi %scan3A_586, %scan3A_587 : i32
    %scan3A_589 = arith.constant 1 : i32
    scf.for %scan3A_785 = %scan3A_586 to %scan3A_588 step %scan3A_589  : i32 {
      %mul3A_786 = arith.constant 16 : i32
      %mul3A_787 = arith.muli %scan3A_785, %mul3A_786 : i32
      %add3A_788 = arith.constant 256 : i32
      %add3A_789 = arith.addi %add3A_788, %mul3A_787 : i32
      %get3A_790 = arith.index_cast %add3A_789 : i32 to index
      %get3A_791 = tpu.vector_load %arg5[%get3A_790] {strides = array<i32>} : memref<512xi32, #tpu.memory_space<vmem>>, vector<16xi32>,
      %get3A_792 = vector.shape_cast %get3A_791 : vector<16xi32> to vector<16xi32>
      %slice3A_793 = vector.extract_strided_slice %get3A_792 {offsets = [0], sizes = [1], strides = [1]} : vector<16xi32> to vector<1xi32>
      %squeeze3A_794 = vector.extract %slice3A_793[0] : i32 from vector<1xi32>
      %mul3A_795 = arith.constant 16 : i32
      %mul3A_796 = arith.muli %scan3A_785, %mul3A_795 : i32
      %add3A_797 = arith.constant 0 : i32
      %add3A_798 = arith.addi %mul3A_796, %add3A_797 : i32
      %dma_start3A_799 = arith.constant 0 : i32
      %dma_start3A_800 = tpu.memref_slice %arg6[%add3A_798, %dma_start3A_799] : memref<256x32xf32, #tpu.memory_space<vmem>> -> memref<1x32xf32, #tpu.memory_space<vmem>>
      %dma_start3A_801 = arith.constant 0 : i32
      %dma_start3A_802 = tpu.memref_slice %arg3[%squeeze3A_794, %dma_start3A_801] : memref<100000x32xf32, #tpu.memory_space<hbm>> -> memref<1x32xf32, #tpu.memory_space<hbm>>
      %dma_start3A_803 = arith.constant 0 : i32
      %dma_start3A_804 = tpu.memref_slice %arg6[%add3A_798, %dma_start3A_803] : memref<256x32xf32, #tpu.memory_space<vmem>> -> memref<1x32xf32, #tpu.memory_space<vmem>>
      %dma_start3A_805 = arith.constant 0 : i32
      %dma_start3A_806 = tpu.memref_slice %arg3[%squeeze3A_794, %dma_start3A_805] : memref<100000x32xf32, #tpu.memory_space<hbm>> -> memref<1x32xf32, #tpu.memory_space<hbm>>
      tpu.enqueue_dma source(%dma_start3A_806 : memref<1x32xf32, #tpu.memory_space<hbm>>) target(%dma_start3A_804 : memref<1x32xf32, #tpu.memory_space<vmem>>) target_semaphore(%arg7 : memref<!tpu.dma_semaphore, #tpu.memory_space<semaphore_mem>>)
      %slice3A_807 = vector.extract_strided_slice %get3A_792 {offsets = [1], sizes = [1], strides = [1]} : vector<16xi32> to vector<1xi32>
      %squeeze3A_808 = vector.extract %slice3A_807[0] : i32 from vector<1xi32>
      %mul3A_809 = arith.constant 16 : i32
      %mul3A_810 = arith.muli %scan3A_785, %mul3A_809 : i32
      %add3A_811 = arith.constant 1 : i32
      %add3A_812 = arith.addi %mul3A_810, %add3A_811 : i32
      %dma_start3A_813 = arith.constant 0 : i32
      %dma_start3A_814 = tpu.memref_slice %arg6[%add3A_812, %dma_start3A_813] : memref<256x32xf32, #tpu.memory_space<vmem>> -> memref<1x32xf32, #tpu.memory_space<vmem>>
      %dma_start3A_815 = arith.constant 0 : i32
      %dma_start3A_816 = tpu.memref_slice %arg3[%squeeze3A_808, %dma_start3A_815] : memref<100000x32xf32, #tpu.memory_space<hbm>> -> memref<1x32xf32, #tpu.memory_space<hbm>>
      %dma_start3A_817 = arith.constant 0 : i32
      %dma_start3A_818 = tpu.memref_slice %arg6[%add3A_812, %dma_start3A_817] : memref<256x32xf32, #tpu.memory_space<vmem>> -> memref<1x32xf32, #tpu.memory_space<vmem>>
      %dma_start3A_819 = arith.constant 0 : i32
      %dma_start3A_820 = tpu.memref_slice %arg3[%squeeze3A_808, %dma_start3A_819] : memref<100000x32xf32, #tpu.memory_space<hbm>> -> memref<1x32xf32, #tpu.memory_space<hbm>>
      tpu.enqueue_dma source(%dma_start3A_820 : memref<1x32xf32, #tpu.memory_space<hbm>>) target(%dma_start3A_818 : memref<1x32xf32, #tpu.memory_space<vmem>>) target_semaphore(%arg7 : memref<!tpu.dma_semaphore, #tpu.memory_space<semaphore_mem>>)
      %slice3A_821 = vector.extract_strided_slice %get3A_792 {offsets = [2], sizes = [1], strides = [1]} : vector<16xi32> to vector<1xi32>
      %squeeze3A_822 = vector.extract %slice3A_821[0] : i32 from vector<1xi32>
      %mul3A_823 = arith.constant 16 : i32
      %mul3A_824 = arith.muli %scan3A_785, %mul3A_823 : i32
      %add3A_825 = arith.constant 2 : i32
      %add3A_826 = arith.addi %mul3A_824, %add3A_825 : i32
      %dma_start3A_827 = arith.constant 0 : i32
      %dma_start3A_828 = tpu.memref_slice %arg6[%add3A_826, %dma_start3A_827] : memref<256x32xf32, #tpu.memory_space<vmem>> -> memref<1x32xf32, #tpu.memory_space<vmem>>
      %dma_start3A_829 = arith.constant 0 : i32
      %dma_start3A_830 = tpu.memref_slice %arg3[%squeeze3A_822, %dma_start3A_829] : memref<100000x32xf32, #tpu.memory_space<hbm>> -> memref<1x32xf32, #tpu.memory_space<hbm>>
      %dma_start3A_831 = arith.constant 0 : i32
      %dma_start3A_832 = tpu.memref_slice %arg6[%add3A_826, %dma_start3A_831] : memref<256x32xf32, #tpu.memory_space<vmem>> -> memref<1x32xf32, #tpu.memory_space<vmem>>
      %dma_start3A_833 = arith.constant 0 : i32
      %dma_start3A_834 = tpu.memref_slice %arg3[%squeeze3A_822, %dma_start3A_833] : memref<100000x32xf32, #tpu.memory_space<hbm>> -> memref<1x32xf32, #tpu.memory_space<hbm>>
      tpu.enqueue_dma source(%dma_start3A_834 : memref<1x32xf32, #tpu.memory_space<hbm>>) target(%dma_start3A_832 : memref<1x32xf32, #tpu.memory_space<vmem>>) target_semaphore(%arg7 : memref<!tpu.dma_semaphore, #tpu.memory_space<semaphore_mem>>)
      %slice3A_835 = vector.extract_strided_slice %get3A_792 {offsets = [3], sizes = [1], strides = [1]} : vector<16xi32> to vector<1xi32>
      %squeeze3A_836 = vector.extract %slice3A_835[0] : i32 from vector<1xi32>
      %mul3A_837 = arith.constant 16 : i32
      %mul3A_838 = arith.muli %scan3A_785, %mul3A_837 : i32
      %add3A_839 = arith.constant 3 : i32
      %add3A_840 = arith.addi %mul3A_838, %add3A_839 : i32
      %dma_start3A_841 = arith.constant 0 : i32
      %dma_start3A_842 = tpu.memref_slice %arg6[%add3A_840, %dma_start3A_841] : memref<256x32xf32, #tpu.memory_space<vmem>> -> memref<1x32xf32, #tpu.memory_space<vmem>>
      %dma_start3A_843 = arith.constant 0 : i32
      %dma_start3A_844 = tpu.memref_slice %arg3[%squeeze3A_836, %dma_start3A_843] : memref<100000x32xf32, #tpu.memory_space<hbm>> -> memref<1x32xf32, #tpu.memory_space<hbm>>
      %dma_start3A_845 = arith.constant 0 : i32
      %dma_start3A_846 = tpu.memref_slice %arg6[%add3A_840, %dma_start3A_845] : memref<256x32xf32, #tpu.memory_space<vmem>> -> memref<1x32xf32, #tpu.memory_space<vmem>>
      %dma_start3A_847 = arith.constant 0 : i32
      %dma_start3A_848 = tpu.memref_slice %arg3[%squeeze3A_836, %dma_start3A_847] : memref<100000x32xf32, #tpu.memory_space<hbm>> -> memref<1x32xf32, #tpu.memory_space<hbm>>
      tpu.enqueue_dma source(%dma_start3A_848 : memref<1x32xf32, #tpu.memory_space<hbm>>) target(%dma_start3A_846 : memref<1x32xf32, #tpu.memory_space<vmem>>) target_semaphore(%arg7 : memref<!tpu.dma_semaphore, #tpu.memory_space<semaphore_mem>>)
      %slice3A_849 = vector.extract_strided_slice %get3A_792 {offsets = [4], sizes = [1], strides = [1]} : vector<16xi32> to vector<1xi32>
      %squeeze3A_850 = vector.extract %slice3A_849[0] : i32 from vector<1xi32>
      %mul3A_851 = arith.constant 16 : i32
      %mul3A_852 = arith.muli %scan3A_785, %mul3A_851 : i32
      %add3A_853 = arith.constant 4 : i32
      %add3A_854 = arith.addi %mul3A_852, %add3A_853 : i32
      %dma_start3A_855 = arith.constant 0 : i32
      %dma_start3A_856 = tpu.memref_slice %arg6[%add3A_854, %dma_start3A_855] : memref<256x32xf32, #tpu.memory_space<vmem>> -> memref<1x32xf32, #tpu.memory_space<vmem>>
      %dma_start3A_857 = arith.constant 0 : i32
      %dma_start3A_858 = tpu.memref_slice %arg3[%squeeze3A_850, %dma_start3A_857] : memref<100000x32xf32, #tpu.memory_space<hbm>> -> memref<1x32xf32, #tpu.memory_space<hbm>>
      %dma_start3A_859 = arith.constant 0 : i32
      %dma_start3A_860 = tpu.memref_slice %arg6[%add3A_854, %dma_start3A_859] : memref<256x32xf32, #tpu.memory_space<vmem>> -> memref<1x32xf32, #tpu.memory_space<vmem>>
      %dma_start3A_861 = arith.constant 0 : i32
      %dma_start3A_862 = tpu.memref_slice %arg3[%squeeze3A_850, %dma_start3A_861] : memref<100000x32xf32, #tpu.memory_space<hbm>> -> memref<1x32xf32, #tpu.memory_space<hbm>>
      tpu.enqueue_dma source(%dma_start3A_862 : memref<1x32xf32, #tpu.memory_space<hbm>>) target(%dma_start3A_860 : memref<1x32xf32, #tpu.memory_space<vmem>>) target_semaphore(%arg7 : memref<!tpu.dma_semaphore, #tpu.memory_space<semaphore_mem>>)
      %slice3A_863 = vector.extract_strided_slice %get3A_792 {offsets = [5], sizes = [1], strides = [1]} : vector<16xi32> to vector<1xi32>
      %squeeze3A_864 = vector.extract %slice3A_863[0] : i32 from vector<1xi32>
      %mul3A_865 = arith.constant 16 : i32
      %mul3A_866 = arith.muli %scan3A_785, %mul3A_865 : i32
      %add3A_867 = arith.constant 5 : i32
      %add3A_868 = arith.addi %mul3A_866, %add3A_867 : i32
      %dma_start3A_869 = arith.constant 0 : i32
      %dma_start3A_870 = tpu.memref_slice %arg6[%add3A_868, %dma_start3A_869] : memref<256x32xf32, #tpu.memory_space<vmem>> -> memref<1x32xf32, #tpu.memory_space<vmem>>
      %dma_start3A_871 = arith.constant 0 : i32
      %dma_start3A_872 = tpu.memref_slice %arg3[%squeeze3A_864, %dma_start3A_871] : memref<100000x32xf32, #tpu.memory_space<hbm>> -> memref<1x32xf32, #tpu.memory_space<hbm>>
      %dma_start3A_873 = arith.constant 0 : i32
      %dma_start3A_874 = tpu.memref_slice %arg6[%add3A_868, %dma_start3A_873] : memref<256x32xf32, #tpu.memory_space<vmem>> -> memref<1x32xf32, #tpu.memory_space<vmem>>
      %dma_start3A_875 = arith.constant 0 : i32
      %dma_start3A_876 = tpu.memref_slice %arg3[%squeeze3A_864, %dma_start3A_875] : memref<100000x32xf32, #tpu.memory_space<hbm>> -> memref<1x32xf32, #tpu.memory_space<hbm>>
      tpu.enqueue_dma source(%dma_start3A_876 : memref<1x32xf32, #tpu.memory_space<hbm>>) target(%dma_start3A_874 : memref<1x32xf32, #tpu.memory_space<vmem>>) target_semaphore(%arg7 : memref<!tpu.dma_semaphore, #tpu.memory_space<semaphore_mem>>)
      %slice3A_877 = vector.extract_strided_slice %get3A_792 {offsets = [6], sizes = [1], strides = [1]} : vector<16xi32> to vector<1xi32>
      %squeeze3A_878 = vector.extract %slice3A_877[0] : i32 from vector<1xi32>
      %mul3A_879 = arith.constant 16 : i32
      %mul3A_880 = arith.muli %scan3A_785, %mul3A_879 : i32
      %add3A_881 = arith.constant 6 : i32
      %add3A_882 = arith.addi %mul3A_880, %add3A_881 : i32
      %dma_start3A_883 = arith.constant 0 : i32
      %dma_start3A_884 = tpu.memref_slice %arg6[%add3A_882, %dma_start3A_883] : memref<256x32xf32, #tpu.memory_space<vmem>> -> memref<1x32xf32, #tpu.memory_space<vmem>>
      %dma_start3A_885 = arith.constant 0 : i32
      %dma_start3A_886 = tpu.memref_slice %arg3[%squeeze3A_878, %dma_start3A_885] : memref<100000x32xf32, #tpu.memory_space<hbm>> -> memref<1x32xf32, #tpu.memory_space<hbm>>
      %dma_start3A_887 = arith.constant 0 : i32
      %dma_start3A_888 = tpu.memref_slice %arg6[%add3A_882, %dma_start3A_887] : memref<256x32xf32, #tpu.memory_space<vmem>> -> memref<1x32xf32, #tpu.memory_space<vmem>>
      %dma_start3A_889 = arith.constant 0 : i32
      %dma_start3A_890 = tpu.memref_slice %arg3[%squeeze3A_878, %dma_start3A_889] : memref<100000x32xf32, #tpu.memory_space<hbm>> -> memref<1x32xf32, #tpu.memory_space<hbm>>
      tpu.enqueue_dma source(%dma_start3A_890 : memref<1x32xf32, #tpu.memory_space<hbm>>) target(%dma_start3A_888 : memref<1x32xf32, #tpu.memory_space<vmem>>) target_semaphore(%arg7 : memref<!tpu.dma_semaphore, #tpu.memory_space<semaphore_mem>>)
      %slice3A_891 = vector.extract_strided_slice %get3A_792 {offsets = [7], sizes = [1], strides = [1]} : vector<16xi32> to vector<1xi32>
      %squeeze3A_892 = vector.extract %slice3A_891[0] : i32 from vector<1xi32>
      %mul3A_893 = arith.constant 16 : i32
      %mul3A_894 = arith.muli %scan3A_785, %mul3A_893 : i32
      %add3A_895 = arith.constant 7 : i32
      %add3A_896 = arith.addi %mul3A_894, %add3A_895 : i32
      %dma_start3A_897 = arith.constant 0 : i32
      %dma_start3A_898 = tpu.memref_slice %arg6[%add3A_896, %dma_start3A_897] : memref<256x32xf32, #tpu.memory_space<vmem>> -> memref<1x32xf32, #tpu.memory_space<vmem>>
      %dma_start3A_899 = arith.constant 0 : i32
      %dma_start3A_900 = tpu.memref_slice %arg3[%squeeze3A_892, %dma_start3A_899] : memref<100000x32xf32, #tpu.memory_space<hbm>> -> memref<1x32xf32, #tpu.memory_space<hbm>>
      %dma_start3A_901 = arith.constant 0 : i32
      %dma_start3A_902 = tpu.memref_slice %arg6[%add3A_896, %dma_start3A_901] : memref<256x32xf32, #tpu.memory_space<vmem>> -> memref<1x32xf32, #tpu.memory_space<vmem>>
      %dma_start3A_903 = arith.constant 0 : i32
      %dma_start3A_904 = tpu.memref_slice %arg3[%squeeze3A_892, %dma_start3A_903] : memref<100000x32xf32, #tpu.memory_space<hbm>> -> memref<1x32xf32, #tpu.memory_space<hbm>>
      tpu.enqueue_dma source(%dma_start3A_904 : memref<1x32xf32, #tpu.memory_space<hbm>>) target(%dma_start3A_902 : memref<1x32xf32, #tpu.memory_space<vmem>>) target_semaphore(%arg7 : memref<!tpu.dma_semaphore, #tpu.memory_space<semaphore_mem>>)
      %slice3A_905 = vector.extract_strided_slice %get3A_792 {offsets = [8], sizes = [1], strides = [1]} : vector<16xi32> to vector<1xi32>
      %squeeze3A_906 = vector.extract %slice3A_905[0] : i32 from vector<1xi32>
      %mul3A_907 = arith.constant 16 : i32
      %mul3A_908 = arith.muli %scan3A_785, %mul3A_907 : i32
      %add3A_909 = arith.constant 8 : i32
      %add3A_910 = arith.addi %mul3A_908, %add3A_909 : i32
      %dma_start3A_911 = arith.constant 0 : i32
      %dma_start3A_912 = tpu.memref_slice %arg6[%add3A_910, %dma_start3A_911] : memref<256x32xf32, #tpu.memory_space<vmem>> -> memref<1x32xf32, #tpu.memory_space<vmem>>
      %dma_start3A_913 = arith.constant 0 : i32
      %dma_start3A_914 = tpu.memref_slice %arg3[%squeeze3A_906, %dma_start3A_913] : memref<100000x32xf32, #tpu.memory_space<hbm>> -> memref<1x32xf32, #tpu.memory_space<hbm>>
      %dma_start3A_915 = arith.constant 0 : i32
      %dma_start3A_916 = tpu.memref_slice %arg6[%add3A_910, %dma_start3A_915] : memref<256x32xf32, #tpu.memory_space<vmem>> -> memref<1x32xf32, #tpu.memory_space<vmem>>
      %dma_start3A_917 = arith.constant 0 : i32
      %dma_start3A_918 = tpu.memref_slice %arg3[%squeeze3A_906, %dma_start3A_917] : memref<100000x32xf32, #tpu.memory_space<hbm>> -> memref<1x32xf32, #tpu.memory_space<hbm>>
      tpu.enqueue_dma source(%dma_start3A_918 : memref<1x32xf32, #tpu.memory_space<hbm>>) target(%dma_start3A_916 : memref<1x32xf32, #tpu.memory_space<vmem>>) target_semaphore(%arg7 : memref<!tpu.dma_semaphore, #tpu.memory_space<semaphore_mem>>)
      %slice3A_919 = vector.extract_strided_slice %get3A_792 {offsets = [9], sizes = [1], strides = [1]} : vector<16xi32> to vector<1xi32>
      %squeeze3A_920 = vector.extract %slice3A_919[0] : i32 from vector<1xi32>
      %mul3A_921 = arith.constant 16 : i32
      %mul3A_922 = arith.muli %scan3A_785, %mul3A_921 : i32
      %add3A_923 = arith.constant 9 : i32
      %add3A_924 = arith.addi %mul3A_922, %add3A_923 : i32
      %dma_start3A_925 = arith.constant 0 : i32
      %dma_start3A_926 = tpu.memref_slice %arg6[%add3A_924, %dma_start3A_925] : memref<256x32xf32, #tpu.memory_space<vmem>> -> memref<1x32xf32, #tpu.memory_space<vmem>>
      %dma_start3A_927 = arith.constant 0 : i32
      %dma_start3A_928 = tpu.memref_slice %arg3[%squeeze3A_920, %dma_start3A_927] : memref<100000x32xf32, #tpu.memory_space<hbm>> -> memref<1x32xf32, #tpu.memory_space<hbm>>
      %dma_start3A_929 = arith.constant 0 : i32
      %dma_start3A_930 = tpu.memref_slice %arg6[%add3A_924, %dma_start3A_929] : memref<256x32xf32, #tpu.memory_space<vmem>> -> memref<1x32xf32, #tpu.memory_space<vmem>>
      %dma_start3A_931 = arith.constant 0 : i32
      %dma_start3A_932 = tpu.memref_slice %arg3[%squeeze3A_920, %dma_start3A_931] : memref<100000x32xf32, #tpu.memory_space<hbm>> -> memref<1x32xf32, #tpu.memory_space<hbm>>
      tpu.enqueue_dma source(%dma_start3A_932 : memref<1x32xf32, #tpu.memory_space<hbm>>) target(%dma_start3A_930 : memref<1x32xf32, #tpu.memory_space<vmem>>) target_semaphore(%arg7 : memref<!tpu.dma_semaphore, #tpu.memory_space<semaphore_mem>>)
      %slice3A_933 = vector.extract_strided_slice %get3A_792 {offsets = [10], sizes = [1], strides = [1]} : vector<16xi32> to vector<1xi32>
      %squeeze3A_934 = vector.extract %slice3A_933[0] : i32 from vector<1xi32>
      %mul3A_935 = arith.constant 16 : i32
      %mul3A_936 = arith.muli %scan3A_785, %mul3A_935 : i32
      %add3A_937 = arith.constant 10 : i32
      %add3A_938 = arith.addi %mul3A_936, %add3A_937 : i32
      %dma_start3A_939 = arith.constant 0 : i32
      %dma_start3A_940 = tpu.memref_slice %arg6[%add3A_938, %dma_start3A_939] : memref<256x32xf32, #tpu.memory_space<vmem>> -> memref<1x32xf32, #tpu.memory_space<vmem>>
      %dma_start3A_941 = arith.constant 0 : i32
      %dma_start3A_942 = tpu.memref_slice %arg3[%squeeze3A_934, %dma_start3A_941] : memref<100000x32xf32, #tpu.memory_space<hbm>> -> memref<1x32xf32, #tpu.memory_space<hbm>>
      %dma_start3A_943 = arith.constant 0 : i32
      %dma_start3A_944 = tpu.memref_slice %arg6[%add3A_938, %dma_start3A_943] : memref<256x32xf32, #tpu.memory_space<vmem>> -> memref<1x32xf32, #tpu.memory_space<vmem>>
      %dma_start3A_945 = arith.constant 0 : i32
      %dma_start3A_946 = tpu.memref_slice %arg3[%squeeze3A_934, %dma_start3A_945] : memref<100000x32xf32, #tpu.memory_space<hbm>> -> memref<1x32xf32, #tpu.memory_space<hbm>>
      tpu.enqueue_dma source(%dma_start3A_946 : memref<1x32xf32, #tpu.memory_space<hbm>>) target(%dma_start3A_944 : memref<1x32xf32, #tpu.memory_space<vmem>>) target_semaphore(%arg7 : memref<!tpu.dma_semaphore, #tpu.memory_space<semaphore_mem>>)
      %slice3A_947 = vector.extract_strided_slice %get3A_792 {offsets = [11], sizes = [1], strides = [1]} : vector<16xi32> to vector<1xi32>
      %squeeze3A_948 = vector.extract %slice3A_947[0] : i32 from vector<1xi32>
      %mul3A_949 = arith.constant 16 : i32
      %mul3A_950 = arith.muli %scan3A_785, %mul3A_949 : i32
      %add3A_951 = arith.constant 11 : i32
      %add3A_952 = arith.addi %mul3A_950, %add3A_951 : i32
      %dma_start3A_953 = arith.constant 0 : i32
      %dma_start3A_954 = tpu.memref_slice %arg6[%add3A_952, %dma_start3A_953] : memref<256x32xf32, #tpu.memory_space<vmem>> -> memref<1x32xf32, #tpu.memory_space<vmem>>
      %dma_start3A_955 = arith.constant 0 : i32
      %dma_start3A_956 = tpu.memref_slice %arg3[%squeeze3A_948, %dma_start3A_955] : memref<100000x32xf32, #tpu.memory_space<hbm>> -> memref<1x32xf32, #tpu.memory_space<hbm>>
      %dma_start3A_957 = arith.constant 0 : i32
      %dma_start3A_958 = tpu.memref_slice %arg6[%add3A_952, %dma_start3A_957] : memref<256x32xf32, #tpu.memory_space<vmem>> -> memref<1x32xf32, #tpu.memory_space<vmem>>
      %dma_start3A_959 = arith.constant 0 : i32
      %dma_start3A_960 = tpu.memref_slice %arg3[%squeeze3A_948, %dma_start3A_959] : memref<100000x32xf32, #tpu.memory_space<hbm>> -> memref<1x32xf32, #tpu.memory_space<hbm>>
      tpu.enqueue_dma source(%dma_start3A_960 : memref<1x32xf32, #tpu.memory_space<hbm>>) target(%dma_start3A_958 : memref<1x32xf32, #tpu.memory_space<vmem>>) target_semaphore(%arg7 : memref<!tpu.dma_semaphore, #tpu.memory_space<semaphore_mem>>)
      %slice3A_961 = vector.extract_strided_slice %get3A_792 {offsets = [12], sizes = [1], strides = [1]} : vector<16xi32> to vector<1xi32>
      %squeeze3A_962 = vector.extract %slice3A_961[0] : i32 from vector<1xi32>
      %mul3A_963 = arith.constant 16 : i32
      %mul3A_964 = arith.muli %scan3A_785, %mul3A_963 : i32
      %add3A_965 = arith.constant 12 : i32
      %add3A_966 = arith.addi %mul3A_964, %add3A_965 : i32
      %dma_start3A_967 = arith.constant 0 : i32
      %dma_start3A_968 = tpu.memref_slice %arg6[%add3A_966, %dma_start3A_967] : memref<256x32xf32, #tpu.memory_space<vmem>> -> memref<1x32xf32, #tpu.memory_space<vmem>>
      %dma_start3A_969 = arith.constant 0 : i32
      %dma_start3A_970 = tpu.memref_slice %arg3[%squeeze3A_962, %dma_start3A_969] : memref<100000x32xf32, #tpu.memory_space<hbm>> -> memref<1x32xf32, #tpu.memory_space<hbm>>
      %dma_start3A_971 = arith.constant 0 : i32
      %dma_start3A_972 = tpu.memref_slice %arg6[%add3A_966, %dma_start3A_971] : memref<256x32xf32, #tpu.memory_space<vmem>> -> memref<1x32xf32, #tpu.memory_space<vmem>>
      %dma_start3A_973 = arith.constant 0 : i32
      %dma_start3A_974 = tpu.memref_slice %arg3[%squeeze3A_962, %dma_start3A_973] : memref<100000x32xf32, #tpu.memory_space<hbm>> -> memref<1x32xf32, #tpu.memory_space<hbm>>
      tpu.enqueue_dma source(%dma_start3A_974 : memref<1x32xf32, #tpu.memory_space<hbm>>) target(%dma_start3A_972 : memref<1x32xf32, #tpu.memory_space<vmem>>) target_semaphore(%arg7 : memref<!tpu.dma_semaphore, #tpu.memory_space<semaphore_mem>>)
      %slice3A_975 = vector.extract_strided_slice %get3A_792 {offsets = [13], sizes = [1], strides = [1]} : vector<16xi32> to vector<1xi32>
      %squeeze3A_976 = vector.extract %slice3A_975[0] : i32 from vector<1xi32>
      %mul3A_977 = arith.constant 16 : i32
      %mul3A_978 = arith.muli %scan3A_785, %mul3A_977 : i32
      %add3A_979 = arith.constant 13 : i32
      %add3A_980 = arith.addi %mul3A_978, %add3A_979 : i32
      %dma_start3A_981 = arith.constant 0 : i32
      %dma_start3A_982 = tpu.memref_slice %arg6[%add3A_980, %dma_start3A_981] : memref<256x32xf32, #tpu.memory_space<vmem>> -> memref<1x32xf32, #tpu.memory_space<vmem>>
      %dma_start3A_983 = arith.constant 0 : i32
      %dma_start3A_984 = tpu.memref_slice %arg3[%squeeze3A_976, %dma_start3A_983] : memref<100000x32xf32, #tpu.memory_space<hbm>> -> memref<1x32xf32, #tpu.memory_space<hbm>>
      %dma_start3A_985 = arith.constant 0 : i32
      %dma_start3A_986 = tpu.memref_slice %arg6[%add3A_980, %dma_start3A_985] : memref<256x32xf32, #tpu.memory_space<vmem>> -> memref<1x32xf32, #tpu.memory_space<vmem>>
      %dma_start3A_987 = arith.constant 0 : i32
      %dma_start3A_988 = tpu.memref_slice %arg3[%squeeze3A_976, %dma_start3A_987] : memref<100000x32xf32, #tpu.memory_space<hbm>> -> memref<1x32xf32, #tpu.memory_space<hbm>>
      tpu.enqueue_dma source(%dma_start3A_988 : memref<1x32xf32, #tpu.memory_space<hbm>>) target(%dma_start3A_986 : memref<1x32xf32, #tpu.memory_space<vmem>>) target_semaphore(%arg7 : memref<!tpu.dma_semaphore, #tpu.memory_space<semaphore_mem>>)
      %slice3A_989 = vector.extract_strided_slice %get3A_792 {offsets = [14], sizes = [1], strides = [1]} : vector<16xi32> to vector<1xi32>
      %squeeze3A_990 = vector.extract %slice3A_989[0] : i32 from vector<1xi32>
      %mul3A_991 = arith.constant 16 : i32
      %mul3A_992 = arith.muli %scan3A_785, %mul3A_991 : i32
      %add3A_993 = arith.constant 14 : i32
      %add3A_994 = arith.addi %mul3A_992, %add3A_993 : i32
      %dma_start3A_995 = arith.constant 0 : i32
      %dma_start3A_996 = tpu.memref_slice %arg6[%add3A_994, %dma_start3A_995] : memref<256x32xf32, #tpu.memory_space<vmem>> -> memref<1x32xf32, #tpu.memory_space<vmem>>
      %dma_start3A_997 = arith.constant 0 : i32
      %dma_start3A_998 = tpu.memref_slice %arg3[%squeeze3A_990, %dma_start3A_997] : memref<100000x32xf32, #tpu.memory_space<hbm>> -> memref<1x32xf32, #tpu.memory_space<hbm>>
      %dma_start3A_999 = arith.constant 0 : i32
      %dma_start3A_1000 = tpu.memref_slice %arg6[%add3A_994, %dma_start3A_999] : memref<256x32xf32, #tpu.memory_space<vmem>> -> memref<1x32xf32, #tpu.memory_space<vmem>>
      %dma_start3A_1001 = arith.constant 0 : i32
      %dma_start3A_1002 = tpu.memref_slice %arg3[%squeeze3A_990, %dma_start3A_1001] : memref<100000x32xf32, #tpu.memory_space<hbm>> -> memref<1x32xf32, #tpu.memory_space<hbm>>
      tpu.enqueue_dma source(%dma_start3A_1002 : memref<1x32xf32, #tpu.memory_space<hbm>>) target(%dma_start3A_1000 : memref<1x32xf32, #tpu.memory_space<vmem>>) target_semaphore(%arg7 : memref<!tpu.dma_semaphore, #tpu.memory_space<semaphore_mem>>)
      %slice3A_1003 = vector.extract_strided_slice %get3A_792 {offsets = [15], sizes = [1], strides = [1]} : vector<16xi32> to vector<1xi32>
      %squeeze3A_1004 = vector.extract %slice3A_1003[0] : i32 from vector<1xi32>
      %mul3A_1005 = arith.constant 16 : i32
      %mul3A_1006 = arith.muli %scan3A_785, %mul3A_1005 : i32
      %add3A_1007 = arith.constant 15 : i32
      %add3A_1008 = arith.addi %mul3A_1006, %add3A_1007 : i32
      %dma_start3A_1009 = arith.constant 0 : i32
      %dma_start3A_1010 = tpu.memref_slice %arg6[%add3A_1008, %dma_start3A_1009] : memref<256x32xf32, #tpu.memory_space<vmem>> -> memref<1x32xf32, #tpu.memory_space<vmem>>
      %dma_start3A_1011 = arith.constant 0 : i32
      %dma_start3A_1012 = tpu.memref_slice %arg3[%squeeze3A_1004, %dma_start3A_1011] : memref<100000x32xf32, #tpu.memory_space<hbm>> -> memref<1x32xf32, #tpu.memory_space<hbm>>
      %dma_start3A_1013 = arith.constant 0 : i32
      %dma_start3A_1014 = tpu.memref_slice %arg6[%add3A_1008, %dma_start3A_1013] : memref<256x32xf32, #tpu.memory_space<vmem>> -> memref<1x32xf32, #tpu.memory_space<vmem>>
      %dma_start3A_1015 = arith.constant 0 : i32
      %dma_start3A_1016 = tpu.memref_slice %arg3[%squeeze3A_1004, %dma_start3A_1015] : memref<100000x32xf32, #tpu.memory_space<hbm>> -> memref<1x32xf32, #tpu.memory_space<hbm>>
      tpu.enqueue_dma source(%dma_start3A_1016 : memref<1x32xf32, #tpu.memory_space<hbm>>) target(%dma_start3A_1014 : memref<1x32xf32, #tpu.memory_space<vmem>>) target_semaphore(%arg7 : memref<!tpu.dma_semaphore, #tpu.memory_space<semaphore_mem>>)
      %dma_wait3A_1017 = arith.constant 0 : i32
      %dma_wait3A_1018 = arith.constant 0 : i32
      %dma_wait3A_1019 = tpu.memref_slice %arg6[%dma_wait3A_1017, %dma_wait3A_1018] : memref<256x32xf32, #tpu.memory_space<vmem>> -> memref<1x32xf32, #tpu.memory_space<vmem>>
      %dma_wait3A_1020 = arith.constant 0 : i32
      %dma_wait3A_1021 = arith.constant 0 : i32
      %dma_wait3A_1022 = tpu.memref_slice %arg3[%dma_wait3A_1020, %dma_wait3A_1021] : memref<100000x32xf32, #tpu.memory_space<hbm>> -> memref<1x32xf32, #tpu.memory_space<hbm>>
      %dma_wait3A_1023 = arith.constant 0 : i32
      %dma_wait3A_1024 = arith.constant 0 : i32
      %dma_wait3A_1025 = tpu.memref_slice %arg6[%dma_wait3A_1023, %dma_wait3A_1024] : memref<256x32xf32, #tpu.memory_space<vmem>> -> memref<1x32xf32, #tpu.memory_space<vmem>>
      %dma_wait3A_1026 = arith.constant 0 : i32
      %dma_wait3A_1027 = arith.constant 0 : i32
      %dma_wait3A_1028 = tpu.memref_slice %arg3[%dma_wait3A_1026, %dma_wait3A_1027] : memref<100000x32xf32, #tpu.memory_space<hbm>> -> memref<1x32xf32, #tpu.memory_space<hbm>>
      tpu.wait_dma2 semaphore(%arg7 : memref<!tpu.dma_semaphore, #tpu.memory_space<semaphore_mem>>) src(%dma_wait3A_1028 : memref<1x32xf32, #tpu.memory_space<hbm>>) dst(%dma_wait3A_1025 : memref<1x32xf32, #tpu.memory_space<vmem>>)
      %dma_wait3A_1029 = arith.constant 0 : i32
      %dma_wait3A_1030 = arith.constant 0 : i32
      %dma_wait3A_1031 = tpu.memref_slice %arg6[%dma_wait3A_1029, %dma_wait3A_1030] : memref<256x32xf32, #tpu.memory_space<vmem>> -> memref<1x32xf32, #tpu.memory_space<vmem>>
      %dma_wait3A_1032 = arith.constant 0 : i32
      %dma_wait3A_1033 = arith.constant 0 : i32
      %dma_wait3A_1034 = tpu.memref_slice %arg3[%dma_wait3A_1032, %dma_wait3A_1033] : memref<100000x32xf32, #tpu.memory_space<hbm>> -> memref<1x32xf32, #tpu.memory_space<hbm>>
      %dma_wait3A_1035 = arith.constant 0 : i32
      %dma_wait3A_1036 = arith.constant 0 : i32
      %dma_wait3A_1037 = tpu.memref_slice %arg6[%dma_wait3A_1035, %dma_wait3A_1036] : memref<256x32xf32, #tpu.memory_space<vmem>> -> memref<1x32xf32, #tpu.memory_space<vmem>>
      %dma_wait3A_1038 = arith.constant 0 : i32
      %dma_wait3A_1039 = arith.constant 0 : i32
      %dma_wait3A_1040 = tpu.memref_slice %arg3[%dma_wait3A_1038, %dma_wait3A_1039] : memref<100000x32xf32, #tpu.memory_space<hbm>> -> memref<1x32xf32, #tpu.memory_space<hbm>>
      tpu.wait_dma2 semaphore(%arg7 : memref<!tpu.dma_semaphore, #tpu.memory_space<semaphore_mem>>) src(%dma_wait3A_1040 : memref<1x32xf32, #tpu.memory_space<hbm>>) dst(%dma_wait3A_1037 : memref<1x32xf32, #tpu.memory_space<vmem>>)
      %dma_wait3A_1041 = arith.constant 0 : i32
      %dma_wait3A_1042 = arith.constant 0 : i32
      %dma_wait3A_1043 = tpu.memref_slice %arg6[%dma_wait3A_1041, %dma_wait3A_1042] : memref<256x32xf32, #tpu.memory_space<vmem>> -> memref<1x32xf32, #tpu.memory_space<vmem>>
      %dma_wait3A_1044 = arith.constant 0 : i32
      %dma_wait3A_1045 = arith.constant 0 : i32
      %dma_wait3A_1046 = tpu.memref_slice %arg3[%dma_wait3A_1044, %dma_wait3A_1045] : memref<100000x32xf32, #tpu.memory_space<hbm>> -> memref<1x32xf32, #tpu.memory_space<hbm>>
      %dma_wait3A_1047 = arith.constant 0 : i32
      %dma_wait3A_1048 = arith.constant 0 : i32
      %dma_wait3A_1049 = tpu.memref_slice %arg6[%dma_wait3A_1047, %dma_wait3A_1048] : memref<256x32xf32, #tpu.memory_space<vmem>> -> memref<1x32xf32, #tpu.memory_space<vmem>>
      %dma_wait3A_1050 = arith.constant 0 : i32
      %dma_wait3A_1051 = arith.constant 0 : i32
      %dma_wait3A_1052 = tpu.memref_slice %arg3[%dma_wait3A_1050, %dma_wait3A_1051] : memref<100000x32xf32, #tpu.memory_space<hbm>> -> memref<1x32xf32, #tpu.memory_space<hbm>>
      tpu.wait_dma2 semaphore(%arg7 : memref<!tpu.dma_semaphore, #tpu.memory_space<semaphore_mem>>) src(%dma_wait3A_1052 : memref<1x32xf32, #tpu.memory_space<hbm>>) dst(%dma_wait3A_1049 : memref<1x32xf32, #tpu.memory_space<vmem>>)
      %dma_wait3A_1053 = arith.constant 0 : i32
      %dma_wait3A_1054 = arith.constant 0 : i32
      %dma_wait3A_1055 = tpu.memref_slice %arg6[%dma_wait3A_1053, %dma_wait3A_1054] : memref<256x32xf32, #tpu.memory_space<vmem>> -> memref<1x32xf32, #tpu.memory_space<vmem>>
      %dma_wait3A_1056 = arith.constant 0 : i32
      %dma_wait3A_1057 = arith.constant 0 : i32
      %dma_wait3A_1058 = tpu.memref_slice %arg3[%dma_wait3A_1056, %dma_wait3A_1057] : memref<100000x32xf32, #tpu.memory_space<hbm>> -> memref<1x32xf32, #tpu.memory_space<hbm>>
      %dma_wait3A_1059 = arith.constant 0 : i32
      %dma_wait3A_1060 = arith.constant 0 : i32
      %dma_wait3A_1061 = tpu.memref_slice %arg6[%dma_wait3A_1059, %dma_wait3A_1060] : memref<256x32xf32, #tpu.memory_space<vmem>> -> memref<1x32xf32, #tpu.memory_space<vmem>>
      %dma_wait3A_1062 = arith.constant 0 : i32
      %dma_wait3A_1063 = arith.constant 0 : i32
      %dma_wait3A_1064 = tpu.memref_slice %arg3[%dma_wait3A_1062, %dma_wait3A_1063] : memref<100000x32xf32, #tpu.memory_space<hbm>> -> memref<1x32xf32, #tpu.memory_space<hbm>>
      tpu.wait_dma2 semaphore(%arg7 : memref<!tpu.dma_semaphore, #tpu.memory_space<semaphore_mem>>) src(%dma_wait3A_1064 : memref<1x32xf32, #tpu.memory_space<hbm>>) dst(%dma_wait3A_1061 : memref<1x32xf32, #tpu.memory_space<vmem>>)
      %dma_wait3A_1065 = arith.constant 0 : i32
      %dma_wait3A_1066 = arith.constant 0 : i32
      %dma_wait3A_1067 = tpu.memref_slice %arg6[%dma_wait3A_1065, %dma_wait3A_1066] : memref<256x32xf32, #tpu.memory_space<vmem>> -> memref<1x32xf32, #tpu.memory_space<vmem>>
      %dma_wait3A_1068 = arith.constant 0 : i32
      %dma_wait3A_1069 = arith.constant 0 : i32
      %dma_wait3A_1070 = tpu.memref_slice %arg3[%dma_wait3A_1068, %dma_wait3A_1069] : memref<100000x32xf32, #tpu.memory_space<hbm>> -> memref<1x32xf32, #tpu.memory_space<hbm>>
      %dma_wait3A_1071 = arith.constant 0 : i32
      %dma_wait3A_1072 = arith.constant 0 : i32
      %dma_wait3A_1073 = tpu.memref_slice %arg6[%dma_wait3A_1071, %dma_wait3A_1072] : memref<256x32xf32, #tpu.memory_space<vmem>> -> memref<1x32xf32, #tpu.memory_space<vmem>>
      %dma_wait3A_1074 = arith.constant 0 : i32
      %dma_wait3A_1075 = arith.constant 0 : i32
      %dma_wait3A_1076 = tpu.memref_slice %arg3[%dma_wait3A_1074, %dma_wait3A_1075] : memref<100000x32xf32, #tpu.memory_space<hbm>> -> memref<1x32xf32, #tpu.memory_space<hbm>>
      tpu.wait_dma2 semaphore(%arg7 : memref<!tpu.dma_semaphore, #tpu.memory_space<semaphore_mem>>) src(%dma_wait3A_1076 : memref<1x32xf32, #tpu.memory_space<hbm>>) dst(%dma_wait3A_1073 : memref<1x32xf32, #tpu.memory_space<vmem>>)
      %dma_wait3A_1077 = arith.constant 0 : i32
      %dma_wait3A_1078 = arith.constant 0 : i32
      %dma_wait3A_1079 = tpu.memref_slice %arg6[%dma_wait3A_1077, %dma_wait3A_1078] : memref<256x32xf32, #tpu.memory_space<vmem>> -> memref<1x32xf32, #tpu.memory_space<vmem>>
      %dma_wait3A_1080 = arith.constant 0 : i32
      %dma_wait3A_1081 = arith.constant 0 : i32
      %dma_wait3A_1082 = tpu.memref_slice %arg3[%dma_wait3A_1080, %dma_wait3A_1081] : memref<100000x32xf32, #tpu.memory_space<hbm>> -> memref<1x32xf32, #tpu.memory_space<hbm>>
      %dma_wait3A_1083 = arith.constant 0 : i32
      %dma_wait3A_1084 = arith.constant 0 : i32
      %dma_wait3A_1085 = tpu.memref_slice %arg6[%dma_wait3A_1083, %dma_wait3A_1084] : memref<256x32xf32, #tpu.memory_space<vmem>> -> memref<1x32xf32, #tpu.memory_space<vmem>>
      %dma_wait3A_1086 = arith.constant 0 : i32
      %dma_wait3A_1087 = arith.constant 0 : i32
      %dma_wait3A_1088 = tpu.memref_slice %arg3[%dma_wait3A_1086, %dma_wait3A_1087] : memref<100000x32xf32, #tpu.memory_space<hbm>> -> memref<1x32xf32, #tpu.memory_space<hbm>>
      tpu.wait_dma2 semaphore(%arg7 : memref<!tpu.dma_semaphore, #tpu.memory_space<semaphore_mem>>) src(%dma_wait3A_1088 : memref<1x32xf32, #tpu.memory_space<hbm>>) dst(%dma_wait3A_1085 : memref<1x32xf32, #tpu.memory_space<vmem>>)
      %dma_wait3A_1089 = arith.constant 0 : i32
      %dma_wait3A_1090 = arith.constant 0 : i32
      %dma_wait3A_1091 = tpu.memref_slice %arg6[%dma_wait3A_1089, %dma_wait3A_1090] : memref<256x32xf32, #tpu.memory_space<vmem>> -> memref<1x32xf32, #tpu.memory_space<vmem>>
      %dma_wait3A_1092 = arith.constant 0 : i32
      %dma_wait3A_1093 = arith.constant 0 : i32
      %dma_wait3A_1094 = tpu.memref_slice %arg3[%dma_wait3A_1092, %dma_wait3A_1093] : memref<100000x32xf32, #tpu.memory_space<hbm>> -> memref<1x32xf32, #tpu.memory_space<hbm>>
      %dma_wait3A_1095 = arith.constant 0 : i32
      %dma_wait3A_1096 = arith.constant 0 : i32
      %dma_wait3A_1097 = tpu.memref_slice %arg6[%dma_wait3A_1095, %dma_wait3A_1096] : memref<256x32xf32, #tpu.memory_space<vmem>> -> memref<1x32xf32, #tpu.memory_space<vmem>>
      %dma_wait3A_1098 = arith.constant 0 : i32
      %dma_wait3A_1099 = arith.constant 0 : i32
      %dma_wait3A_1100 = tpu.memref_slice %arg3[%dma_wait3A_1098, %dma_wait3A_1099] : memref<100000x32xf32, #tpu.memory_space<hbm>> -> memref<1x32xf32, #tpu.memory_space<hbm>>
      tpu.wait_dma2 semaphore(%arg7 : memref<!tpu.dma_semaphore, #tpu.memory_space<semaphore_mem>>) src(%dma_wait3A_1100 : memref<1x32xf32, #tpu.memory_space<hbm>>) dst(%dma_wait3A_1097 : memref<1x32xf32, #tpu.memory_space<vmem>>)
      %dma_wait3A_1101 = arith.constant 0 : i32
      %dma_wait3A_1102 = arith.constant 0 : i32
      %dma_wait3A_1103 = tpu.memref_slice %arg6[%dma_wait3A_1101, %dma_wait3A_1102] : memref<256x32xf32, #tpu.memory_space<vmem>> -> memref<1x32xf32, #tpu.memory_space<vmem>>
      %dma_wait3A_1104 = arith.constant 0 : i32
      %dma_wait3A_1105 = arith.constant 0 : i32
      %dma_wait3A_1106 = tpu.memref_slice %arg3[%dma_wait3A_1104, %dma_wait3A_1105] : memref<100000x32xf32, #tpu.memory_space<hbm>> -> memref<1x32xf32, #tpu.memory_space<hbm>>
      %dma_wait3A_1107 = arith.constant 0 : i32
      %dma_wait3A_1108 = arith.constant 0 : i32
      %dma_wait3A_1109 = tpu.memref_slice %arg6[%dma_wait3A_1107, %dma_wait3A_1108] : memref<256x32xf32, #tpu.memory_space<vmem>> -> memref<1x32xf32, #tpu.memory_space<vmem>>
      %dma_wait3A_1110 = arith.constant 0 : i32
      %dma_wait3A_1111 = arith.constant 0 : i32
      %dma_wait3A_1112 = tpu.memref_slice %arg3[%dma_wait3A_1110, %dma_wait3A_1111] : memref<100000x32xf32, #tpu.memory_space<hbm>> -> memref<1x32xf32, #tpu.memory_space<hbm>>
      tpu.wait_dma2 semaphore(%arg7 : memref<!tpu.dma_semaphore, #tpu.memory_space<semaphore_mem>>) src(%dma_wait3A_1112 : memref<1x32xf32, #tpu.memory_space<hbm>>) dst(%dma_wait3A_1109 : memref<1x32xf32, #tpu.memory_space<vmem>>)
      %dma_wait3A_1113 = arith.constant 0 : i32
      %dma_wait3A_1114 = arith.constant 0 : i32
      %dma_wait3A_1115 = tpu.memref_slice %arg6[%dma_wait3A_1113, %dma_wait3A_1114] : memref<256x32xf32, #tpu.memory_space<vmem>> -> memref<1x32xf32, #tpu.memory_space<vmem>>
      %dma_wait3A_1116 = arith.constant 0 : i32
      %dma_wait3A_1117 = arith.constant 0 : i32
      %dma_wait3A_1118 = tpu.memref_slice %arg3[%dma_wait3A_1116, %dma_wait3A_1117] : memref<100000x32xf32, #tpu.memory_space<hbm>> -> memref<1x32xf32, #tpu.memory_space<hbm>>
      %dma_wait3A_1119 = arith.constant 0 : i32
      %dma_wait3A_1120 = arith.constant 0 : i32
      %dma_wait3A_1121 = tpu.memref_slice %arg6[%dma_wait3A_1119, %dma_wait3A_1120] : memref<256x32xf32, #tpu.memory_space<vmem>> -> memref<1x32xf32, #tpu.memory_space<vmem>>
      %dma_wait3A_1122 = arith.constant 0 : i32
      %dma_wait3A_1123 = arith.constant 0 : i32
      %dma_wait3A_1124 = tpu.memref_slice %arg3[%dma_wait3A_1122, %dma_wait3A_1123] : memref<100000x32xf32, #tpu.memory_space<hbm>> -> memref<1x32xf32, #tpu.memory_space<hbm>>
      tpu.wait_dma2 semaphore(%arg7 : memref<!tpu.dma_semaphore, #tpu.memory_space<semaphore_mem>>) src(%dma_wait3A_1124 : memref<1x32xf32, #tpu.memory_space<hbm>>) dst(%dma_wait3A_1121 : memref<1x32xf32, #tpu.memory_space<vmem>>)
      %dma_wait3A_1125 = arith.constant 0 : i32
      %dma_wait3A_1126 = arith.constant 0 : i32
      %dma_wait3A_1127 = tpu.memref_slice %arg6[%dma_wait3A_1125, %dma_wait3A_1126] : memref<256x32xf32, #tpu.memory_space<vmem>> -> memref<1x32xf32, #tpu.memory_space<vmem>>
      %dma_wait3A_1128 = arith.constant 0 : i32
      %dma_wait3A_1129 = arith.constant 0 : i32
      %dma_wait3A_1130 = tpu.memref_slice %arg3[%dma_wait3A_1128, %dma_wait3A_1129] : memref<100000x32xf32, #tpu.memory_space<hbm>> -> memref<1x32xf32, #tpu.memory_space<hbm>>
      %dma_wait3A_1131 = arith.constant 0 : i32
      %dma_wait3A_1132 = arith.constant 0 : i32
      %dma_wait3A_1133 = tpu.memref_slice %arg6[%dma_wait3A_1131, %dma_wait3A_1132] : memref<256x32xf32, #tpu.memory_space<vmem>> -> memref<1x32xf32, #tpu.memory_space<vmem>>
      %dma_wait3A_1134 = arith.constant 0 : i32
      %dma_wait3A_1135 = arith.constant 0 : i32
      %dma_wait3A_1136 = tpu.memref_slice %arg3[%dma_wait3A_1134, %dma_wait3A_1135] : memref<100000x32xf32, #tpu.memory_space<hbm>> -> memref<1x32xf32, #tpu.memory_space<hbm>>
      tpu.wait_dma2 semaphore(%arg7 : memref<!tpu.dma_semaphore, #tpu.memory_space<semaphore_mem>>) src(%dma_wait3A_1136 : memref<1x32xf32, #tpu.memory_space<hbm>>) dst(%dma_wait3A_1133 : memref<1x32xf32, #tpu.memory_space<vmem>>)
      %dma_wait3A_1137 = arith.constant 0 : i32
      %dma_wait3A_1138 = arith.constant 0 : i32
      %dma_wait3A_1139 = tpu.memref_slice %arg6[%dma_wait3A_1137, %dma_wait3A_1138] : memref<256x32xf32, #tpu.memory_space<vmem>> -> memref<1x32xf32, #tpu.memory_space<vmem>>
      %dma_wait3A_1140 = arith.constant 0 : i32
      %dma_wait3A_1141 = arith.constant 0 : i32
      %dma_wait3A_1142 = tpu.memref_slice %arg3[%dma_wait3A_1140, %dma_wait3A_1141] : memref<100000x32xf32, #tpu.memory_space<hbm>> -> memref<1x32xf32, #tpu.memory_space<hbm>>
      %dma_wait3A_1143 = arith.constant 0 : i32
      %dma_wait3A_1144 = arith.constant 0 : i32
      %dma_wait3A_1145 = tpu.memref_slice %arg6[%dma_wait3A_1143, %dma_wait3A_1144] : memref<256x32xf32, #tpu.memory_space<vmem>> -> memref<1x32xf32, #tpu.memory_space<vmem>>
      %dma_wait3A_1146 = arith.constant 0 : i32
      %dma_wait3A_1147 = arith.constant 0 : i32
      %dma_wait3A_1148 = tpu.memref_slice %arg3[%dma_wait3A_1146, %dma_wait3A_1147] : memref<100000x32xf32, #tpu.memory_space<hbm>> -> memref<1x32xf32, #tpu.memory_space<hbm>>
      tpu.wait_dma2 semaphore(%arg7 : memref<!tpu.dma_semaphore, #tpu.memory_space<semaphore_mem>>) src(%dma_wait3A_1148 : memref<1x32xf32, #tpu.memory_space<hbm>>) dst(%dma_wait3A_1145 : memref<1x32xf32, #tpu.memory_space<vmem>>)
      %dma_wait3A_1149 = arith.constant 0 : i32
      %dma_wait3A_1150 = arith.constant 0 : i32
      %dma_wait3A_1151 = tpu.memref_slice %arg6[%dma_wait3A_1149, %dma_wait3A_1150] : memref<256x32xf32, #tpu.memory_space<vmem>> -> memref<1x32xf32, #tpu.memory_space<vmem>>
      %dma_wait3A_1152 = arith.constant 0 : i32
      %dma_wait3A_1153 = arith.constant 0 : i32
      %dma_wait3A_1154 = tpu.memref_slice %arg3[%dma_wait3A_1152, %dma_wait3A_1153] : memref<100000x32xf32, #tpu.memory_space<hbm>> -> memref<1x32xf32, #tpu.memory_space<hbm>>
      %dma_wait3A_1155 = arith.constant 0 : i32
      %dma_wait3A_1156 = arith.constant 0 : i32
      %dma_wait3A_1157 = tpu.memref_slice %arg6[%dma_wait3A_1155, %dma_wait3A_1156] : memref<256x32xf32, #tpu.memory_space<vmem>> -> memref<1x32xf32, #tpu.memory_space<vmem>>
      %dma_wait3A_1158 = arith.constant 0 : i32
      %dma_wait3A_1159 = arith.constant 0 : i32
      %dma_wait3A_1160 = tpu.memref_slice %arg3[%dma_wait3A_1158, %dma_wait3A_1159] : memref<100000x32xf32, #tpu.memory_space<hbm>> -> memref<1x32xf32, #tpu.memory_space<hbm>>
      tpu.wait_dma2 semaphore(%arg7 : memref<!tpu.dma_semaphore, #tpu.memory_space<semaphore_mem>>) src(%dma_wait3A_1160 : memref<1x32xf32, #tpu.memory_space<hbm>>) dst(%dma_wait3A_1157 : memref<1x32xf32, #tpu.memory_space<vmem>>)
      %dma_wait3A_1161 = arith.constant 0 : i32
      %dma_wait3A_1162 = arith.constant 0 : i32
      %dma_wait3A_1163 = tpu.memref_slice %arg6[%dma_wait3A_1161, %dma_wait3A_1162] : memref<256x32xf32, #tpu.memory_space<vmem>> -> memref<1x32xf32, #tpu.memory_space<vmem>>
      %dma_wait3A_1164 = arith.constant 0 : i32
      %dma_wait3A_1165 = arith.constant 0 : i32
      %dma_wait3A_1166 = tpu.memref_slice %arg3[%dma_wait3A_1164, %dma_wait3A_1165] : memref<100000x32xf32, #tpu.memory_space<hbm>> -> memref<1x32xf32, #tpu.memory_space<hbm>>
      %dma_wait3A_1167 = arith.constant 0 : i32
      %dma_wait3A_1168 = arith.constant 0 : i32
      %dma_wait3A_1169 = tpu.memref_slice %arg6[%dma_wait3A_1167, %dma_wait3A_1168] : memref<256x32xf32, #tpu.memory_space<vmem>> -> memref<1x32xf32, #tpu.memory_space<vmem>>
      %dma_wait3A_1170 = arith.constant 0 : i32
      %dma_wait3A_1171 = arith.constant 0 : i32
      %dma_wait3A_1172 = tpu.memref_slice %arg3[%dma_wait3A_1170, %dma_wait3A_1171] : memref<100000x32xf32, #tpu.memory_space<hbm>> -> memref<1x32xf32, #tpu.memory_space<hbm>>
      tpu.wait_dma2 semaphore(%arg7 : memref<!tpu.dma_semaphore, #tpu.memory_space<semaphore_mem>>) src(%dma_wait3A_1172 : memref<1x32xf32, #tpu.memory_space<hbm>>) dst(%dma_wait3A_1169 : memref<1x32xf32, #tpu.memory_space<vmem>>)
      %dma_wait3A_1173 = arith.constant 0 : i32
      %dma_wait3A_1174 = arith.constant 0 : i32
      %dma_wait3A_1175 = tpu.memref_slice %arg6[%dma_wait3A_1173, %dma_wait3A_1174] : memref<256x32xf32, #tpu.memory_space<vmem>> -> memref<1x32xf32, #tpu.memory_space<vmem>>
      %dma_wait3A_1176 = arith.constant 0 : i32
      %dma_wait3A_1177 = arith.constant 0 : i32
      %dma_wait3A_1178 = tpu.memref_slice %arg3[%dma_wait3A_1176, %dma_wait3A_1177] : memref<100000x32xf32, #tpu.memory_space<hbm>> -> memref<1x32xf32, #tpu.memory_space<hbm>>
      %dma_wait3A_1179 = arith.constant 0 : i32
      %dma_wait3A_1180 = arith.constant 0 : i32
      %dma_wait3A_1181 = tpu.memref_slice %arg6[%dma_wait3A_1179, %dma_wait3A_1180] : memref<256x32xf32, #tpu.memory_space<vmem>> -> memref<1x32xf32, #tpu.memory_space<vmem>>
      %dma_wait3A_1182 = arith.constant 0 : i32
      %dma_wait3A_1183 = arith.constant 0 : i32
      %dma_wait3A_1184 = tpu.memref_slice %arg3[%dma_wait3A_1182, %dma_wait3A_1183] : memref<100000x32xf32, #tpu.memory_space<hbm>> -> memref<1x32xf32, #tpu.memory_space<hbm>>
      tpu.wait_dma2 semaphore(%arg7 : memref<!tpu.dma_semaphore, #tpu.memory_space<semaphore_mem>>) src(%dma_wait3A_1184 : memref<1x32xf32, #tpu.memory_space<hbm>>) dst(%dma_wait3A_1181 : memref<1x32xf32, #tpu.memory_space<vmem>>)
      %dma_wait3A_1185 = arith.constant 0 : i32
      %dma_wait3A_1186 = arith.constant 0 : i32
      %dma_wait3A_1187 = tpu.memref_slice %arg6[%dma_wait3A_1185, %dma_wait3A_1186] : memref<256x32xf32, #tpu.memory_space<vmem>> -> memref<1x32xf32, #tpu.memory_space<vmem>>
      %dma_wait3A_1188 = arith.constant 0 : i32
      %dma_wait3A_1189 = arith.constant 0 : i32
      %dma_wait3A_1190 = tpu.memref_slice %arg3[%dma_wait3A_1188, %dma_wait3A_1189] : memref<100000x32xf32, #tpu.memory_space<hbm>> -> memref<1x32xf32, #tpu.memory_space<hbm>>
      %dma_wait3A_1191 = arith.constant 0 : i32
      %dma_wait3A_1192 = arith.constant 0 : i32
      %dma_wait3A_1193 = tpu.memref_slice %arg6[%dma_wait3A_1191, %dma_wait3A_1192] : memref<256x32xf32, #tpu.memory_space<vmem>> -> memref<1x32xf32, #tpu.memory_space<vmem>>
      %dma_wait3A_1194 = arith.constant 0 : i32
      %dma_wait3A_1195 = arith.constant 0 : i32
      %dma_wait3A_1196 = tpu.memref_slice %arg3[%dma_wait3A_1194, %dma_wait3A_1195] : memref<100000x32xf32, #tpu.memory_space<hbm>> -> memref<1x32xf32, #tpu.memory_space<hbm>>
      tpu.wait_dma2 semaphore(%arg7 : memref<!tpu.dma_semaphore, #tpu.memory_space<semaphore_mem>>) src(%dma_wait3A_1196 : memref<1x32xf32, #tpu.memory_space<hbm>>) dst(%dma_wait3A_1193 : memref<1x32xf32, #tpu.memory_space<vmem>>)
      %dma_wait3A_1197 = arith.constant 0 : i32
      %dma_wait3A_1198 = arith.constant 0 : i32
      %dma_wait3A_1199 = tpu.memref_slice %arg6[%dma_wait3A_1197, %dma_wait3A_1198] : memref<256x32xf32, #tpu.memory_space<vmem>> -> memref<1x32xf32, #tpu.memory_space<vmem>>
      %dma_wait3A_1200 = arith.constant 0 : i32
      %dma_wait3A_1201 = arith.constant 0 : i32
      %dma_wait3A_1202 = tpu.memref_slice %arg3[%dma_wait3A_1200, %dma_wait3A_1201] : memref<100000x32xf32, #tpu.memory_space<hbm>> -> memref<1x32xf32, #tpu.memory_space<hbm>>
      %dma_wait3A_1203 = arith.constant 0 : i32
      %dma_wait3A_1204 = arith.constant 0 : i32
      %dma_wait3A_1205 = tpu.memref_slice %arg6[%dma_wait3A_1203, %dma_wait3A_1204] : memref<256x32xf32, #tpu.memory_space<vmem>> -> memref<1x32xf32, #tpu.memory_space<vmem>>
      %dma_wait3A_1206 = arith.constant 0 : i32
      %dma_wait3A_1207 = arith.constant 0 : i32
      %dma_wait3A_1208 = tpu.memref_slice %arg3[%dma_wait3A_1206, %dma_wait3A_1207] : memref<100000x32xf32, #tpu.memory_space<hbm>> -> memref<1x32xf32, #tpu.memory_space<hbm>>
      tpu.wait_dma2 semaphore(%arg7 : memref<!tpu.dma_semaphore, #tpu.memory_space<semaphore_mem>>) src(%dma_wait3A_1208 : memref<1x32xf32, #tpu.memory_space<hbm>>) dst(%dma_wait3A_1205 : memref<1x32xf32, #tpu.memory_space<vmem>>)
    }
    %scan3A_590 = arith.constant 15 : i32
    %dma_wait3A_591 = arith.constant 0 : i32
    %dma_wait3A_592 = arith.constant 0 : i32
    %dma_wait3A_593 = tpu.memref_slice %arg6[%dma_wait3A_591, %dma_wait3A_592] : memref<256x32xf32, #tpu.memory_space<vmem>> -> memref<1x32xf32, #tpu.memory_space<vmem>>
    %dma_wait3A_594 = arith.constant 0 : i32
    %dma_wait3A_595 = arith.constant 0 : i32
    %dma_wait3A_596 = tpu.memref_slice %arg3[%dma_wait3A_594, %dma_wait3A_595] : memref<100000x32xf32, #tpu.memory_space<hbm>> -> memref<1x32xf32, #tpu.memory_space<hbm>>
    %dma_wait3A_597 = arith.constant 0 : i32
    %dma_wait3A_598 = arith.constant 0 : i32
    %dma_wait3A_599 = tpu.memref_slice %arg6[%dma_wait3A_597, %dma_wait3A_598] : memref<256x32xf32, #tpu.memory_space<vmem>> -> memref<1x32xf32, #tpu.memory_space<vmem>>
    %dma_wait3A_600 = arith.constant 0 : i32
    %dma_wait3A_601 = arith.constant 0 : i32
    %dma_wait3A_602 = tpu.memref_slice %arg3[%dma_wait3A_600, %dma_wait3A_601] : memref<100000x32xf32, #tpu.memory_space<hbm>> -> memref<1x32xf32, #tpu.memory_space<hbm>>
    tpu.wait_dma2 semaphore(%arg7 : memref<!tpu.dma_semaphore, #tpu.memory_space<semaphore_mem>>) src(%dma_wait3A_602 : memref<1x32xf32, #tpu.memory_space<hbm>>) dst(%dma_wait3A_599 : memref<1x32xf32, #tpu.memory_space<vmem>>)
    %dma_wait3A_603 = arith.constant 0 : i32
    %dma_wait3A_604 = arith.constant 0 : i32
    %dma_wait3A_605 = tpu.memref_slice %arg6[%dma_wait3A_603, %dma_wait3A_604] : memref<256x32xf32, #tpu.memory_space<vmem>> -> memref<1x32xf32, #tpu.memory_space<vmem>>
    %dma_wait3A_606 = arith.constant 0 : i32
    %dma_wait3A_607 = arith.constant 0 : i32
    %dma_wait3A_608 = tpu.memref_slice %arg3[%dma_wait3A_606, %dma_wait3A_607] : memref<100000x32xf32, #tpu.memory_space<hbm>> -> memref<1x32xf32, #tpu.memory_space<hbm>>
    %dma_wait3A_609 = arith.constant 0 : i32
    %dma_wait3A_610 = arith.constant 0 : i32
    %dma_wait3A_611 = tpu.memref_slice %arg6[%dma_wait3A_609, %dma_wait3A_610] : memref<256x32xf32, #tpu.memory_space<vmem>> -> memref<1x32xf32, #tpu.memory_space<vmem>>
    %dma_wait3A_612 = arith.constant 0 : i32
    %dma_wait3A_613 = arith.constant 0 : i32
    %dma_wait3A_614 = tpu.memref_slice %arg3[%dma_wait3A_612, %dma_wait3A_613] : memref<100000x32xf32, #tpu.memory_space<hbm>> -> memref<1x32xf32, #tpu.memory_space<hbm>>
    tpu.wait_dma2 semaphore(%arg7 : memref<!tpu.dma_semaphore, #tpu.memory_space<semaphore_mem>>) src(%dma_wait3A_614 : memref<1x32xf32, #tpu.memory_space<hbm>>) dst(%dma_wait3A_611 : memref<1x32xf32, #tpu.memory_space<vmem>>)
    %dma_wait3A_615 = arith.constant 0 : i32
    %dma_wait3A_616 = arith.constant 0 : i32
    %dma_wait3A_617 = tpu.memref_slice %arg6[%dma_wait3A_615, %dma_wait3A_616] : memref<256x32xf32, #tpu.memory_space<vmem>> -> memref<1x32xf32, #tpu.memory_space<vmem>>
    %dma_wait3A_618 = arith.constant 0 : i32
    %dma_wait3A_619 = arith.constant 0 : i32
    %dma_wait3A_620 = tpu.memref_slice %arg3[%dma_wait3A_618, %dma_wait3A_619] : memref<100000x32xf32, #tpu.memory_space<hbm>> -> memref<1x32xf32, #tpu.memory_space<hbm>>
    %dma_wait3A_621 = arith.constant 0 : i32
    %dma_wait3A_622 = arith.constant 0 : i32
    %dma_wait3A_623 = tpu.memref_slice %arg6[%dma_wait3A_621, %dma_wait3A_622] : memref<256x32xf32, #tpu.memory_space<vmem>> -> memref<1x32xf32, #tpu.memory_space<vmem>>
    %dma_wait3A_624 = arith.constant 0 : i32
    %dma_wait3A_625 = arith.constant 0 : i32
    %dma_wait3A_626 = tpu.memref_slice %arg3[%dma_wait3A_624, %dma_wait3A_625] : memref<100000x32xf32, #tpu.memory_space<hbm>> -> memref<1x32xf32, #tpu.memory_space<hbm>>
    tpu.wait_dma2 semaphore(%arg7 : memref<!tpu.dma_semaphore, #tpu.memory_space<semaphore_mem>>) src(%dma_wait3A_626 : memref<1x32xf32, #tpu.memory_space<hbm>>) dst(%dma_wait3A_623 : memref<1x32xf32, #tpu.memory_space<vmem>>)
    %dma_wait3A_627 = arith.constant 0 : i32
    %dma_wait3A_628 = arith.constant 0 : i32
    %dma_wait3A_629 = tpu.memref_slice %arg6[%dma_wait3A_627, %dma_wait3A_628] : memref<256x32xf32, #tpu.memory_space<vmem>> -> memref<1x32xf32, #tpu.memory_space<vmem>>
    %dma_wait3A_630 = arith.constant 0 : i32
    %dma_wait3A_631 = arith.constant 0 : i32
    %dma_wait3A_632 = tpu.memref_slice %arg3[%dma_wait3A_630, %dma_wait3A_631] : memref<100000x32xf32, #tpu.memory_space<hbm>> -> memref<1x32xf32, #tpu.memory_space<hbm>>
    %dma_wait3A_633 = arith.constant 0 : i32
    %dma_wait3A_634 = arith.constant 0 : i32
    %dma_wait3A_635 = tpu.memref_slice %arg6[%dma_wait3A_633, %dma_wait3A_634] : memref<256x32xf32, #tpu.memory_space<vmem>> -> memref<1x32xf32, #tpu.memory_space<vmem>>
    %dma_wait3A_636 = arith.constant 0 : i32
    %dma_wait3A_637 = arith.constant 0 : i32
    %dma_wait3A_638 = tpu.memref_slice %arg3[%dma_wait3A_636, %dma_wait3A_637] : memref<100000x32xf32, #tpu.memory_space<hbm>> -> memref<1x32xf32, #tpu.memory_space<hbm>>
    tpu.wait_dma2 semaphore(%arg7 : memref<!tpu.dma_semaphore, #tpu.memory_space<semaphore_mem>>) src(%dma_wait3A_638 : memref<1x32xf32, #tpu.memory_space<hbm>>) dst(%dma_wait3A_635 : memref<1x32xf32, #tpu.memory_space<vmem>>)
    %dma_wait3A_639 = arith.constant 0 : i32
    %dma_wait3A_640 = arith.constant 0 : i32
    %dma_wait3A_641 = tpu.memref_slice %arg6[%dma_wait3A_639, %dma_wait3A_640] : memref<256x32xf32, #tpu.memory_space<vmem>> -> memref<1x32xf32, #tpu.memory_space<vmem>>
    %dma_wait3A_642 = arith.constant 0 : i32
    %dma_wait3A_643 = arith.constant 0 : i32
    %dma_wait3A_644 = tpu.memref_slice %arg3[%dma_wait3A_642, %dma_wait3A_643] : memref<100000x32xf32, #tpu.memory_space<hbm>> -> memref<1x32xf32, #tpu.memory_space<hbm>>
    %dma_wait3A_645 = arith.constant 0 : i32
    %dma_wait3A_646 = arith.constant 0 : i32
    %dma_wait3A_647 = tpu.memref_slice %arg6[%dma_wait3A_645, %dma_wait3A_646] : memref<256x32xf32, #tpu.memory_space<vmem>> -> memref<1x32xf32, #tpu.memory_space<vmem>>
    %dma_wait3A_648 = arith.constant 0 : i32
    %dma_wait3A_649 = arith.constant 0 : i32
    %dma_wait3A_650 = tpu.memref_slice %arg3[%dma_wait3A_648, %dma_wait3A_649] : memref<100000x32xf32, #tpu.memory_space<hbm>> -> memref<1x32xf32, #tpu.memory_space<hbm>>
    tpu.wait_dma2 semaphore(%arg7 : memref<!tpu.dma_semaphore, #tpu.memory_space<semaphore_mem>>) src(%dma_wait3A_650 : memref<1x32xf32, #tpu.memory_space<hbm>>) dst(%dma_wait3A_647 : memref<1x32xf32, #tpu.memory_space<vmem>>)
    %dma_wait3A_651 = arith.constant 0 : i32
    %dma_wait3A_652 = arith.constant 0 : i32
    %dma_wait3A_653 = tpu.memref_slice %arg6[%dma_wait3A_651, %dma_wait3A_652] : memref<256x32xf32, #tpu.memory_space<vmem>> -> memref<1x32xf32, #tpu.memory_space<vmem>>
    %dma_wait3A_654 = arith.constant 0 : i32
    %dma_wait3A_655 = arith.constant 0 : i32
    %dma_wait3A_656 = tpu.memref_slice %arg3[%dma_wait3A_654, %dma_wait3A_655] : memref<100000x32xf32, #tpu.memory_space<hbm>> -> memref<1x32xf32, #tpu.memory_space<hbm>>
    %dma_wait3A_657 = arith.constant 0 : i32
    %dma_wait3A_658 = arith.constant 0 : i32
    %dma_wait3A_659 = tpu.memref_slice %arg6[%dma_wait3A_657, %dma_wait3A_658] : memref<256x32xf32, #tpu.memory_space<vmem>> -> memref<1x32xf32, #tpu.memory_space<vmem>>
    %dma_wait3A_660 = arith.constant 0 : i32
    %dma_wait3A_661 = arith.constant 0 : i32
    %dma_wait3A_662 = tpu.memref_slice %arg3[%dma_wait3A_660, %dma_wait3A_661] : memref<100000x32xf32, #tpu.memory_space<hbm>> -> memref<1x32xf32, #tpu.memory_space<hbm>>
    tpu.wait_dma2 semaphore(%arg7 : memref<!tpu.dma_semaphore, #tpu.memory_space<semaphore_mem>>) src(%dma_wait3A_662 : memref<1x32xf32, #tpu.memory_space<hbm>>) dst(%dma_wait3A_659 : memref<1x32xf32, #tpu.memory_space<vmem>>)
    %dma_wait3A_663 = arith.constant 0 : i32
    %dma_wait3A_664 = arith.constant 0 : i32
    %dma_wait3A_665 = tpu.memref_slice %arg6[%dma_wait3A_663, %dma_wait3A_664] : memref<256x32xf32, #tpu.memory_space<vmem>> -> memref<1x32xf32, #tpu.memory_space<vmem>>
    %dma_wait3A_666 = arith.constant 0 : i32
    %dma_wait3A_667 = arith.constant 0 : i32
    %dma_wait3A_668 = tpu.memref_slice %arg3[%dma_wait3A_666, %dma_wait3A_667] : memref<100000x32xf32, #tpu.memory_space<hbm>> -> memref<1x32xf32, #tpu.memory_space<hbm>>
    %dma_wait3A_669 = arith.constant 0 : i32
    %dma_wait3A_670 = arith.constant 0 : i32
    %dma_wait3A_671 = tpu.memref_slice %arg6[%dma_wait3A_669, %dma_wait3A_670] : memref<256x32xf32, #tpu.memory_space<vmem>> -> memref<1x32xf32, #tpu.memory_space<vmem>>
    %dma_wait3A_672 = arith.constant 0 : i32
    %dma_wait3A_673 = arith.constant 0 : i32
    %dma_wait3A_674 = tpu.memref_slice %arg3[%dma_wait3A_672, %dma_wait3A_673] : memref<100000x32xf32, #tpu.memory_space<hbm>> -> memref<1x32xf32, #tpu.memory_space<hbm>>
    tpu.wait_dma2 semaphore(%arg7 : memref<!tpu.dma_semaphore, #tpu.memory_space<semaphore_mem>>) src(%dma_wait3A_674 : memref<1x32xf32, #tpu.memory_space<hbm>>) dst(%dma_wait3A_671 : memref<1x32xf32, #tpu.memory_space<vmem>>)
    %dma_wait3A_675 = arith.constant 0 : i32
    %dma_wait3A_676 = arith.constant 0 : i32
    %dma_wait3A_677 = tpu.memref_slice %arg6[%dma_wait3A_675, %dma_wait3A_676] : memref<256x32xf32, #tpu.memory_space<vmem>> -> memref<1x32xf32, #tpu.memory_space<vmem>>
    %dma_wait3A_678 = arith.constant 0 : i32
    %dma_wait3A_679 = arith.constant 0 : i32
    %dma_wait3A_680 = tpu.memref_slice %arg3[%dma_wait3A_678, %dma_wait3A_679] : memref<100000x32xf32, #tpu.memory_space<hbm>> -> memref<1x32xf32, #tpu.memory_space<hbm>>
    %dma_wait3A_681 = arith.constant 0 : i32
    %dma_wait3A_682 = arith.constant 0 : i32
    %dma_wait3A_683 = tpu.memref_slice %arg6[%dma_wait3A_681, %dma_wait3A_682] : memref<256x32xf32, #tpu.memory_space<vmem>> -> memref<1x32xf32, #tpu.memory_space<vmem>>
    %dma_wait3A_684 = arith.constant 0 : i32
    %dma_wait3A_685 = arith.constant 0 : i32
    %dma_wait3A_686 = tpu.memref_slice %arg3[%dma_wait3A_684, %dma_wait3A_685] : memref<100000x32xf32, #tpu.memory_space<hbm>> -> memref<1x32xf32, #tpu.memory_space<hbm>>
    tpu.wait_dma2 semaphore(%arg7 : memref<!tpu.dma_semaphore, #tpu.memory_space<semaphore_mem>>) src(%dma_wait3A_686 : memref<1x32xf32, #tpu.memory_space<hbm>>) dst(%dma_wait3A_683 : memref<1x32xf32, #tpu.memory_space<vmem>>)
    %dma_wait3A_687 = arith.constant 0 : i32
    %dma_wait3A_688 = arith.constant 0 : i32
    %dma_wait3A_689 = tpu.memref_slice %arg6[%dma_wait3A_687, %dma_wait3A_688] : memref<256x32xf32, #tpu.memory_space<vmem>> -> memref<1x32xf32, #tpu.memory_space<vmem>>
    %dma_wait3A_690 = arith.constant 0 : i32
    %dma_wait3A_691 = arith.constant 0 : i32
    %dma_wait3A_692 = tpu.memref_slice %arg3[%dma_wait3A_690, %dma_wait3A_691] : memref<100000x32xf32, #tpu.memory_space<hbm>> -> memref<1x32xf32, #tpu.memory_space<hbm>>
    %dma_wait3A_693 = arith.constant 0 : i32
    %dma_wait3A_694 = arith.constant 0 : i32
    %dma_wait3A_695 = tpu.memref_slice %arg6[%dma_wait3A_693, %dma_wait3A_694] : memref<256x32xf32, #tpu.memory_space<vmem>> -> memref<1x32xf32, #tpu.memory_space<vmem>>
    %dma_wait3A_696 = arith.constant 0 : i32
    %dma_wait3A_697 = arith.constant 0 : i32
    %dma_wait3A_698 = tpu.memref_slice %arg3[%dma_wait3A_696, %dma_wait3A_697] : memref<100000x32xf32, #tpu.memory_space<hbm>> -> memref<1x32xf32, #tpu.memory_space<hbm>>
    tpu.wait_dma2 semaphore(%arg7 : memref<!tpu.dma_semaphore, #tpu.memory_space<semaphore_mem>>) src(%dma_wait3A_698 : memref<1x32xf32, #tpu.memory_space<hbm>>) dst(%dma_wait3A_695 : memref<1x32xf32, #tpu.memory_space<vmem>>)
    %dma_wait3A_699 = arith.constant 0 : i32
    %dma_wait3A_700 = arith.constant 0 : i32
    %dma_wait3A_701 = tpu.memref_slice %arg6[%dma_wait3A_699, %dma_wait3A_700] : memref<256x32xf32, #tpu.memory_space<vmem>> -> memref<1x32xf32, #tpu.memory_space<vmem>>
    %dma_wait3A_702 = arith.constant 0 : i32
    %dma_wait3A_703 = arith.constant 0 : i32
    %dma_wait3A_704 = tpu.memref_slice %arg3[%dma_wait3A_702, %dma_wait3A_703] : memref<100000x32xf32, #tpu.memory_space<hbm>> -> memref<1x32xf32, #tpu.memory_space<hbm>>
    %dma_wait3A_705 = arith.constant 0 : i32
    %dma_wait3A_706 = arith.constant 0 : i32
    %dma_wait3A_707 = tpu.memref_slice %arg6[%dma_wait3A_705, %dma_wait3A_706] : memref<256x32xf32, #tpu.memory_space<vmem>> -> memref<1x32xf32, #tpu.memory_space<vmem>>
    %dma_wait3A_708 = arith.constant 0 : i32
    %dma_wait3A_709 = arith.constant 0 : i32
    %dma_wait3A_710 = tpu.memref_slice %arg3[%dma_wait3A_708, %dma_wait3A_709] : memref<100000x32xf32, #tpu.memory_space<hbm>> -> memref<1x32xf32, #tpu.memory_space<hbm>>
    tpu.wait_dma2 semaphore(%arg7 : memref<!tpu.dma_semaphore, #tpu.memory_space<semaphore_mem>>) src(%dma_wait3A_710 : memref<1x32xf32, #tpu.memory_space<hbm>>) dst(%dma_wait3A_707 : memref<1x32xf32, #tpu.memory_space<vmem>>)
    %dma_wait3A_711 = arith.constant 0 : i32
    %dma_wait3A_712 = arith.constant 0 : i32
    %dma_wait3A_713 = tpu.memref_slice %arg6[%dma_wait3A_711, %dma_wait3A_712] : memref<256x32xf32, #tpu.memory_space<vmem>> -> memref<1x32xf32, #tpu.memory_space<vmem>>
    %dma_wait3A_714 = arith.constant 0 : i32
    %dma_wait3A_715 = arith.constant 0 : i32
    %dma_wait3A_716 = tpu.memref_slice %arg3[%dma_wait3A_714, %dma_wait3A_715] : memref<100000x32xf32, #tpu.memory_space<hbm>> -> memref<1x32xf32, #tpu.memory_space<hbm>>
    %dma_wait3A_717 = arith.constant 0 : i32
    %dma_wait3A_718 = arith.constant 0 : i32
    %dma_wait3A_719 = tpu.memref_slice %arg6[%dma_wait3A_717, %dma_wait3A_718] : memref<256x32xf32, #tpu.memory_space<vmem>> -> memref<1x32xf32, #tpu.memory_space<vmem>>
    %dma_wait3A_720 = arith.constant 0 : i32
    %dma_wait3A_721 = arith.constant 0 : i32
    %dma_wait3A_722 = tpu.memref_slice %arg3[%dma_wait3A_720, %dma_wait3A_721] : memref<100000x32xf32, #tpu.memory_space<hbm>> -> memref<1x32xf32, #tpu.memory_space<hbm>>
    tpu.wait_dma2 semaphore(%arg7 : memref<!tpu.dma_semaphore, #tpu.memory_space<semaphore_mem>>) src(%dma_wait3A_722 : memref<1x32xf32, #tpu.memory_space<hbm>>) dst(%dma_wait3A_719 : memref<1x32xf32, #tpu.memory_space<vmem>>)
    %dma_wait3A_723 = arith.constant 0 : i32
    %dma_wait3A_724 = arith.constant 0 : i32
    %dma_wait3A_725 = tpu.memref_slice %arg6[%dma_wait3A_723, %dma_wait3A_724] : memref<256x32xf32, #tpu.memory_space<vmem>> -> memref<1x32xf32, #tpu.memory_space<vmem>>
    %dma_wait3A_726 = arith.constant 0 : i32
    %dma_wait3A_727 = arith.constant 0 : i32
    %dma_wait3A_728 = tpu.memref_slice %arg3[%dma_wait3A_726, %dma_wait3A_727] : memref<100000x32xf32, #tpu.memory_space<hbm>> -> memref<1x32xf32, #tpu.memory_space<hbm>>
    %dma_wait3A_729 = arith.constant 0 : i32
    %dma_wait3A_730 = arith.constant 0 : i32
    %dma_wait3A_731 = tpu.memref_slice %arg6[%dma_wait3A_729, %dma_wait3A_730] : memref<256x32xf32, #tpu.memory_space<vmem>> -> memref<1x32xf32, #tpu.memory_space<vmem>>
    %dma_wait3A_732 = arith.constant 0 : i32
    %dma_wait3A_733 = arith.constant 0 : i32
    %dma_wait3A_734 = tpu.memref_slice %arg3[%dma_wait3A_732, %dma_wait3A_733] : memref<100000x32xf32, #tpu.memory_space<hbm>> -> memref<1x32xf32, #tpu.memory_space<hbm>>
    tpu.wait_dma2 semaphore(%arg7 : memref<!tpu.dma_semaphore, #tpu.memory_space<semaphore_mem>>) src(%dma_wait3A_734 : memref<1x32xf32, #tpu.memory_space<hbm>>) dst(%dma_wait3A_731 : memref<1x32xf32, #tpu.memory_space<vmem>>)
    %dma_wait3A_735 = arith.constant 0 : i32
    %dma_wait3A_736 = arith.constant 0 : i32
    %dma_wait3A_737 = tpu.memref_slice %arg6[%dma_wait3A_735, %dma_wait3A_736] : memref<256x32xf32, #tpu.memory_space<vmem>> -> memref<1x32xf32, #tpu.memory_space<vmem>>
    %dma_wait3A_738 = arith.constant 0 : i32
    %dma_wait3A_739 = arith.constant 0 : i32
    %dma_wait3A_740 = tpu.memref_slice %arg3[%dma_wait3A_738, %dma_wait3A_739] : memref<100000x32xf32, #tpu.memory_space<hbm>> -> memref<1x32xf32, #tpu.memory_space<hbm>>
    %dma_wait3A_741 = arith.constant 0 : i32
    %dma_wait3A_742 = arith.constant 0 : i32
    %dma_wait3A_743 = tpu.memref_slice %arg6[%dma_wait3A_741, %dma_wait3A_742] : memref<256x32xf32, #tpu.memory_space<vmem>> -> memref<1x32xf32, #tpu.memory_space<vmem>>
    %dma_wait3A_744 = arith.constant 0 : i32
    %dma_wait3A_745 = arith.constant 0 : i32
    %dma_wait3A_746 = tpu.memref_slice %arg3[%dma_wait3A_744, %dma_wait3A_745] : memref<100000x32xf32, #tpu.memory_space<hbm>> -> memref<1x32xf32, #tpu.memory_space<hbm>>
    tpu.wait_dma2 semaphore(%arg7 : memref<!tpu.dma_semaphore, #tpu.memory_space<semaphore_mem>>) src(%dma_wait3A_746 : memref<1x32xf32, #tpu.memory_space<hbm>>) dst(%dma_wait3A_743 : memref<1x32xf32, #tpu.memory_space<vmem>>)
    %dma_wait3A_747 = arith.constant 0 : i32
    %dma_wait3A_748 = arith.constant 0 : i32
    %dma_wait3A_749 = tpu.memref_slice %arg6[%dma_wait3A_747, %dma_wait3A_748] : memref<256x32xf32, #tpu.memory_space<vmem>> -> memref<1x32xf32, #tpu.memory_space<vmem>>
    %dma_wait3A_750 = arith.constant 0 : i32
    %dma_wait3A_751 = arith.constant 0 : i32
    %dma_wait3A_752 = tpu.memref_slice %arg3[%dma_wait3A_750, %dma_wait3A_751] : memref<100000x32xf32, #tpu.memory_space<hbm>> -> memref<1x32xf32, #tpu.memory_space<hbm>>
    %dma_wait3A_753 = arith.constant 0 : i32
    %dma_wait3A_754 = arith.constant 0 : i32
    %dma_wait3A_755 = tpu.memref_slice %arg6[%dma_wait3A_753, %dma_wait3A_754] : memref<256x32xf32, #tpu.memory_space<vmem>> -> memref<1x32xf32, #tpu.memory_space<vmem>>
    %dma_wait3A_756 = arith.constant 0 : i32
    %dma_wait3A_757 = arith.constant 0 : i32
    %dma_wait3A_758 = tpu.memref_slice %arg3[%dma_wait3A_756, %dma_wait3A_757] : memref<100000x32xf32, #tpu.memory_space<hbm>> -> memref<1x32xf32, #tpu.memory_space<hbm>>
    tpu.wait_dma2 semaphore(%arg7 : memref<!tpu.dma_semaphore, #tpu.memory_space<semaphore_mem>>) src(%dma_wait3A_758 : memref<1x32xf32, #tpu.memory_space<hbm>>) dst(%dma_wait3A_755 : memref<1x32xf32, #tpu.memory_space<vmem>>)
    %dma_wait3A_759 = arith.constant 0 : i32
    %dma_wait3A_760 = arith.constant 0 : i32
    %dma_wait3A_761 = tpu.memref_slice %arg6[%dma_wait3A_759, %dma_wait3A_760] : memref<256x32xf32, #tpu.memory_space<vmem>> -> memref<1x32xf32, #tpu.memory_space<vmem>>
    %dma_wait3A_762 = arith.constant 0 : i32
    %dma_wait3A_763 = arith.constant 0 : i32
    %dma_wait3A_764 = tpu.memref_slice %arg3[%dma_wait3A_762, %dma_wait3A_763] : memref<100000x32xf32, #tpu.memory_space<hbm>> -> memref<1x32xf32, #tpu.memory_space<hbm>>
    %dma_wait3A_765 = arith.constant 0 : i32
    %dma_wait3A_766 = arith.constant 0 : i32
    %dma_wait3A_767 = tpu.memref_slice %arg6[%dma_wait3A_765, %dma_wait3A_766] : memref<256x32xf32, #tpu.memory_space<vmem>> -> memref<1x32xf32, #tpu.memory_space<vmem>>
    %dma_wait3A_768 = arith.constant 0 : i32
    %dma_wait3A_769 = arith.constant 0 : i32
    %dma_wait3A_770 = tpu.memref_slice %arg3[%dma_wait3A_768, %dma_wait3A_769] : memref<100000x32xf32, #tpu.memory_space<hbm>> -> memref<1x32xf32, #tpu.memory_space<hbm>>
    tpu.wait_dma2 semaphore(%arg7 : memref<!tpu.dma_semaphore, #tpu.memory_space<semaphore_mem>>) src(%dma_wait3A_770 : memref<1x32xf32, #tpu.memory_space<hbm>>) dst(%dma_wait3A_767 : memref<1x32xf32, #tpu.memory_space<vmem>>)
    %dma_wait3A_771 = arith.constant 0 : i32
    %dma_wait3A_772 = arith.constant 0 : i32
    %dma_wait3A_773 = tpu.memref_slice %arg6[%dma_wait3A_771, %dma_wait3A_772] : memref<256x32xf32, #tpu.memory_space<vmem>> -> memref<1x32xf32, #tpu.memory_space<vmem>>
    %dma_wait3A_774 = arith.constant 0 : i32
    %dma_wait3A_775 = arith.constant 0 : i32
    %dma_wait3A_776 = tpu.memref_slice %arg3[%dma_wait3A_774, %dma_wait3A_775] : memref<100000x32xf32, #tpu.memory_space<hbm>> -> memref<1x32xf32, #tpu.memory_space<hbm>>
    %dma_wait3A_777 = arith.constant 0 : i32
    %dma_wait3A_778 = arith.constant 0 : i32
    %dma_wait3A_779 = tpu.memref_slice %arg6[%dma_wait3A_777, %dma_wait3A_778] : memref<256x32xf32, #tpu.memory_space<vmem>> -> memref<1x32xf32, #tpu.memory_space<vmem>>
    %dma_wait3A_780 = arith.constant 0 : i32
    %dma_wait3A_781 = arith.constant 0 : i32
    %dma_wait3A_782 = tpu.memref_slice %arg3[%dma_wait3A_780, %dma_wait3A_781] : memref<100000x32xf32, #tpu.memory_space<hbm>> -> memref<1x32xf32, #tpu.memory_space<hbm>>
    tpu.wait_dma2 semaphore(%arg7 : memref<!tpu.dma_semaphore, #tpu.memory_space<semaphore_mem>>) src(%dma_wait3A_782 : memref<1x32xf32, #tpu.memory_space<hbm>>) dst(%dma_wait3A_779 : memref<1x32xf32, #tpu.memory_space<vmem>>)
    %add3A_783 = arith.constant 256 : i32
    %add3A_784 = arith.addi %mul3A_2, %add3A_783 : i32
    "tpu.region"() ({
      %run_scoped3A = tpu.sem_alloc : memref<!tpu.dma_semaphore, #tpu.memory_space<semaphore_mem>>
      %dma_start3A_785 = arith.constant 0 : i32
      %dma_start3A_786 = tpu.memref_slice %arg4[%add3A_784, %dma_start3A_785] : memref<16384x32xf32, #tpu.memory_space<hbm>> -> memref<256x32xf32, #tpu.memory_space<hbm>>
      %dma_start3A_787 = arith.constant 0 : i32
      %dma_start3A_788 = tpu.memref_slice %arg4[%add3A_784, %dma_start3A_787] : memref<16384x32xf32, #tpu.memory_space<hbm>> -> memref<256x32xf32, #tpu.memory_space<hbm>>
      tpu.enqueue_dma source(%arg6 : memref<256x32xf32, #tpu.memory_space<vmem>>) target(%dma_start3A_788 : memref<256x32xf32, #tpu.memory_space<hbm>>) target_semaphore(%run_scoped3A : memref<!tpu.dma_semaphore, #tpu.memory_space<semaphore_mem>>)
      %dma_wait3A_789 = arith.constant 0 : i32
      %dma_wait3A_790 = tpu.memref_slice %arg4[%add3A_784, %dma_wait3A_789] : memref<16384x32xf32, #tpu.memory_space<hbm>> -> memref<256x32xf32, #tpu.memory_space<hbm>>
      %dma_wait3A_791 = arith.constant 0 : i32
      %dma_wait3A_792 = tpu.memref_slice %arg4[%add3A_784, %dma_wait3A_791] : memref<16384x32xf32, #tpu.memory_space<hbm>> -> memref<256x32xf32, #tpu.memory_space<hbm>>
      tpu.wait_dma2 semaphore(%run_scoped3A : memref<!tpu.dma_semaphore, #tpu.memory_space<semaphore_mem>>) src(%arg6 : memref<256x32xf32, #tpu.memory_space<vmem>>) dst(%dma_wait3A_792 : memref<256x32xf32, #tpu.memory_space<hbm>>)
      tpu.yield
    }) : () -> ()
    return
  }
}

#map = affine_map<(d0, d1) -> (0)>
#map1 = affine_map<(d0, d1) -> (0, 0)>
module attributes {stable_mosaic.version = 14 : i64} {
  func.func @gather_kernel(%arg0: i32, %arg1: i32, %arg2: memref<16384xi32, #tpu.memory_space<hbm>>, %arg3: memref<1000000x32xf32, #tpu.memory_space<hbm>>, %arg4: memref<16384x32xf32, #tpu.memory_space<hbm>>, %arg5: memref<512xi32, #tpu.memory_space<vmem>>, %arg6: memref<256x32xf32, #tpu.memory_space<vmem>>, %arg7: memref<!tpu.dma_semaphore, #tpu.memory_space<semaphore_mem>>) attributes {dimension_semantics = [#tpu.dimension_semantics<core_parallel>, #tpu.dimension_semantics<subcore_parallel>], iteration_bounds = array<i64: 2, 16>, scalar_prefetch = 0 : i64, scratch_operands = 3 : i64, tpu.core_type = #tpu.core_type<sc_vector_subcore>, window_params = [{transform_indices = #map}, {transform_indices = #map1}, {transform_indices = #map1}]} {
    %mul3A = arith.constant 2 : i32
    %mul3A_0 = arith.muli %arg1, %mul3A : i32
    %add3A = arith.addi %mul3A_0, %arg0 : i32
    %mul3A_1 = arith.constant 512 : i32
    %mul3A_2 = arith.muli %add3A, %mul3A_1 : i32
    "tpu.region"() ({
      %run_scoped3A = tpu.sem_alloc : memref<!tpu.dma_semaphore, #tpu.memory_space<semaphore_mem>>
      %dma_start3A_785 = tpu.memref_slice %arg2[%mul3A_2] : memref<16384xi32, #tpu.memory_space<hbm>> -> memref<512xi32, #tpu.memory_space<hbm>>
      %dma_start3A_786 = tpu.memref_slice %arg2[%mul3A_2] : memref<16384xi32, #tpu.memory_space<hbm>> -> memref<512xi32, #tpu.memory_space<hbm>>
      tpu.enqueue_dma source(%dma_start3A_786 : memref<512xi32, #tpu.memory_space<hbm>>) target(%arg5 : memref<512xi32, #tpu.memory_space<vmem>>) target_semaphore(%run_scoped3A : memref<!tpu.dma_semaphore, #tpu.memory_space<semaphore_mem>>)
      %dma_wait3A_787 = tpu.memref_slice %arg2[%mul3A_2] : memref<16384xi32, #tpu.memory_space<hbm>> -> memref<512xi32, #tpu.memory_space<hbm>>
      %dma_wait3A_788 = tpu.memref_slice %arg2[%mul3A_2] : memref<16384xi32, #tpu.memory_space<hbm>> -> memref<512xi32, #tpu.memory_space<hbm>>
      tpu.wait_dma2 semaphore(%run_scoped3A : memref<!tpu.dma_semaphore, #tpu.memory_space<semaphore_mem>>) src(%dma_wait3A_788 : memref<512xi32, #tpu.memory_space<hbm>>) dst(%arg5 : memref<512xi32, #tpu.memory_space<vmem>>)
      tpu.yield
    }) : () -> ()
    %get3A = arith.constant 0 : index
    %get3A_3 = tpu.vector_load %arg5[%get3A] {strides = array<i32>} : memref<512xi32, #tpu.memory_space<vmem>>, vector<16xi32>,
    %get3A_4 = vector.shape_cast %get3A_3 : vector<16xi32> to vector<16xi32>
    %slice3A = vector.extract_strided_slice %get3A_4 {offsets = [0], sizes = [1], strides = [1]} : vector<16xi32> to vector<1xi32>
    %squeeze3A = vector.extract %slice3A[0] : i32 from vector<1xi32>
    %dma_start3A = arith.constant 0 : i32
    %dma_start3A_5 = arith.constant 0 : i32
    %dma_start3A_6 = tpu.memref_slice %arg6[%dma_start3A, %dma_start3A_5] : memref<256x32xf32, #tpu.memory_space<vmem>> -> memref<1x32xf32, #tpu.memory_space<vmem>>
    %dma_start3A_7 = arith.constant 0 : i32
    %dma_start3A_8 = tpu.memref_slice %arg3[%squeeze3A, %dma_start3A_7] : memref<1000000x32xf32, #tpu.memory_space<hbm>> -> memref<1x32xf32, #tpu.memory_space<hbm>>
    %dma_start3A_9 = arith.constant 0 : i32
    %dma_start3A_10 = arith.constant 0 : i32
    %dma_start3A_11 = tpu.memref_slice %arg6[%dma_start3A_9, %dma_start3A_10] : memref<256x32xf32, #tpu.memory_space<vmem>> -> memref<1x32xf32, #tpu.memory_space<vmem>>
    %dma_start3A_12 = arith.constant 0 : i32
    %dma_start3A_13 = tpu.memref_slice %arg3[%squeeze3A, %dma_start3A_12] : memref<1000000x32xf32, #tpu.memory_space<hbm>> -> memref<1x32xf32, #tpu.memory_space<hbm>>
    tpu.enqueue_dma source(%dma_start3A_13 : memref<1x32xf32, #tpu.memory_space<hbm>>) target(%dma_start3A_11 : memref<1x32xf32, #tpu.memory_space<vmem>>) target_semaphore(%arg7 : memref<!tpu.dma_semaphore, #tpu.memory_space<semaphore_mem>>)
    %slice3A_14 = vector.extract_strided_slice %get3A_4 {offsets = [1], sizes = [1], strides = [1]} : vector<16xi32> to vector<1xi32>
    %squeeze3A_15 = vector.extract %slice3A_14[0] : i32 from vector<1xi32>
    %dma_start3A_16 = arith.constant 1 : i32
    %dma_start3A_17 = arith.constant 0 : i32
    %dma_start3A_18 = tpu.memref_slice %arg6[%dma_start3A_16, %dma_start3A_17] : memref<256x32xf32, #tpu.memory_space<vmem>> -> memref<1x32xf32, #tpu.memory_space<vmem>>
    %dma_start3A_19 = arith.constant 0 : i32
    %dma_start3A_20 = tpu.memref_slice %arg3[%squeeze3A_15, %dma_start3A_19] : memref<1000000x32xf32, #tpu.memory_space<hbm>> -> memref<1x32xf32, #tpu.memory_space<hbm>>
    %dma_start3A_21 = arith.constant 1 : i32
    %dma_start3A_22 = arith.constant 0 : i32
    %dma_start3A_23 = tpu.memref_slice %arg6[%dma_start3A_21, %dma_start3A_22] : memref<256x32xf32, #tpu.memory_space<vmem>> -> memref<1x32xf32, #tpu.memory_space<vmem>>
    %dma_start3A_24 = arith.constant 0 : i32
    %dma_start3A_25 = tpu.memref_slice %arg3[%squeeze3A_15, %dma_start3A_24] : memref<1000000x32xf32, #tpu.memory_space<hbm>> -> memref<1x32xf32, #tpu.memory_space<hbm>>
    tpu.enqueue_dma source(%dma_start3A_25 : memref<1x32xf32, #tpu.memory_space<hbm>>) target(%dma_start3A_23 : memref<1x32xf32, #tpu.memory_space<vmem>>) target_semaphore(%arg7 : memref<!tpu.dma_semaphore, #tpu.memory_space<semaphore_mem>>)
    %slice3A_26 = vector.extract_strided_slice %get3A_4 {offsets = [2], sizes = [1], strides = [1]} : vector<16xi32> to vector<1xi32>
    %squeeze3A_27 = vector.extract %slice3A_26[0] : i32 from vector<1xi32>
    %dma_start3A_28 = arith.constant 2 : i32
    %dma_start3A_29 = arith.constant 0 : i32
    %dma_start3A_30 = tpu.memref_slice %arg6[%dma_start3A_28, %dma_start3A_29] : memref<256x32xf32, #tpu.memory_space<vmem>> -> memref<1x32xf32, #tpu.memory_space<vmem>>
    %dma_start3A_31 = arith.constant 0 : i32
    %dma_start3A_32 = tpu.memref_slice %arg3[%squeeze3A_27, %dma_start3A_31] : memref<1000000x32xf32, #tpu.memory_space<hbm>> -> memref<1x32xf32, #tpu.memory_space<hbm>>
    %dma_start3A_33 = arith.constant 2 : i32
    %dma_start3A_34 = arith.constant 0 : i32
    %dma_start3A_35 = tpu.memref_slice %arg6[%dma_start3A_33, %dma_start3A_34] : memref<256x32xf32, #tpu.memory_space<vmem>> -> memref<1x32xf32, #tpu.memory_space<vmem>>
    %dma_start3A_36 = arith.constant 0 : i32
    %dma_start3A_37 = tpu.memref_slice %arg3[%squeeze3A_27, %dma_start3A_36] : memref<1000000x32xf32, #tpu.memory_space<hbm>> -> memref<1x32xf32, #tpu.memory_space<hbm>>
    tpu.enqueue_dma source(%dma_start3A_37 : memref<1x32xf32, #tpu.memory_space<hbm>>) target(%dma_start3A_35 : memref<1x32xf32, #tpu.memory_space<vmem>>) target_semaphore(%arg7 : memref<!tpu.dma_semaphore, #tpu.memory_space<semaphore_mem>>)
    %slice3A_38 = vector.extract_strided_slice %get3A_4 {offsets = [3], sizes = [1], strides = [1]} : vector<16xi32> to vector<1xi32>
    %squeeze3A_39 = vector.extract %slice3A_38[0] : i32 from vector<1xi32>
    %dma_start3A_40 = arith.constant 3 : i32
    %dma_start3A_41 = arith.constant 0 : i32
    %dma_start3A_42 = tpu.memref_slice %arg6[%dma_start3A_40, %dma_start3A_41] : memref<256x32xf32, #tpu.memory_space<vmem>> -> memref<1x32xf32, #tpu.memory_space<vmem>>
    %dma_start3A_43 = arith.constant 0 : i32
    %dma_start3A_44 = tpu.memref_slice %arg3[%squeeze3A_39, %dma_start3A_43] : memref<1000000x32xf32, #tpu.memory_space<hbm>> -> memref<1x32xf32, #tpu.memory_space<hbm>>
    %dma_start3A_45 = arith.constant 3 : i32
    %dma_start3A_46 = arith.constant 0 : i32
    %dma_start3A_47 = tpu.memref_slice %arg6[%dma_start3A_45, %dma_start3A_46] : memref<256x32xf32, #tpu.memory_space<vmem>> -> memref<1x32xf32, #tpu.memory_space<vmem>>
    %dma_start3A_48 = arith.constant 0 : i32
    %dma_start3A_49 = tpu.memref_slice %arg3[%squeeze3A_39, %dma_start3A_48] : memref<1000000x32xf32, #tpu.memory_space<hbm>> -> memref<1x32xf32, #tpu.memory_space<hbm>>
    tpu.enqueue_dma source(%dma_start3A_49 : memref<1x32xf32, #tpu.memory_space<hbm>>) target(%dma_start3A_47 : memref<1x32xf32, #tpu.memory_space<vmem>>) target_semaphore(%arg7 : memref<!tpu.dma_semaphore, #tpu.memory_space<semaphore_mem>>)
    %slice3A_50 = vector.extract_strided_slice %get3A_4 {offsets = [4], sizes = [1], strides = [1]} : vector<16xi32> to vector<1xi32>
    %squeeze3A_51 = vector.extract %slice3A_50[0] : i32 from vector<1xi32>
    %dma_start3A_52 = arith.constant 4 : i32
    %dma_start3A_53 = arith.constant 0 : i32
    %dma_start3A_54 = tpu.memref_slice %arg6[%dma_start3A_52, %dma_start3A_53] : memref<256x32xf32, #tpu.memory_space<vmem>> -> memref<1x32xf32, #tpu.memory_space<vmem>>
    %dma_start3A_55 = arith.constant 0 : i32
    %dma_start3A_56 = tpu.memref_slice %arg3[%squeeze3A_51, %dma_start3A_55] : memref<1000000x32xf32, #tpu.memory_space<hbm>> -> memref<1x32xf32, #tpu.memory_space<hbm>>
    %dma_start3A_57 = arith.constant 4 : i32
    %dma_start3A_58 = arith.constant 0 : i32
    %dma_start3A_59 = tpu.memref_slice %arg6[%dma_start3A_57, %dma_start3A_58] : memref<256x32xf32, #tpu.memory_space<vmem>> -> memref<1x32xf32, #tpu.memory_space<vmem>>
    %dma_start3A_60 = arith.constant 0 : i32
    %dma_start3A_61 = tpu.memref_slice %arg3[%squeeze3A_51, %dma_start3A_60] : memref<1000000x32xf32, #tpu.memory_space<hbm>> -> memref<1x32xf32, #tpu.memory_space<hbm>>
    tpu.enqueue_dma source(%dma_start3A_61 : memref<1x32xf32, #tpu.memory_space<hbm>>) target(%dma_start3A_59 : memref<1x32xf32, #tpu.memory_space<vmem>>) target_semaphore(%arg7 : memref<!tpu.dma_semaphore, #tpu.memory_space<semaphore_mem>>)
    %slice3A_62 = vector.extract_strided_slice %get3A_4 {offsets = [5], sizes = [1], strides = [1]} : vector<16xi32> to vector<1xi32>
    %squeeze3A_63 = vector.extract %slice3A_62[0] : i32 from vector<1xi32>
    %dma_start3A_64 = arith.constant 5 : i32
    %dma_start3A_65 = arith.constant 0 : i32
    %dma_start3A_66 = tpu.memref_slice %arg6[%dma_start3A_64, %dma_start3A_65] : memref<256x32xf32, #tpu.memory_space<vmem>> -> memref<1x32xf32, #tpu.memory_space<vmem>>
    %dma_start3A_67 = arith.constant 0 : i32
    %dma_start3A_68 = tpu.memref_slice %arg3[%squeeze3A_63, %dma_start3A_67] : memref<1000000x32xf32, #tpu.memory_space<hbm>> -> memref<1x32xf32, #tpu.memory_space<hbm>>
    %dma_start3A_69 = arith.constant 5 : i32
    %dma_start3A_70 = arith.constant 0 : i32
    %dma_start3A_71 = tpu.memref_slice %arg6[%dma_start3A_69, %dma_start3A_70] : memref<256x32xf32, #tpu.memory_space<vmem>> -> memref<1x32xf32, #tpu.memory_space<vmem>>
    %dma_start3A_72 = arith.constant 0 : i32
    %dma_start3A_73 = tpu.memref_slice %arg3[%squeeze3A_63, %dma_start3A_72] : memref<1000000x32xf32, #tpu.memory_space<hbm>> -> memref<1x32xf32, #tpu.memory_space<hbm>>
    tpu.enqueue_dma source(%dma_start3A_73 : memref<1x32xf32, #tpu.memory_space<hbm>>) target(%dma_start3A_71 : memref<1x32xf32, #tpu.memory_space<vmem>>) target_semaphore(%arg7 : memref<!tpu.dma_semaphore, #tpu.memory_space<semaphore_mem>>)
    %slice3A_74 = vector.extract_strided_slice %get3A_4 {offsets = [6], sizes = [1], strides = [1]} : vector<16xi32> to vector<1xi32>
    %squeeze3A_75 = vector.extract %slice3A_74[0] : i32 from vector<1xi32>
    %dma_start3A_76 = arith.constant 6 : i32
    %dma_start3A_77 = arith.constant 0 : i32
    %dma_start3A_78 = tpu.memref_slice %arg6[%dma_start3A_76, %dma_start3A_77] : memref<256x32xf32, #tpu.memory_space<vmem>> -> memref<1x32xf32, #tpu.memory_space<vmem>>
    %dma_start3A_79 = arith.constant 0 : i32
    %dma_start3A_80 = tpu.memref_slice %arg3[%squeeze3A_75, %dma_start3A_79] : memref<1000000x32xf32, #tpu.memory_space<hbm>> -> memref<1x32xf32, #tpu.memory_space<hbm>>
    %dma_start3A_81 = arith.constant 6 : i32
    %dma_start3A_82 = arith.constant 0 : i32
    %dma_start3A_83 = tpu.memref_slice %arg6[%dma_start3A_81, %dma_start3A_82] : memref<256x32xf32, #tpu.memory_space<vmem>> -> memref<1x32xf32, #tpu.memory_space<vmem>>
    %dma_start3A_84 = arith.constant 0 : i32
    %dma_start3A_85 = tpu.memref_slice %arg3[%squeeze3A_75, %dma_start3A_84] : memref<1000000x32xf32, #tpu.memory_space<hbm>> -> memref<1x32xf32, #tpu.memory_space<hbm>>
    tpu.enqueue_dma source(%dma_start3A_85 : memref<1x32xf32, #tpu.memory_space<hbm>>) target(%dma_start3A_83 : memref<1x32xf32, #tpu.memory_space<vmem>>) target_semaphore(%arg7 : memref<!tpu.dma_semaphore, #tpu.memory_space<semaphore_mem>>)
    %slice3A_86 = vector.extract_strided_slice %get3A_4 {offsets = [7], sizes = [1], strides = [1]} : vector<16xi32> to vector<1xi32>
    %squeeze3A_87 = vector.extract %slice3A_86[0] : i32 from vector<1xi32>
    %dma_start3A_88 = arith.constant 7 : i32
    %dma_start3A_89 = arith.constant 0 : i32
    %dma_start3A_90 = tpu.memref_slice %arg6[%dma_start3A_88, %dma_start3A_89] : memref<256x32xf32, #tpu.memory_space<vmem>> -> memref<1x32xf32, #tpu.memory_space<vmem>>
    %dma_start3A_91 = arith.constant 0 : i32
    %dma_start3A_92 = tpu.memref_slice %arg3[%squeeze3A_87, %dma_start3A_91] : memref<1000000x32xf32, #tpu.memory_space<hbm>> -> memref<1x32xf32, #tpu.memory_space<hbm>>
    %dma_start3A_93 = arith.constant 7 : i32
    %dma_start3A_94 = arith.constant 0 : i32
    %dma_start3A_95 = tpu.memref_slice %arg6[%dma_start3A_93, %dma_start3A_94] : memref<256x32xf32, #tpu.memory_space<vmem>> -> memref<1x32xf32, #tpu.memory_space<vmem>>
    %dma_start3A_96 = arith.constant 0 : i32
    %dma_start3A_97 = tpu.memref_slice %arg3[%squeeze3A_87, %dma_start3A_96] : memref<1000000x32xf32, #tpu.memory_space<hbm>> -> memref<1x32xf32, #tpu.memory_space<hbm>>
    tpu.enqueue_dma source(%dma_start3A_97 : memref<1x32xf32, #tpu.memory_space<hbm>>) target(%dma_start3A_95 : memref<1x32xf32, #tpu.memory_space<vmem>>) target_semaphore(%arg7 : memref<!tpu.dma_semaphore, #tpu.memory_space<semaphore_mem>>)
    %slice3A_98 = vector.extract_strided_slice %get3A_4 {offsets = [8], sizes = [1], strides = [1]} : vector<16xi32> to vector<1xi32>
    %squeeze3A_99 = vector.extract %slice3A_98[0] : i32 from vector<1xi32>
    %dma_start3A_100 = arith.constant 8 : i32
    %dma_start3A_101 = arith.constant 0 : i32
    %dma_start3A_102 = tpu.memref_slice %arg6[%dma_start3A_100, %dma_start3A_101] : memref<256x32xf32, #tpu.memory_space<vmem>> -> memref<1x32xf32, #tpu.memory_space<vmem>>
    %dma_start3A_103 = arith.constant 0 : i32
    %dma_start3A_104 = tpu.memref_slice %arg3[%squeeze3A_99, %dma_start3A_103] : memref<1000000x32xf32, #tpu.memory_space<hbm>> -> memref<1x32xf32, #tpu.memory_space<hbm>>
    %dma_start3A_105 = arith.constant 8 : i32
    %dma_start3A_106 = arith.constant 0 : i32
    %dma_start3A_107 = tpu.memref_slice %arg6[%dma_start3A_105, %dma_start3A_106] : memref<256x32xf32, #tpu.memory_space<vmem>> -> memref<1x32xf32, #tpu.memory_space<vmem>>
    %dma_start3A_108 = arith.constant 0 : i32
    %dma_start3A_109 = tpu.memref_slice %arg3[%squeeze3A_99, %dma_start3A_108] : memref<1000000x32xf32, #tpu.memory_space<hbm>> -> memref<1x32xf32, #tpu.memory_space<hbm>>
    tpu.enqueue_dma source(%dma_start3A_109 : memref<1x32xf32, #tpu.memory_space<hbm>>) target(%dma_start3A_107 : memref<1x32xf32, #tpu.memory_space<vmem>>) target_semaphore(%arg7 : memref<!tpu.dma_semaphore, #tpu.memory_space<semaphore_mem>>)
    %slice3A_110 = vector.extract_strided_slice %get3A_4 {offsets = [9], sizes = [1], strides = [1]} : vector<16xi32> to vector<1xi32>
    %squeeze3A_111 = vector.extract %slice3A_110[0] : i32 from vector<1xi32>
    %dma_start3A_112 = arith.constant 9 : i32
    %dma_start3A_113 = arith.constant 0 : i32
    %dma_start3A_114 = tpu.memref_slice %arg6[%dma_start3A_112, %dma_start3A_113] : memref<256x32xf32, #tpu.memory_space<vmem>> -> memref<1x32xf32, #tpu.memory_space<vmem>>
    %dma_start3A_115 = arith.constant 0 : i32
    %dma_start3A_116 = tpu.memref_slice %arg3[%squeeze3A_111, %dma_start3A_115] : memref<1000000x32xf32, #tpu.memory_space<hbm>> -> memref<1x32xf32, #tpu.memory_space<hbm>>
    %dma_start3A_117 = arith.constant 9 : i32
    %dma_start3A_118 = arith.constant 0 : i32
    %dma_start3A_119 = tpu.memref_slice %arg6[%dma_start3A_117, %dma_start3A_118] : memref<256x32xf32, #tpu.memory_space<vmem>> -> memref<1x32xf32, #tpu.memory_space<vmem>>
    %dma_start3A_120 = arith.constant 0 : i32
    %dma_start3A_121 = tpu.memref_slice %arg3[%squeeze3A_111, %dma_start3A_120] : memref<1000000x32xf32, #tpu.memory_space<hbm>> -> memref<1x32xf32, #tpu.memory_space<hbm>>
    tpu.enqueue_dma source(%dma_start3A_121 : memref<1x32xf32, #tpu.memory_space<hbm>>) target(%dma_start3A_119 : memref<1x32xf32, #tpu.memory_space<vmem>>) target_semaphore(%arg7 : memref<!tpu.dma_semaphore, #tpu.memory_space<semaphore_mem>>)
    %slice3A_122 = vector.extract_strided_slice %get3A_4 {offsets = [10], sizes = [1], strides = [1]} : vector<16xi32> to vector<1xi32>
    %squeeze3A_123 = vector.extract %slice3A_122[0] : i32 from vector<1xi32>
    %dma_start3A_124 = arith.constant 10 : i32
    %dma_start3A_125 = arith.constant 0 : i32
    %dma_start3A_126 = tpu.memref_slice %arg6[%dma_start3A_124, %dma_start3A_125] : memref<256x32xf32, #tpu.memory_space<vmem>> -> memref<1x32xf32, #tpu.memory_space<vmem>>
    %dma_start3A_127 = arith.constant 0 : i32
    %dma_start3A_128 = tpu.memref_slice %arg3[%squeeze3A_123, %dma_start3A_127] : memref<1000000x32xf32, #tpu.memory_space<hbm>> -> memref<1x32xf32, #tpu.memory_space<hbm>>
    %dma_start3A_129 = arith.constant 10 : i32
    %dma_start3A_130 = arith.constant 0 : i32
    %dma_start3A_131 = tpu.memref_slice %arg6[%dma_start3A_129, %dma_start3A_130] : memref<256x32xf32, #tpu.memory_space<vmem>> -> memref<1x32xf32, #tpu.memory_space<vmem>>
    %dma_start3A_132 = arith.constant 0 : i32
    %dma_start3A_133 = tpu.memref_slice %arg3[%squeeze3A_123, %dma_start3A_132] : memref<1000000x32xf32, #tpu.memory_space<hbm>> -> memref<1x32xf32, #tpu.memory_space<hbm>>
    tpu.enqueue_dma source(%dma_start3A_133 : memref<1x32xf32, #tpu.memory_space<hbm>>) target(%dma_start3A_131 : memref<1x32xf32, #tpu.memory_space<vmem>>) target_semaphore(%arg7 : memref<!tpu.dma_semaphore, #tpu.memory_space<semaphore_mem>>)
    %slice3A_134 = vector.extract_strided_slice %get3A_4 {offsets = [11], sizes = [1], strides = [1]} : vector<16xi32> to vector<1xi32>
    %squeeze3A_135 = vector.extract %slice3A_134[0] : i32 from vector<1xi32>
    %dma_start3A_136 = arith.constant 11 : i32
    %dma_start3A_137 = arith.constant 0 : i32
    %dma_start3A_138 = tpu.memref_slice %arg6[%dma_start3A_136, %dma_start3A_137] : memref<256x32xf32, #tpu.memory_space<vmem>> -> memref<1x32xf32, #tpu.memory_space<vmem>>
    %dma_start3A_139 = arith.constant 0 : i32
    %dma_start3A_140 = tpu.memref_slice %arg3[%squeeze3A_135, %dma_start3A_139] : memref<1000000x32xf32, #tpu.memory_space<hbm>> -> memref<1x32xf32, #tpu.memory_space<hbm>>
    %dma_start3A_141 = arith.constant 11 : i32
    %dma_start3A_142 = arith.constant 0 : i32
    %dma_start3A_143 = tpu.memref_slice %arg6[%dma_start3A_141, %dma_start3A_142] : memref<256x32xf32, #tpu.memory_space<vmem>> -> memref<1x32xf32, #tpu.memory_space<vmem>>
    %dma_start3A_144 = arith.constant 0 : i32
    %dma_start3A_145 = tpu.memref_slice %arg3[%squeeze3A_135, %dma_start3A_144] : memref<1000000x32xf32, #tpu.memory_space<hbm>> -> memref<1x32xf32, #tpu.memory_space<hbm>>
    tpu.enqueue_dma source(%dma_start3A_145 : memref<1x32xf32, #tpu.memory_space<hbm>>) target(%dma_start3A_143 : memref<1x32xf32, #tpu.memory_space<vmem>>) target_semaphore(%arg7 : memref<!tpu.dma_semaphore, #tpu.memory_space<semaphore_mem>>)
    %slice3A_146 = vector.extract_strided_slice %get3A_4 {offsets = [12], sizes = [1], strides = [1]} : vector<16xi32> to vector<1xi32>
    %squeeze3A_147 = vector.extract %slice3A_146[0] : i32 from vector<1xi32>
    %dma_start3A_148 = arith.constant 12 : i32
    %dma_start3A_149 = arith.constant 0 : i32
    %dma_start3A_150 = tpu.memref_slice %arg6[%dma_start3A_148, %dma_start3A_149] : memref<256x32xf32, #tpu.memory_space<vmem>> -> memref<1x32xf32, #tpu.memory_space<vmem>>
    %dma_start3A_151 = arith.constant 0 : i32
    %dma_start3A_152 = tpu.memref_slice %arg3[%squeeze3A_147, %dma_start3A_151] : memref<1000000x32xf32, #tpu.memory_space<hbm>> -> memref<1x32xf32, #tpu.memory_space<hbm>>
    %dma_start3A_153 = arith.constant 12 : i32
    %dma_start3A_154 = arith.constant 0 : i32
    %dma_start3A_155 = tpu.memref_slice %arg6[%dma_start3A_153, %dma_start3A_154] : memref<256x32xf32, #tpu.memory_space<vmem>> -> memref<1x32xf32, #tpu.memory_space<vmem>>
    %dma_start3A_156 = arith.constant 0 : i32
    %dma_start3A_157 = tpu.memref_slice %arg3[%squeeze3A_147, %dma_start3A_156] : memref<1000000x32xf32, #tpu.memory_space<hbm>> -> memref<1x32xf32, #tpu.memory_space<hbm>>
    tpu.enqueue_dma source(%dma_start3A_157 : memref<1x32xf32, #tpu.memory_space<hbm>>) target(%dma_start3A_155 : memref<1x32xf32, #tpu.memory_space<vmem>>) target_semaphore(%arg7 : memref<!tpu.dma_semaphore, #tpu.memory_space<semaphore_mem>>)
    %slice3A_158 = vector.extract_strided_slice %get3A_4 {offsets = [13], sizes = [1], strides = [1]} : vector<16xi32> to vector<1xi32>
    %squeeze3A_159 = vector.extract %slice3A_158[0] : i32 from vector<1xi32>
    %dma_start3A_160 = arith.constant 13 : i32
    %dma_start3A_161 = arith.constant 0 : i32
    %dma_start3A_162 = tpu.memref_slice %arg6[%dma_start3A_160, %dma_start3A_161] : memref<256x32xf32, #tpu.memory_space<vmem>> -> memref<1x32xf32, #tpu.memory_space<vmem>>
    %dma_start3A_163 = arith.constant 0 : i32
    %dma_start3A_164 = tpu.memref_slice %arg3[%squeeze3A_159, %dma_start3A_163] : memref<1000000x32xf32, #tpu.memory_space<hbm>> -> memref<1x32xf32, #tpu.memory_space<hbm>>
    %dma_start3A_165 = arith.constant 13 : i32
    %dma_start3A_166 = arith.constant 0 : i32
    %dma_start3A_167 = tpu.memref_slice %arg6[%dma_start3A_165, %dma_start3A_166] : memref<256x32xf32, #tpu.memory_space<vmem>> -> memref<1x32xf32, #tpu.memory_space<vmem>>
    %dma_start3A_168 = arith.constant 0 : i32
    %dma_start3A_169 = tpu.memref_slice %arg3[%squeeze3A_159, %dma_start3A_168] : memref<1000000x32xf32, #tpu.memory_space<hbm>> -> memref<1x32xf32, #tpu.memory_space<hbm>>
    tpu.enqueue_dma source(%dma_start3A_169 : memref<1x32xf32, #tpu.memory_space<hbm>>) target(%dma_start3A_167 : memref<1x32xf32, #tpu.memory_space<vmem>>) target_semaphore(%arg7 : memref<!tpu.dma_semaphore, #tpu.memory_space<semaphore_mem>>)
    %slice3A_170 = vector.extract_strided_slice %get3A_4 {offsets = [14], sizes = [1], strides = [1]} : vector<16xi32> to vector<1xi32>
    %squeeze3A_171 = vector.extract %slice3A_170[0] : i32 from vector<1xi32>
    %dma_start3A_172 = arith.constant 14 : i32
    %dma_start3A_173 = arith.constant 0 : i32
    %dma_start3A_174 = tpu.memref_slice %arg6[%dma_start3A_172, %dma_start3A_173] : memref<256x32xf32, #tpu.memory_space<vmem>> -> memref<1x32xf32, #tpu.memory_space<vmem>>
    %dma_start3A_175 = arith.constant 0 : i32
    %dma_start3A_176 = tpu.memref_slice %arg3[%squeeze3A_171, %dma_start3A_175] : memref<1000000x32xf32, #tpu.memory_space<hbm>> -> memref<1x32xf32, #tpu.memory_space<hbm>>
    %dma_start3A_177 = arith.constant 14 : i32
    %dma_start3A_178 = arith.constant 0 : i32
    %dma_start3A_179 = tpu.memref_slice %arg6[%dma_start3A_177, %dma_start3A_178] : memref<256x32xf32, #tpu.memory_space<vmem>> -> memref<1x32xf32, #tpu.memory_space<vmem>>
    %dma_start3A_180 = arith.constant 0 : i32
    %dma_start3A_181 = tpu.memref_slice %arg3[%squeeze3A_171, %dma_start3A_180] : memref<1000000x32xf32, #tpu.memory_space<hbm>> -> memref<1x32xf32, #tpu.memory_space<hbm>>
    tpu.enqueue_dma source(%dma_start3A_181 : memref<1x32xf32, #tpu.memory_space<hbm>>) target(%dma_start3A_179 : memref<1x32xf32, #tpu.memory_space<vmem>>) target_semaphore(%arg7 : memref<!tpu.dma_semaphore, #tpu.memory_space<semaphore_mem>>)
    %slice3A_182 = vector.extract_strided_slice %get3A_4 {offsets = [15], sizes = [1], strides = [1]} : vector<16xi32> to vector<1xi32>
    %squeeze3A_183 = vector.extract %slice3A_182[0] : i32 from vector<1xi32>
    %dma_start3A_184 = arith.constant 15 : i32
    %dma_start3A_185 = arith.constant 0 : i32
    %dma_start3A_186 = tpu.memref_slice %arg6[%dma_start3A_184, %dma_start3A_185] : memref<256x32xf32, #tpu.memory_space<vmem>> -> memref<1x32xf32, #tpu.memory_space<vmem>>
    %dma_start3A_187 = arith.constant 0 : i32
    %dma_start3A_188 = tpu.memref_slice %arg3[%squeeze3A_183, %dma_start3A_187] : memref<1000000x32xf32, #tpu.memory_space<hbm>> -> memref<1x32xf32, #tpu.memory_space<hbm>>
    %dma_start3A_189 = arith.constant 15 : i32
    %dma_start3A_190 = arith.constant 0 : i32
    %dma_start3A_191 = tpu.memref_slice %arg6[%dma_start3A_189, %dma_start3A_190] : memref<256x32xf32, #tpu.memory_space<vmem>> -> memref<1x32xf32, #tpu.memory_space<vmem>>
    %dma_start3A_192 = arith.constant 0 : i32
    %dma_start3A_193 = tpu.memref_slice %arg3[%squeeze3A_183, %dma_start3A_192] : memref<1000000x32xf32, #tpu.memory_space<hbm>> -> memref<1x32xf32, #tpu.memory_space<hbm>>
    tpu.enqueue_dma source(%dma_start3A_193 : memref<1x32xf32, #tpu.memory_space<hbm>>) target(%dma_start3A_191 : memref<1x32xf32, #tpu.memory_space<vmem>>) target_semaphore(%arg7 : memref<!tpu.dma_semaphore, #tpu.memory_space<semaphore_mem>>)
    %scan3A = arith.constant 1 : i32
    %scan3A_194 = arith.constant 15 : i32
    %scan3A_195 = arith.addi %scan3A, %scan3A_194 : i32
    %scan3A_196 = arith.constant 1 : i32
    scf.for %scan3A_785 = %scan3A to %scan3A_195 step %scan3A_196  : i32 {
      %mul3A_786 = arith.constant 16 : i32
      %mul3A_787 = arith.muli %scan3A_785, %mul3A_786 : i32
      %add3A_788 = arith.constant 0 : i32
      %add3A_789 = arith.addi %add3A_788, %mul3A_787 : i32
      %get3A_790 = arith.index_cast %add3A_789 : i32 to index
      %get3A_791 = tpu.vector_load %arg5[%get3A_790] {strides = array<i32>} : memref<512xi32, #tpu.memory_space<vmem>>, vector<16xi32>,
      %get3A_792 = vector.shape_cast %get3A_791 : vector<16xi32> to vector<16xi32>
      %slice3A_793 = vector.extract_strided_slice %get3A_792 {offsets = [0], sizes = [1], strides = [1]} : vector<16xi32> to vector<1xi32>
      %squeeze3A_794 = vector.extract %slice3A_793[0] : i32 from vector<1xi32>
      %mul3A_795 = arith.constant 16 : i32
      %mul3A_796 = arith.muli %scan3A_785, %mul3A_795 : i32
      %add3A_797 = arith.constant 0 : i32
      %add3A_798 = arith.addi %mul3A_796, %add3A_797 : i32
      %dma_start3A_799 = arith.constant 0 : i32
      %dma_start3A_800 = tpu.memref_slice %arg6[%add3A_798, %dma_start3A_799] : memref<256x32xf32, #tpu.memory_space<vmem>> -> memref<1x32xf32, #tpu.memory_space<vmem>>
      %dma_start3A_801 = arith.constant 0 : i32
      %dma_start3A_802 = tpu.memref_slice %arg3[%squeeze3A_794, %dma_start3A_801] : memref<1000000x32xf32, #tpu.memory_space<hbm>> -> memref<1x32xf32, #tpu.memory_space<hbm>>
      %dma_start3A_803 = arith.constant 0 : i32
      %dma_start3A_804 = tpu.memref_slice %arg6[%add3A_798, %dma_start3A_803] : memref<256x32xf32, #tpu.memory_space<vmem>> -> memref<1x32xf32, #tpu.memory_space<vmem>>
      %dma_start3A_805 = arith.constant 0 : i32
      %dma_start3A_806 = tpu.memref_slice %arg3[%squeeze3A_794, %dma_start3A_805] : memref<1000000x32xf32, #tpu.memory_space<hbm>> -> memref<1x32xf32, #tpu.memory_space<hbm>>
      tpu.enqueue_dma source(%dma_start3A_806 : memref<1x32xf32, #tpu.memory_space<hbm>>) target(%dma_start3A_804 : memref<1x32xf32, #tpu.memory_space<vmem>>) target_semaphore(%arg7 : memref<!tpu.dma_semaphore, #tpu.memory_space<semaphore_mem>>)
      %slice3A_807 = vector.extract_strided_slice %get3A_792 {offsets = [1], sizes = [1], strides = [1]} : vector<16xi32> to vector<1xi32>
      %squeeze3A_808 = vector.extract %slice3A_807[0] : i32 from vector<1xi32>
      %mul3A_809 = arith.constant 16 : i32
      %mul3A_810 = arith.muli %scan3A_785, %mul3A_809 : i32
      %add3A_811 = arith.constant 1 : i32
      %add3A_812 = arith.addi %mul3A_810, %add3A_811 : i32
      %dma_start3A_813 = arith.constant 0 : i32
      %dma_start3A_814 = tpu.memref_slice %arg6[%add3A_812, %dma_start3A_813] : memref<256x32xf32, #tpu.memory_space<vmem>> -> memref<1x32xf32, #tpu.memory_space<vmem>>
      %dma_start3A_815 = arith.constant 0 : i32
      %dma_start3A_816 = tpu.memref_slice %arg3[%squeeze3A_808, %dma_start3A_815] : memref<1000000x32xf32, #tpu.memory_space<hbm>> -> memref<1x32xf32, #tpu.memory_space<hbm>>
      %dma_start3A_817 = arith.constant 0 : i32
      %dma_start3A_818 = tpu.memref_slice %arg6[%add3A_812, %dma_start3A_817] : memref<256x32xf32, #tpu.memory_space<vmem>> -> memref<1x32xf32, #tpu.memory_space<vmem>>
      %dma_start3A_819 = arith.constant 0 : i32
      %dma_start3A_820 = tpu.memref_slice %arg3[%squeeze3A_808, %dma_start3A_819] : memref<1000000x32xf32, #tpu.memory_space<hbm>> -> memref<1x32xf32, #tpu.memory_space<hbm>>
      tpu.enqueue_dma source(%dma_start3A_820 : memref<1x32xf32, #tpu.memory_space<hbm>>) target(%dma_start3A_818 : memref<1x32xf32, #tpu.memory_space<vmem>>) target_semaphore(%arg7 : memref<!tpu.dma_semaphore, #tpu.memory_space<semaphore_mem>>)
      %slice3A_821 = vector.extract_strided_slice %get3A_792 {offsets = [2], sizes = [1], strides = [1]} : vector<16xi32> to vector<1xi32>
      %squeeze3A_822 = vector.extract %slice3A_821[0] : i32 from vector<1xi32>
      %mul3A_823 = arith.constant 16 : i32
      %mul3A_824 = arith.muli %scan3A_785, %mul3A_823 : i32
      %add3A_825 = arith.constant 2 : i32
      %add3A_826 = arith.addi %mul3A_824, %add3A_825 : i32
      %dma_start3A_827 = arith.constant 0 : i32
      %dma_start3A_828 = tpu.memref_slice %arg6[%add3A_826, %dma_start3A_827] : memref<256x32xf32, #tpu.memory_space<vmem>> -> memref<1x32xf32, #tpu.memory_space<vmem>>
      %dma_start3A_829 = arith.constant 0 : i32
      %dma_start3A_830 = tpu.memref_slice %arg3[%squeeze3A_822, %dma_start3A_829] : memref<1000000x32xf32, #tpu.memory_space<hbm>> -> memref<1x32xf32, #tpu.memory_space<hbm>>
      %dma_start3A_831 = arith.constant 0 : i32
      %dma_start3A_832 = tpu.memref_slice %arg6[%add3A_826, %dma_start3A_831] : memref<256x32xf32, #tpu.memory_space<vmem>> -> memref<1x32xf32, #tpu.memory_space<vmem>>
      %dma_start3A_833 = arith.constant 0 : i32
      %dma_start3A_834 = tpu.memref_slice %arg3[%squeeze3A_822, %dma_start3A_833] : memref<1000000x32xf32, #tpu.memory_space<hbm>> -> memref<1x32xf32, #tpu.memory_space<hbm>>
      tpu.enqueue_dma source(%dma_start3A_834 : memref<1x32xf32, #tpu.memory_space<hbm>>) target(%dma_start3A_832 : memref<1x32xf32, #tpu.memory_space<vmem>>) target_semaphore(%arg7 : memref<!tpu.dma_semaphore, #tpu.memory_space<semaphore_mem>>)
      %slice3A_835 = vector.extract_strided_slice %get3A_792 {offsets = [3], sizes = [1], strides = [1]} : vector<16xi32> to vector<1xi32>
      %squeeze3A_836 = vector.extract %slice3A_835[0] : i32 from vector<1xi32>
      %mul3A_837 = arith.constant 16 : i32
      %mul3A_838 = arith.muli %scan3A_785, %mul3A_837 : i32
      %add3A_839 = arith.constant 3 : i32
      %add3A_840 = arith.addi %mul3A_838, %add3A_839 : i32
      %dma_start3A_841 = arith.constant 0 : i32
      %dma_start3A_842 = tpu.memref_slice %arg6[%add3A_840, %dma_start3A_841] : memref<256x32xf32, #tpu.memory_space<vmem>> -> memref<1x32xf32, #tpu.memory_space<vmem>>
      %dma_start3A_843 = arith.constant 0 : i32
      %dma_start3A_844 = tpu.memref_slice %arg3[%squeeze3A_836, %dma_start3A_843] : memref<1000000x32xf32, #tpu.memory_space<hbm>> -> memref<1x32xf32, #tpu.memory_space<hbm>>
      %dma_start3A_845 = arith.constant 0 : i32
      %dma_start3A_846 = tpu.memref_slice %arg6[%add3A_840, %dma_start3A_845] : memref<256x32xf32, #tpu.memory_space<vmem>> -> memref<1x32xf32, #tpu.memory_space<vmem>>
      %dma_start3A_847 = arith.constant 0 : i32
      %dma_start3A_848 = tpu.memref_slice %arg3[%squeeze3A_836, %dma_start3A_847] : memref<1000000x32xf32, #tpu.memory_space<hbm>> -> memref<1x32xf32, #tpu.memory_space<hbm>>
      tpu.enqueue_dma source(%dma_start3A_848 : memref<1x32xf32, #tpu.memory_space<hbm>>) target(%dma_start3A_846 : memref<1x32xf32, #tpu.memory_space<vmem>>) target_semaphore(%arg7 : memref<!tpu.dma_semaphore, #tpu.memory_space<semaphore_mem>>)
      %slice3A_849 = vector.extract_strided_slice %get3A_792 {offsets = [4], sizes = [1], strides = [1]} : vector<16xi32> to vector<1xi32>
      %squeeze3A_850 = vector.extract %slice3A_849[0] : i32 from vector<1xi32>
      %mul3A_851 = arith.constant 16 : i32
      %mul3A_852 = arith.muli %scan3A_785, %mul3A_851 : i32
      %add3A_853 = arith.constant 4 : i32
      %add3A_854 = arith.addi %mul3A_852, %add3A_853 : i32
      %dma_start3A_855 = arith.constant 0 : i32
      %dma_start3A_856 = tpu.memref_slice %arg6[%add3A_854, %dma_start3A_855] : memref<256x32xf32, #tpu.memory_space<vmem>> -> memref<1x32xf32, #tpu.memory_space<vmem>>
      %dma_start3A_857 = arith.constant 0 : i32
      %dma_start3A_858 = tpu.memref_slice %arg3[%squeeze3A_850, %dma_start3A_857] : memref<1000000x32xf32, #tpu.memory_space<hbm>> -> memref<1x32xf32, #tpu.memory_space<hbm>>
      %dma_start3A_859 = arith.constant 0 : i32
      %dma_start3A_860 = tpu.memref_slice %arg6[%add3A_854, %dma_start3A_859] : memref<256x32xf32, #tpu.memory_space<vmem>> -> memref<1x32xf32, #tpu.memory_space<vmem>>
      %dma_start3A_861 = arith.constant 0 : i32
      %dma_start3A_862 = tpu.memref_slice %arg3[%squeeze3A_850, %dma_start3A_861] : memref<1000000x32xf32, #tpu.memory_space<hbm>> -> memref<1x32xf32, #tpu.memory_space<hbm>>
      tpu.enqueue_dma source(%dma_start3A_862 : memref<1x32xf32, #tpu.memory_space<hbm>>) target(%dma_start3A_860 : memref<1x32xf32, #tpu.memory_space<vmem>>) target_semaphore(%arg7 : memref<!tpu.dma_semaphore, #tpu.memory_space<semaphore_mem>>)
      %slice3A_863 = vector.extract_strided_slice %get3A_792 {offsets = [5], sizes = [1], strides = [1]} : vector<16xi32> to vector<1xi32>
      %squeeze3A_864 = vector.extract %slice3A_863[0] : i32 from vector<1xi32>
      %mul3A_865 = arith.constant 16 : i32
      %mul3A_866 = arith.muli %scan3A_785, %mul3A_865 : i32
      %add3A_867 = arith.constant 5 : i32
      %add3A_868 = arith.addi %mul3A_866, %add3A_867 : i32
      %dma_start3A_869 = arith.constant 0 : i32
      %dma_start3A_870 = tpu.memref_slice %arg6[%add3A_868, %dma_start3A_869] : memref<256x32xf32, #tpu.memory_space<vmem>> -> memref<1x32xf32, #tpu.memory_space<vmem>>
      %dma_start3A_871 = arith.constant 0 : i32
      %dma_start3A_872 = tpu.memref_slice %arg3[%squeeze3A_864, %dma_start3A_871] : memref<1000000x32xf32, #tpu.memory_space<hbm>> -> memref<1x32xf32, #tpu.memory_space<hbm>>
      %dma_start3A_873 = arith.constant 0 : i32
      %dma_start3A_874 = tpu.memref_slice %arg6[%add3A_868, %dma_start3A_873] : memref<256x32xf32, #tpu.memory_space<vmem>> -> memref<1x32xf32, #tpu.memory_space<vmem>>
      %dma_start3A_875 = arith.constant 0 : i32
      %dma_start3A_876 = tpu.memref_slice %arg3[%squeeze3A_864, %dma_start3A_875] : memref<1000000x32xf32, #tpu.memory_space<hbm>> -> memref<1x32xf32, #tpu.memory_space<hbm>>
      tpu.enqueue_dma source(%dma_start3A_876 : memref<1x32xf32, #tpu.memory_space<hbm>>) target(%dma_start3A_874 : memref<1x32xf32, #tpu.memory_space<vmem>>) target_semaphore(%arg7 : memref<!tpu.dma_semaphore, #tpu.memory_space<semaphore_mem>>)
      %slice3A_877 = vector.extract_strided_slice %get3A_792 {offsets = [6], sizes = [1], strides = [1]} : vector<16xi32> to vector<1xi32>
      %squeeze3A_878 = vector.extract %slice3A_877[0] : i32 from vector<1xi32>
      %mul3A_879 = arith.constant 16 : i32
      %mul3A_880 = arith.muli %scan3A_785, %mul3A_879 : i32
      %add3A_881 = arith.constant 6 : i32
      %add3A_882 = arith.addi %mul3A_880, %add3A_881 : i32
      %dma_start3A_883 = arith.constant 0 : i32
      %dma_start3A_884 = tpu.memref_slice %arg6[%add3A_882, %dma_start3A_883] : memref<256x32xf32, #tpu.memory_space<vmem>> -> memref<1x32xf32, #tpu.memory_space<vmem>>
      %dma_start3A_885 = arith.constant 0 : i32
      %dma_start3A_886 = tpu.memref_slice %arg3[%squeeze3A_878, %dma_start3A_885] : memref<1000000x32xf32, #tpu.memory_space<hbm>> -> memref<1x32xf32, #tpu.memory_space<hbm>>
      %dma_start3A_887 = arith.constant 0 : i32
      %dma_start3A_888 = tpu.memref_slice %arg6[%add3A_882, %dma_start3A_887] : memref<256x32xf32, #tpu.memory_space<vmem>> -> memref<1x32xf32, #tpu.memory_space<vmem>>
      %dma_start3A_889 = arith.constant 0 : i32
      %dma_start3A_890 = tpu.memref_slice %arg3[%squeeze3A_878, %dma_start3A_889] : memref<1000000x32xf32, #tpu.memory_space<hbm>> -> memref<1x32xf32, #tpu.memory_space<hbm>>
      tpu.enqueue_dma source(%dma_start3A_890 : memref<1x32xf32, #tpu.memory_space<hbm>>) target(%dma_start3A_888 : memref<1x32xf32, #tpu.memory_space<vmem>>) target_semaphore(%arg7 : memref<!tpu.dma_semaphore, #tpu.memory_space<semaphore_mem>>)
      %slice3A_891 = vector.extract_strided_slice %get3A_792 {offsets = [7], sizes = [1], strides = [1]} : vector<16xi32> to vector<1xi32>
      %squeeze3A_892 = vector.extract %slice3A_891[0] : i32 from vector<1xi32>
      %mul3A_893 = arith.constant 16 : i32
      %mul3A_894 = arith.muli %scan3A_785, %mul3A_893 : i32
      %add3A_895 = arith.constant 7 : i32
      %add3A_896 = arith.addi %mul3A_894, %add3A_895 : i32
      %dma_start3A_897 = arith.constant 0 : i32
      %dma_start3A_898 = tpu.memref_slice %arg6[%add3A_896, %dma_start3A_897] : memref<256x32xf32, #tpu.memory_space<vmem>> -> memref<1x32xf32, #tpu.memory_space<vmem>>
      %dma_start3A_899 = arith.constant 0 : i32
      %dma_start3A_900 = tpu.memref_slice %arg3[%squeeze3A_892, %dma_start3A_899] : memref<1000000x32xf32, #tpu.memory_space<hbm>> -> memref<1x32xf32, #tpu.memory_space<hbm>>
      %dma_start3A_901 = arith.constant 0 : i32
      %dma_start3A_902 = tpu.memref_slice %arg6[%add3A_896, %dma_start3A_901] : memref<256x32xf32, #tpu.memory_space<vmem>> -> memref<1x32xf32, #tpu.memory_space<vmem>>
      %dma_start3A_903 = arith.constant 0 : i32
      %dma_start3A_904 = tpu.memref_slice %arg3[%squeeze3A_892, %dma_start3A_903] : memref<1000000x32xf32, #tpu.memory_space<hbm>> -> memref<1x32xf32, #tpu.memory_space<hbm>>
      tpu.enqueue_dma source(%dma_start3A_904 : memref<1x32xf32, #tpu.memory_space<hbm>>) target(%dma_start3A_902 : memref<1x32xf32, #tpu.memory_space<vmem>>) target_semaphore(%arg7 : memref<!tpu.dma_semaphore, #tpu.memory_space<semaphore_mem>>)
      %slice3A_905 = vector.extract_strided_slice %get3A_792 {offsets = [8], sizes = [1], strides = [1]} : vector<16xi32> to vector<1xi32>
      %squeeze3A_906 = vector.extract %slice3A_905[0] : i32 from vector<1xi32>
      %mul3A_907 = arith.constant 16 : i32
      %mul3A_908 = arith.muli %scan3A_785, %mul3A_907 : i32
      %add3A_909 = arith.constant 8 : i32
      %add3A_910 = arith.addi %mul3A_908, %add3A_909 : i32
      %dma_start3A_911 = arith.constant 0 : i32
      %dma_start3A_912 = tpu.memref_slice %arg6[%add3A_910, %dma_start3A_911] : memref<256x32xf32, #tpu.memory_space<vmem>> -> memref<1x32xf32, #tpu.memory_space<vmem>>
      %dma_start3A_913 = arith.constant 0 : i32
      %dma_start3A_914 = tpu.memref_slice %arg3[%squeeze3A_906, %dma_start3A_913] : memref<1000000x32xf32, #tpu.memory_space<hbm>> -> memref<1x32xf32, #tpu.memory_space<hbm>>
      %dma_start3A_915 = arith.constant 0 : i32
      %dma_start3A_916 = tpu.memref_slice %arg6[%add3A_910, %dma_start3A_915] : memref<256x32xf32, #tpu.memory_space<vmem>> -> memref<1x32xf32, #tpu.memory_space<vmem>>
      %dma_start3A_917 = arith.constant 0 : i32
      %dma_start3A_918 = tpu.memref_slice %arg3[%squeeze3A_906, %dma_start3A_917] : memref<1000000x32xf32, #tpu.memory_space<hbm>> -> memref<1x32xf32, #tpu.memory_space<hbm>>
      tpu.enqueue_dma source(%dma_start3A_918 : memref<1x32xf32, #tpu.memory_space<hbm>>) target(%dma_start3A_916 : memref<1x32xf32, #tpu.memory_space<vmem>>) target_semaphore(%arg7 : memref<!tpu.dma_semaphore, #tpu.memory_space<semaphore_mem>>)
      %slice3A_919 = vector.extract_strided_slice %get3A_792 {offsets = [9], sizes = [1], strides = [1]} : vector<16xi32> to vector<1xi32>
      %squeeze3A_920 = vector.extract %slice3A_919[0] : i32 from vector<1xi32>
      %mul3A_921 = arith.constant 16 : i32
      %mul3A_922 = arith.muli %scan3A_785, %mul3A_921 : i32
      %add3A_923 = arith.constant 9 : i32
      %add3A_924 = arith.addi %mul3A_922, %add3A_923 : i32
      %dma_start3A_925 = arith.constant 0 : i32
      %dma_start3A_926 = tpu.memref_slice %arg6[%add3A_924, %dma_start3A_925] : memref<256x32xf32, #tpu.memory_space<vmem>> -> memref<1x32xf32, #tpu.memory_space<vmem>>
      %dma_start3A_927 = arith.constant 0 : i32
      %dma_start3A_928 = tpu.memref_slice %arg3[%squeeze3A_920, %dma_start3A_927] : memref<1000000x32xf32, #tpu.memory_space<hbm>> -> memref<1x32xf32, #tpu.memory_space<hbm>>
      %dma_start3A_929 = arith.constant 0 : i32
      %dma_start3A_930 = tpu.memref_slice %arg6[%add3A_924, %dma_start3A_929] : memref<256x32xf32, #tpu.memory_space<vmem>> -> memref<1x32xf32, #tpu.memory_space<vmem>>
      %dma_start3A_931 = arith.constant 0 : i32
      %dma_start3A_932 = tpu.memref_slice %arg3[%squeeze3A_920, %dma_start3A_931] : memref<1000000x32xf32, #tpu.memory_space<hbm>> -> memref<1x32xf32, #tpu.memory_space<hbm>>
      tpu.enqueue_dma source(%dma_start3A_932 : memref<1x32xf32, #tpu.memory_space<hbm>>) target(%dma_start3A_930 : memref<1x32xf32, #tpu.memory_space<vmem>>) target_semaphore(%arg7 : memref<!tpu.dma_semaphore, #tpu.memory_space<semaphore_mem>>)
      %slice3A_933 = vector.extract_strided_slice %get3A_792 {offsets = [10], sizes = [1], strides = [1]} : vector<16xi32> to vector<1xi32>
      %squeeze3A_934 = vector.extract %slice3A_933[0] : i32 from vector<1xi32>
      %mul3A_935 = arith.constant 16 : i32
      %mul3A_936 = arith.muli %scan3A_785, %mul3A_935 : i32
      %add3A_937 = arith.constant 10 : i32
      %add3A_938 = arith.addi %mul3A_936, %add3A_937 : i32
      %dma_start3A_939 = arith.constant 0 : i32
      %dma_start3A_940 = tpu.memref_slice %arg6[%add3A_938, %dma_start3A_939] : memref<256x32xf32, #tpu.memory_space<vmem>> -> memref<1x32xf32, #tpu.memory_space<vmem>>
      %dma_start3A_941 = arith.constant 0 : i32
      %dma_start3A_942 = tpu.memref_slice %arg3[%squeeze3A_934, %dma_start3A_941] : memref<1000000x32xf32, #tpu.memory_space<hbm>> -> memref<1x32xf32, #tpu.memory_space<hbm>>
      %dma_start3A_943 = arith.constant 0 : i32
      %dma_start3A_944 = tpu.memref_slice %arg6[%add3A_938, %dma_start3A_943] : memref<256x32xf32, #tpu.memory_space<vmem>> -> memref<1x32xf32, #tpu.memory_space<vmem>>
      %dma_start3A_945 = arith.constant 0 : i32
      %dma_start3A_946 = tpu.memref_slice %arg3[%squeeze3A_934, %dma_start3A_945] : memref<1000000x32xf32, #tpu.memory_space<hbm>> -> memref<1x32xf32, #tpu.memory_space<hbm>>
      tpu.enqueue_dma source(%dma_start3A_946 : memref<1x32xf32, #tpu.memory_space<hbm>>) target(%dma_start3A_944 : memref<1x32xf32, #tpu.memory_space<vmem>>) target_semaphore(%arg7 : memref<!tpu.dma_semaphore, #tpu.memory_space<semaphore_mem>>)
      %slice3A_947 = vector.extract_strided_slice %get3A_792 {offsets = [11], sizes = [1], strides = [1]} : vector<16xi32> to vector<1xi32>
      %squeeze3A_948 = vector.extract %slice3A_947[0] : i32 from vector<1xi32>
      %mul3A_949 = arith.constant 16 : i32
      %mul3A_950 = arith.muli %scan3A_785, %mul3A_949 : i32
      %add3A_951 = arith.constant 11 : i32
      %add3A_952 = arith.addi %mul3A_950, %add3A_951 : i32
      %dma_start3A_953 = arith.constant 0 : i32
      %dma_start3A_954 = tpu.memref_slice %arg6[%add3A_952, %dma_start3A_953] : memref<256x32xf32, #tpu.memory_space<vmem>> -> memref<1x32xf32, #tpu.memory_space<vmem>>
      %dma_start3A_955 = arith.constant 0 : i32
      %dma_start3A_956 = tpu.memref_slice %arg3[%squeeze3A_948, %dma_start3A_955] : memref<1000000x32xf32, #tpu.memory_space<hbm>> -> memref<1x32xf32, #tpu.memory_space<hbm>>
      %dma_start3A_957 = arith.constant 0 : i32
      %dma_start3A_958 = tpu.memref_slice %arg6[%add3A_952, %dma_start3A_957] : memref<256x32xf32, #tpu.memory_space<vmem>> -> memref<1x32xf32, #tpu.memory_space<vmem>>
      %dma_start3A_959 = arith.constant 0 : i32
      %dma_start3A_960 = tpu.memref_slice %arg3[%squeeze3A_948, %dma_start3A_959] : memref<1000000x32xf32, #tpu.memory_space<hbm>> -> memref<1x32xf32, #tpu.memory_space<hbm>>
      tpu.enqueue_dma source(%dma_start3A_960 : memref<1x32xf32, #tpu.memory_space<hbm>>) target(%dma_start3A_958 : memref<1x32xf32, #tpu.memory_space<vmem>>) target_semaphore(%arg7 : memref<!tpu.dma_semaphore, #tpu.memory_space<semaphore_mem>>)
      %slice3A_961 = vector.extract_strided_slice %get3A_792 {offsets = [12], sizes = [1], strides = [1]} : vector<16xi32> to vector<1xi32>
      %squeeze3A_962 = vector.extract %slice3A_961[0] : i32 from vector<1xi32>
      %mul3A_963 = arith.constant 16 : i32
      %mul3A_964 = arith.muli %scan3A_785, %mul3A_963 : i32
      %add3A_965 = arith.constant 12 : i32
      %add3A_966 = arith.addi %mul3A_964, %add3A_965 : i32
      %dma_start3A_967 = arith.constant 0 : i32
      %dma_start3A_968 = tpu.memref_slice %arg6[%add3A_966, %dma_start3A_967] : memref<256x32xf32, #tpu.memory_space<vmem>> -> memref<1x32xf32, #tpu.memory_space<vmem>>
      %dma_start3A_969 = arith.constant 0 : i32
      %dma_start3A_970 = tpu.memref_slice %arg3[%squeeze3A_962, %dma_start3A_969] : memref<1000000x32xf32, #tpu.memory_space<hbm>> -> memref<1x32xf32, #tpu.memory_space<hbm>>
      %dma_start3A_971 = arith.constant 0 : i32
      %dma_start3A_972 = tpu.memref_slice %arg6[%add3A_966, %dma_start3A_971] : memref<256x32xf32, #tpu.memory_space<vmem>> -> memref<1x32xf32, #tpu.memory_space<vmem>>
      %dma_start3A_973 = arith.constant 0 : i32
      %dma_start3A_974 = tpu.memref_slice %arg3[%squeeze3A_962, %dma_start3A_973] : memref<1000000x32xf32, #tpu.memory_space<hbm>> -> memref<1x32xf32, #tpu.memory_space<hbm>>
      tpu.enqueue_dma source(%dma_start3A_974 : memref<1x32xf32, #tpu.memory_space<hbm>>) target(%dma_start3A_972 : memref<1x32xf32, #tpu.memory_space<vmem>>) target_semaphore(%arg7 : memref<!tpu.dma_semaphore, #tpu.memory_space<semaphore_mem>>)
      %slice3A_975 = vector.extract_strided_slice %get3A_792 {offsets = [13], sizes = [1], strides = [1]} : vector<16xi32> to vector<1xi32>
      %squeeze3A_976 = vector.extract %slice3A_975[0] : i32 from vector<1xi32>
      %mul3A_977 = arith.constant 16 : i32
      %mul3A_978 = arith.muli %scan3A_785, %mul3A_977 : i32
      %add3A_979 = arith.constant 13 : i32
      %add3A_980 = arith.addi %mul3A_978, %add3A_979 : i32
      %dma_start3A_981 = arith.constant 0 : i32
      %dma_start3A_982 = tpu.memref_slice %arg6[%add3A_980, %dma_start3A_981] : memref<256x32xf32, #tpu.memory_space<vmem>> -> memref<1x32xf32, #tpu.memory_space<vmem>>
      %dma_start3A_983 = arith.constant 0 : i32
      %dma_start3A_984 = tpu.memref_slice %arg3[%squeeze3A_976, %dma_start3A_983] : memref<1000000x32xf32, #tpu.memory_space<hbm>> -> memref<1x32xf32, #tpu.memory_space<hbm>>
      %dma_start3A_985 = arith.constant 0 : i32
      %dma_start3A_986 = tpu.memref_slice %arg6[%add3A_980, %dma_start3A_985] : memref<256x32xf32, #tpu.memory_space<vmem>> -> memref<1x32xf32, #tpu.memory_space<vmem>>
      %dma_start3A_987 = arith.constant 0 : i32
      %dma_start3A_988 = tpu.memref_slice %arg3[%squeeze3A_976, %dma_start3A_987] : memref<1000000x32xf32, #tpu.memory_space<hbm>> -> memref<1x32xf32, #tpu.memory_space<hbm>>
      tpu.enqueue_dma source(%dma_start3A_988 : memref<1x32xf32, #tpu.memory_space<hbm>>) target(%dma_start3A_986 : memref<1x32xf32, #tpu.memory_space<vmem>>) target_semaphore(%arg7 : memref<!tpu.dma_semaphore, #tpu.memory_space<semaphore_mem>>)
      %slice3A_989 = vector.extract_strided_slice %get3A_792 {offsets = [14], sizes = [1], strides = [1]} : vector<16xi32> to vector<1xi32>
      %squeeze3A_990 = vector.extract %slice3A_989[0] : i32 from vector<1xi32>
      %mul3A_991 = arith.constant 16 : i32
      %mul3A_992 = arith.muli %scan3A_785, %mul3A_991 : i32
      %add3A_993 = arith.constant 14 : i32
      %add3A_994 = arith.addi %mul3A_992, %add3A_993 : i32
      %dma_start3A_995 = arith.constant 0 : i32
      %dma_start3A_996 = tpu.memref_slice %arg6[%add3A_994, %dma_start3A_995] : memref<256x32xf32, #tpu.memory_space<vmem>> -> memref<1x32xf32, #tpu.memory_space<vmem>>
      %dma_start3A_997 = arith.constant 0 : i32
      %dma_start3A_998 = tpu.memref_slice %arg3[%squeeze3A_990, %dma_start3A_997] : memref<1000000x32xf32, #tpu.memory_space<hbm>> -> memref<1x32xf32, #tpu.memory_space<hbm>>
      %dma_start3A_999 = arith.constant 0 : i32
      %dma_start3A_1000 = tpu.memref_slice %arg6[%add3A_994, %dma_start3A_999] : memref<256x32xf32, #tpu.memory_space<vmem>> -> memref<1x32xf32, #tpu.memory_space<vmem>>
      %dma_start3A_1001 = arith.constant 0 : i32
      %dma_start3A_1002 = tpu.memref_slice %arg3[%squeeze3A_990, %dma_start3A_1001] : memref<1000000x32xf32, #tpu.memory_space<hbm>> -> memref<1x32xf32, #tpu.memory_space<hbm>>
      tpu.enqueue_dma source(%dma_start3A_1002 : memref<1x32xf32, #tpu.memory_space<hbm>>) target(%dma_start3A_1000 : memref<1x32xf32, #tpu.memory_space<vmem>>) target_semaphore(%arg7 : memref<!tpu.dma_semaphore, #tpu.memory_space<semaphore_mem>>)
      %slice3A_1003 = vector.extract_strided_slice %get3A_792 {offsets = [15], sizes = [1], strides = [1]} : vector<16xi32> to vector<1xi32>
      %squeeze3A_1004 = vector.extract %slice3A_1003[0] : i32 from vector<1xi32>
      %mul3A_1005 = arith.constant 16 : i32
      %mul3A_1006 = arith.muli %scan3A_785, %mul3A_1005 : i32
      %add3A_1007 = arith.constant 15 : i32
      %add3A_1008 = arith.addi %mul3A_1006, %add3A_1007 : i32
      %dma_start3A_1009 = arith.constant 0 : i32
      %dma_start3A_1010 = tpu.memref_slice %arg6[%add3A_1008, %dma_start3A_1009] : memref<256x32xf32, #tpu.memory_space<vmem>> -> memref<1x32xf32, #tpu.memory_space<vmem>>
      %dma_start3A_1011 = arith.constant 0 : i32
      %dma_start3A_1012 = tpu.memref_slice %arg3[%squeeze3A_1004, %dma_start3A_1011] : memref<1000000x32xf32, #tpu.memory_space<hbm>> -> memref<1x32xf32, #tpu.memory_space<hbm>>
      %dma_start3A_1013 = arith.constant 0 : i32
      %dma_start3A_1014 = tpu.memref_slice %arg6[%add3A_1008, %dma_start3A_1013] : memref<256x32xf32, #tpu.memory_space<vmem>> -> memref<1x32xf32, #tpu.memory_space<vmem>>
      %dma_start3A_1015 = arith.constant 0 : i32
      %dma_start3A_1016 = tpu.memref_slice %arg3[%squeeze3A_1004, %dma_start3A_1015] : memref<1000000x32xf32, #tpu.memory_space<hbm>> -> memref<1x32xf32, #tpu.memory_space<hbm>>
      tpu.enqueue_dma source(%dma_start3A_1016 : memref<1x32xf32, #tpu.memory_space<hbm>>) target(%dma_start3A_1014 : memref<1x32xf32, #tpu.memory_space<vmem>>) target_semaphore(%arg7 : memref<!tpu.dma_semaphore, #tpu.memory_space<semaphore_mem>>)
      %dma_wait3A_1017 = arith.constant 0 : i32
      %dma_wait3A_1018 = arith.constant 0 : i32
      %dma_wait3A_1019 = tpu.memref_slice %arg6[%dma_wait3A_1017, %dma_wait3A_1018] : memref<256x32xf32, #tpu.memory_space<vmem>> -> memref<1x32xf32, #tpu.memory_space<vmem>>
      %dma_wait3A_1020 = arith.constant 0 : i32
      %dma_wait3A_1021 = arith.constant 0 : i32
      %dma_wait3A_1022 = tpu.memref_slice %arg3[%dma_wait3A_1020, %dma_wait3A_1021] : memref<1000000x32xf32, #tpu.memory_space<hbm>> -> memref<1x32xf32, #tpu.memory_space<hbm>>
      %dma_wait3A_1023 = arith.constant 0 : i32
      %dma_wait3A_1024 = arith.constant 0 : i32
      %dma_wait3A_1025 = tpu.memref_slice %arg6[%dma_wait3A_1023, %dma_wait3A_1024] : memref<256x32xf32, #tpu.memory_space<vmem>> -> memref<1x32xf32, #tpu.memory_space<vmem>>
      %dma_wait3A_1026 = arith.constant 0 : i32
      %dma_wait3A_1027 = arith.constant 0 : i32
      %dma_wait3A_1028 = tpu.memref_slice %arg3[%dma_wait3A_1026, %dma_wait3A_1027] : memref<1000000x32xf32, #tpu.memory_space<hbm>> -> memref<1x32xf32, #tpu.memory_space<hbm>>
      tpu.wait_dma2 semaphore(%arg7 : memref<!tpu.dma_semaphore, #tpu.memory_space<semaphore_mem>>) src(%dma_wait3A_1028 : memref<1x32xf32, #tpu.memory_space<hbm>>) dst(%dma_wait3A_1025 : memref<1x32xf32, #tpu.memory_space<vmem>>)
      %dma_wait3A_1029 = arith.constant 0 : i32
      %dma_wait3A_1030 = arith.constant 0 : i32
      %dma_wait3A_1031 = tpu.memref_slice %arg6[%dma_wait3A_1029, %dma_wait3A_1030] : memref<256x32xf32, #tpu.memory_space<vmem>> -> memref<1x32xf32, #tpu.memory_space<vmem>>
      %dma_wait3A_1032 = arith.constant 0 : i32
      %dma_wait3A_1033 = arith.constant 0 : i32
      %dma_wait3A_1034 = tpu.memref_slice %arg3[%dma_wait3A_1032, %dma_wait3A_1033] : memref<1000000x32xf32, #tpu.memory_space<hbm>> -> memref<1x32xf32, #tpu.memory_space<hbm>>
      %dma_wait3A_1035 = arith.constant 0 : i32
      %dma_wait3A_1036 = arith.constant 0 : i32
      %dma_wait3A_1037 = tpu.memref_slice %arg6[%dma_wait3A_1035, %dma_wait3A_1036] : memref<256x32xf32, #tpu.memory_space<vmem>> -> memref<1x32xf32, #tpu.memory_space<vmem>>
      %dma_wait3A_1038 = arith.constant 0 : i32
      %dma_wait3A_1039 = arith.constant 0 : i32
      %dma_wait3A_1040 = tpu.memref_slice %arg3[%dma_wait3A_1038, %dma_wait3A_1039] : memref<1000000x32xf32, #tpu.memory_space<hbm>> -> memref<1x32xf32, #tpu.memory_space<hbm>>
      tpu.wait_dma2 semaphore(%arg7 : memref<!tpu.dma_semaphore, #tpu.memory_space<semaphore_mem>>) src(%dma_wait3A_1040 : memref<1x32xf32, #tpu.memory_space<hbm>>) dst(%dma_wait3A_1037 : memref<1x32xf32, #tpu.memory_space<vmem>>)
      %dma_wait3A_1041 = arith.constant 0 : i32
      %dma_wait3A_1042 = arith.constant 0 : i32
      %dma_wait3A_1043 = tpu.memref_slice %arg6[%dma_wait3A_1041, %dma_wait3A_1042] : memref<256x32xf32, #tpu.memory_space<vmem>> -> memref<1x32xf32, #tpu.memory_space<vmem>>
      %dma_wait3A_1044 = arith.constant 0 : i32
      %dma_wait3A_1045 = arith.constant 0 : i32
      %dma_wait3A_1046 = tpu.memref_slice %arg3[%dma_wait3A_1044, %dma_wait3A_1045] : memref<1000000x32xf32, #tpu.memory_space<hbm>> -> memref<1x32xf32, #tpu.memory_space<hbm>>
      %dma_wait3A_1047 = arith.constant 0 : i32
      %dma_wait3A_1048 = arith.constant 0 : i32
      %dma_wait3A_1049 = tpu.memref_slice %arg6[%dma_wait3A_1047, %dma_wait3A_1048] : memref<256x32xf32, #tpu.memory_space<vmem>> -> memref<1x32xf32, #tpu.memory_space<vmem>>
      %dma_wait3A_1050 = arith.constant 0 : i32
      %dma_wait3A_1051 = arith.constant 0 : i32
      %dma_wait3A_1052 = tpu.memref_slice %arg3[%dma_wait3A_1050, %dma_wait3A_1051] : memref<1000000x32xf32, #tpu.memory_space<hbm>> -> memref<1x32xf32, #tpu.memory_space<hbm>>
      tpu.wait_dma2 semaphore(%arg7 : memref<!tpu.dma_semaphore, #tpu.memory_space<semaphore_mem>>) src(%dma_wait3A_1052 : memref<1x32xf32, #tpu.memory_space<hbm>>) dst(%dma_wait3A_1049 : memref<1x32xf32, #tpu.memory_space<vmem>>)
      %dma_wait3A_1053 = arith.constant 0 : i32
      %dma_wait3A_1054 = arith.constant 0 : i32
      %dma_wait3A_1055 = tpu.memref_slice %arg6[%dma_wait3A_1053, %dma_wait3A_1054] : memref<256x32xf32, #tpu.memory_space<vmem>> -> memref<1x32xf32, #tpu.memory_space<vmem>>
      %dma_wait3A_1056 = arith.constant 0 : i32
      %dma_wait3A_1057 = arith.constant 0 : i32
      %dma_wait3A_1058 = tpu.memref_slice %arg3[%dma_wait3A_1056, %dma_wait3A_1057] : memref<1000000x32xf32, #tpu.memory_space<hbm>> -> memref<1x32xf32, #tpu.memory_space<hbm>>
      %dma_wait3A_1059 = arith.constant 0 : i32
      %dma_wait3A_1060 = arith.constant 0 : i32
      %dma_wait3A_1061 = tpu.memref_slice %arg6[%dma_wait3A_1059, %dma_wait3A_1060] : memref<256x32xf32, #tpu.memory_space<vmem>> -> memref<1x32xf32, #tpu.memory_space<vmem>>
      %dma_wait3A_1062 = arith.constant 0 : i32
      %dma_wait3A_1063 = arith.constant 0 : i32
      %dma_wait3A_1064 = tpu.memref_slice %arg3[%dma_wait3A_1062, %dma_wait3A_1063] : memref<1000000x32xf32, #tpu.memory_space<hbm>> -> memref<1x32xf32, #tpu.memory_space<hbm>>
      tpu.wait_dma2 semaphore(%arg7 : memref<!tpu.dma_semaphore, #tpu.memory_space<semaphore_mem>>) src(%dma_wait3A_1064 : memref<1x32xf32, #tpu.memory_space<hbm>>) dst(%dma_wait3A_1061 : memref<1x32xf32, #tpu.memory_space<vmem>>)
      %dma_wait3A_1065 = arith.constant 0 : i32
      %dma_wait3A_1066 = arith.constant 0 : i32
      %dma_wait3A_1067 = tpu.memref_slice %arg6[%dma_wait3A_1065, %dma_wait3A_1066] : memref<256x32xf32, #tpu.memory_space<vmem>> -> memref<1x32xf32, #tpu.memory_space<vmem>>
      %dma_wait3A_1068 = arith.constant 0 : i32
      %dma_wait3A_1069 = arith.constant 0 : i32
      %dma_wait3A_1070 = tpu.memref_slice %arg3[%dma_wait3A_1068, %dma_wait3A_1069] : memref<1000000x32xf32, #tpu.memory_space<hbm>> -> memref<1x32xf32, #tpu.memory_space<hbm>>
      %dma_wait3A_1071 = arith.constant 0 : i32
      %dma_wait3A_1072 = arith.constant 0 : i32
      %dma_wait3A_1073 = tpu.memref_slice %arg6[%dma_wait3A_1071, %dma_wait3A_1072] : memref<256x32xf32, #tpu.memory_space<vmem>> -> memref<1x32xf32, #tpu.memory_space<vmem>>
      %dma_wait3A_1074 = arith.constant 0 : i32
      %dma_wait3A_1075 = arith.constant 0 : i32
      %dma_wait3A_1076 = tpu.memref_slice %arg3[%dma_wait3A_1074, %dma_wait3A_1075] : memref<1000000x32xf32, #tpu.memory_space<hbm>> -> memref<1x32xf32, #tpu.memory_space<hbm>>
      tpu.wait_dma2 semaphore(%arg7 : memref<!tpu.dma_semaphore, #tpu.memory_space<semaphore_mem>>) src(%dma_wait3A_1076 : memref<1x32xf32, #tpu.memory_space<hbm>>) dst(%dma_wait3A_1073 : memref<1x32xf32, #tpu.memory_space<vmem>>)
      %dma_wait3A_1077 = arith.constant 0 : i32
      %dma_wait3A_1078 = arith.constant 0 : i32
      %dma_wait3A_1079 = tpu.memref_slice %arg6[%dma_wait3A_1077, %dma_wait3A_1078] : memref<256x32xf32, #tpu.memory_space<vmem>> -> memref<1x32xf32, #tpu.memory_space<vmem>>
      %dma_wait3A_1080 = arith.constant 0 : i32
      %dma_wait3A_1081 = arith.constant 0 : i32
      %dma_wait3A_1082 = tpu.memref_slice %arg3[%dma_wait3A_1080, %dma_wait3A_1081] : memref<1000000x32xf32, #tpu.memory_space<hbm>> -> memref<1x32xf32, #tpu.memory_space<hbm>>
      %dma_wait3A_1083 = arith.constant 0 : i32
      %dma_wait3A_1084 = arith.constant 0 : i32
      %dma_wait3A_1085 = tpu.memref_slice %arg6[%dma_wait3A_1083, %dma_wait3A_1084] : memref<256x32xf32, #tpu.memory_space<vmem>> -> memref<1x32xf32, #tpu.memory_space<vmem>>
      %dma_wait3A_1086 = arith.constant 0 : i32
      %dma_wait3A_1087 = arith.constant 0 : i32
      %dma_wait3A_1088 = tpu.memref_slice %arg3[%dma_wait3A_1086, %dma_wait3A_1087] : memref<1000000x32xf32, #tpu.memory_space<hbm>> -> memref<1x32xf32, #tpu.memory_space<hbm>>
      tpu.wait_dma2 semaphore(%arg7 : memref<!tpu.dma_semaphore, #tpu.memory_space<semaphore_mem>>) src(%dma_wait3A_1088 : memref<1x32xf32, #tpu.memory_space<hbm>>) dst(%dma_wait3A_1085 : memref<1x32xf32, #tpu.memory_space<vmem>>)
      %dma_wait3A_1089 = arith.constant 0 : i32
      %dma_wait3A_1090 = arith.constant 0 : i32
      %dma_wait3A_1091 = tpu.memref_slice %arg6[%dma_wait3A_1089, %dma_wait3A_1090] : memref<256x32xf32, #tpu.memory_space<vmem>> -> memref<1x32xf32, #tpu.memory_space<vmem>>
      %dma_wait3A_1092 = arith.constant 0 : i32
      %dma_wait3A_1093 = arith.constant 0 : i32
      %dma_wait3A_1094 = tpu.memref_slice %arg3[%dma_wait3A_1092, %dma_wait3A_1093] : memref<1000000x32xf32, #tpu.memory_space<hbm>> -> memref<1x32xf32, #tpu.memory_space<hbm>>
      %dma_wait3A_1095 = arith.constant 0 : i32
      %dma_wait3A_1096 = arith.constant 0 : i32
      %dma_wait3A_1097 = tpu.memref_slice %arg6[%dma_wait3A_1095, %dma_wait3A_1096] : memref<256x32xf32, #tpu.memory_space<vmem>> -> memref<1x32xf32, #tpu.memory_space<vmem>>
      %dma_wait3A_1098 = arith.constant 0 : i32
      %dma_wait3A_1099 = arith.constant 0 : i32
      %dma_wait3A_1100 = tpu.memref_slice %arg3[%dma_wait3A_1098, %dma_wait3A_1099] : memref<1000000x32xf32, #tpu.memory_space<hbm>> -> memref<1x32xf32, #tpu.memory_space<hbm>>
      tpu.wait_dma2 semaphore(%arg7 : memref<!tpu.dma_semaphore, #tpu.memory_space<semaphore_mem>>) src(%dma_wait3A_1100 : memref<1x32xf32, #tpu.memory_space<hbm>>) dst(%dma_wait3A_1097 : memref<1x32xf32, #tpu.memory_space<vmem>>)
      %dma_wait3A_1101 = arith.constant 0 : i32
      %dma_wait3A_1102 = arith.constant 0 : i32
      %dma_wait3A_1103 = tpu.memref_slice %arg6[%dma_wait3A_1101, %dma_wait3A_1102] : memref<256x32xf32, #tpu.memory_space<vmem>> -> memref<1x32xf32, #tpu.memory_space<vmem>>
      %dma_wait3A_1104 = arith.constant 0 : i32
      %dma_wait3A_1105 = arith.constant 0 : i32
      %dma_wait3A_1106 = tpu.memref_slice %arg3[%dma_wait3A_1104, %dma_wait3A_1105] : memref<1000000x32xf32, #tpu.memory_space<hbm>> -> memref<1x32xf32, #tpu.memory_space<hbm>>
      %dma_wait3A_1107 = arith.constant 0 : i32
      %dma_wait3A_1108 = arith.constant 0 : i32
      %dma_wait3A_1109 = tpu.memref_slice %arg6[%dma_wait3A_1107, %dma_wait3A_1108] : memref<256x32xf32, #tpu.memory_space<vmem>> -> memref<1x32xf32, #tpu.memory_space<vmem>>
      %dma_wait3A_1110 = arith.constant 0 : i32
      %dma_wait3A_1111 = arith.constant 0 : i32
      %dma_wait3A_1112 = tpu.memref_slice %arg3[%dma_wait3A_1110, %dma_wait3A_1111] : memref<1000000x32xf32, #tpu.memory_space<hbm>> -> memref<1x32xf32, #tpu.memory_space<hbm>>
      tpu.wait_dma2 semaphore(%arg7 : memref<!tpu.dma_semaphore, #tpu.memory_space<semaphore_mem>>) src(%dma_wait3A_1112 : memref<1x32xf32, #tpu.memory_space<hbm>>) dst(%dma_wait3A_1109 : memref<1x32xf32, #tpu.memory_space<vmem>>)
      %dma_wait3A_1113 = arith.constant 0 : i32
      %dma_wait3A_1114 = arith.constant 0 : i32
      %dma_wait3A_1115 = tpu.memref_slice %arg6[%dma_wait3A_1113, %dma_wait3A_1114] : memref<256x32xf32, #tpu.memory_space<vmem>> -> memref<1x32xf32, #tpu.memory_space<vmem>>
      %dma_wait3A_1116 = arith.constant 0 : i32
      %dma_wait3A_1117 = arith.constant 0 : i32
      %dma_wait3A_1118 = tpu.memref_slice %arg3[%dma_wait3A_1116, %dma_wait3A_1117] : memref<1000000x32xf32, #tpu.memory_space<hbm>> -> memref<1x32xf32, #tpu.memory_space<hbm>>
      %dma_wait3A_1119 = arith.constant 0 : i32
      %dma_wait3A_1120 = arith.constant 0 : i32
      %dma_wait3A_1121 = tpu.memref_slice %arg6[%dma_wait3A_1119, %dma_wait3A_1120] : memref<256x32xf32, #tpu.memory_space<vmem>> -> memref<1x32xf32, #tpu.memory_space<vmem>>
      %dma_wait3A_1122 = arith.constant 0 : i32
      %dma_wait3A_1123 = arith.constant 0 : i32
      %dma_wait3A_1124 = tpu.memref_slice %arg3[%dma_wait3A_1122, %dma_wait3A_1123] : memref<1000000x32xf32, #tpu.memory_space<hbm>> -> memref<1x32xf32, #tpu.memory_space<hbm>>
      tpu.wait_dma2 semaphore(%arg7 : memref<!tpu.dma_semaphore, #tpu.memory_space<semaphore_mem>>) src(%dma_wait3A_1124 : memref<1x32xf32, #tpu.memory_space<hbm>>) dst(%dma_wait3A_1121 : memref<1x32xf32, #tpu.memory_space<vmem>>)
      %dma_wait3A_1125 = arith.constant 0 : i32
      %dma_wait3A_1126 = arith.constant 0 : i32
      %dma_wait3A_1127 = tpu.memref_slice %arg6[%dma_wait3A_1125, %dma_wait3A_1126] : memref<256x32xf32, #tpu.memory_space<vmem>> -> memref<1x32xf32, #tpu.memory_space<vmem>>
      %dma_wait3A_1128 = arith.constant 0 : i32
      %dma_wait3A_1129 = arith.constant 0 : i32
      %dma_wait3A_1130 = tpu.memref_slice %arg3[%dma_wait3A_1128, %dma_wait3A_1129] : memref<1000000x32xf32, #tpu.memory_space<hbm>> -> memref<1x32xf32, #tpu.memory_space<hbm>>
      %dma_wait3A_1131 = arith.constant 0 : i32
      %dma_wait3A_1132 = arith.constant 0 : i32
      %dma_wait3A_1133 = tpu.memref_slice %arg6[%dma_wait3A_1131, %dma_wait3A_1132] : memref<256x32xf32, #tpu.memory_space<vmem>> -> memref<1x32xf32, #tpu.memory_space<vmem>>
      %dma_wait3A_1134 = arith.constant 0 : i32
      %dma_wait3A_1135 = arith.constant 0 : i32
      %dma_wait3A_1136 = tpu.memref_slice %arg3[%dma_wait3A_1134, %dma_wait3A_1135] : memref<1000000x32xf32, #tpu.memory_space<hbm>> -> memref<1x32xf32, #tpu.memory_space<hbm>>
      tpu.wait_dma2 semaphore(%arg7 : memref<!tpu.dma_semaphore, #tpu.memory_space<semaphore_mem>>) src(%dma_wait3A_1136 : memref<1x32xf32, #tpu.memory_space<hbm>>) dst(%dma_wait3A_1133 : memref<1x32xf32, #tpu.memory_space<vmem>>)
      %dma_wait3A_1137 = arith.constant 0 : i32
      %dma_wait3A_1138 = arith.constant 0 : i32
      %dma_wait3A_1139 = tpu.memref_slice %arg6[%dma_wait3A_1137, %dma_wait3A_1138] : memref<256x32xf32, #tpu.memory_space<vmem>> -> memref<1x32xf32, #tpu.memory_space<vmem>>
      %dma_wait3A_1140 = arith.constant 0 : i32
      %dma_wait3A_1141 = arith.constant 0 : i32
      %dma_wait3A_1142 = tpu.memref_slice %arg3[%dma_wait3A_1140, %dma_wait3A_1141] : memref<1000000x32xf32, #tpu.memory_space<hbm>> -> memref<1x32xf32, #tpu.memory_space<hbm>>
      %dma_wait3A_1143 = arith.constant 0 : i32
      %dma_wait3A_1144 = arith.constant 0 : i32
      %dma_wait3A_1145 = tpu.memref_slice %arg6[%dma_wait3A_1143, %dma_wait3A_1144] : memref<256x32xf32, #tpu.memory_space<vmem>> -> memref<1x32xf32, #tpu.memory_space<vmem>>
      %dma_wait3A_1146 = arith.constant 0 : i32
      %dma_wait3A_1147 = arith.constant 0 : i32
      %dma_wait3A_1148 = tpu.memref_slice %arg3[%dma_wait3A_1146, %dma_wait3A_1147] : memref<1000000x32xf32, #tpu.memory_space<hbm>> -> memref<1x32xf32, #tpu.memory_space<hbm>>
      tpu.wait_dma2 semaphore(%arg7 : memref<!tpu.dma_semaphore, #tpu.memory_space<semaphore_mem>>) src(%dma_wait3A_1148 : memref<1x32xf32, #tpu.memory_space<hbm>>) dst(%dma_wait3A_1145 : memref<1x32xf32, #tpu.memory_space<vmem>>)
      %dma_wait3A_1149 = arith.constant 0 : i32
      %dma_wait3A_1150 = arith.constant 0 : i32
      %dma_wait3A_1151 = tpu.memref_slice %arg6[%dma_wait3A_1149, %dma_wait3A_1150] : memref<256x32xf32, #tpu.memory_space<vmem>> -> memref<1x32xf32, #tpu.memory_space<vmem>>
      %dma_wait3A_1152 = arith.constant 0 : i32
      %dma_wait3A_1153 = arith.constant 0 : i32
      %dma_wait3A_1154 = tpu.memref_slice %arg3[%dma_wait3A_1152, %dma_wait3A_1153] : memref<1000000x32xf32, #tpu.memory_space<hbm>> -> memref<1x32xf32, #tpu.memory_space<hbm>>
      %dma_wait3A_1155 = arith.constant 0 : i32
      %dma_wait3A_1156 = arith.constant 0 : i32
      %dma_wait3A_1157 = tpu.memref_slice %arg6[%dma_wait3A_1155, %dma_wait3A_1156] : memref<256x32xf32, #tpu.memory_space<vmem>> -> memref<1x32xf32, #tpu.memory_space<vmem>>
      %dma_wait3A_1158 = arith.constant 0 : i32
      %dma_wait3A_1159 = arith.constant 0 : i32
      %dma_wait3A_1160 = tpu.memref_slice %arg3[%dma_wait3A_1158, %dma_wait3A_1159] : memref<1000000x32xf32, #tpu.memory_space<hbm>> -> memref<1x32xf32, #tpu.memory_space<hbm>>
      tpu.wait_dma2 semaphore(%arg7 : memref<!tpu.dma_semaphore, #tpu.memory_space<semaphore_mem>>) src(%dma_wait3A_1160 : memref<1x32xf32, #tpu.memory_space<hbm>>) dst(%dma_wait3A_1157 : memref<1x32xf32, #tpu.memory_space<vmem>>)
      %dma_wait3A_1161 = arith.constant 0 : i32
      %dma_wait3A_1162 = arith.constant 0 : i32
      %dma_wait3A_1163 = tpu.memref_slice %arg6[%dma_wait3A_1161, %dma_wait3A_1162] : memref<256x32xf32, #tpu.memory_space<vmem>> -> memref<1x32xf32, #tpu.memory_space<vmem>>
      %dma_wait3A_1164 = arith.constant 0 : i32
      %dma_wait3A_1165 = arith.constant 0 : i32
      %dma_wait3A_1166 = tpu.memref_slice %arg3[%dma_wait3A_1164, %dma_wait3A_1165] : memref<1000000x32xf32, #tpu.memory_space<hbm>> -> memref<1x32xf32, #tpu.memory_space<hbm>>
      %dma_wait3A_1167 = arith.constant 0 : i32
      %dma_wait3A_1168 = arith.constant 0 : i32
      %dma_wait3A_1169 = tpu.memref_slice %arg6[%dma_wait3A_1167, %dma_wait3A_1168] : memref<256x32xf32, #tpu.memory_space<vmem>> -> memref<1x32xf32, #tpu.memory_space<vmem>>
      %dma_wait3A_1170 = arith.constant 0 : i32
      %dma_wait3A_1171 = arith.constant 0 : i32
      %dma_wait3A_1172 = tpu.memref_slice %arg3[%dma_wait3A_1170, %dma_wait3A_1171] : memref<1000000x32xf32, #tpu.memory_space<hbm>> -> memref<1x32xf32, #tpu.memory_space<hbm>>
      tpu.wait_dma2 semaphore(%arg7 : memref<!tpu.dma_semaphore, #tpu.memory_space<semaphore_mem>>) src(%dma_wait3A_1172 : memref<1x32xf32, #tpu.memory_space<hbm>>) dst(%dma_wait3A_1169 : memref<1x32xf32, #tpu.memory_space<vmem>>)
      %dma_wait3A_1173 = arith.constant 0 : i32
      %dma_wait3A_1174 = arith.constant 0 : i32
      %dma_wait3A_1175 = tpu.memref_slice %arg6[%dma_wait3A_1173, %dma_wait3A_1174] : memref<256x32xf32, #tpu.memory_space<vmem>> -> memref<1x32xf32, #tpu.memory_space<vmem>>
      %dma_wait3A_1176 = arith.constant 0 : i32
      %dma_wait3A_1177 = arith.constant 0 : i32
      %dma_wait3A_1178 = tpu.memref_slice %arg3[%dma_wait3A_1176, %dma_wait3A_1177] : memref<1000000x32xf32, #tpu.memory_space<hbm>> -> memref<1x32xf32, #tpu.memory_space<hbm>>
      %dma_wait3A_1179 = arith.constant 0 : i32
      %dma_wait3A_1180 = arith.constant 0 : i32
      %dma_wait3A_1181 = tpu.memref_slice %arg6[%dma_wait3A_1179, %dma_wait3A_1180] : memref<256x32xf32, #tpu.memory_space<vmem>> -> memref<1x32xf32, #tpu.memory_space<vmem>>
      %dma_wait3A_1182 = arith.constant 0 : i32
      %dma_wait3A_1183 = arith.constant 0 : i32
      %dma_wait3A_1184 = tpu.memref_slice %arg3[%dma_wait3A_1182, %dma_wait3A_1183] : memref<1000000x32xf32, #tpu.memory_space<hbm>> -> memref<1x32xf32, #tpu.memory_space<hbm>>
      tpu.wait_dma2 semaphore(%arg7 : memref<!tpu.dma_semaphore, #tpu.memory_space<semaphore_mem>>) src(%dma_wait3A_1184 : memref<1x32xf32, #tpu.memory_space<hbm>>) dst(%dma_wait3A_1181 : memref<1x32xf32, #tpu.memory_space<vmem>>)
      %dma_wait3A_1185 = arith.constant 0 : i32
      %dma_wait3A_1186 = arith.constant 0 : i32
      %dma_wait3A_1187 = tpu.memref_slice %arg6[%dma_wait3A_1185, %dma_wait3A_1186] : memref<256x32xf32, #tpu.memory_space<vmem>> -> memref<1x32xf32, #tpu.memory_space<vmem>>
      %dma_wait3A_1188 = arith.constant 0 : i32
      %dma_wait3A_1189 = arith.constant 0 : i32
      %dma_wait3A_1190 = tpu.memref_slice %arg3[%dma_wait3A_1188, %dma_wait3A_1189] : memref<1000000x32xf32, #tpu.memory_space<hbm>> -> memref<1x32xf32, #tpu.memory_space<hbm>>
      %dma_wait3A_1191 = arith.constant 0 : i32
      %dma_wait3A_1192 = arith.constant 0 : i32
      %dma_wait3A_1193 = tpu.memref_slice %arg6[%dma_wait3A_1191, %dma_wait3A_1192] : memref<256x32xf32, #tpu.memory_space<vmem>> -> memref<1x32xf32, #tpu.memory_space<vmem>>
      %dma_wait3A_1194 = arith.constant 0 : i32
      %dma_wait3A_1195 = arith.constant 0 : i32
      %dma_wait3A_1196 = tpu.memref_slice %arg3[%dma_wait3A_1194, %dma_wait3A_1195] : memref<1000000x32xf32, #tpu.memory_space<hbm>> -> memref<1x32xf32, #tpu.memory_space<hbm>>
      tpu.wait_dma2 semaphore(%arg7 : memref<!tpu.dma_semaphore, #tpu.memory_space<semaphore_mem>>) src(%dma_wait3A_1196 : memref<1x32xf32, #tpu.memory_space<hbm>>) dst(%dma_wait3A_1193 : memref<1x32xf32, #tpu.memory_space<vmem>>)
      %dma_wait3A_1197 = arith.constant 0 : i32
      %dma_wait3A_1198 = arith.constant 0 : i32
      %dma_wait3A_1199 = tpu.memref_slice %arg6[%dma_wait3A_1197, %dma_wait3A_1198] : memref<256x32xf32, #tpu.memory_space<vmem>> -> memref<1x32xf32, #tpu.memory_space<vmem>>
      %dma_wait3A_1200 = arith.constant 0 : i32
      %dma_wait3A_1201 = arith.constant 0 : i32
      %dma_wait3A_1202 = tpu.memref_slice %arg3[%dma_wait3A_1200, %dma_wait3A_1201] : memref<1000000x32xf32, #tpu.memory_space<hbm>> -> memref<1x32xf32, #tpu.memory_space<hbm>>
      %dma_wait3A_1203 = arith.constant 0 : i32
      %dma_wait3A_1204 = arith.constant 0 : i32
      %dma_wait3A_1205 = tpu.memref_slice %arg6[%dma_wait3A_1203, %dma_wait3A_1204] : memref<256x32xf32, #tpu.memory_space<vmem>> -> memref<1x32xf32, #tpu.memory_space<vmem>>
      %dma_wait3A_1206 = arith.constant 0 : i32
      %dma_wait3A_1207 = arith.constant 0 : i32
      %dma_wait3A_1208 = tpu.memref_slice %arg3[%dma_wait3A_1206, %dma_wait3A_1207] : memref<1000000x32xf32, #tpu.memory_space<hbm>> -> memref<1x32xf32, #tpu.memory_space<hbm>>
      tpu.wait_dma2 semaphore(%arg7 : memref<!tpu.dma_semaphore, #tpu.memory_space<semaphore_mem>>) src(%dma_wait3A_1208 : memref<1x32xf32, #tpu.memory_space<hbm>>) dst(%dma_wait3A_1205 : memref<1x32xf32, #tpu.memory_space<vmem>>)
    }
    %scan3A_197 = arith.constant 15 : i32
    %dma_wait3A = arith.constant 0 : i32
    %dma_wait3A_198 = arith.constant 0 : i32
    %dma_wait3A_199 = tpu.memref_slice %arg6[%dma_wait3A, %dma_wait3A_198] : memref<256x32xf32, #tpu.memory_space<vmem>> -> memref<1x32xf32, #tpu.memory_space<vmem>>
    %dma_wait3A_200 = arith.constant 0 : i32
    %dma_wait3A_201 = arith.constant 0 : i32
    %dma_wait3A_202 = tpu.memref_slice %arg3[%dma_wait3A_200, %dma_wait3A_201] : memref<1000000x32xf32, #tpu.memory_space<hbm>> -> memref<1x32xf32, #tpu.memory_space<hbm>>
    %dma_wait3A_203 = arith.constant 0 : i32
    %dma_wait3A_204 = arith.constant 0 : i32
    %dma_wait3A_205 = tpu.memref_slice %arg6[%dma_wait3A_203, %dma_wait3A_204] : memref<256x32xf32, #tpu.memory_space<vmem>> -> memref<1x32xf32, #tpu.memory_space<vmem>>
    %dma_wait3A_206 = arith.constant 0 : i32
    %dma_wait3A_207 = arith.constant 0 : i32
    %dma_wait3A_208 = tpu.memref_slice %arg3[%dma_wait3A_206, %dma_wait3A_207] : memref<1000000x32xf32, #tpu.memory_space<hbm>> -> memref<1x32xf32, #tpu.memory_space<hbm>>
    tpu.wait_dma2 semaphore(%arg7 : memref<!tpu.dma_semaphore, #tpu.memory_space<semaphore_mem>>) src(%dma_wait3A_208 : memref<1x32xf32, #tpu.memory_space<hbm>>) dst(%dma_wait3A_205 : memref<1x32xf32, #tpu.memory_space<vmem>>)
    %dma_wait3A_209 = arith.constant 0 : i32
    %dma_wait3A_210 = arith.constant 0 : i32
    %dma_wait3A_211 = tpu.memref_slice %arg6[%dma_wait3A_209, %dma_wait3A_210] : memref<256x32xf32, #tpu.memory_space<vmem>> -> memref<1x32xf32, #tpu.memory_space<vmem>>
    %dma_wait3A_212 = arith.constant 0 : i32
    %dma_wait3A_213 = arith.constant 0 : i32
    %dma_wait3A_214 = tpu.memref_slice %arg3[%dma_wait3A_212, %dma_wait3A_213] : memref<1000000x32xf32, #tpu.memory_space<hbm>> -> memref<1x32xf32, #tpu.memory_space<hbm>>
    %dma_wait3A_215 = arith.constant 0 : i32
    %dma_wait3A_216 = arith.constant 0 : i32
    %dma_wait3A_217 = tpu.memref_slice %arg6[%dma_wait3A_215, %dma_wait3A_216] : memref<256x32xf32, #tpu.memory_space<vmem>> -> memref<1x32xf32, #tpu.memory_space<vmem>>
    %dma_wait3A_218 = arith.constant 0 : i32
    %dma_wait3A_219 = arith.constant 0 : i32
    %dma_wait3A_220 = tpu.memref_slice %arg3[%dma_wait3A_218, %dma_wait3A_219] : memref<1000000x32xf32, #tpu.memory_space<hbm>> -> memref<1x32xf32, #tpu.memory_space<hbm>>
    tpu.wait_dma2 semaphore(%arg7 : memref<!tpu.dma_semaphore, #tpu.memory_space<semaphore_mem>>) src(%dma_wait3A_220 : memref<1x32xf32, #tpu.memory_space<hbm>>) dst(%dma_wait3A_217 : memref<1x32xf32, #tpu.memory_space<vmem>>)
    %dma_wait3A_221 = arith.constant 0 : i32
    %dma_wait3A_222 = arith.constant 0 : i32
    %dma_wait3A_223 = tpu.memref_slice %arg6[%dma_wait3A_221, %dma_wait3A_222] : memref<256x32xf32, #tpu.memory_space<vmem>> -> memref<1x32xf32, #tpu.memory_space<vmem>>
    %dma_wait3A_224 = arith.constant 0 : i32
    %dma_wait3A_225 = arith.constant 0 : i32
    %dma_wait3A_226 = tpu.memref_slice %arg3[%dma_wait3A_224, %dma_wait3A_225] : memref<1000000x32xf32, #tpu.memory_space<hbm>> -> memref<1x32xf32, #tpu.memory_space<hbm>>
    %dma_wait3A_227 = arith.constant 0 : i32
    %dma_wait3A_228 = arith.constant 0 : i32
    %dma_wait3A_229 = tpu.memref_slice %arg6[%dma_wait3A_227, %dma_wait3A_228] : memref<256x32xf32, #tpu.memory_space<vmem>> -> memref<1x32xf32, #tpu.memory_space<vmem>>
    %dma_wait3A_230 = arith.constant 0 : i32
    %dma_wait3A_231 = arith.constant 0 : i32
    %dma_wait3A_232 = tpu.memref_slice %arg3[%dma_wait3A_230, %dma_wait3A_231] : memref<1000000x32xf32, #tpu.memory_space<hbm>> -> memref<1x32xf32, #tpu.memory_space<hbm>>
    tpu.wait_dma2 semaphore(%arg7 : memref<!tpu.dma_semaphore, #tpu.memory_space<semaphore_mem>>) src(%dma_wait3A_232 : memref<1x32xf32, #tpu.memory_space<hbm>>) dst(%dma_wait3A_229 : memref<1x32xf32, #tpu.memory_space<vmem>>)
    %dma_wait3A_233 = arith.constant 0 : i32
    %dma_wait3A_234 = arith.constant 0 : i32
    %dma_wait3A_235 = tpu.memref_slice %arg6[%dma_wait3A_233, %dma_wait3A_234] : memref<256x32xf32, #tpu.memory_space<vmem>> -> memref<1x32xf32, #tpu.memory_space<vmem>>
    %dma_wait3A_236 = arith.constant 0 : i32
    %dma_wait3A_237 = arith.constant 0 : i32
    %dma_wait3A_238 = tpu.memref_slice %arg3[%dma_wait3A_236, %dma_wait3A_237] : memref<1000000x32xf32, #tpu.memory_space<hbm>> -> memref<1x32xf32, #tpu.memory_space<hbm>>
    %dma_wait3A_239 = arith.constant 0 : i32
    %dma_wait3A_240 = arith.constant 0 : i32
    %dma_wait3A_241 = tpu.memref_slice %arg6[%dma_wait3A_239, %dma_wait3A_240] : memref<256x32xf32, #tpu.memory_space<vmem>> -> memref<1x32xf32, #tpu.memory_space<vmem>>
    %dma_wait3A_242 = arith.constant 0 : i32
    %dma_wait3A_243 = arith.constant 0 : i32
    %dma_wait3A_244 = tpu.memref_slice %arg3[%dma_wait3A_242, %dma_wait3A_243] : memref<1000000x32xf32, #tpu.memory_space<hbm>> -> memref<1x32xf32, #tpu.memory_space<hbm>>
    tpu.wait_dma2 semaphore(%arg7 : memref<!tpu.dma_semaphore, #tpu.memory_space<semaphore_mem>>) src(%dma_wait3A_244 : memref<1x32xf32, #tpu.memory_space<hbm>>) dst(%dma_wait3A_241 : memref<1x32xf32, #tpu.memory_space<vmem>>)
    %dma_wait3A_245 = arith.constant 0 : i32
    %dma_wait3A_246 = arith.constant 0 : i32
    %dma_wait3A_247 = tpu.memref_slice %arg6[%dma_wait3A_245, %dma_wait3A_246] : memref<256x32xf32, #tpu.memory_space<vmem>> -> memref<1x32xf32, #tpu.memory_space<vmem>>
    %dma_wait3A_248 = arith.constant 0 : i32
    %dma_wait3A_249 = arith.constant 0 : i32
    %dma_wait3A_250 = tpu.memref_slice %arg3[%dma_wait3A_248, %dma_wait3A_249] : memref<1000000x32xf32, #tpu.memory_space<hbm>> -> memref<1x32xf32, #tpu.memory_space<hbm>>
    %dma_wait3A_251 = arith.constant 0 : i32
    %dma_wait3A_252 = arith.constant 0 : i32
    %dma_wait3A_253 = tpu.memref_slice %arg6[%dma_wait3A_251, %dma_wait3A_252] : memref<256x32xf32, #tpu.memory_space<vmem>> -> memref<1x32xf32, #tpu.memory_space<vmem>>
    %dma_wait3A_254 = arith.constant 0 : i32
    %dma_wait3A_255 = arith.constant 0 : i32
    %dma_wait3A_256 = tpu.memref_slice %arg3[%dma_wait3A_254, %dma_wait3A_255] : memref<1000000x32xf32, #tpu.memory_space<hbm>> -> memref<1x32xf32, #tpu.memory_space<hbm>>
    tpu.wait_dma2 semaphore(%arg7 : memref<!tpu.dma_semaphore, #tpu.memory_space<semaphore_mem>>) src(%dma_wait3A_256 : memref<1x32xf32, #tpu.memory_space<hbm>>) dst(%dma_wait3A_253 : memref<1x32xf32, #tpu.memory_space<vmem>>)
    %dma_wait3A_257 = arith.constant 0 : i32
    %dma_wait3A_258 = arith.constant 0 : i32
    %dma_wait3A_259 = tpu.memref_slice %arg6[%dma_wait3A_257, %dma_wait3A_258] : memref<256x32xf32, #tpu.memory_space<vmem>> -> memref<1x32xf32, #tpu.memory_space<vmem>>
    %dma_wait3A_260 = arith.constant 0 : i32
    %dma_wait3A_261 = arith.constant 0 : i32
    %dma_wait3A_262 = tpu.memref_slice %arg3[%dma_wait3A_260, %dma_wait3A_261] : memref<1000000x32xf32, #tpu.memory_space<hbm>> -> memref<1x32xf32, #tpu.memory_space<hbm>>
    %dma_wait3A_263 = arith.constant 0 : i32
    %dma_wait3A_264 = arith.constant 0 : i32
    %dma_wait3A_265 = tpu.memref_slice %arg6[%dma_wait3A_263, %dma_wait3A_264] : memref<256x32xf32, #tpu.memory_space<vmem>> -> memref<1x32xf32, #tpu.memory_space<vmem>>
    %dma_wait3A_266 = arith.constant 0 : i32
    %dma_wait3A_267 = arith.constant 0 : i32
    %dma_wait3A_268 = tpu.memref_slice %arg3[%dma_wait3A_266, %dma_wait3A_267] : memref<1000000x32xf32, #tpu.memory_space<hbm>> -> memref<1x32xf32, #tpu.memory_space<hbm>>
    tpu.wait_dma2 semaphore(%arg7 : memref<!tpu.dma_semaphore, #tpu.memory_space<semaphore_mem>>) src(%dma_wait3A_268 : memref<1x32xf32, #tpu.memory_space<hbm>>) dst(%dma_wait3A_265 : memref<1x32xf32, #tpu.memory_space<vmem>>)
    %dma_wait3A_269 = arith.constant 0 : i32
    %dma_wait3A_270 = arith.constant 0 : i32
    %dma_wait3A_271 = tpu.memref_slice %arg6[%dma_wait3A_269, %dma_wait3A_270] : memref<256x32xf32, #tpu.memory_space<vmem>> -> memref<1x32xf32, #tpu.memory_space<vmem>>
    %dma_wait3A_272 = arith.constant 0 : i32
    %dma_wait3A_273 = arith.constant 0 : i32
    %dma_wait3A_274 = tpu.memref_slice %arg3[%dma_wait3A_272, %dma_wait3A_273] : memref<1000000x32xf32, #tpu.memory_space<hbm>> -> memref<1x32xf32, #tpu.memory_space<hbm>>
    %dma_wait3A_275 = arith.constant 0 : i32
    %dma_wait3A_276 = arith.constant 0 : i32
    %dma_wait3A_277 = tpu.memref_slice %arg6[%dma_wait3A_275, %dma_wait3A_276] : memref<256x32xf32, #tpu.memory_space<vmem>> -> memref<1x32xf32, #tpu.memory_space<vmem>>
    %dma_wait3A_278 = arith.constant 0 : i32
    %dma_wait3A_279 = arith.constant 0 : i32
    %dma_wait3A_280 = tpu.memref_slice %arg3[%dma_wait3A_278, %dma_wait3A_279] : memref<1000000x32xf32, #tpu.memory_space<hbm>> -> memref<1x32xf32, #tpu.memory_space<hbm>>
    tpu.wait_dma2 semaphore(%arg7 : memref<!tpu.dma_semaphore, #tpu.memory_space<semaphore_mem>>) src(%dma_wait3A_280 : memref<1x32xf32, #tpu.memory_space<hbm>>) dst(%dma_wait3A_277 : memref<1x32xf32, #tpu.memory_space<vmem>>)
    %dma_wait3A_281 = arith.constant 0 : i32
    %dma_wait3A_282 = arith.constant 0 : i32
    %dma_wait3A_283 = tpu.memref_slice %arg6[%dma_wait3A_281, %dma_wait3A_282] : memref<256x32xf32, #tpu.memory_space<vmem>> -> memref<1x32xf32, #tpu.memory_space<vmem>>
    %dma_wait3A_284 = arith.constant 0 : i32
    %dma_wait3A_285 = arith.constant 0 : i32
    %dma_wait3A_286 = tpu.memref_slice %arg3[%dma_wait3A_284, %dma_wait3A_285] : memref<1000000x32xf32, #tpu.memory_space<hbm>> -> memref<1x32xf32, #tpu.memory_space<hbm>>
    %dma_wait3A_287 = arith.constant 0 : i32
    %dma_wait3A_288 = arith.constant 0 : i32
    %dma_wait3A_289 = tpu.memref_slice %arg6[%dma_wait3A_287, %dma_wait3A_288] : memref<256x32xf32, #tpu.memory_space<vmem>> -> memref<1x32xf32, #tpu.memory_space<vmem>>
    %dma_wait3A_290 = arith.constant 0 : i32
    %dma_wait3A_291 = arith.constant 0 : i32
    %dma_wait3A_292 = tpu.memref_slice %arg3[%dma_wait3A_290, %dma_wait3A_291] : memref<1000000x32xf32, #tpu.memory_space<hbm>> -> memref<1x32xf32, #tpu.memory_space<hbm>>
    tpu.wait_dma2 semaphore(%arg7 : memref<!tpu.dma_semaphore, #tpu.memory_space<semaphore_mem>>) src(%dma_wait3A_292 : memref<1x32xf32, #tpu.memory_space<hbm>>) dst(%dma_wait3A_289 : memref<1x32xf32, #tpu.memory_space<vmem>>)
    %dma_wait3A_293 = arith.constant 0 : i32
    %dma_wait3A_294 = arith.constant 0 : i32
    %dma_wait3A_295 = tpu.memref_slice %arg6[%dma_wait3A_293, %dma_wait3A_294] : memref<256x32xf32, #tpu.memory_space<vmem>> -> memref<1x32xf32, #tpu.memory_space<vmem>>
    %dma_wait3A_296 = arith.constant 0 : i32
    %dma_wait3A_297 = arith.constant 0 : i32
    %dma_wait3A_298 = tpu.memref_slice %arg3[%dma_wait3A_296, %dma_wait3A_297] : memref<1000000x32xf32, #tpu.memory_space<hbm>> -> memref<1x32xf32, #tpu.memory_space<hbm>>
    %dma_wait3A_299 = arith.constant 0 : i32
    %dma_wait3A_300 = arith.constant 0 : i32
    %dma_wait3A_301 = tpu.memref_slice %arg6[%dma_wait3A_299, %dma_wait3A_300] : memref<256x32xf32, #tpu.memory_space<vmem>> -> memref<1x32xf32, #tpu.memory_space<vmem>>
    %dma_wait3A_302 = arith.constant 0 : i32
    %dma_wait3A_303 = arith.constant 0 : i32
    %dma_wait3A_304 = tpu.memref_slice %arg3[%dma_wait3A_302, %dma_wait3A_303] : memref<1000000x32xf32, #tpu.memory_space<hbm>> -> memref<1x32xf32, #tpu.memory_space<hbm>>
    tpu.wait_dma2 semaphore(%arg7 : memref<!tpu.dma_semaphore, #tpu.memory_space<semaphore_mem>>) src(%dma_wait3A_304 : memref<1x32xf32, #tpu.memory_space<hbm>>) dst(%dma_wait3A_301 : memref<1x32xf32, #tpu.memory_space<vmem>>)
    %dma_wait3A_305 = arith.constant 0 : i32
    %dma_wait3A_306 = arith.constant 0 : i32
    %dma_wait3A_307 = tpu.memref_slice %arg6[%dma_wait3A_305, %dma_wait3A_306] : memref<256x32xf32, #tpu.memory_space<vmem>> -> memref<1x32xf32, #tpu.memory_space<vmem>>
    %dma_wait3A_308 = arith.constant 0 : i32
    %dma_wait3A_309 = arith.constant 0 : i32
    %dma_wait3A_310 = tpu.memref_slice %arg3[%dma_wait3A_308, %dma_wait3A_309] : memref<1000000x32xf32, #tpu.memory_space<hbm>> -> memref<1x32xf32, #tpu.memory_space<hbm>>
    %dma_wait3A_311 = arith.constant 0 : i32
    %dma_wait3A_312 = arith.constant 0 : i32
    %dma_wait3A_313 = tpu.memref_slice %arg6[%dma_wait3A_311, %dma_wait3A_312] : memref<256x32xf32, #tpu.memory_space<vmem>> -> memref<1x32xf32, #tpu.memory_space<vmem>>
    %dma_wait3A_314 = arith.constant 0 : i32
    %dma_wait3A_315 = arith.constant 0 : i32
    %dma_wait3A_316 = tpu.memref_slice %arg3[%dma_wait3A_314, %dma_wait3A_315] : memref<1000000x32xf32, #tpu.memory_space<hbm>> -> memref<1x32xf32, #tpu.memory_space<hbm>>
    tpu.wait_dma2 semaphore(%arg7 : memref<!tpu.dma_semaphore, #tpu.memory_space<semaphore_mem>>) src(%dma_wait3A_316 : memref<1x32xf32, #tpu.memory_space<hbm>>) dst(%dma_wait3A_313 : memref<1x32xf32, #tpu.memory_space<vmem>>)
    %dma_wait3A_317 = arith.constant 0 : i32
    %dma_wait3A_318 = arith.constant 0 : i32
    %dma_wait3A_319 = tpu.memref_slice %arg6[%dma_wait3A_317, %dma_wait3A_318] : memref<256x32xf32, #tpu.memory_space<vmem>> -> memref<1x32xf32, #tpu.memory_space<vmem>>
    %dma_wait3A_320 = arith.constant 0 : i32
    %dma_wait3A_321 = arith.constant 0 : i32
    %dma_wait3A_322 = tpu.memref_slice %arg3[%dma_wait3A_320, %dma_wait3A_321] : memref<1000000x32xf32, #tpu.memory_space<hbm>> -> memref<1x32xf32, #tpu.memory_space<hbm>>
    %dma_wait3A_323 = arith.constant 0 : i32
    %dma_wait3A_324 = arith.constant 0 : i32
    %dma_wait3A_325 = tpu.memref_slice %arg6[%dma_wait3A_323, %dma_wait3A_324] : memref<256x32xf32, #tpu.memory_space<vmem>> -> memref<1x32xf32, #tpu.memory_space<vmem>>
    %dma_wait3A_326 = arith.constant 0 : i32
    %dma_wait3A_327 = arith.constant 0 : i32
    %dma_wait3A_328 = tpu.memref_slice %arg3[%dma_wait3A_326, %dma_wait3A_327] : memref<1000000x32xf32, #tpu.memory_space<hbm>> -> memref<1x32xf32, #tpu.memory_space<hbm>>
    tpu.wait_dma2 semaphore(%arg7 : memref<!tpu.dma_semaphore, #tpu.memory_space<semaphore_mem>>) src(%dma_wait3A_328 : memref<1x32xf32, #tpu.memory_space<hbm>>) dst(%dma_wait3A_325 : memref<1x32xf32, #tpu.memory_space<vmem>>)
    %dma_wait3A_329 = arith.constant 0 : i32
    %dma_wait3A_330 = arith.constant 0 : i32
    %dma_wait3A_331 = tpu.memref_slice %arg6[%dma_wait3A_329, %dma_wait3A_330] : memref<256x32xf32, #tpu.memory_space<vmem>> -> memref<1x32xf32, #tpu.memory_space<vmem>>
    %dma_wait3A_332 = arith.constant 0 : i32
    %dma_wait3A_333 = arith.constant 0 : i32
    %dma_wait3A_334 = tpu.memref_slice %arg3[%dma_wait3A_332, %dma_wait3A_333] : memref<1000000x32xf32, #tpu.memory_space<hbm>> -> memref<1x32xf32, #tpu.memory_space<hbm>>
    %dma_wait3A_335 = arith.constant 0 : i32
    %dma_wait3A_336 = arith.constant 0 : i32
    %dma_wait3A_337 = tpu.memref_slice %arg6[%dma_wait3A_335, %dma_wait3A_336] : memref<256x32xf32, #tpu.memory_space<vmem>> -> memref<1x32xf32, #tpu.memory_space<vmem>>
    %dma_wait3A_338 = arith.constant 0 : i32
    %dma_wait3A_339 = arith.constant 0 : i32
    %dma_wait3A_340 = tpu.memref_slice %arg3[%dma_wait3A_338, %dma_wait3A_339] : memref<1000000x32xf32, #tpu.memory_space<hbm>> -> memref<1x32xf32, #tpu.memory_space<hbm>>
    tpu.wait_dma2 semaphore(%arg7 : memref<!tpu.dma_semaphore, #tpu.memory_space<semaphore_mem>>) src(%dma_wait3A_340 : memref<1x32xf32, #tpu.memory_space<hbm>>) dst(%dma_wait3A_337 : memref<1x32xf32, #tpu.memory_space<vmem>>)
    %dma_wait3A_341 = arith.constant 0 : i32
    %dma_wait3A_342 = arith.constant 0 : i32
    %dma_wait3A_343 = tpu.memref_slice %arg6[%dma_wait3A_341, %dma_wait3A_342] : memref<256x32xf32, #tpu.memory_space<vmem>> -> memref<1x32xf32, #tpu.memory_space<vmem>>
    %dma_wait3A_344 = arith.constant 0 : i32
    %dma_wait3A_345 = arith.constant 0 : i32
    %dma_wait3A_346 = tpu.memref_slice %arg3[%dma_wait3A_344, %dma_wait3A_345] : memref<1000000x32xf32, #tpu.memory_space<hbm>> -> memref<1x32xf32, #tpu.memory_space<hbm>>
    %dma_wait3A_347 = arith.constant 0 : i32
    %dma_wait3A_348 = arith.constant 0 : i32
    %dma_wait3A_349 = tpu.memref_slice %arg6[%dma_wait3A_347, %dma_wait3A_348] : memref<256x32xf32, #tpu.memory_space<vmem>> -> memref<1x32xf32, #tpu.memory_space<vmem>>
    %dma_wait3A_350 = arith.constant 0 : i32
    %dma_wait3A_351 = arith.constant 0 : i32
    %dma_wait3A_352 = tpu.memref_slice %arg3[%dma_wait3A_350, %dma_wait3A_351] : memref<1000000x32xf32, #tpu.memory_space<hbm>> -> memref<1x32xf32, #tpu.memory_space<hbm>>
    tpu.wait_dma2 semaphore(%arg7 : memref<!tpu.dma_semaphore, #tpu.memory_space<semaphore_mem>>) src(%dma_wait3A_352 : memref<1x32xf32, #tpu.memory_space<hbm>>) dst(%dma_wait3A_349 : memref<1x32xf32, #tpu.memory_space<vmem>>)
    %dma_wait3A_353 = arith.constant 0 : i32
    %dma_wait3A_354 = arith.constant 0 : i32
    %dma_wait3A_355 = tpu.memref_slice %arg6[%dma_wait3A_353, %dma_wait3A_354] : memref<256x32xf32, #tpu.memory_space<vmem>> -> memref<1x32xf32, #tpu.memory_space<vmem>>
    %dma_wait3A_356 = arith.constant 0 : i32
    %dma_wait3A_357 = arith.constant 0 : i32
    %dma_wait3A_358 = tpu.memref_slice %arg3[%dma_wait3A_356, %dma_wait3A_357] : memref<1000000x32xf32, #tpu.memory_space<hbm>> -> memref<1x32xf32, #tpu.memory_space<hbm>>
    %dma_wait3A_359 = arith.constant 0 : i32
    %dma_wait3A_360 = arith.constant 0 : i32
    %dma_wait3A_361 = tpu.memref_slice %arg6[%dma_wait3A_359, %dma_wait3A_360] : memref<256x32xf32, #tpu.memory_space<vmem>> -> memref<1x32xf32, #tpu.memory_space<vmem>>
    %dma_wait3A_362 = arith.constant 0 : i32
    %dma_wait3A_363 = arith.constant 0 : i32
    %dma_wait3A_364 = tpu.memref_slice %arg3[%dma_wait3A_362, %dma_wait3A_363] : memref<1000000x32xf32, #tpu.memory_space<hbm>> -> memref<1x32xf32, #tpu.memory_space<hbm>>
    tpu.wait_dma2 semaphore(%arg7 : memref<!tpu.dma_semaphore, #tpu.memory_space<semaphore_mem>>) src(%dma_wait3A_364 : memref<1x32xf32, #tpu.memory_space<hbm>>) dst(%dma_wait3A_361 : memref<1x32xf32, #tpu.memory_space<vmem>>)
    %dma_wait3A_365 = arith.constant 0 : i32
    %dma_wait3A_366 = arith.constant 0 : i32
    %dma_wait3A_367 = tpu.memref_slice %arg6[%dma_wait3A_365, %dma_wait3A_366] : memref<256x32xf32, #tpu.memory_space<vmem>> -> memref<1x32xf32, #tpu.memory_space<vmem>>
    %dma_wait3A_368 = arith.constant 0 : i32
    %dma_wait3A_369 = arith.constant 0 : i32
    %dma_wait3A_370 = tpu.memref_slice %arg3[%dma_wait3A_368, %dma_wait3A_369] : memref<1000000x32xf32, #tpu.memory_space<hbm>> -> memref<1x32xf32, #tpu.memory_space<hbm>>
    %dma_wait3A_371 = arith.constant 0 : i32
    %dma_wait3A_372 = arith.constant 0 : i32
    %dma_wait3A_373 = tpu.memref_slice %arg6[%dma_wait3A_371, %dma_wait3A_372] : memref<256x32xf32, #tpu.memory_space<vmem>> -> memref<1x32xf32, #tpu.memory_space<vmem>>
    %dma_wait3A_374 = arith.constant 0 : i32
    %dma_wait3A_375 = arith.constant 0 : i32
    %dma_wait3A_376 = tpu.memref_slice %arg3[%dma_wait3A_374, %dma_wait3A_375] : memref<1000000x32xf32, #tpu.memory_space<hbm>> -> memref<1x32xf32, #tpu.memory_space<hbm>>
    tpu.wait_dma2 semaphore(%arg7 : memref<!tpu.dma_semaphore, #tpu.memory_space<semaphore_mem>>) src(%dma_wait3A_376 : memref<1x32xf32, #tpu.memory_space<hbm>>) dst(%dma_wait3A_373 : memref<1x32xf32, #tpu.memory_space<vmem>>)
    %dma_wait3A_377 = arith.constant 0 : i32
    %dma_wait3A_378 = arith.constant 0 : i32
    %dma_wait3A_379 = tpu.memref_slice %arg6[%dma_wait3A_377, %dma_wait3A_378] : memref<256x32xf32, #tpu.memory_space<vmem>> -> memref<1x32xf32, #tpu.memory_space<vmem>>
    %dma_wait3A_380 = arith.constant 0 : i32
    %dma_wait3A_381 = arith.constant 0 : i32
    %dma_wait3A_382 = tpu.memref_slice %arg3[%dma_wait3A_380, %dma_wait3A_381] : memref<1000000x32xf32, #tpu.memory_space<hbm>> -> memref<1x32xf32, #tpu.memory_space<hbm>>
    %dma_wait3A_383 = arith.constant 0 : i32
    %dma_wait3A_384 = arith.constant 0 : i32
    %dma_wait3A_385 = tpu.memref_slice %arg6[%dma_wait3A_383, %dma_wait3A_384] : memref<256x32xf32, #tpu.memory_space<vmem>> -> memref<1x32xf32, #tpu.memory_space<vmem>>
    %dma_wait3A_386 = arith.constant 0 : i32
    %dma_wait3A_387 = arith.constant 0 : i32
    %dma_wait3A_388 = tpu.memref_slice %arg3[%dma_wait3A_386, %dma_wait3A_387] : memref<1000000x32xf32, #tpu.memory_space<hbm>> -> memref<1x32xf32, #tpu.memory_space<hbm>>
    tpu.wait_dma2 semaphore(%arg7 : memref<!tpu.dma_semaphore, #tpu.memory_space<semaphore_mem>>) src(%dma_wait3A_388 : memref<1x32xf32, #tpu.memory_space<hbm>>) dst(%dma_wait3A_385 : memref<1x32xf32, #tpu.memory_space<vmem>>)
    %add3A_389 = arith.constant 0 : i32
    %add3A_390 = arith.addi %mul3A_2, %add3A_389 : i32
    "tpu.region"() ({
      %run_scoped3A = tpu.sem_alloc : memref<!tpu.dma_semaphore, #tpu.memory_space<semaphore_mem>>
      %dma_start3A_785 = arith.constant 0 : i32
      %dma_start3A_786 = tpu.memref_slice %arg4[%add3A_390, %dma_start3A_785] : memref<16384x32xf32, #tpu.memory_space<hbm>> -> memref<256x32xf32, #tpu.memory_space<hbm>>
      %dma_start3A_787 = arith.constant 0 : i32
      %dma_start3A_788 = tpu.memref_slice %arg4[%add3A_390, %dma_start3A_787] : memref<16384x32xf32, #tpu.memory_space<hbm>> -> memref<256x32xf32, #tpu.memory_space<hbm>>
      tpu.enqueue_dma source(%arg6 : memref<256x32xf32, #tpu.memory_space<vmem>>) target(%dma_start3A_788 : memref<256x32xf32, #tpu.memory_space<hbm>>) target_semaphore(%run_scoped3A : memref<!tpu.dma_semaphore, #tpu.memory_space<semaphore_mem>>)
      %dma_wait3A_789 = arith.constant 0 : i32
      %dma_wait3A_790 = tpu.memref_slice %arg4[%add3A_390, %dma_wait3A_789] : memref<16384x32xf32, #tpu.memory_space<hbm>> -> memref<256x32xf32, #tpu.memory_space<hbm>>
      %dma_wait3A_791 = arith.constant 0 : i32
      %dma_wait3A_792 = tpu.memref_slice %arg4[%add3A_390, %dma_wait3A_791] : memref<16384x32xf32, #tpu.memory_space<hbm>> -> memref<256x32xf32, #tpu.memory_space<hbm>>
      tpu.wait_dma2 semaphore(%run_scoped3A : memref<!tpu.dma_semaphore, #tpu.memory_space<semaphore_mem>>) src(%arg6 : memref<256x32xf32, #tpu.memory_space<vmem>>) dst(%dma_wait3A_792 : memref<256x32xf32, #tpu.memory_space<hbm>>)
      tpu.yield
    }) : () -> ()
    %get3A_391 = arith.constant 256 : index
    %get3A_392 = tpu.vector_load %arg5[%get3A_391] {strides = array<i32>} : memref<512xi32, #tpu.memory_space<vmem>>, vector<16xi32>,
    %get3A_393 = vector.shape_cast %get3A_392 : vector<16xi32> to vector<16xi32>
    %slice3A_394 = vector.extract_strided_slice %get3A_393 {offsets = [0], sizes = [1], strides = [1]} : vector<16xi32> to vector<1xi32>
    %squeeze3A_395 = vector.extract %slice3A_394[0] : i32 from vector<1xi32>
    %dma_start3A_396 = arith.constant 0 : i32
    %dma_start3A_397 = arith.constant 0 : i32
    %dma_start3A_398 = tpu.memref_slice %arg6[%dma_start3A_396, %dma_start3A_397] : memref<256x32xf32, #tpu.memory_space<vmem>> -> memref<1x32xf32, #tpu.memory_space<vmem>>
    %dma_start3A_399 = arith.constant 0 : i32
    %dma_start3A_400 = tpu.memref_slice %arg3[%squeeze3A_395, %dma_start3A_399] : memref<1000000x32xf32, #tpu.memory_space<hbm>> -> memref<1x32xf32, #tpu.memory_space<hbm>>
    %dma_start3A_401 = arith.constant 0 : i32
    %dma_start3A_402 = arith.constant 0 : i32
    %dma_start3A_403 = tpu.memref_slice %arg6[%dma_start3A_401, %dma_start3A_402] : memref<256x32xf32, #tpu.memory_space<vmem>> -> memref<1x32xf32, #tpu.memory_space<vmem>>
    %dma_start3A_404 = arith.constant 0 : i32
    %dma_start3A_405 = tpu.memref_slice %arg3[%squeeze3A_395, %dma_start3A_404] : memref<1000000x32xf32, #tpu.memory_space<hbm>> -> memref<1x32xf32, #tpu.memory_space<hbm>>
    tpu.enqueue_dma source(%dma_start3A_405 : memref<1x32xf32, #tpu.memory_space<hbm>>) target(%dma_start3A_403 : memref<1x32xf32, #tpu.memory_space<vmem>>) target_semaphore(%arg7 : memref<!tpu.dma_semaphore, #tpu.memory_space<semaphore_mem>>)
    %slice3A_406 = vector.extract_strided_slice %get3A_393 {offsets = [1], sizes = [1], strides = [1]} : vector<16xi32> to vector<1xi32>
    %squeeze3A_407 = vector.extract %slice3A_406[0] : i32 from vector<1xi32>
    %dma_start3A_408 = arith.constant 1 : i32
    %dma_start3A_409 = arith.constant 0 : i32
    %dma_start3A_410 = tpu.memref_slice %arg6[%dma_start3A_408, %dma_start3A_409] : memref<256x32xf32, #tpu.memory_space<vmem>> -> memref<1x32xf32, #tpu.memory_space<vmem>>
    %dma_start3A_411 = arith.constant 0 : i32
    %dma_start3A_412 = tpu.memref_slice %arg3[%squeeze3A_407, %dma_start3A_411] : memref<1000000x32xf32, #tpu.memory_space<hbm>> -> memref<1x32xf32, #tpu.memory_space<hbm>>
    %dma_start3A_413 = arith.constant 1 : i32
    %dma_start3A_414 = arith.constant 0 : i32
    %dma_start3A_415 = tpu.memref_slice %arg6[%dma_start3A_413, %dma_start3A_414] : memref<256x32xf32, #tpu.memory_space<vmem>> -> memref<1x32xf32, #tpu.memory_space<vmem>>
    %dma_start3A_416 = arith.constant 0 : i32
    %dma_start3A_417 = tpu.memref_slice %arg3[%squeeze3A_407, %dma_start3A_416] : memref<1000000x32xf32, #tpu.memory_space<hbm>> -> memref<1x32xf32, #tpu.memory_space<hbm>>
    tpu.enqueue_dma source(%dma_start3A_417 : memref<1x32xf32, #tpu.memory_space<hbm>>) target(%dma_start3A_415 : memref<1x32xf32, #tpu.memory_space<vmem>>) target_semaphore(%arg7 : memref<!tpu.dma_semaphore, #tpu.memory_space<semaphore_mem>>)
    %slice3A_418 = vector.extract_strided_slice %get3A_393 {offsets = [2], sizes = [1], strides = [1]} : vector<16xi32> to vector<1xi32>
    %squeeze3A_419 = vector.extract %slice3A_418[0] : i32 from vector<1xi32>
    %dma_start3A_420 = arith.constant 2 : i32
    %dma_start3A_421 = arith.constant 0 : i32
    %dma_start3A_422 = tpu.memref_slice %arg6[%dma_start3A_420, %dma_start3A_421] : memref<256x32xf32, #tpu.memory_space<vmem>> -> memref<1x32xf32, #tpu.memory_space<vmem>>
    %dma_start3A_423 = arith.constant 0 : i32
    %dma_start3A_424 = tpu.memref_slice %arg3[%squeeze3A_419, %dma_start3A_423] : memref<1000000x32xf32, #tpu.memory_space<hbm>> -> memref<1x32xf32, #tpu.memory_space<hbm>>
    %dma_start3A_425 = arith.constant 2 : i32
    %dma_start3A_426 = arith.constant 0 : i32
    %dma_start3A_427 = tpu.memref_slice %arg6[%dma_start3A_425, %dma_start3A_426] : memref<256x32xf32, #tpu.memory_space<vmem>> -> memref<1x32xf32, #tpu.memory_space<vmem>>
    %dma_start3A_428 = arith.constant 0 : i32
    %dma_start3A_429 = tpu.memref_slice %arg3[%squeeze3A_419, %dma_start3A_428] : memref<1000000x32xf32, #tpu.memory_space<hbm>> -> memref<1x32xf32, #tpu.memory_space<hbm>>
    tpu.enqueue_dma source(%dma_start3A_429 : memref<1x32xf32, #tpu.memory_space<hbm>>) target(%dma_start3A_427 : memref<1x32xf32, #tpu.memory_space<vmem>>) target_semaphore(%arg7 : memref<!tpu.dma_semaphore, #tpu.memory_space<semaphore_mem>>)
    %slice3A_430 = vector.extract_strided_slice %get3A_393 {offsets = [3], sizes = [1], strides = [1]} : vector<16xi32> to vector<1xi32>
    %squeeze3A_431 = vector.extract %slice3A_430[0] : i32 from vector<1xi32>
    %dma_start3A_432 = arith.constant 3 : i32
    %dma_start3A_433 = arith.constant 0 : i32
    %dma_start3A_434 = tpu.memref_slice %arg6[%dma_start3A_432, %dma_start3A_433] : memref<256x32xf32, #tpu.memory_space<vmem>> -> memref<1x32xf32, #tpu.memory_space<vmem>>
    %dma_start3A_435 = arith.constant 0 : i32
    %dma_start3A_436 = tpu.memref_slice %arg3[%squeeze3A_431, %dma_start3A_435] : memref<1000000x32xf32, #tpu.memory_space<hbm>> -> memref<1x32xf32, #tpu.memory_space<hbm>>
    %dma_start3A_437 = arith.constant 3 : i32
    %dma_start3A_438 = arith.constant 0 : i32
    %dma_start3A_439 = tpu.memref_slice %arg6[%dma_start3A_437, %dma_start3A_438] : memref<256x32xf32, #tpu.memory_space<vmem>> -> memref<1x32xf32, #tpu.memory_space<vmem>>
    %dma_start3A_440 = arith.constant 0 : i32
    %dma_start3A_441 = tpu.memref_slice %arg3[%squeeze3A_431, %dma_start3A_440] : memref<1000000x32xf32, #tpu.memory_space<hbm>> -> memref<1x32xf32, #tpu.memory_space<hbm>>
    tpu.enqueue_dma source(%dma_start3A_441 : memref<1x32xf32, #tpu.memory_space<hbm>>) target(%dma_start3A_439 : memref<1x32xf32, #tpu.memory_space<vmem>>) target_semaphore(%arg7 : memref<!tpu.dma_semaphore, #tpu.memory_space<semaphore_mem>>)
    %slice3A_442 = vector.extract_strided_slice %get3A_393 {offsets = [4], sizes = [1], strides = [1]} : vector<16xi32> to vector<1xi32>
    %squeeze3A_443 = vector.extract %slice3A_442[0] : i32 from vector<1xi32>
    %dma_start3A_444 = arith.constant 4 : i32
    %dma_start3A_445 = arith.constant 0 : i32
    %dma_start3A_446 = tpu.memref_slice %arg6[%dma_start3A_444, %dma_start3A_445] : memref<256x32xf32, #tpu.memory_space<vmem>> -> memref<1x32xf32, #tpu.memory_space<vmem>>
    %dma_start3A_447 = arith.constant 0 : i32
    %dma_start3A_448 = tpu.memref_slice %arg3[%squeeze3A_443, %dma_start3A_447] : memref<1000000x32xf32, #tpu.memory_space<hbm>> -> memref<1x32xf32, #tpu.memory_space<hbm>>
    %dma_start3A_449 = arith.constant 4 : i32
    %dma_start3A_450 = arith.constant 0 : i32
    %dma_start3A_451 = tpu.memref_slice %arg6[%dma_start3A_449, %dma_start3A_450] : memref<256x32xf32, #tpu.memory_space<vmem>> -> memref<1x32xf32, #tpu.memory_space<vmem>>
    %dma_start3A_452 = arith.constant 0 : i32
    %dma_start3A_453 = tpu.memref_slice %arg3[%squeeze3A_443, %dma_start3A_452] : memref<1000000x32xf32, #tpu.memory_space<hbm>> -> memref<1x32xf32, #tpu.memory_space<hbm>>
    tpu.enqueue_dma source(%dma_start3A_453 : memref<1x32xf32, #tpu.memory_space<hbm>>) target(%dma_start3A_451 : memref<1x32xf32, #tpu.memory_space<vmem>>) target_semaphore(%arg7 : memref<!tpu.dma_semaphore, #tpu.memory_space<semaphore_mem>>)
    %slice3A_454 = vector.extract_strided_slice %get3A_393 {offsets = [5], sizes = [1], strides = [1]} : vector<16xi32> to vector<1xi32>
    %squeeze3A_455 = vector.extract %slice3A_454[0] : i32 from vector<1xi32>
    %dma_start3A_456 = arith.constant 5 : i32
    %dma_start3A_457 = arith.constant 0 : i32
    %dma_start3A_458 = tpu.memref_slice %arg6[%dma_start3A_456, %dma_start3A_457] : memref<256x32xf32, #tpu.memory_space<vmem>> -> memref<1x32xf32, #tpu.memory_space<vmem>>
    %dma_start3A_459 = arith.constant 0 : i32
    %dma_start3A_460 = tpu.memref_slice %arg3[%squeeze3A_455, %dma_start3A_459] : memref<1000000x32xf32, #tpu.memory_space<hbm>> -> memref<1x32xf32, #tpu.memory_space<hbm>>
    %dma_start3A_461 = arith.constant 5 : i32
    %dma_start3A_462 = arith.constant 0 : i32
    %dma_start3A_463 = tpu.memref_slice %arg6[%dma_start3A_461, %dma_start3A_462] : memref<256x32xf32, #tpu.memory_space<vmem>> -> memref<1x32xf32, #tpu.memory_space<vmem>>
    %dma_start3A_464 = arith.constant 0 : i32
    %dma_start3A_465 = tpu.memref_slice %arg3[%squeeze3A_455, %dma_start3A_464] : memref<1000000x32xf32, #tpu.memory_space<hbm>> -> memref<1x32xf32, #tpu.memory_space<hbm>>
    tpu.enqueue_dma source(%dma_start3A_465 : memref<1x32xf32, #tpu.memory_space<hbm>>) target(%dma_start3A_463 : memref<1x32xf32, #tpu.memory_space<vmem>>) target_semaphore(%arg7 : memref<!tpu.dma_semaphore, #tpu.memory_space<semaphore_mem>>)
    %slice3A_466 = vector.extract_strided_slice %get3A_393 {offsets = [6], sizes = [1], strides = [1]} : vector<16xi32> to vector<1xi32>
    %squeeze3A_467 = vector.extract %slice3A_466[0] : i32 from vector<1xi32>
    %dma_start3A_468 = arith.constant 6 : i32
    %dma_start3A_469 = arith.constant 0 : i32
    %dma_start3A_470 = tpu.memref_slice %arg6[%dma_start3A_468, %dma_start3A_469] : memref<256x32xf32, #tpu.memory_space<vmem>> -> memref<1x32xf32, #tpu.memory_space<vmem>>
    %dma_start3A_471 = arith.constant 0 : i32
    %dma_start3A_472 = tpu.memref_slice %arg3[%squeeze3A_467, %dma_start3A_471] : memref<1000000x32xf32, #tpu.memory_space<hbm>> -> memref<1x32xf32, #tpu.memory_space<hbm>>
    %dma_start3A_473 = arith.constant 6 : i32
    %dma_start3A_474 = arith.constant 0 : i32
    %dma_start3A_475 = tpu.memref_slice %arg6[%dma_start3A_473, %dma_start3A_474] : memref<256x32xf32, #tpu.memory_space<vmem>> -> memref<1x32xf32, #tpu.memory_space<vmem>>
    %dma_start3A_476 = arith.constant 0 : i32
    %dma_start3A_477 = tpu.memref_slice %arg3[%squeeze3A_467, %dma_start3A_476] : memref<1000000x32xf32, #tpu.memory_space<hbm>> -> memref<1x32xf32, #tpu.memory_space<hbm>>
    tpu.enqueue_dma source(%dma_start3A_477 : memref<1x32xf32, #tpu.memory_space<hbm>>) target(%dma_start3A_475 : memref<1x32xf32, #tpu.memory_space<vmem>>) target_semaphore(%arg7 : memref<!tpu.dma_semaphore, #tpu.memory_space<semaphore_mem>>)
    %slice3A_478 = vector.extract_strided_slice %get3A_393 {offsets = [7], sizes = [1], strides = [1]} : vector<16xi32> to vector<1xi32>
    %squeeze3A_479 = vector.extract %slice3A_478[0] : i32 from vector<1xi32>
    %dma_start3A_480 = arith.constant 7 : i32
    %dma_start3A_481 = arith.constant 0 : i32
    %dma_start3A_482 = tpu.memref_slice %arg6[%dma_start3A_480, %dma_start3A_481] : memref<256x32xf32, #tpu.memory_space<vmem>> -> memref<1x32xf32, #tpu.memory_space<vmem>>
    %dma_start3A_483 = arith.constant 0 : i32
    %dma_start3A_484 = tpu.memref_slice %arg3[%squeeze3A_479, %dma_start3A_483] : memref<1000000x32xf32, #tpu.memory_space<hbm>> -> memref<1x32xf32, #tpu.memory_space<hbm>>
    %dma_start3A_485 = arith.constant 7 : i32
    %dma_start3A_486 = arith.constant 0 : i32
    %dma_start3A_487 = tpu.memref_slice %arg6[%dma_start3A_485, %dma_start3A_486] : memref<256x32xf32, #tpu.memory_space<vmem>> -> memref<1x32xf32, #tpu.memory_space<vmem>>
    %dma_start3A_488 = arith.constant 0 : i32
    %dma_start3A_489 = tpu.memref_slice %arg3[%squeeze3A_479, %dma_start3A_488] : memref<1000000x32xf32, #tpu.memory_space<hbm>> -> memref<1x32xf32, #tpu.memory_space<hbm>>
    tpu.enqueue_dma source(%dma_start3A_489 : memref<1x32xf32, #tpu.memory_space<hbm>>) target(%dma_start3A_487 : memref<1x32xf32, #tpu.memory_space<vmem>>) target_semaphore(%arg7 : memref<!tpu.dma_semaphore, #tpu.memory_space<semaphore_mem>>)
    %slice3A_490 = vector.extract_strided_slice %get3A_393 {offsets = [8], sizes = [1], strides = [1]} : vector<16xi32> to vector<1xi32>
    %squeeze3A_491 = vector.extract %slice3A_490[0] : i32 from vector<1xi32>
    %dma_start3A_492 = arith.constant 8 : i32
    %dma_start3A_493 = arith.constant 0 : i32
    %dma_start3A_494 = tpu.memref_slice %arg6[%dma_start3A_492, %dma_start3A_493] : memref<256x32xf32, #tpu.memory_space<vmem>> -> memref<1x32xf32, #tpu.memory_space<vmem>>
    %dma_start3A_495 = arith.constant 0 : i32
    %dma_start3A_496 = tpu.memref_slice %arg3[%squeeze3A_491, %dma_start3A_495] : memref<1000000x32xf32, #tpu.memory_space<hbm>> -> memref<1x32xf32, #tpu.memory_space<hbm>>
    %dma_start3A_497 = arith.constant 8 : i32
    %dma_start3A_498 = arith.constant 0 : i32
    %dma_start3A_499 = tpu.memref_slice %arg6[%dma_start3A_497, %dma_start3A_498] : memref<256x32xf32, #tpu.memory_space<vmem>> -> memref<1x32xf32, #tpu.memory_space<vmem>>
    %dma_start3A_500 = arith.constant 0 : i32
    %dma_start3A_501 = tpu.memref_slice %arg3[%squeeze3A_491, %dma_start3A_500] : memref<1000000x32xf32, #tpu.memory_space<hbm>> -> memref<1x32xf32, #tpu.memory_space<hbm>>
    tpu.enqueue_dma source(%dma_start3A_501 : memref<1x32xf32, #tpu.memory_space<hbm>>) target(%dma_start3A_499 : memref<1x32xf32, #tpu.memory_space<vmem>>) target_semaphore(%arg7 : memref<!tpu.dma_semaphore, #tpu.memory_space<semaphore_mem>>)
    %slice3A_502 = vector.extract_strided_slice %get3A_393 {offsets = [9], sizes = [1], strides = [1]} : vector<16xi32> to vector<1xi32>
    %squeeze3A_503 = vector.extract %slice3A_502[0] : i32 from vector<1xi32>
    %dma_start3A_504 = arith.constant 9 : i32
    %dma_start3A_505 = arith.constant 0 : i32
    %dma_start3A_506 = tpu.memref_slice %arg6[%dma_start3A_504, %dma_start3A_505] : memref<256x32xf32, #tpu.memory_space<vmem>> -> memref<1x32xf32, #tpu.memory_space<vmem>>
    %dma_start3A_507 = arith.constant 0 : i32
    %dma_start3A_508 = tpu.memref_slice %arg3[%squeeze3A_503, %dma_start3A_507] : memref<1000000x32xf32, #tpu.memory_space<hbm>> -> memref<1x32xf32, #tpu.memory_space<hbm>>
    %dma_start3A_509 = arith.constant 9 : i32
    %dma_start3A_510 = arith.constant 0 : i32
    %dma_start3A_511 = tpu.memref_slice %arg6[%dma_start3A_509, %dma_start3A_510] : memref<256x32xf32, #tpu.memory_space<vmem>> -> memref<1x32xf32, #tpu.memory_space<vmem>>
    %dma_start3A_512 = arith.constant 0 : i32
    %dma_start3A_513 = tpu.memref_slice %arg3[%squeeze3A_503, %dma_start3A_512] : memref<1000000x32xf32, #tpu.memory_space<hbm>> -> memref<1x32xf32, #tpu.memory_space<hbm>>
    tpu.enqueue_dma source(%dma_start3A_513 : memref<1x32xf32, #tpu.memory_space<hbm>>) target(%dma_start3A_511 : memref<1x32xf32, #tpu.memory_space<vmem>>) target_semaphore(%arg7 : memref<!tpu.dma_semaphore, #tpu.memory_space<semaphore_mem>>)
    %slice3A_514 = vector.extract_strided_slice %get3A_393 {offsets = [10], sizes = [1], strides = [1]} : vector<16xi32> to vector<1xi32>
    %squeeze3A_515 = vector.extract %slice3A_514[0] : i32 from vector<1xi32>
    %dma_start3A_516 = arith.constant 10 : i32
    %dma_start3A_517 = arith.constant 0 : i32
    %dma_start3A_518 = tpu.memref_slice %arg6[%dma_start3A_516, %dma_start3A_517] : memref<256x32xf32, #tpu.memory_space<vmem>> -> memref<1x32xf32, #tpu.memory_space<vmem>>
    %dma_start3A_519 = arith.constant 0 : i32
    %dma_start3A_520 = tpu.memref_slice %arg3[%squeeze3A_515, %dma_start3A_519] : memref<1000000x32xf32, #tpu.memory_space<hbm>> -> memref<1x32xf32, #tpu.memory_space<hbm>>
    %dma_start3A_521 = arith.constant 10 : i32
    %dma_start3A_522 = arith.constant 0 : i32
    %dma_start3A_523 = tpu.memref_slice %arg6[%dma_start3A_521, %dma_start3A_522] : memref<256x32xf32, #tpu.memory_space<vmem>> -> memref<1x32xf32, #tpu.memory_space<vmem>>
    %dma_start3A_524 = arith.constant 0 : i32
    %dma_start3A_525 = tpu.memref_slice %arg3[%squeeze3A_515, %dma_start3A_524] : memref<1000000x32xf32, #tpu.memory_space<hbm>> -> memref<1x32xf32, #tpu.memory_space<hbm>>
    tpu.enqueue_dma source(%dma_start3A_525 : memref<1x32xf32, #tpu.memory_space<hbm>>) target(%dma_start3A_523 : memref<1x32xf32, #tpu.memory_space<vmem>>) target_semaphore(%arg7 : memref<!tpu.dma_semaphore, #tpu.memory_space<semaphore_mem>>)
    %slice3A_526 = vector.extract_strided_slice %get3A_393 {offsets = [11], sizes = [1], strides = [1]} : vector<16xi32> to vector<1xi32>
    %squeeze3A_527 = vector.extract %slice3A_526[0] : i32 from vector<1xi32>
    %dma_start3A_528 = arith.constant 11 : i32
    %dma_start3A_529 = arith.constant 0 : i32
    %dma_start3A_530 = tpu.memref_slice %arg6[%dma_start3A_528, %dma_start3A_529] : memref<256x32xf32, #tpu.memory_space<vmem>> -> memref<1x32xf32, #tpu.memory_space<vmem>>
    %dma_start3A_531 = arith.constant 0 : i32
    %dma_start3A_532 = tpu.memref_slice %arg3[%squeeze3A_527, %dma_start3A_531] : memref<1000000x32xf32, #tpu.memory_space<hbm>> -> memref<1x32xf32, #tpu.memory_space<hbm>>
    %dma_start3A_533 = arith.constant 11 : i32
    %dma_start3A_534 = arith.constant 0 : i32
    %dma_start3A_535 = tpu.memref_slice %arg6[%dma_start3A_533, %dma_start3A_534] : memref<256x32xf32, #tpu.memory_space<vmem>> -> memref<1x32xf32, #tpu.memory_space<vmem>>
    %dma_start3A_536 = arith.constant 0 : i32
    %dma_start3A_537 = tpu.memref_slice %arg3[%squeeze3A_527, %dma_start3A_536] : memref<1000000x32xf32, #tpu.memory_space<hbm>> -> memref<1x32xf32, #tpu.memory_space<hbm>>
    tpu.enqueue_dma source(%dma_start3A_537 : memref<1x32xf32, #tpu.memory_space<hbm>>) target(%dma_start3A_535 : memref<1x32xf32, #tpu.memory_space<vmem>>) target_semaphore(%arg7 : memref<!tpu.dma_semaphore, #tpu.memory_space<semaphore_mem>>)
    %slice3A_538 = vector.extract_strided_slice %get3A_393 {offsets = [12], sizes = [1], strides = [1]} : vector<16xi32> to vector<1xi32>
    %squeeze3A_539 = vector.extract %slice3A_538[0] : i32 from vector<1xi32>
    %dma_start3A_540 = arith.constant 12 : i32
    %dma_start3A_541 = arith.constant 0 : i32
    %dma_start3A_542 = tpu.memref_slice %arg6[%dma_start3A_540, %dma_start3A_541] : memref<256x32xf32, #tpu.memory_space<vmem>> -> memref<1x32xf32, #tpu.memory_space<vmem>>
    %dma_start3A_543 = arith.constant 0 : i32
    %dma_start3A_544 = tpu.memref_slice %arg3[%squeeze3A_539, %dma_start3A_543] : memref<1000000x32xf32, #tpu.memory_space<hbm>> -> memref<1x32xf32, #tpu.memory_space<hbm>>
    %dma_start3A_545 = arith.constant 12 : i32
    %dma_start3A_546 = arith.constant 0 : i32
    %dma_start3A_547 = tpu.memref_slice %arg6[%dma_start3A_545, %dma_start3A_546] : memref<256x32xf32, #tpu.memory_space<vmem>> -> memref<1x32xf32, #tpu.memory_space<vmem>>
    %dma_start3A_548 = arith.constant 0 : i32
    %dma_start3A_549 = tpu.memref_slice %arg3[%squeeze3A_539, %dma_start3A_548] : memref<1000000x32xf32, #tpu.memory_space<hbm>> -> memref<1x32xf32, #tpu.memory_space<hbm>>
    tpu.enqueue_dma source(%dma_start3A_549 : memref<1x32xf32, #tpu.memory_space<hbm>>) target(%dma_start3A_547 : memref<1x32xf32, #tpu.memory_space<vmem>>) target_semaphore(%arg7 : memref<!tpu.dma_semaphore, #tpu.memory_space<semaphore_mem>>)
    %slice3A_550 = vector.extract_strided_slice %get3A_393 {offsets = [13], sizes = [1], strides = [1]} : vector<16xi32> to vector<1xi32>
    %squeeze3A_551 = vector.extract %slice3A_550[0] : i32 from vector<1xi32>
    %dma_start3A_552 = arith.constant 13 : i32
    %dma_start3A_553 = arith.constant 0 : i32
    %dma_start3A_554 = tpu.memref_slice %arg6[%dma_start3A_552, %dma_start3A_553] : memref<256x32xf32, #tpu.memory_space<vmem>> -> memref<1x32xf32, #tpu.memory_space<vmem>>
    %dma_start3A_555 = arith.constant 0 : i32
    %dma_start3A_556 = tpu.memref_slice %arg3[%squeeze3A_551, %dma_start3A_555] : memref<1000000x32xf32, #tpu.memory_space<hbm>> -> memref<1x32xf32, #tpu.memory_space<hbm>>
    %dma_start3A_557 = arith.constant 13 : i32
    %dma_start3A_558 = arith.constant 0 : i32
    %dma_start3A_559 = tpu.memref_slice %arg6[%dma_start3A_557, %dma_start3A_558] : memref<256x32xf32, #tpu.memory_space<vmem>> -> memref<1x32xf32, #tpu.memory_space<vmem>>
    %dma_start3A_560 = arith.constant 0 : i32
    %dma_start3A_561 = tpu.memref_slice %arg3[%squeeze3A_551, %dma_start3A_560] : memref<1000000x32xf32, #tpu.memory_space<hbm>> -> memref<1x32xf32, #tpu.memory_space<hbm>>
    tpu.enqueue_dma source(%dma_start3A_561 : memref<1x32xf32, #tpu.memory_space<hbm>>) target(%dma_start3A_559 : memref<1x32xf32, #tpu.memory_space<vmem>>) target_semaphore(%arg7 : memref<!tpu.dma_semaphore, #tpu.memory_space<semaphore_mem>>)
    %slice3A_562 = vector.extract_strided_slice %get3A_393 {offsets = [14], sizes = [1], strides = [1]} : vector<16xi32> to vector<1xi32>
    %squeeze3A_563 = vector.extract %slice3A_562[0] : i32 from vector<1xi32>
    %dma_start3A_564 = arith.constant 14 : i32
    %dma_start3A_565 = arith.constant 0 : i32
    %dma_start3A_566 = tpu.memref_slice %arg6[%dma_start3A_564, %dma_start3A_565] : memref<256x32xf32, #tpu.memory_space<vmem>> -> memref<1x32xf32, #tpu.memory_space<vmem>>
    %dma_start3A_567 = arith.constant 0 : i32
    %dma_start3A_568 = tpu.memref_slice %arg3[%squeeze3A_563, %dma_start3A_567] : memref<1000000x32xf32, #tpu.memory_space<hbm>> -> memref<1x32xf32, #tpu.memory_space<hbm>>
    %dma_start3A_569 = arith.constant 14 : i32
    %dma_start3A_570 = arith.constant 0 : i32
    %dma_start3A_571 = tpu.memref_slice %arg6[%dma_start3A_569, %dma_start3A_570] : memref<256x32xf32, #tpu.memory_space<vmem>> -> memref<1x32xf32, #tpu.memory_space<vmem>>
    %dma_start3A_572 = arith.constant 0 : i32
    %dma_start3A_573 = tpu.memref_slice %arg3[%squeeze3A_563, %dma_start3A_572] : memref<1000000x32xf32, #tpu.memory_space<hbm>> -> memref<1x32xf32, #tpu.memory_space<hbm>>
    tpu.enqueue_dma source(%dma_start3A_573 : memref<1x32xf32, #tpu.memory_space<hbm>>) target(%dma_start3A_571 : memref<1x32xf32, #tpu.memory_space<vmem>>) target_semaphore(%arg7 : memref<!tpu.dma_semaphore, #tpu.memory_space<semaphore_mem>>)
    %slice3A_574 = vector.extract_strided_slice %get3A_393 {offsets = [15], sizes = [1], strides = [1]} : vector<16xi32> to vector<1xi32>
    %squeeze3A_575 = vector.extract %slice3A_574[0] : i32 from vector<1xi32>
    %dma_start3A_576 = arith.constant 15 : i32
    %dma_start3A_577 = arith.constant 0 : i32
    %dma_start3A_578 = tpu.memref_slice %arg6[%dma_start3A_576, %dma_start3A_577] : memref<256x32xf32, #tpu.memory_space<vmem>> -> memref<1x32xf32, #tpu.memory_space<vmem>>
    %dma_start3A_579 = arith.constant 0 : i32
    %dma_start3A_580 = tpu.memref_slice %arg3[%squeeze3A_575, %dma_start3A_579] : memref<1000000x32xf32, #tpu.memory_space<hbm>> -> memref<1x32xf32, #tpu.memory_space<hbm>>
    %dma_start3A_581 = arith.constant 15 : i32
    %dma_start3A_582 = arith.constant 0 : i32
    %dma_start3A_583 = tpu.memref_slice %arg6[%dma_start3A_581, %dma_start3A_582] : memref<256x32xf32, #tpu.memory_space<vmem>> -> memref<1x32xf32, #tpu.memory_space<vmem>>
    %dma_start3A_584 = arith.constant 0 : i32
    %dma_start3A_585 = tpu.memref_slice %arg3[%squeeze3A_575, %dma_start3A_584] : memref<1000000x32xf32, #tpu.memory_space<hbm>> -> memref<1x32xf32, #tpu.memory_space<hbm>>
    tpu.enqueue_dma source(%dma_start3A_585 : memref<1x32xf32, #tpu.memory_space<hbm>>) target(%dma_start3A_583 : memref<1x32xf32, #tpu.memory_space<vmem>>) target_semaphore(%arg7 : memref<!tpu.dma_semaphore, #tpu.memory_space<semaphore_mem>>)
    %scan3A_586 = arith.constant 1 : i32
    %scan3A_587 = arith.constant 15 : i32
    %scan3A_588 = arith.addi %scan3A_586, %scan3A_587 : i32
    %scan3A_589 = arith.constant 1 : i32
    scf.for %scan3A_785 = %scan3A_586 to %scan3A_588 step %scan3A_589  : i32 {
      %mul3A_786 = arith.constant 16 : i32
      %mul3A_787 = arith.muli %scan3A_785, %mul3A_786 : i32
      %add3A_788 = arith.constant 256 : i32
      %add3A_789 = arith.addi %add3A_788, %mul3A_787 : i32
      %get3A_790 = arith.index_cast %add3A_789 : i32 to index
      %get3A_791 = tpu.vector_load %arg5[%get3A_790] {strides = array<i32>} : memref<512xi32, #tpu.memory_space<vmem>>, vector<16xi32>,
      %get3A_792 = vector.shape_cast %get3A_791 : vector<16xi32> to vector<16xi32>
      %slice3A_793 = vector.extract_strided_slice %get3A_792 {offsets = [0], sizes = [1], strides = [1]} : vector<16xi32> to vector<1xi32>
      %squeeze3A_794 = vector.extract %slice3A_793[0] : i32 from vector<1xi32>
      %mul3A_795 = arith.constant 16 : i32
      %mul3A_796 = arith.muli %scan3A_785, %mul3A_795 : i32
      %add3A_797 = arith.constant 0 : i32
      %add3A_798 = arith.addi %mul3A_796, %add3A_797 : i32
      %dma_start3A_799 = arith.constant 0 : i32
      %dma_start3A_800 = tpu.memref_slice %arg6[%add3A_798, %dma_start3A_799] : memref<256x32xf32, #tpu.memory_space<vmem>> -> memref<1x32xf32, #tpu.memory_space<vmem>>
      %dma_start3A_801 = arith.constant 0 : i32
      %dma_start3A_802 = tpu.memref_slice %arg3[%squeeze3A_794, %dma_start3A_801] : memref<1000000x32xf32, #tpu.memory_space<hbm>> -> memref<1x32xf32, #tpu.memory_space<hbm>>
      %dma_start3A_803 = arith.constant 0 : i32
      %dma_start3A_804 = tpu.memref_slice %arg6[%add3A_798, %dma_start3A_803] : memref<256x32xf32, #tpu.memory_space<vmem>> -> memref<1x32xf32, #tpu.memory_space<vmem>>
      %dma_start3A_805 = arith.constant 0 : i32
      %dma_start3A_806 = tpu.memref_slice %arg3[%squeeze3A_794, %dma_start3A_805] : memref<1000000x32xf32, #tpu.memory_space<hbm>> -> memref<1x32xf32, #tpu.memory_space<hbm>>
      tpu.enqueue_dma source(%dma_start3A_806 : memref<1x32xf32, #tpu.memory_space<hbm>>) target(%dma_start3A_804 : memref<1x32xf32, #tpu.memory_space<vmem>>) target_semaphore(%arg7 : memref<!tpu.dma_semaphore, #tpu.memory_space<semaphore_mem>>)
      %slice3A_807 = vector.extract_strided_slice %get3A_792 {offsets = [1], sizes = [1], strides = [1]} : vector<16xi32> to vector<1xi32>
      %squeeze3A_808 = vector.extract %slice3A_807[0] : i32 from vector<1xi32>
      %mul3A_809 = arith.constant 16 : i32
      %mul3A_810 = arith.muli %scan3A_785, %mul3A_809 : i32
      %add3A_811 = arith.constant 1 : i32
      %add3A_812 = arith.addi %mul3A_810, %add3A_811 : i32
      %dma_start3A_813 = arith.constant 0 : i32
      %dma_start3A_814 = tpu.memref_slice %arg6[%add3A_812, %dma_start3A_813] : memref<256x32xf32, #tpu.memory_space<vmem>> -> memref<1x32xf32, #tpu.memory_space<vmem>>
      %dma_start3A_815 = arith.constant 0 : i32
      %dma_start3A_816 = tpu.memref_slice %arg3[%squeeze3A_808, %dma_start3A_815] : memref<1000000x32xf32, #tpu.memory_space<hbm>> -> memref<1x32xf32, #tpu.memory_space<hbm>>
      %dma_start3A_817 = arith.constant 0 : i32
      %dma_start3A_818 = tpu.memref_slice %arg6[%add3A_812, %dma_start3A_817] : memref<256x32xf32, #tpu.memory_space<vmem>> -> memref<1x32xf32, #tpu.memory_space<vmem>>
      %dma_start3A_819 = arith.constant 0 : i32
      %dma_start3A_820 = tpu.memref_slice %arg3[%squeeze3A_808, %dma_start3A_819] : memref<1000000x32xf32, #tpu.memory_space<hbm>> -> memref<1x32xf32, #tpu.memory_space<hbm>>
      tpu.enqueue_dma source(%dma_start3A_820 : memref<1x32xf32, #tpu.memory_space<hbm>>) target(%dma_start3A_818 : memref<1x32xf32, #tpu.memory_space<vmem>>) target_semaphore(%arg7 : memref<!tpu.dma_semaphore, #tpu.memory_space<semaphore_mem>>)
      %slice3A_821 = vector.extract_strided_slice %get3A_792 {offsets = [2], sizes = [1], strides = [1]} : vector<16xi32> to vector<1xi32>
      %squeeze3A_822 = vector.extract %slice3A_821[0] : i32 from vector<1xi32>
      %mul3A_823 = arith.constant 16 : i32
      %mul3A_824 = arith.muli %scan3A_785, %mul3A_823 : i32
      %add3A_825 = arith.constant 2 : i32
      %add3A_826 = arith.addi %mul3A_824, %add3A_825 : i32
      %dma_start3A_827 = arith.constant 0 : i32
      %dma_start3A_828 = tpu.memref_slice %arg6[%add3A_826, %dma_start3A_827] : memref<256x32xf32, #tpu.memory_space<vmem>> -> memref<1x32xf32, #tpu.memory_space<vmem>>
      %dma_start3A_829 = arith.constant 0 : i32
      %dma_start3A_830 = tpu.memref_slice %arg3[%squeeze3A_822, %dma_start3A_829] : memref<1000000x32xf32, #tpu.memory_space<hbm>> -> memref<1x32xf32, #tpu.memory_space<hbm>>
      %dma_start3A_831 = arith.constant 0 : i32
      %dma_start3A_832 = tpu.memref_slice %arg6[%add3A_826, %dma_start3A_831] : memref<256x32xf32, #tpu.memory_space<vmem>> -> memref<1x32xf32, #tpu.memory_space<vmem>>
      %dma_start3A_833 = arith.constant 0 : i32
      %dma_start3A_834 = tpu.memref_slice %arg3[%squeeze3A_822, %dma_start3A_833] : memref<1000000x32xf32, #tpu.memory_space<hbm>> -> memref<1x32xf32, #tpu.memory_space<hbm>>
      tpu.enqueue_dma source(%dma_start3A_834 : memref<1x32xf32, #tpu.memory_space<hbm>>) target(%dma_start3A_832 : memref<1x32xf32, #tpu.memory_space<vmem>>) target_semaphore(%arg7 : memref<!tpu.dma_semaphore, #tpu.memory_space<semaphore_mem>>)
      %slice3A_835 = vector.extract_strided_slice %get3A_792 {offsets = [3], sizes = [1], strides = [1]} : vector<16xi32> to vector<1xi32>
      %squeeze3A_836 = vector.extract %slice3A_835[0] : i32 from vector<1xi32>
      %mul3A_837 = arith.constant 16 : i32
      %mul3A_838 = arith.muli %scan3A_785, %mul3A_837 : i32
      %add3A_839 = arith.constant 3 : i32
      %add3A_840 = arith.addi %mul3A_838, %add3A_839 : i32
      %dma_start3A_841 = arith.constant 0 : i32
      %dma_start3A_842 = tpu.memref_slice %arg6[%add3A_840, %dma_start3A_841] : memref<256x32xf32, #tpu.memory_space<vmem>> -> memref<1x32xf32, #tpu.memory_space<vmem>>
      %dma_start3A_843 = arith.constant 0 : i32
      %dma_start3A_844 = tpu.memref_slice %arg3[%squeeze3A_836, %dma_start3A_843] : memref<1000000x32xf32, #tpu.memory_space<hbm>> -> memref<1x32xf32, #tpu.memory_space<hbm>>
      %dma_start3A_845 = arith.constant 0 : i32
      %dma_start3A_846 = tpu.memref_slice %arg6[%add3A_840, %dma_start3A_845] : memref<256x32xf32, #tpu.memory_space<vmem>> -> memref<1x32xf32, #tpu.memory_space<vmem>>
      %dma_start3A_847 = arith.constant 0 : i32
      %dma_start3A_848 = tpu.memref_slice %arg3[%squeeze3A_836, %dma_start3A_847] : memref<1000000x32xf32, #tpu.memory_space<hbm>> -> memref<1x32xf32, #tpu.memory_space<hbm>>
      tpu.enqueue_dma source(%dma_start3A_848 : memref<1x32xf32, #tpu.memory_space<hbm>>) target(%dma_start3A_846 : memref<1x32xf32, #tpu.memory_space<vmem>>) target_semaphore(%arg7 : memref<!tpu.dma_semaphore, #tpu.memory_space<semaphore_mem>>)
      %slice3A_849 = vector.extract_strided_slice %get3A_792 {offsets = [4], sizes = [1], strides = [1]} : vector<16xi32> to vector<1xi32>
      %squeeze3A_850 = vector.extract %slice3A_849[0] : i32 from vector<1xi32>
      %mul3A_851 = arith.constant 16 : i32
      %mul3A_852 = arith.muli %scan3A_785, %mul3A_851 : i32
      %add3A_853 = arith.constant 4 : i32
      %add3A_854 = arith.addi %mul3A_852, %add3A_853 : i32
      %dma_start3A_855 = arith.constant 0 : i32
      %dma_start3A_856 = tpu.memref_slice %arg6[%add3A_854, %dma_start3A_855] : memref<256x32xf32, #tpu.memory_space<vmem>> -> memref<1x32xf32, #tpu.memory_space<vmem>>
      %dma_start3A_857 = arith.constant 0 : i32
      %dma_start3A_858 = tpu.memref_slice %arg3[%squeeze3A_850, %dma_start3A_857] : memref<1000000x32xf32, #tpu.memory_space<hbm>> -> memref<1x32xf32, #tpu.memory_space<hbm>>
      %dma_start3A_859 = arith.constant 0 : i32
      %dma_start3A_860 = tpu.memref_slice %arg6[%add3A_854, %dma_start3A_859] : memref<256x32xf32, #tpu.memory_space<vmem>> -> memref<1x32xf32, #tpu.memory_space<vmem>>
      %dma_start3A_861 = arith.constant 0 : i32
      %dma_start3A_862 = tpu.memref_slice %arg3[%squeeze3A_850, %dma_start3A_861] : memref<1000000x32xf32, #tpu.memory_space<hbm>> -> memref<1x32xf32, #tpu.memory_space<hbm>>
      tpu.enqueue_dma source(%dma_start3A_862 : memref<1x32xf32, #tpu.memory_space<hbm>>) target(%dma_start3A_860 : memref<1x32xf32, #tpu.memory_space<vmem>>) target_semaphore(%arg7 : memref<!tpu.dma_semaphore, #tpu.memory_space<semaphore_mem>>)
      %slice3A_863 = vector.extract_strided_slice %get3A_792 {offsets = [5], sizes = [1], strides = [1]} : vector<16xi32> to vector<1xi32>
      %squeeze3A_864 = vector.extract %slice3A_863[0] : i32 from vector<1xi32>
      %mul3A_865 = arith.constant 16 : i32
      %mul3A_866 = arith.muli %scan3A_785, %mul3A_865 : i32
      %add3A_867 = arith.constant 5 : i32
      %add3A_868 = arith.addi %mul3A_866, %add3A_867 : i32
      %dma_start3A_869 = arith.constant 0 : i32
      %dma_start3A_870 = tpu.memref_slice %arg6[%add3A_868, %dma_start3A_869] : memref<256x32xf32, #tpu.memory_space<vmem>> -> memref<1x32xf32, #tpu.memory_space<vmem>>
      %dma_start3A_871 = arith.constant 0 : i32
      %dma_start3A_872 = tpu.memref_slice %arg3[%squeeze3A_864, %dma_start3A_871] : memref<1000000x32xf32, #tpu.memory_space<hbm>> -> memref<1x32xf32, #tpu.memory_space<hbm>>
      %dma_start3A_873 = arith.constant 0 : i32
      %dma_start3A_874 = tpu.memref_slice %arg6[%add3A_868, %dma_start3A_873] : memref<256x32xf32, #tpu.memory_space<vmem>> -> memref<1x32xf32, #tpu.memory_space<vmem>>
      %dma_start3A_875 = arith.constant 0 : i32
      %dma_start3A_876 = tpu.memref_slice %arg3[%squeeze3A_864, %dma_start3A_875] : memref<1000000x32xf32, #tpu.memory_space<hbm>> -> memref<1x32xf32, #tpu.memory_space<hbm>>
      tpu.enqueue_dma source(%dma_start3A_876 : memref<1x32xf32, #tpu.memory_space<hbm>>) target(%dma_start3A_874 : memref<1x32xf32, #tpu.memory_space<vmem>>) target_semaphore(%arg7 : memref<!tpu.dma_semaphore, #tpu.memory_space<semaphore_mem>>)
      %slice3A_877 = vector.extract_strided_slice %get3A_792 {offsets = [6], sizes = [1], strides = [1]} : vector<16xi32> to vector<1xi32>
      %squeeze3A_878 = vector.extract %slice3A_877[0] : i32 from vector<1xi32>
      %mul3A_879 = arith.constant 16 : i32
      %mul3A_880 = arith.muli %scan3A_785, %mul3A_879 : i32
      %add3A_881 = arith.constant 6 : i32
      %add3A_882 = arith.addi %mul3A_880, %add3A_881 : i32
      %dma_start3A_883 = arith.constant 0 : i32
      %dma_start3A_884 = tpu.memref_slice %arg6[%add3A_882, %dma_start3A_883] : memref<256x32xf32, #tpu.memory_space<vmem>> -> memref<1x32xf32, #tpu.memory_space<vmem>>
      %dma_start3A_885 = arith.constant 0 : i32
      %dma_start3A_886 = tpu.memref_slice %arg3[%squeeze3A_878, %dma_start3A_885] : memref<1000000x32xf32, #tpu.memory_space<hbm>> -> memref<1x32xf32, #tpu.memory_space<hbm>>
      %dma_start3A_887 = arith.constant 0 : i32
      %dma_start3A_888 = tpu.memref_slice %arg6[%add3A_882, %dma_start3A_887] : memref<256x32xf32, #tpu.memory_space<vmem>> -> memref<1x32xf32, #tpu.memory_space<vmem>>
      %dma_start3A_889 = arith.constant 0 : i32
      %dma_start3A_890 = tpu.memref_slice %arg3[%squeeze3A_878, %dma_start3A_889] : memref<1000000x32xf32, #tpu.memory_space<hbm>> -> memref<1x32xf32, #tpu.memory_space<hbm>>
      tpu.enqueue_dma source(%dma_start3A_890 : memref<1x32xf32, #tpu.memory_space<hbm>>) target(%dma_start3A_888 : memref<1x32xf32, #tpu.memory_space<vmem>>) target_semaphore(%arg7 : memref<!tpu.dma_semaphore, #tpu.memory_space<semaphore_mem>>)
      %slice3A_891 = vector.extract_strided_slice %get3A_792 {offsets = [7], sizes = [1], strides = [1]} : vector<16xi32> to vector<1xi32>
      %squeeze3A_892 = vector.extract %slice3A_891[0] : i32 from vector<1xi32>
      %mul3A_893 = arith.constant 16 : i32
      %mul3A_894 = arith.muli %scan3A_785, %mul3A_893 : i32
      %add3A_895 = arith.constant 7 : i32
      %add3A_896 = arith.addi %mul3A_894, %add3A_895 : i32
      %dma_start3A_897 = arith.constant 0 : i32
      %dma_start3A_898 = tpu.memref_slice %arg6[%add3A_896, %dma_start3A_897] : memref<256x32xf32, #tpu.memory_space<vmem>> -> memref<1x32xf32, #tpu.memory_space<vmem>>
      %dma_start3A_899 = arith.constant 0 : i32
      %dma_start3A_900 = tpu.memref_slice %arg3[%squeeze3A_892, %dma_start3A_899] : memref<1000000x32xf32, #tpu.memory_space<hbm>> -> memref<1x32xf32, #tpu.memory_space<hbm>>
      %dma_start3A_901 = arith.constant 0 : i32
      %dma_start3A_902 = tpu.memref_slice %arg6[%add3A_896, %dma_start3A_901] : memref<256x32xf32, #tpu.memory_space<vmem>> -> memref<1x32xf32, #tpu.memory_space<vmem>>
      %dma_start3A_903 = arith.constant 0 : i32
      %dma_start3A_904 = tpu.memref_slice %arg3[%squeeze3A_892, %dma_start3A_903] : memref<1000000x32xf32, #tpu.memory_space<hbm>> -> memref<1x32xf32, #tpu.memory_space<hbm>>
      tpu.enqueue_dma source(%dma_start3A_904 : memref<1x32xf32, #tpu.memory_space<hbm>>) target(%dma_start3A_902 : memref<1x32xf32, #tpu.memory_space<vmem>>) target_semaphore(%arg7 : memref<!tpu.dma_semaphore, #tpu.memory_space<semaphore_mem>>)
      %slice3A_905 = vector.extract_strided_slice %get3A_792 {offsets = [8], sizes = [1], strides = [1]} : vector<16xi32> to vector<1xi32>
      %squeeze3A_906 = vector.extract %slice3A_905[0] : i32 from vector<1xi32>
      %mul3A_907 = arith.constant 16 : i32
      %mul3A_908 = arith.muli %scan3A_785, %mul3A_907 : i32
      %add3A_909 = arith.constant 8 : i32
      %add3A_910 = arith.addi %mul3A_908, %add3A_909 : i32
      %dma_start3A_911 = arith.constant 0 : i32
      %dma_start3A_912 = tpu.memref_slice %arg6[%add3A_910, %dma_start3A_911] : memref<256x32xf32, #tpu.memory_space<vmem>> -> memref<1x32xf32, #tpu.memory_space<vmem>>
      %dma_start3A_913 = arith.constant 0 : i32
      %dma_start3A_914 = tpu.memref_slice %arg3[%squeeze3A_906, %dma_start3A_913] : memref<1000000x32xf32, #tpu.memory_space<hbm>> -> memref<1x32xf32, #tpu.memory_space<hbm>>
      %dma_start3A_915 = arith.constant 0 : i32
      %dma_start3A_916 = tpu.memref_slice %arg6[%add3A_910, %dma_start3A_915] : memref<256x32xf32, #tpu.memory_space<vmem>> -> memref<1x32xf32, #tpu.memory_space<vmem>>
      %dma_start3A_917 = arith.constant 0 : i32
      %dma_start3A_918 = tpu.memref_slice %arg3[%squeeze3A_906, %dma_start3A_917] : memref<1000000x32xf32, #tpu.memory_space<hbm>> -> memref<1x32xf32, #tpu.memory_space<hbm>>
      tpu.enqueue_dma source(%dma_start3A_918 : memref<1x32xf32, #tpu.memory_space<hbm>>) target(%dma_start3A_916 : memref<1x32xf32, #tpu.memory_space<vmem>>) target_semaphore(%arg7 : memref<!tpu.dma_semaphore, #tpu.memory_space<semaphore_mem>>)
      %slice3A_919 = vector.extract_strided_slice %get3A_792 {offsets = [9], sizes = [1], strides = [1]} : vector<16xi32> to vector<1xi32>
      %squeeze3A_920 = vector.extract %slice3A_919[0] : i32 from vector<1xi32>
      %mul3A_921 = arith.constant 16 : i32
      %mul3A_922 = arith.muli %scan3A_785, %mul3A_921 : i32
      %add3A_923 = arith.constant 9 : i32
      %add3A_924 = arith.addi %mul3A_922, %add3A_923 : i32
      %dma_start3A_925 = arith.constant 0 : i32
      %dma_start3A_926 = tpu.memref_slice %arg6[%add3A_924, %dma_start3A_925] : memref<256x32xf32, #tpu.memory_space<vmem>> -> memref<1x32xf32, #tpu.memory_space<vmem>>
      %dma_start3A_927 = arith.constant 0 : i32
      %dma_start3A_928 = tpu.memref_slice %arg3[%squeeze3A_920, %dma_start3A_927] : memref<1000000x32xf32, #tpu.memory_space<hbm>> -> memref<1x32xf32, #tpu.memory_space<hbm>>
      %dma_start3A_929 = arith.constant 0 : i32
      %dma_start3A_930 = tpu.memref_slice %arg6[%add3A_924, %dma_start3A_929] : memref<256x32xf32, #tpu.memory_space<vmem>> -> memref<1x32xf32, #tpu.memory_space<vmem>>
      %dma_start3A_931 = arith.constant 0 : i32
      %dma_start3A_932 = tpu.memref_slice %arg3[%squeeze3A_920, %dma_start3A_931] : memref<1000000x32xf32, #tpu.memory_space<hbm>> -> memref<1x32xf32, #tpu.memory_space<hbm>>
      tpu.enqueue_dma source(%dma_start3A_932 : memref<1x32xf32, #tpu.memory_space<hbm>>) target(%dma_start3A_930 : memref<1x32xf32, #tpu.memory_space<vmem>>) target_semaphore(%arg7 : memref<!tpu.dma_semaphore, #tpu.memory_space<semaphore_mem>>)
      %slice3A_933 = vector.extract_strided_slice %get3A_792 {offsets = [10], sizes = [1], strides = [1]} : vector<16xi32> to vector<1xi32>
      %squeeze3A_934 = vector.extract %slice3A_933[0] : i32 from vector<1xi32>
      %mul3A_935 = arith.constant 16 : i32
      %mul3A_936 = arith.muli %scan3A_785, %mul3A_935 : i32
      %add3A_937 = arith.constant 10 : i32
      %add3A_938 = arith.addi %mul3A_936, %add3A_937 : i32
      %dma_start3A_939 = arith.constant 0 : i32
      %dma_start3A_940 = tpu.memref_slice %arg6[%add3A_938, %dma_start3A_939] : memref<256x32xf32, #tpu.memory_space<vmem>> -> memref<1x32xf32, #tpu.memory_space<vmem>>
      %dma_start3A_941 = arith.constant 0 : i32
      %dma_start3A_942 = tpu.memref_slice %arg3[%squeeze3A_934, %dma_start3A_941] : memref<1000000x32xf32, #tpu.memory_space<hbm>> -> memref<1x32xf32, #tpu.memory_space<hbm>>
      %dma_start3A_943 = arith.constant 0 : i32
      %dma_start3A_944 = tpu.memref_slice %arg6[%add3A_938, %dma_start3A_943] : memref<256x32xf32, #tpu.memory_space<vmem>> -> memref<1x32xf32, #tpu.memory_space<vmem>>
      %dma_start3A_945 = arith.constant 0 : i32
      %dma_start3A_946 = tpu.memref_slice %arg3[%squeeze3A_934, %dma_start3A_945] : memref<1000000x32xf32, #tpu.memory_space<hbm>> -> memref<1x32xf32, #tpu.memory_space<hbm>>
      tpu.enqueue_dma source(%dma_start3A_946 : memref<1x32xf32, #tpu.memory_space<hbm>>) target(%dma_start3A_944 : memref<1x32xf32, #tpu.memory_space<vmem>>) target_semaphore(%arg7 : memref<!tpu.dma_semaphore, #tpu.memory_space<semaphore_mem>>)
      %slice3A_947 = vector.extract_strided_slice %get3A_792 {offsets = [11], sizes = [1], strides = [1]} : vector<16xi32> to vector<1xi32>
      %squeeze3A_948 = vector.extract %slice3A_947[0] : i32 from vector<1xi32>
      %mul3A_949 = arith.constant 16 : i32
      %mul3A_950 = arith.muli %scan3A_785, %mul3A_949 : i32
      %add3A_951 = arith.constant 11 : i32
      %add3A_952 = arith.addi %mul3A_950, %add3A_951 : i32
      %dma_start3A_953 = arith.constant 0 : i32
      %dma_start3A_954 = tpu.memref_slice %arg6[%add3A_952, %dma_start3A_953] : memref<256x32xf32, #tpu.memory_space<vmem>> -> memref<1x32xf32, #tpu.memory_space<vmem>>
      %dma_start3A_955 = arith.constant 0 : i32
      %dma_start3A_956 = tpu.memref_slice %arg3[%squeeze3A_948, %dma_start3A_955] : memref<1000000x32xf32, #tpu.memory_space<hbm>> -> memref<1x32xf32, #tpu.memory_space<hbm>>
      %dma_start3A_957 = arith.constant 0 : i32
      %dma_start3A_958 = tpu.memref_slice %arg6[%add3A_952, %dma_start3A_957] : memref<256x32xf32, #tpu.memory_space<vmem>> -> memref<1x32xf32, #tpu.memory_space<vmem>>
      %dma_start3A_959 = arith.constant 0 : i32
      %dma_start3A_960 = tpu.memref_slice %arg3[%squeeze3A_948, %dma_start3A_959] : memref<1000000x32xf32, #tpu.memory_space<hbm>> -> memref<1x32xf32, #tpu.memory_space<hbm>>
      tpu.enqueue_dma source(%dma_start3A_960 : memref<1x32xf32, #tpu.memory_space<hbm>>) target(%dma_start3A_958 : memref<1x32xf32, #tpu.memory_space<vmem>>) target_semaphore(%arg7 : memref<!tpu.dma_semaphore, #tpu.memory_space<semaphore_mem>>)
      %slice3A_961 = vector.extract_strided_slice %get3A_792 {offsets = [12], sizes = [1], strides = [1]} : vector<16xi32> to vector<1xi32>
      %squeeze3A_962 = vector.extract %slice3A_961[0] : i32 from vector<1xi32>
      %mul3A_963 = arith.constant 16 : i32
      %mul3A_964 = arith.muli %scan3A_785, %mul3A_963 : i32
      %add3A_965 = arith.constant 12 : i32
      %add3A_966 = arith.addi %mul3A_964, %add3A_965 : i32
      %dma_start3A_967 = arith.constant 0 : i32
      %dma_start3A_968 = tpu.memref_slice %arg6[%add3A_966, %dma_start3A_967] : memref<256x32xf32, #tpu.memory_space<vmem>> -> memref<1x32xf32, #tpu.memory_space<vmem>>
      %dma_start3A_969 = arith.constant 0 : i32
      %dma_start3A_970 = tpu.memref_slice %arg3[%squeeze3A_962, %dma_start3A_969] : memref<1000000x32xf32, #tpu.memory_space<hbm>> -> memref<1x32xf32, #tpu.memory_space<hbm>>
      %dma_start3A_971 = arith.constant 0 : i32
      %dma_start3A_972 = tpu.memref_slice %arg6[%add3A_966, %dma_start3A_971] : memref<256x32xf32, #tpu.memory_space<vmem>> -> memref<1x32xf32, #tpu.memory_space<vmem>>
      %dma_start3A_973 = arith.constant 0 : i32
      %dma_start3A_974 = tpu.memref_slice %arg3[%squeeze3A_962, %dma_start3A_973] : memref<1000000x32xf32, #tpu.memory_space<hbm>> -> memref<1x32xf32, #tpu.memory_space<hbm>>
      tpu.enqueue_dma source(%dma_start3A_974 : memref<1x32xf32, #tpu.memory_space<hbm>>) target(%dma_start3A_972 : memref<1x32xf32, #tpu.memory_space<vmem>>) target_semaphore(%arg7 : memref<!tpu.dma_semaphore, #tpu.memory_space<semaphore_mem>>)
      %slice3A_975 = vector.extract_strided_slice %get3A_792 {offsets = [13], sizes = [1], strides = [1]} : vector<16xi32> to vector<1xi32>
      %squeeze3A_976 = vector.extract %slice3A_975[0] : i32 from vector<1xi32>
      %mul3A_977 = arith.constant 16 : i32
      %mul3A_978 = arith.muli %scan3A_785, %mul3A_977 : i32
      %add3A_979 = arith.constant 13 : i32
      %add3A_980 = arith.addi %mul3A_978, %add3A_979 : i32
      %dma_start3A_981 = arith.constant 0 : i32
      %dma_start3A_982 = tpu.memref_slice %arg6[%add3A_980, %dma_start3A_981] : memref<256x32xf32, #tpu.memory_space<vmem>> -> memref<1x32xf32, #tpu.memory_space<vmem>>
      %dma_start3A_983 = arith.constant 0 : i32
      %dma_start3A_984 = tpu.memref_slice %arg3[%squeeze3A_976, %dma_start3A_983] : memref<1000000x32xf32, #tpu.memory_space<hbm>> -> memref<1x32xf32, #tpu.memory_space<hbm>>
      %dma_start3A_985 = arith.constant 0 : i32
      %dma_start3A_986 = tpu.memref_slice %arg6[%add3A_980, %dma_start3A_985] : memref<256x32xf32, #tpu.memory_space<vmem>> -> memref<1x32xf32, #tpu.memory_space<vmem>>
      %dma_start3A_987 = arith.constant 0 : i32
      %dma_start3A_988 = tpu.memref_slice %arg3[%squeeze3A_976, %dma_start3A_987] : memref<1000000x32xf32, #tpu.memory_space<hbm>> -> memref<1x32xf32, #tpu.memory_space<hbm>>
      tpu.enqueue_dma source(%dma_start3A_988 : memref<1x32xf32, #tpu.memory_space<hbm>>) target(%dma_start3A_986 : memref<1x32xf32, #tpu.memory_space<vmem>>) target_semaphore(%arg7 : memref<!tpu.dma_semaphore, #tpu.memory_space<semaphore_mem>>)
      %slice3A_989 = vector.extract_strided_slice %get3A_792 {offsets = [14], sizes = [1], strides = [1]} : vector<16xi32> to vector<1xi32>
      %squeeze3A_990 = vector.extract %slice3A_989[0] : i32 from vector<1xi32>
      %mul3A_991 = arith.constant 16 : i32
      %mul3A_992 = arith.muli %scan3A_785, %mul3A_991 : i32
      %add3A_993 = arith.constant 14 : i32
      %add3A_994 = arith.addi %mul3A_992, %add3A_993 : i32
      %dma_start3A_995 = arith.constant 0 : i32
      %dma_start3A_996 = tpu.memref_slice %arg6[%add3A_994, %dma_start3A_995] : memref<256x32xf32, #tpu.memory_space<vmem>> -> memref<1x32xf32, #tpu.memory_space<vmem>>
      %dma_start3A_997 = arith.constant 0 : i32
      %dma_start3A_998 = tpu.memref_slice %arg3[%squeeze3A_990, %dma_start3A_997] : memref<1000000x32xf32, #tpu.memory_space<hbm>> -> memref<1x32xf32, #tpu.memory_space<hbm>>
      %dma_start3A_999 = arith.constant 0 : i32
      %dma_start3A_1000 = tpu.memref_slice %arg6[%add3A_994, %dma_start3A_999] : memref<256x32xf32, #tpu.memory_space<vmem>> -> memref<1x32xf32, #tpu.memory_space<vmem>>
      %dma_start3A_1001 = arith.constant 0 : i32
      %dma_start3A_1002 = tpu.memref_slice %arg3[%squeeze3A_990, %dma_start3A_1001] : memref<1000000x32xf32, #tpu.memory_space<hbm>> -> memref<1x32xf32, #tpu.memory_space<hbm>>
      tpu.enqueue_dma source(%dma_start3A_1002 : memref<1x32xf32, #tpu.memory_space<hbm>>) target(%dma_start3A_1000 : memref<1x32xf32, #tpu.memory_space<vmem>>) target_semaphore(%arg7 : memref<!tpu.dma_semaphore, #tpu.memory_space<semaphore_mem>>)
      %slice3A_1003 = vector.extract_strided_slice %get3A_792 {offsets = [15], sizes = [1], strides = [1]} : vector<16xi32> to vector<1xi32>
      %squeeze3A_1004 = vector.extract %slice3A_1003[0] : i32 from vector<1xi32>
      %mul3A_1005 = arith.constant 16 : i32
      %mul3A_1006 = arith.muli %scan3A_785, %mul3A_1005 : i32
      %add3A_1007 = arith.constant 15 : i32
      %add3A_1008 = arith.addi %mul3A_1006, %add3A_1007 : i32
      %dma_start3A_1009 = arith.constant 0 : i32
      %dma_start3A_1010 = tpu.memref_slice %arg6[%add3A_1008, %dma_start3A_1009] : memref<256x32xf32, #tpu.memory_space<vmem>> -> memref<1x32xf32, #tpu.memory_space<vmem>>
      %dma_start3A_1011 = arith.constant 0 : i32
      %dma_start3A_1012 = tpu.memref_slice %arg3[%squeeze3A_1004, %dma_start3A_1011] : memref<1000000x32xf32, #tpu.memory_space<hbm>> -> memref<1x32xf32, #tpu.memory_space<hbm>>
      %dma_start3A_1013 = arith.constant 0 : i32
      %dma_start3A_1014 = tpu.memref_slice %arg6[%add3A_1008, %dma_start3A_1013] : memref<256x32xf32, #tpu.memory_space<vmem>> -> memref<1x32xf32, #tpu.memory_space<vmem>>
      %dma_start3A_1015 = arith.constant 0 : i32
      %dma_start3A_1016 = tpu.memref_slice %arg3[%squeeze3A_1004, %dma_start3A_1015] : memref<1000000x32xf32, #tpu.memory_space<hbm>> -> memref<1x32xf32, #tpu.memory_space<hbm>>
      tpu.enqueue_dma source(%dma_start3A_1016 : memref<1x32xf32, #tpu.memory_space<hbm>>) target(%dma_start3A_1014 : memref<1x32xf32, #tpu.memory_space<vmem>>) target_semaphore(%arg7 : memref<!tpu.dma_semaphore, #tpu.memory_space<semaphore_mem>>)
      %dma_wait3A_1017 = arith.constant 0 : i32
      %dma_wait3A_1018 = arith.constant 0 : i32
      %dma_wait3A_1019 = tpu.memref_slice %arg6[%dma_wait3A_1017, %dma_wait3A_1018] : memref<256x32xf32, #tpu.memory_space<vmem>> -> memref<1x32xf32, #tpu.memory_space<vmem>>
      %dma_wait3A_1020 = arith.constant 0 : i32
      %dma_wait3A_1021 = arith.constant 0 : i32
      %dma_wait3A_1022 = tpu.memref_slice %arg3[%dma_wait3A_1020, %dma_wait3A_1021] : memref<1000000x32xf32, #tpu.memory_space<hbm>> -> memref<1x32xf32, #tpu.memory_space<hbm>>
      %dma_wait3A_1023 = arith.constant 0 : i32
      %dma_wait3A_1024 = arith.constant 0 : i32
      %dma_wait3A_1025 = tpu.memref_slice %arg6[%dma_wait3A_1023, %dma_wait3A_1024] : memref<256x32xf32, #tpu.memory_space<vmem>> -> memref<1x32xf32, #tpu.memory_space<vmem>>
      %dma_wait3A_1026 = arith.constant 0 : i32
      %dma_wait3A_1027 = arith.constant 0 : i32
      %dma_wait3A_1028 = tpu.memref_slice %arg3[%dma_wait3A_1026, %dma_wait3A_1027] : memref<1000000x32xf32, #tpu.memory_space<hbm>> -> memref<1x32xf32, #tpu.memory_space<hbm>>
      tpu.wait_dma2 semaphore(%arg7 : memref<!tpu.dma_semaphore, #tpu.memory_space<semaphore_mem>>) src(%dma_wait3A_1028 : memref<1x32xf32, #tpu.memory_space<hbm>>) dst(%dma_wait3A_1025 : memref<1x32xf32, #tpu.memory_space<vmem>>)
      %dma_wait3A_1029 = arith.constant 0 : i32
      %dma_wait3A_1030 = arith.constant 0 : i32
      %dma_wait3A_1031 = tpu.memref_slice %arg6[%dma_wait3A_1029, %dma_wait3A_1030] : memref<256x32xf32, #tpu.memory_space<vmem>> -> memref<1x32xf32, #tpu.memory_space<vmem>>
      %dma_wait3A_1032 = arith.constant 0 : i32
      %dma_wait3A_1033 = arith.constant 0 : i32
      %dma_wait3A_1034 = tpu.memref_slice %arg3[%dma_wait3A_1032, %dma_wait3A_1033] : memref<1000000x32xf32, #tpu.memory_space<hbm>> -> memref<1x32xf32, #tpu.memory_space<hbm>>
      %dma_wait3A_1035 = arith.constant 0 : i32
      %dma_wait3A_1036 = arith.constant 0 : i32
      %dma_wait3A_1037 = tpu.memref_slice %arg6[%dma_wait3A_1035, %dma_wait3A_1036] : memref<256x32xf32, #tpu.memory_space<vmem>> -> memref<1x32xf32, #tpu.memory_space<vmem>>
      %dma_wait3A_1038 = arith.constant 0 : i32
      %dma_wait3A_1039 = arith.constant 0 : i32
      %dma_wait3A_1040 = tpu.memref_slice %arg3[%dma_wait3A_1038, %dma_wait3A_1039] : memref<1000000x32xf32, #tpu.memory_space<hbm>> -> memref<1x32xf32, #tpu.memory_space<hbm>>
      tpu.wait_dma2 semaphore(%arg7 : memref<!tpu.dma_semaphore, #tpu.memory_space<semaphore_mem>>) src(%dma_wait3A_1040 : memref<1x32xf32, #tpu.memory_space<hbm>>) dst(%dma_wait3A_1037 : memref<1x32xf32, #tpu.memory_space<vmem>>)
      %dma_wait3A_1041 = arith.constant 0 : i32
      %dma_wait3A_1042 = arith.constant 0 : i32
      %dma_wait3A_1043 = tpu.memref_slice %arg6[%dma_wait3A_1041, %dma_wait3A_1042] : memref<256x32xf32, #tpu.memory_space<vmem>> -> memref<1x32xf32, #tpu.memory_space<vmem>>
      %dma_wait3A_1044 = arith.constant 0 : i32
      %dma_wait3A_1045 = arith.constant 0 : i32
      %dma_wait3A_1046 = tpu.memref_slice %arg3[%dma_wait3A_1044, %dma_wait3A_1045] : memref<1000000x32xf32, #tpu.memory_space<hbm>> -> memref<1x32xf32, #tpu.memory_space<hbm>>
      %dma_wait3A_1047 = arith.constant 0 : i32
      %dma_wait3A_1048 = arith.constant 0 : i32
      %dma_wait3A_1049 = tpu.memref_slice %arg6[%dma_wait3A_1047, %dma_wait3A_1048] : memref<256x32xf32, #tpu.memory_space<vmem>> -> memref<1x32xf32, #tpu.memory_space<vmem>>
      %dma_wait3A_1050 = arith.constant 0 : i32
      %dma_wait3A_1051 = arith.constant 0 : i32
      %dma_wait3A_1052 = tpu.memref_slice %arg3[%dma_wait3A_1050, %dma_wait3A_1051] : memref<1000000x32xf32, #tpu.memory_space<hbm>> -> memref<1x32xf32, #tpu.memory_space<hbm>>
      tpu.wait_dma2 semaphore(%arg7 : memref<!tpu.dma_semaphore, #tpu.memory_space<semaphore_mem>>) src(%dma_wait3A_1052 : memref<1x32xf32, #tpu.memory_space<hbm>>) dst(%dma_wait3A_1049 : memref<1x32xf32, #tpu.memory_space<vmem>>)
      %dma_wait3A_1053 = arith.constant 0 : i32
      %dma_wait3A_1054 = arith.constant 0 : i32
      %dma_wait3A_1055 = tpu.memref_slice %arg6[%dma_wait3A_1053, %dma_wait3A_1054] : memref<256x32xf32, #tpu.memory_space<vmem>> -> memref<1x32xf32, #tpu.memory_space<vmem>>
      %dma_wait3A_1056 = arith.constant 0 : i32
      %dma_wait3A_1057 = arith.constant 0 : i32
      %dma_wait3A_1058 = tpu.memref_slice %arg3[%dma_wait3A_1056, %dma_wait3A_1057] : memref<1000000x32xf32, #tpu.memory_space<hbm>> -> memref<1x32xf32, #tpu.memory_space<hbm>>
      %dma_wait3A_1059 = arith.constant 0 : i32
      %dma_wait3A_1060 = arith.constant 0 : i32
      %dma_wait3A_1061 = tpu.memref_slice %arg6[%dma_wait3A_1059, %dma_wait3A_1060] : memref<256x32xf32, #tpu.memory_space<vmem>> -> memref<1x32xf32, #tpu.memory_space<vmem>>
      %dma_wait3A_1062 = arith.constant 0 : i32
      %dma_wait3A_1063 = arith.constant 0 : i32
      %dma_wait3A_1064 = tpu.memref_slice %arg3[%dma_wait3A_1062, %dma_wait3A_1063] : memref<1000000x32xf32, #tpu.memory_space<hbm>> -> memref<1x32xf32, #tpu.memory_space<hbm>>
      tpu.wait_dma2 semaphore(%arg7 : memref<!tpu.dma_semaphore, #tpu.memory_space<semaphore_mem>>) src(%dma_wait3A_1064 : memref<1x32xf32, #tpu.memory_space<hbm>>) dst(%dma_wait3A_1061 : memref<1x32xf32, #tpu.memory_space<vmem>>)
      %dma_wait3A_1065 = arith.constant 0 : i32
      %dma_wait3A_1066 = arith.constant 0 : i32
      %dma_wait3A_1067 = tpu.memref_slice %arg6[%dma_wait3A_1065, %dma_wait3A_1066] : memref<256x32xf32, #tpu.memory_space<vmem>> -> memref<1x32xf32, #tpu.memory_space<vmem>>
      %dma_wait3A_1068 = arith.constant 0 : i32
      %dma_wait3A_1069 = arith.constant 0 : i32
      %dma_wait3A_1070 = tpu.memref_slice %arg3[%dma_wait3A_1068, %dma_wait3A_1069] : memref<1000000x32xf32, #tpu.memory_space<hbm>> -> memref<1x32xf32, #tpu.memory_space<hbm>>
      %dma_wait3A_1071 = arith.constant 0 : i32
      %dma_wait3A_1072 = arith.constant 0 : i32
      %dma_wait3A_1073 = tpu.memref_slice %arg6[%dma_wait3A_1071, %dma_wait3A_1072] : memref<256x32xf32, #tpu.memory_space<vmem>> -> memref<1x32xf32, #tpu.memory_space<vmem>>
      %dma_wait3A_1074 = arith.constant 0 : i32
      %dma_wait3A_1075 = arith.constant 0 : i32
      %dma_wait3A_1076 = tpu.memref_slice %arg3[%dma_wait3A_1074, %dma_wait3A_1075] : memref<1000000x32xf32, #tpu.memory_space<hbm>> -> memref<1x32xf32, #tpu.memory_space<hbm>>
      tpu.wait_dma2 semaphore(%arg7 : memref<!tpu.dma_semaphore, #tpu.memory_space<semaphore_mem>>) src(%dma_wait3A_1076 : memref<1x32xf32, #tpu.memory_space<hbm>>) dst(%dma_wait3A_1073 : memref<1x32xf32, #tpu.memory_space<vmem>>)
      %dma_wait3A_1077 = arith.constant 0 : i32
      %dma_wait3A_1078 = arith.constant 0 : i32
      %dma_wait3A_1079 = tpu.memref_slice %arg6[%dma_wait3A_1077, %dma_wait3A_1078] : memref<256x32xf32, #tpu.memory_space<vmem>> -> memref<1x32xf32, #tpu.memory_space<vmem>>
      %dma_wait3A_1080 = arith.constant 0 : i32
      %dma_wait3A_1081 = arith.constant 0 : i32
      %dma_wait3A_1082 = tpu.memref_slice %arg3[%dma_wait3A_1080, %dma_wait3A_1081] : memref<1000000x32xf32, #tpu.memory_space<hbm>> -> memref<1x32xf32, #tpu.memory_space<hbm>>
      %dma_wait3A_1083 = arith.constant 0 : i32
      %dma_wait3A_1084 = arith.constant 0 : i32
      %dma_wait3A_1085 = tpu.memref_slice %arg6[%dma_wait3A_1083, %dma_wait3A_1084] : memref<256x32xf32, #tpu.memory_space<vmem>> -> memref<1x32xf32, #tpu.memory_space<vmem>>
      %dma_wait3A_1086 = arith.constant 0 : i32
      %dma_wait3A_1087 = arith.constant 0 : i32
      %dma_wait3A_1088 = tpu.memref_slice %arg3[%dma_wait3A_1086, %dma_wait3A_1087] : memref<1000000x32xf32, #tpu.memory_space<hbm>> -> memref<1x32xf32, #tpu.memory_space<hbm>>
      tpu.wait_dma2 semaphore(%arg7 : memref<!tpu.dma_semaphore, #tpu.memory_space<semaphore_mem>>) src(%dma_wait3A_1088 : memref<1x32xf32, #tpu.memory_space<hbm>>) dst(%dma_wait3A_1085 : memref<1x32xf32, #tpu.memory_space<vmem>>)
      %dma_wait3A_1089 = arith.constant 0 : i32
      %dma_wait3A_1090 = arith.constant 0 : i32
      %dma_wait3A_1091 = tpu.memref_slice %arg6[%dma_wait3A_1089, %dma_wait3A_1090] : memref<256x32xf32, #tpu.memory_space<vmem>> -> memref<1x32xf32, #tpu.memory_space<vmem>>
      %dma_wait3A_1092 = arith.constant 0 : i32
      %dma_wait3A_1093 = arith.constant 0 : i32
      %dma_wait3A_1094 = tpu.memref_slice %arg3[%dma_wait3A_1092, %dma_wait3A_1093] : memref<1000000x32xf32, #tpu.memory_space<hbm>> -> memref<1x32xf32, #tpu.memory_space<hbm>>
      %dma_wait3A_1095 = arith.constant 0 : i32
      %dma_wait3A_1096 = arith.constant 0 : i32
      %dma_wait3A_1097 = tpu.memref_slice %arg6[%dma_wait3A_1095, %dma_wait3A_1096] : memref<256x32xf32, #tpu.memory_space<vmem>> -> memref<1x32xf32, #tpu.memory_space<vmem>>
      %dma_wait3A_1098 = arith.constant 0 : i32
      %dma_wait3A_1099 = arith.constant 0 : i32
      %dma_wait3A_1100 = tpu.memref_slice %arg3[%dma_wait3A_1098, %dma_wait3A_1099] : memref<1000000x32xf32, #tpu.memory_space<hbm>> -> memref<1x32xf32, #tpu.memory_space<hbm>>
      tpu.wait_dma2 semaphore(%arg7 : memref<!tpu.dma_semaphore, #tpu.memory_space<semaphore_mem>>) src(%dma_wait3A_1100 : memref<1x32xf32, #tpu.memory_space<hbm>>) dst(%dma_wait3A_1097 : memref<1x32xf32, #tpu.memory_space<vmem>>)
      %dma_wait3A_1101 = arith.constant 0 : i32
      %dma_wait3A_1102 = arith.constant 0 : i32
      %dma_wait3A_1103 = tpu.memref_slice %arg6[%dma_wait3A_1101, %dma_wait3A_1102] : memref<256x32xf32, #tpu.memory_space<vmem>> -> memref<1x32xf32, #tpu.memory_space<vmem>>
      %dma_wait3A_1104 = arith.constant 0 : i32
      %dma_wait3A_1105 = arith.constant 0 : i32
      %dma_wait3A_1106 = tpu.memref_slice %arg3[%dma_wait3A_1104, %dma_wait3A_1105] : memref<1000000x32xf32, #tpu.memory_space<hbm>> -> memref<1x32xf32, #tpu.memory_space<hbm>>
      %dma_wait3A_1107 = arith.constant 0 : i32
      %dma_wait3A_1108 = arith.constant 0 : i32
      %dma_wait3A_1109 = tpu.memref_slice %arg6[%dma_wait3A_1107, %dma_wait3A_1108] : memref<256x32xf32, #tpu.memory_space<vmem>> -> memref<1x32xf32, #tpu.memory_space<vmem>>
      %dma_wait3A_1110 = arith.constant 0 : i32
      %dma_wait3A_1111 = arith.constant 0 : i32
      %dma_wait3A_1112 = tpu.memref_slice %arg3[%dma_wait3A_1110, %dma_wait3A_1111] : memref<1000000x32xf32, #tpu.memory_space<hbm>> -> memref<1x32xf32, #tpu.memory_space<hbm>>
      tpu.wait_dma2 semaphore(%arg7 : memref<!tpu.dma_semaphore, #tpu.memory_space<semaphore_mem>>) src(%dma_wait3A_1112 : memref<1x32xf32, #tpu.memory_space<hbm>>) dst(%dma_wait3A_1109 : memref<1x32xf32, #tpu.memory_space<vmem>>)
      %dma_wait3A_1113 = arith.constant 0 : i32
      %dma_wait3A_1114 = arith.constant 0 : i32
      %dma_wait3A_1115 = tpu.memref_slice %arg6[%dma_wait3A_1113, %dma_wait3A_1114] : memref<256x32xf32, #tpu.memory_space<vmem>> -> memref<1x32xf32, #tpu.memory_space<vmem>>
      %dma_wait3A_1116 = arith.constant 0 : i32
      %dma_wait3A_1117 = arith.constant 0 : i32
      %dma_wait3A_1118 = tpu.memref_slice %arg3[%dma_wait3A_1116, %dma_wait3A_1117] : memref<1000000x32xf32, #tpu.memory_space<hbm>> -> memref<1x32xf32, #tpu.memory_space<hbm>>
      %dma_wait3A_1119 = arith.constant 0 : i32
      %dma_wait3A_1120 = arith.constant 0 : i32
      %dma_wait3A_1121 = tpu.memref_slice %arg6[%dma_wait3A_1119, %dma_wait3A_1120] : memref<256x32xf32, #tpu.memory_space<vmem>> -> memref<1x32xf32, #tpu.memory_space<vmem>>
      %dma_wait3A_1122 = arith.constant 0 : i32
      %dma_wait3A_1123 = arith.constant 0 : i32
      %dma_wait3A_1124 = tpu.memref_slice %arg3[%dma_wait3A_1122, %dma_wait3A_1123] : memref<1000000x32xf32, #tpu.memory_space<hbm>> -> memref<1x32xf32, #tpu.memory_space<hbm>>
      tpu.wait_dma2 semaphore(%arg7 : memref<!tpu.dma_semaphore, #tpu.memory_space<semaphore_mem>>) src(%dma_wait3A_1124 : memref<1x32xf32, #tpu.memory_space<hbm>>) dst(%dma_wait3A_1121 : memref<1x32xf32, #tpu.memory_space<vmem>>)
      %dma_wait3A_1125 = arith.constant 0 : i32
      %dma_wait3A_1126 = arith.constant 0 : i32
      %dma_wait3A_1127 = tpu.memref_slice %arg6[%dma_wait3A_1125, %dma_wait3A_1126] : memref<256x32xf32, #tpu.memory_space<vmem>> -> memref<1x32xf32, #tpu.memory_space<vmem>>
      %dma_wait3A_1128 = arith.constant 0 : i32
      %dma_wait3A_1129 = arith.constant 0 : i32
      %dma_wait3A_1130 = tpu.memref_slice %arg3[%dma_wait3A_1128, %dma_wait3A_1129] : memref<1000000x32xf32, #tpu.memory_space<hbm>> -> memref<1x32xf32, #tpu.memory_space<hbm>>
      %dma_wait3A_1131 = arith.constant 0 : i32
      %dma_wait3A_1132 = arith.constant 0 : i32
      %dma_wait3A_1133 = tpu.memref_slice %arg6[%dma_wait3A_1131, %dma_wait3A_1132] : memref<256x32xf32, #tpu.memory_space<vmem>> -> memref<1x32xf32, #tpu.memory_space<vmem>>
      %dma_wait3A_1134 = arith.constant 0 : i32
      %dma_wait3A_1135 = arith.constant 0 : i32
      %dma_wait3A_1136 = tpu.memref_slice %arg3[%dma_wait3A_1134, %dma_wait3A_1135] : memref<1000000x32xf32, #tpu.memory_space<hbm>> -> memref<1x32xf32, #tpu.memory_space<hbm>>
      tpu.wait_dma2 semaphore(%arg7 : memref<!tpu.dma_semaphore, #tpu.memory_space<semaphore_mem>>) src(%dma_wait3A_1136 : memref<1x32xf32, #tpu.memory_space<hbm>>) dst(%dma_wait3A_1133 : memref<1x32xf32, #tpu.memory_space<vmem>>)
      %dma_wait3A_1137 = arith.constant 0 : i32
      %dma_wait3A_1138 = arith.constant 0 : i32
      %dma_wait3A_1139 = tpu.memref_slice %arg6[%dma_wait3A_1137, %dma_wait3A_1138] : memref<256x32xf32, #tpu.memory_space<vmem>> -> memref<1x32xf32, #tpu.memory_space<vmem>>
      %dma_wait3A_1140 = arith.constant 0 : i32
      %dma_wait3A_1141 = arith.constant 0 : i32
      %dma_wait3A_1142 = tpu.memref_slice %arg3[%dma_wait3A_1140, %dma_wait3A_1141] : memref<1000000x32xf32, #tpu.memory_space<hbm>> -> memref<1x32xf32, #tpu.memory_space<hbm>>
      %dma_wait3A_1143 = arith.constant 0 : i32
      %dma_wait3A_1144 = arith.constant 0 : i32
      %dma_wait3A_1145 = tpu.memref_slice %arg6[%dma_wait3A_1143, %dma_wait3A_1144] : memref<256x32xf32, #tpu.memory_space<vmem>> -> memref<1x32xf32, #tpu.memory_space<vmem>>
      %dma_wait3A_1146 = arith.constant 0 : i32
      %dma_wait3A_1147 = arith.constant 0 : i32
      %dma_wait3A_1148 = tpu.memref_slice %arg3[%dma_wait3A_1146, %dma_wait3A_1147] : memref<1000000x32xf32, #tpu.memory_space<hbm>> -> memref<1x32xf32, #tpu.memory_space<hbm>>
      tpu.wait_dma2 semaphore(%arg7 : memref<!tpu.dma_semaphore, #tpu.memory_space<semaphore_mem>>) src(%dma_wait3A_1148 : memref<1x32xf32, #tpu.memory_space<hbm>>) dst(%dma_wait3A_1145 : memref<1x32xf32, #tpu.memory_space<vmem>>)
      %dma_wait3A_1149 = arith.constant 0 : i32
      %dma_wait3A_1150 = arith.constant 0 : i32
      %dma_wait3A_1151 = tpu.memref_slice %arg6[%dma_wait3A_1149, %dma_wait3A_1150] : memref<256x32xf32, #tpu.memory_space<vmem>> -> memref<1x32xf32, #tpu.memory_space<vmem>>
      %dma_wait3A_1152 = arith.constant 0 : i32
      %dma_wait3A_1153 = arith.constant 0 : i32
      %dma_wait3A_1154 = tpu.memref_slice %arg3[%dma_wait3A_1152, %dma_wait3A_1153] : memref<1000000x32xf32, #tpu.memory_space<hbm>> -> memref<1x32xf32, #tpu.memory_space<hbm>>
      %dma_wait3A_1155 = arith.constant 0 : i32
      %dma_wait3A_1156 = arith.constant 0 : i32
      %dma_wait3A_1157 = tpu.memref_slice %arg6[%dma_wait3A_1155, %dma_wait3A_1156] : memref<256x32xf32, #tpu.memory_space<vmem>> -> memref<1x32xf32, #tpu.memory_space<vmem>>
      %dma_wait3A_1158 = arith.constant 0 : i32
      %dma_wait3A_1159 = arith.constant 0 : i32
      %dma_wait3A_1160 = tpu.memref_slice %arg3[%dma_wait3A_1158, %dma_wait3A_1159] : memref<1000000x32xf32, #tpu.memory_space<hbm>> -> memref<1x32xf32, #tpu.memory_space<hbm>>
      tpu.wait_dma2 semaphore(%arg7 : memref<!tpu.dma_semaphore, #tpu.memory_space<semaphore_mem>>) src(%dma_wait3A_1160 : memref<1x32xf32, #tpu.memory_space<hbm>>) dst(%dma_wait3A_1157 : memref<1x32xf32, #tpu.memory_space<vmem>>)
      %dma_wait3A_1161 = arith.constant 0 : i32
      %dma_wait3A_1162 = arith.constant 0 : i32
      %dma_wait3A_1163 = tpu.memref_slice %arg6[%dma_wait3A_1161, %dma_wait3A_1162] : memref<256x32xf32, #tpu.memory_space<vmem>> -> memref<1x32xf32, #tpu.memory_space<vmem>>
      %dma_wait3A_1164 = arith.constant 0 : i32
      %dma_wait3A_1165 = arith.constant 0 : i32
      %dma_wait3A_1166 = tpu.memref_slice %arg3[%dma_wait3A_1164, %dma_wait3A_1165] : memref<1000000x32xf32, #tpu.memory_space<hbm>> -> memref<1x32xf32, #tpu.memory_space<hbm>>
      %dma_wait3A_1167 = arith.constant 0 : i32
      %dma_wait3A_1168 = arith.constant 0 : i32
      %dma_wait3A_1169 = tpu.memref_slice %arg6[%dma_wait3A_1167, %dma_wait3A_1168] : memref<256x32xf32, #tpu.memory_space<vmem>> -> memref<1x32xf32, #tpu.memory_space<vmem>>
      %dma_wait3A_1170 = arith.constant 0 : i32
      %dma_wait3A_1171 = arith.constant 0 : i32
      %dma_wait3A_1172 = tpu.memref_slice %arg3[%dma_wait3A_1170, %dma_wait3A_1171] : memref<1000000x32xf32, #tpu.memory_space<hbm>> -> memref<1x32xf32, #tpu.memory_space<hbm>>
      tpu.wait_dma2 semaphore(%arg7 : memref<!tpu.dma_semaphore, #tpu.memory_space<semaphore_mem>>) src(%dma_wait3A_1172 : memref<1x32xf32, #tpu.memory_space<hbm>>) dst(%dma_wait3A_1169 : memref<1x32xf32, #tpu.memory_space<vmem>>)
      %dma_wait3A_1173 = arith.constant 0 : i32
      %dma_wait3A_1174 = arith.constant 0 : i32
      %dma_wait3A_1175 = tpu.memref_slice %arg6[%dma_wait3A_1173, %dma_wait3A_1174] : memref<256x32xf32, #tpu.memory_space<vmem>> -> memref<1x32xf32, #tpu.memory_space<vmem>>
      %dma_wait3A_1176 = arith.constant 0 : i32
      %dma_wait3A_1177 = arith.constant 0 : i32
      %dma_wait3A_1178 = tpu.memref_slice %arg3[%dma_wait3A_1176, %dma_wait3A_1177] : memref<1000000x32xf32, #tpu.memory_space<hbm>> -> memref<1x32xf32, #tpu.memory_space<hbm>>
      %dma_wait3A_1179 = arith.constant 0 : i32
      %dma_wait3A_1180 = arith.constant 0 : i32
      %dma_wait3A_1181 = tpu.memref_slice %arg6[%dma_wait3A_1179, %dma_wait3A_1180] : memref<256x32xf32, #tpu.memory_space<vmem>> -> memref<1x32xf32, #tpu.memory_space<vmem>>
      %dma_wait3A_1182 = arith.constant 0 : i32
      %dma_wait3A_1183 = arith.constant 0 : i32
      %dma_wait3A_1184 = tpu.memref_slice %arg3[%dma_wait3A_1182, %dma_wait3A_1183] : memref<1000000x32xf32, #tpu.memory_space<hbm>> -> memref<1x32xf32, #tpu.memory_space<hbm>>
      tpu.wait_dma2 semaphore(%arg7 : memref<!tpu.dma_semaphore, #tpu.memory_space<semaphore_mem>>) src(%dma_wait3A_1184 : memref<1x32xf32, #tpu.memory_space<hbm>>) dst(%dma_wait3A_1181 : memref<1x32xf32, #tpu.memory_space<vmem>>)
      %dma_wait3A_1185 = arith.constant 0 : i32
      %dma_wait3A_1186 = arith.constant 0 : i32
      %dma_wait3A_1187 = tpu.memref_slice %arg6[%dma_wait3A_1185, %dma_wait3A_1186] : memref<256x32xf32, #tpu.memory_space<vmem>> -> memref<1x32xf32, #tpu.memory_space<vmem>>
      %dma_wait3A_1188 = arith.constant 0 : i32
      %dma_wait3A_1189 = arith.constant 0 : i32
      %dma_wait3A_1190 = tpu.memref_slice %arg3[%dma_wait3A_1188, %dma_wait3A_1189] : memref<1000000x32xf32, #tpu.memory_space<hbm>> -> memref<1x32xf32, #tpu.memory_space<hbm>>
      %dma_wait3A_1191 = arith.constant 0 : i32
      %dma_wait3A_1192 = arith.constant 0 : i32
      %dma_wait3A_1193 = tpu.memref_slice %arg6[%dma_wait3A_1191, %dma_wait3A_1192] : memref<256x32xf32, #tpu.memory_space<vmem>> -> memref<1x32xf32, #tpu.memory_space<vmem>>
      %dma_wait3A_1194 = arith.constant 0 : i32
      %dma_wait3A_1195 = arith.constant 0 : i32
      %dma_wait3A_1196 = tpu.memref_slice %arg3[%dma_wait3A_1194, %dma_wait3A_1195] : memref<1000000x32xf32, #tpu.memory_space<hbm>> -> memref<1x32xf32, #tpu.memory_space<hbm>>
      tpu.wait_dma2 semaphore(%arg7 : memref<!tpu.dma_semaphore, #tpu.memory_space<semaphore_mem>>) src(%dma_wait3A_1196 : memref<1x32xf32, #tpu.memory_space<hbm>>) dst(%dma_wait3A_1193 : memref<1x32xf32, #tpu.memory_space<vmem>>)
      %dma_wait3A_1197 = arith.constant 0 : i32
      %dma_wait3A_1198 = arith.constant 0 : i32
      %dma_wait3A_1199 = tpu.memref_slice %arg6[%dma_wait3A_1197, %dma_wait3A_1198] : memref<256x32xf32, #tpu.memory_space<vmem>> -> memref<1x32xf32, #tpu.memory_space<vmem>>
      %dma_wait3A_1200 = arith.constant 0 : i32
      %dma_wait3A_1201 = arith.constant 0 : i32
      %dma_wait3A_1202 = tpu.memref_slice %arg3[%dma_wait3A_1200, %dma_wait3A_1201] : memref<1000000x32xf32, #tpu.memory_space<hbm>> -> memref<1x32xf32, #tpu.memory_space<hbm>>
      %dma_wait3A_1203 = arith.constant 0 : i32
      %dma_wait3A_1204 = arith.constant 0 : i32
      %dma_wait3A_1205 = tpu.memref_slice %arg6[%dma_wait3A_1203, %dma_wait3A_1204] : memref<256x32xf32, #tpu.memory_space<vmem>> -> memref<1x32xf32, #tpu.memory_space<vmem>>
      %dma_wait3A_1206 = arith.constant 0 : i32
      %dma_wait3A_1207 = arith.constant 0 : i32
      %dma_wait3A_1208 = tpu.memref_slice %arg3[%dma_wait3A_1206, %dma_wait3A_1207] : memref<1000000x32xf32, #tpu.memory_space<hbm>> -> memref<1x32xf32, #tpu.memory_space<hbm>>
      tpu.wait_dma2 semaphore(%arg7 : memref<!tpu.dma_semaphore, #tpu.memory_space<semaphore_mem>>) src(%dma_wait3A_1208 : memref<1x32xf32, #tpu.memory_space<hbm>>) dst(%dma_wait3A_1205 : memref<1x32xf32, #tpu.memory_space<vmem>>)
    }
    %scan3A_590 = arith.constant 15 : i32
    %dma_wait3A_591 = arith.constant 0 : i32
    %dma_wait3A_592 = arith.constant 0 : i32
    %dma_wait3A_593 = tpu.memref_slice %arg6[%dma_wait3A_591, %dma_wait3A_592] : memref<256x32xf32, #tpu.memory_space<vmem>> -> memref<1x32xf32, #tpu.memory_space<vmem>>
    %dma_wait3A_594 = arith.constant 0 : i32
    %dma_wait3A_595 = arith.constant 0 : i32
    %dma_wait3A_596 = tpu.memref_slice %arg3[%dma_wait3A_594, %dma_wait3A_595] : memref<1000000x32xf32, #tpu.memory_space<hbm>> -> memref<1x32xf32, #tpu.memory_space<hbm>>
    %dma_wait3A_597 = arith.constant 0 : i32
    %dma_wait3A_598 = arith.constant 0 : i32
    %dma_wait3A_599 = tpu.memref_slice %arg6[%dma_wait3A_597, %dma_wait3A_598] : memref<256x32xf32, #tpu.memory_space<vmem>> -> memref<1x32xf32, #tpu.memory_space<vmem>>
    %dma_wait3A_600 = arith.constant 0 : i32
    %dma_wait3A_601 = arith.constant 0 : i32
    %dma_wait3A_602 = tpu.memref_slice %arg3[%dma_wait3A_600, %dma_wait3A_601] : memref<1000000x32xf32, #tpu.memory_space<hbm>> -> memref<1x32xf32, #tpu.memory_space<hbm>>
    tpu.wait_dma2 semaphore(%arg7 : memref<!tpu.dma_semaphore, #tpu.memory_space<semaphore_mem>>) src(%dma_wait3A_602 : memref<1x32xf32, #tpu.memory_space<hbm>>) dst(%dma_wait3A_599 : memref<1x32xf32, #tpu.memory_space<vmem>>)
    %dma_wait3A_603 = arith.constant 0 : i32
    %dma_wait3A_604 = arith.constant 0 : i32
    %dma_wait3A_605 = tpu.memref_slice %arg6[%dma_wait3A_603, %dma_wait3A_604] : memref<256x32xf32, #tpu.memory_space<vmem>> -> memref<1x32xf32, #tpu.memory_space<vmem>>
    %dma_wait3A_606 = arith.constant 0 : i32
    %dma_wait3A_607 = arith.constant 0 : i32
    %dma_wait3A_608 = tpu.memref_slice %arg3[%dma_wait3A_606, %dma_wait3A_607] : memref<1000000x32xf32, #tpu.memory_space<hbm>> -> memref<1x32xf32, #tpu.memory_space<hbm>>
    %dma_wait3A_609 = arith.constant 0 : i32
    %dma_wait3A_610 = arith.constant 0 : i32
    %dma_wait3A_611 = tpu.memref_slice %arg6[%dma_wait3A_609, %dma_wait3A_610] : memref<256x32xf32, #tpu.memory_space<vmem>> -> memref<1x32xf32, #tpu.memory_space<vmem>>
    %dma_wait3A_612 = arith.constant 0 : i32
    %dma_wait3A_613 = arith.constant 0 : i32
    %dma_wait3A_614 = tpu.memref_slice %arg3[%dma_wait3A_612, %dma_wait3A_613] : memref<1000000x32xf32, #tpu.memory_space<hbm>> -> memref<1x32xf32, #tpu.memory_space<hbm>>
    tpu.wait_dma2 semaphore(%arg7 : memref<!tpu.dma_semaphore, #tpu.memory_space<semaphore_mem>>) src(%dma_wait3A_614 : memref<1x32xf32, #tpu.memory_space<hbm>>) dst(%dma_wait3A_611 : memref<1x32xf32, #tpu.memory_space<vmem>>)
    %dma_wait3A_615 = arith.constant 0 : i32
    %dma_wait3A_616 = arith.constant 0 : i32
    %dma_wait3A_617 = tpu.memref_slice %arg6[%dma_wait3A_615, %dma_wait3A_616] : memref<256x32xf32, #tpu.memory_space<vmem>> -> memref<1x32xf32, #tpu.memory_space<vmem>>
    %dma_wait3A_618 = arith.constant 0 : i32
    %dma_wait3A_619 = arith.constant 0 : i32
    %dma_wait3A_620 = tpu.memref_slice %arg3[%dma_wait3A_618, %dma_wait3A_619] : memref<1000000x32xf32, #tpu.memory_space<hbm>> -> memref<1x32xf32, #tpu.memory_space<hbm>>
    %dma_wait3A_621 = arith.constant 0 : i32
    %dma_wait3A_622 = arith.constant 0 : i32
    %dma_wait3A_623 = tpu.memref_slice %arg6[%dma_wait3A_621, %dma_wait3A_622] : memref<256x32xf32, #tpu.memory_space<vmem>> -> memref<1x32xf32, #tpu.memory_space<vmem>>
    %dma_wait3A_624 = arith.constant 0 : i32
    %dma_wait3A_625 = arith.constant 0 : i32
    %dma_wait3A_626 = tpu.memref_slice %arg3[%dma_wait3A_624, %dma_wait3A_625] : memref<1000000x32xf32, #tpu.memory_space<hbm>> -> memref<1x32xf32, #tpu.memory_space<hbm>>
    tpu.wait_dma2 semaphore(%arg7 : memref<!tpu.dma_semaphore, #tpu.memory_space<semaphore_mem>>) src(%dma_wait3A_626 : memref<1x32xf32, #tpu.memory_space<hbm>>) dst(%dma_wait3A_623 : memref<1x32xf32, #tpu.memory_space<vmem>>)
    %dma_wait3A_627 = arith.constant 0 : i32
    %dma_wait3A_628 = arith.constant 0 : i32
    %dma_wait3A_629 = tpu.memref_slice %arg6[%dma_wait3A_627, %dma_wait3A_628] : memref<256x32xf32, #tpu.memory_space<vmem>> -> memref<1x32xf32, #tpu.memory_space<vmem>>
    %dma_wait3A_630 = arith.constant 0 : i32
    %dma_wait3A_631 = arith.constant 0 : i32
    %dma_wait3A_632 = tpu.memref_slice %arg3[%dma_wait3A_630, %dma_wait3A_631] : memref<1000000x32xf32, #tpu.memory_space<hbm>> -> memref<1x32xf32, #tpu.memory_space<hbm>>
    %dma_wait3A_633 = arith.constant 0 : i32
    %dma_wait3A_634 = arith.constant 0 : i32
    %dma_wait3A_635 = tpu.memref_slice %arg6[%dma_wait3A_633, %dma_wait3A_634] : memref<256x32xf32, #tpu.memory_space<vmem>> -> memref<1x32xf32, #tpu.memory_space<vmem>>
    %dma_wait3A_636 = arith.constant 0 : i32
    %dma_wait3A_637 = arith.constant 0 : i32
    %dma_wait3A_638 = tpu.memref_slice %arg3[%dma_wait3A_636, %dma_wait3A_637] : memref<1000000x32xf32, #tpu.memory_space<hbm>> -> memref<1x32xf32, #tpu.memory_space<hbm>>
    tpu.wait_dma2 semaphore(%arg7 : memref<!tpu.dma_semaphore, #tpu.memory_space<semaphore_mem>>) src(%dma_wait3A_638 : memref<1x32xf32, #tpu.memory_space<hbm>>) dst(%dma_wait3A_635 : memref<1x32xf32, #tpu.memory_space<vmem>>)
    %dma_wait3A_639 = arith.constant 0 : i32
    %dma_wait3A_640 = arith.constant 0 : i32
    %dma_wait3A_641 = tpu.memref_slice %arg6[%dma_wait3A_639, %dma_wait3A_640] : memref<256x32xf32, #tpu.memory_space<vmem>> -> memref<1x32xf32, #tpu.memory_space<vmem>>
    %dma_wait3A_642 = arith.constant 0 : i32
    %dma_wait3A_643 = arith.constant 0 : i32
    %dma_wait3A_644 = tpu.memref_slice %arg3[%dma_wait3A_642, %dma_wait3A_643] : memref<1000000x32xf32, #tpu.memory_space<hbm>> -> memref<1x32xf32, #tpu.memory_space<hbm>>
    %dma_wait3A_645 = arith.constant 0 : i32
    %dma_wait3A_646 = arith.constant 0 : i32
    %dma_wait3A_647 = tpu.memref_slice %arg6[%dma_wait3A_645, %dma_wait3A_646] : memref<256x32xf32, #tpu.memory_space<vmem>> -> memref<1x32xf32, #tpu.memory_space<vmem>>
    %dma_wait3A_648 = arith.constant 0 : i32
    %dma_wait3A_649 = arith.constant 0 : i32
    %dma_wait3A_650 = tpu.memref_slice %arg3[%dma_wait3A_648, %dma_wait3A_649] : memref<1000000x32xf32, #tpu.memory_space<hbm>> -> memref<1x32xf32, #tpu.memory_space<hbm>>
    tpu.wait_dma2 semaphore(%arg7 : memref<!tpu.dma_semaphore, #tpu.memory_space<semaphore_mem>>) src(%dma_wait3A_650 : memref<1x32xf32, #tpu.memory_space<hbm>>) dst(%dma_wait3A_647 : memref<1x32xf32, #tpu.memory_space<vmem>>)
    %dma_wait3A_651 = arith.constant 0 : i32
    %dma_wait3A_652 = arith.constant 0 : i32
    %dma_wait3A_653 = tpu.memref_slice %arg6[%dma_wait3A_651, %dma_wait3A_652] : memref<256x32xf32, #tpu.memory_space<vmem>> -> memref<1x32xf32, #tpu.memory_space<vmem>>
    %dma_wait3A_654 = arith.constant 0 : i32
    %dma_wait3A_655 = arith.constant 0 : i32
    %dma_wait3A_656 = tpu.memref_slice %arg3[%dma_wait3A_654, %dma_wait3A_655] : memref<1000000x32xf32, #tpu.memory_space<hbm>> -> memref<1x32xf32, #tpu.memory_space<hbm>>
    %dma_wait3A_657 = arith.constant 0 : i32
    %dma_wait3A_658 = arith.constant 0 : i32
    %dma_wait3A_659 = tpu.memref_slice %arg6[%dma_wait3A_657, %dma_wait3A_658] : memref<256x32xf32, #tpu.memory_space<vmem>> -> memref<1x32xf32, #tpu.memory_space<vmem>>
    %dma_wait3A_660 = arith.constant 0 : i32
    %dma_wait3A_661 = arith.constant 0 : i32
    %dma_wait3A_662 = tpu.memref_slice %arg3[%dma_wait3A_660, %dma_wait3A_661] : memref<1000000x32xf32, #tpu.memory_space<hbm>> -> memref<1x32xf32, #tpu.memory_space<hbm>>
    tpu.wait_dma2 semaphore(%arg7 : memref<!tpu.dma_semaphore, #tpu.memory_space<semaphore_mem>>) src(%dma_wait3A_662 : memref<1x32xf32, #tpu.memory_space<hbm>>) dst(%dma_wait3A_659 : memref<1x32xf32, #tpu.memory_space<vmem>>)
    %dma_wait3A_663 = arith.constant 0 : i32
    %dma_wait3A_664 = arith.constant 0 : i32
    %dma_wait3A_665 = tpu.memref_slice %arg6[%dma_wait3A_663, %dma_wait3A_664] : memref<256x32xf32, #tpu.memory_space<vmem>> -> memref<1x32xf32, #tpu.memory_space<vmem>>
    %dma_wait3A_666 = arith.constant 0 : i32
    %dma_wait3A_667 = arith.constant 0 : i32
    %dma_wait3A_668 = tpu.memref_slice %arg3[%dma_wait3A_666, %dma_wait3A_667] : memref<1000000x32xf32, #tpu.memory_space<hbm>> -> memref<1x32xf32, #tpu.memory_space<hbm>>
    %dma_wait3A_669 = arith.constant 0 : i32
    %dma_wait3A_670 = arith.constant 0 : i32
    %dma_wait3A_671 = tpu.memref_slice %arg6[%dma_wait3A_669, %dma_wait3A_670] : memref<256x32xf32, #tpu.memory_space<vmem>> -> memref<1x32xf32, #tpu.memory_space<vmem>>
    %dma_wait3A_672 = arith.constant 0 : i32
    %dma_wait3A_673 = arith.constant 0 : i32
    %dma_wait3A_674 = tpu.memref_slice %arg3[%dma_wait3A_672, %dma_wait3A_673] : memref<1000000x32xf32, #tpu.memory_space<hbm>> -> memref<1x32xf32, #tpu.memory_space<hbm>>
    tpu.wait_dma2 semaphore(%arg7 : memref<!tpu.dma_semaphore, #tpu.memory_space<semaphore_mem>>) src(%dma_wait3A_674 : memref<1x32xf32, #tpu.memory_space<hbm>>) dst(%dma_wait3A_671 : memref<1x32xf32, #tpu.memory_space<vmem>>)
    %dma_wait3A_675 = arith.constant 0 : i32
    %dma_wait3A_676 = arith.constant 0 : i32
    %dma_wait3A_677 = tpu.memref_slice %arg6[%dma_wait3A_675, %dma_wait3A_676] : memref<256x32xf32, #tpu.memory_space<vmem>> -> memref<1x32xf32, #tpu.memory_space<vmem>>
    %dma_wait3A_678 = arith.constant 0 : i32
    %dma_wait3A_679 = arith.constant 0 : i32
    %dma_wait3A_680 = tpu.memref_slice %arg3[%dma_wait3A_678, %dma_wait3A_679] : memref<1000000x32xf32, #tpu.memory_space<hbm>> -> memref<1x32xf32, #tpu.memory_space<hbm>>
    %dma_wait3A_681 = arith.constant 0 : i32
    %dma_wait3A_682 = arith.constant 0 : i32
    %dma_wait3A_683 = tpu.memref_slice %arg6[%dma_wait3A_681, %dma_wait3A_682] : memref<256x32xf32, #tpu.memory_space<vmem>> -> memref<1x32xf32, #tpu.memory_space<vmem>>
    %dma_wait3A_684 = arith.constant 0 : i32
    %dma_wait3A_685 = arith.constant 0 : i32
    %dma_wait3A_686 = tpu.memref_slice %arg3[%dma_wait3A_684, %dma_wait3A_685] : memref<1000000x32xf32, #tpu.memory_space<hbm>> -> memref<1x32xf32, #tpu.memory_space<hbm>>
    tpu.wait_dma2 semaphore(%arg7 : memref<!tpu.dma_semaphore, #tpu.memory_space<semaphore_mem>>) src(%dma_wait3A_686 : memref<1x32xf32, #tpu.memory_space<hbm>>) dst(%dma_wait3A_683 : memref<1x32xf32, #tpu.memory_space<vmem>>)
    %dma_wait3A_687 = arith.constant 0 : i32
    %dma_wait3A_688 = arith.constant 0 : i32
    %dma_wait3A_689 = tpu.memref_slice %arg6[%dma_wait3A_687, %dma_wait3A_688] : memref<256x32xf32, #tpu.memory_space<vmem>> -> memref<1x32xf32, #tpu.memory_space<vmem>>
    %dma_wait3A_690 = arith.constant 0 : i32
    %dma_wait3A_691 = arith.constant 0 : i32
    %dma_wait3A_692 = tpu.memref_slice %arg3[%dma_wait3A_690, %dma_wait3A_691] : memref<1000000x32xf32, #tpu.memory_space<hbm>> -> memref<1x32xf32, #tpu.memory_space<hbm>>
    %dma_wait3A_693 = arith.constant 0 : i32
    %dma_wait3A_694 = arith.constant 0 : i32
    %dma_wait3A_695 = tpu.memref_slice %arg6[%dma_wait3A_693, %dma_wait3A_694] : memref<256x32xf32, #tpu.memory_space<vmem>> -> memref<1x32xf32, #tpu.memory_space<vmem>>
    %dma_wait3A_696 = arith.constant 0 : i32
    %dma_wait3A_697 = arith.constant 0 : i32
    %dma_wait3A_698 = tpu.memref_slice %arg3[%dma_wait3A_696, %dma_wait3A_697] : memref<1000000x32xf32, #tpu.memory_space<hbm>> -> memref<1x32xf32, #tpu.memory_space<hbm>>
    tpu.wait_dma2 semaphore(%arg7 : memref<!tpu.dma_semaphore, #tpu.memory_space<semaphore_mem>>) src(%dma_wait3A_698 : memref<1x32xf32, #tpu.memory_space<hbm>>) dst(%dma_wait3A_695 : memref<1x32xf32, #tpu.memory_space<vmem>>)
    %dma_wait3A_699 = arith.constant 0 : i32
    %dma_wait3A_700 = arith.constant 0 : i32
    %dma_wait3A_701 = tpu.memref_slice %arg6[%dma_wait3A_699, %dma_wait3A_700] : memref<256x32xf32, #tpu.memory_space<vmem>> -> memref<1x32xf32, #tpu.memory_space<vmem>>
    %dma_wait3A_702 = arith.constant 0 : i32
    %dma_wait3A_703 = arith.constant 0 : i32
    %dma_wait3A_704 = tpu.memref_slice %arg3[%dma_wait3A_702, %dma_wait3A_703] : memref<1000000x32xf32, #tpu.memory_space<hbm>> -> memref<1x32xf32, #tpu.memory_space<hbm>>
    %dma_wait3A_705 = arith.constant 0 : i32
    %dma_wait3A_706 = arith.constant 0 : i32
    %dma_wait3A_707 = tpu.memref_slice %arg6[%dma_wait3A_705, %dma_wait3A_706] : memref<256x32xf32, #tpu.memory_space<vmem>> -> memref<1x32xf32, #tpu.memory_space<vmem>>
    %dma_wait3A_708 = arith.constant 0 : i32
    %dma_wait3A_709 = arith.constant 0 : i32
    %dma_wait3A_710 = tpu.memref_slice %arg3[%dma_wait3A_708, %dma_wait3A_709] : memref<1000000x32xf32, #tpu.memory_space<hbm>> -> memref<1x32xf32, #tpu.memory_space<hbm>>
    tpu.wait_dma2 semaphore(%arg7 : memref<!tpu.dma_semaphore, #tpu.memory_space<semaphore_mem>>) src(%dma_wait3A_710 : memref<1x32xf32, #tpu.memory_space<hbm>>) dst(%dma_wait3A_707 : memref<1x32xf32, #tpu.memory_space<vmem>>)
    %dma_wait3A_711 = arith.constant 0 : i32
    %dma_wait3A_712 = arith.constant 0 : i32
    %dma_wait3A_713 = tpu.memref_slice %arg6[%dma_wait3A_711, %dma_wait3A_712] : memref<256x32xf32, #tpu.memory_space<vmem>> -> memref<1x32xf32, #tpu.memory_space<vmem>>
    %dma_wait3A_714 = arith.constant 0 : i32
    %dma_wait3A_715 = arith.constant 0 : i32
    %dma_wait3A_716 = tpu.memref_slice %arg3[%dma_wait3A_714, %dma_wait3A_715] : memref<1000000x32xf32, #tpu.memory_space<hbm>> -> memref<1x32xf32, #tpu.memory_space<hbm>>
    %dma_wait3A_717 = arith.constant 0 : i32
    %dma_wait3A_718 = arith.constant 0 : i32
    %dma_wait3A_719 = tpu.memref_slice %arg6[%dma_wait3A_717, %dma_wait3A_718] : memref<256x32xf32, #tpu.memory_space<vmem>> -> memref<1x32xf32, #tpu.memory_space<vmem>>
    %dma_wait3A_720 = arith.constant 0 : i32
    %dma_wait3A_721 = arith.constant 0 : i32
    %dma_wait3A_722 = tpu.memref_slice %arg3[%dma_wait3A_720, %dma_wait3A_721] : memref<1000000x32xf32, #tpu.memory_space<hbm>> -> memref<1x32xf32, #tpu.memory_space<hbm>>
    tpu.wait_dma2 semaphore(%arg7 : memref<!tpu.dma_semaphore, #tpu.memory_space<semaphore_mem>>) src(%dma_wait3A_722 : memref<1x32xf32, #tpu.memory_space<hbm>>) dst(%dma_wait3A_719 : memref<1x32xf32, #tpu.memory_space<vmem>>)
    %dma_wait3A_723 = arith.constant 0 : i32
    %dma_wait3A_724 = arith.constant 0 : i32
    %dma_wait3A_725 = tpu.memref_slice %arg6[%dma_wait3A_723, %dma_wait3A_724] : memref<256x32xf32, #tpu.memory_space<vmem>> -> memref<1x32xf32, #tpu.memory_space<vmem>>
    %dma_wait3A_726 = arith.constant 0 : i32
    %dma_wait3A_727 = arith.constant 0 : i32
    %dma_wait3A_728 = tpu.memref_slice %arg3[%dma_wait3A_726, %dma_wait3A_727] : memref<1000000x32xf32, #tpu.memory_space<hbm>> -> memref<1x32xf32, #tpu.memory_space<hbm>>
    %dma_wait3A_729 = arith.constant 0 : i32
    %dma_wait3A_730 = arith.constant 0 : i32
    %dma_wait3A_731 = tpu.memref_slice %arg6[%dma_wait3A_729, %dma_wait3A_730] : memref<256x32xf32, #tpu.memory_space<vmem>> -> memref<1x32xf32, #tpu.memory_space<vmem>>
    %dma_wait3A_732 = arith.constant 0 : i32
    %dma_wait3A_733 = arith.constant 0 : i32
    %dma_wait3A_734 = tpu.memref_slice %arg3[%dma_wait3A_732, %dma_wait3A_733] : memref<1000000x32xf32, #tpu.memory_space<hbm>> -> memref<1x32xf32, #tpu.memory_space<hbm>>
    tpu.wait_dma2 semaphore(%arg7 : memref<!tpu.dma_semaphore, #tpu.memory_space<semaphore_mem>>) src(%dma_wait3A_734 : memref<1x32xf32, #tpu.memory_space<hbm>>) dst(%dma_wait3A_731 : memref<1x32xf32, #tpu.memory_space<vmem>>)
    %dma_wait3A_735 = arith.constant 0 : i32
    %dma_wait3A_736 = arith.constant 0 : i32
    %dma_wait3A_737 = tpu.memref_slice %arg6[%dma_wait3A_735, %dma_wait3A_736] : memref<256x32xf32, #tpu.memory_space<vmem>> -> memref<1x32xf32, #tpu.memory_space<vmem>>
    %dma_wait3A_738 = arith.constant 0 : i32
    %dma_wait3A_739 = arith.constant 0 : i32
    %dma_wait3A_740 = tpu.memref_slice %arg3[%dma_wait3A_738, %dma_wait3A_739] : memref<1000000x32xf32, #tpu.memory_space<hbm>> -> memref<1x32xf32, #tpu.memory_space<hbm>>
    %dma_wait3A_741 = arith.constant 0 : i32
    %dma_wait3A_742 = arith.constant 0 : i32
    %dma_wait3A_743 = tpu.memref_slice %arg6[%dma_wait3A_741, %dma_wait3A_742] : memref<256x32xf32, #tpu.memory_space<vmem>> -> memref<1x32xf32, #tpu.memory_space<vmem>>
    %dma_wait3A_744 = arith.constant 0 : i32
    %dma_wait3A_745 = arith.constant 0 : i32
    %dma_wait3A_746 = tpu.memref_slice %arg3[%dma_wait3A_744, %dma_wait3A_745] : memref<1000000x32xf32, #tpu.memory_space<hbm>> -> memref<1x32xf32, #tpu.memory_space<hbm>>
    tpu.wait_dma2 semaphore(%arg7 : memref<!tpu.dma_semaphore, #tpu.memory_space<semaphore_mem>>) src(%dma_wait3A_746 : memref<1x32xf32, #tpu.memory_space<hbm>>) dst(%dma_wait3A_743 : memref<1x32xf32, #tpu.memory_space<vmem>>)
    %dma_wait3A_747 = arith.constant 0 : i32
    %dma_wait3A_748 = arith.constant 0 : i32
    %dma_wait3A_749 = tpu.memref_slice %arg6[%dma_wait3A_747, %dma_wait3A_748] : memref<256x32xf32, #tpu.memory_space<vmem>> -> memref<1x32xf32, #tpu.memory_space<vmem>>
    %dma_wait3A_750 = arith.constant 0 : i32
    %dma_wait3A_751 = arith.constant 0 : i32
    %dma_wait3A_752 = tpu.memref_slice %arg3[%dma_wait3A_750, %dma_wait3A_751] : memref<1000000x32xf32, #tpu.memory_space<hbm>> -> memref<1x32xf32, #tpu.memory_space<hbm>>
    %dma_wait3A_753 = arith.constant 0 : i32
    %dma_wait3A_754 = arith.constant 0 : i32
    %dma_wait3A_755 = tpu.memref_slice %arg6[%dma_wait3A_753, %dma_wait3A_754] : memref<256x32xf32, #tpu.memory_space<vmem>> -> memref<1x32xf32, #tpu.memory_space<vmem>>
    %dma_wait3A_756 = arith.constant 0 : i32
    %dma_wait3A_757 = arith.constant 0 : i32
    %dma_wait3A_758 = tpu.memref_slice %arg3[%dma_wait3A_756, %dma_wait3A_757] : memref<1000000x32xf32, #tpu.memory_space<hbm>> -> memref<1x32xf32, #tpu.memory_space<hbm>>
    tpu.wait_dma2 semaphore(%arg7 : memref<!tpu.dma_semaphore, #tpu.memory_space<semaphore_mem>>) src(%dma_wait3A_758 : memref<1x32xf32, #tpu.memory_space<hbm>>) dst(%dma_wait3A_755 : memref<1x32xf32, #tpu.memory_space<vmem>>)
    %dma_wait3A_759 = arith.constant 0 : i32
    %dma_wait3A_760 = arith.constant 0 : i32
    %dma_wait3A_761 = tpu.memref_slice %arg6[%dma_wait3A_759, %dma_wait3A_760] : memref<256x32xf32, #tpu.memory_space<vmem>> -> memref<1x32xf32, #tpu.memory_space<vmem>>
    %dma_wait3A_762 = arith.constant 0 : i32
    %dma_wait3A_763 = arith.constant 0 : i32
    %dma_wait3A_764 = tpu.memref_slice %arg3[%dma_wait3A_762, %dma_wait3A_763] : memref<1000000x32xf32, #tpu.memory_space<hbm>> -> memref<1x32xf32, #tpu.memory_space<hbm>>
    %dma_wait3A_765 = arith.constant 0 : i32
    %dma_wait3A_766 = arith.constant 0 : i32
    %dma_wait3A_767 = tpu.memref_slice %arg6[%dma_wait3A_765, %dma_wait3A_766] : memref<256x32xf32, #tpu.memory_space<vmem>> -> memref<1x32xf32, #tpu.memory_space<vmem>>
    %dma_wait3A_768 = arith.constant 0 : i32
    %dma_wait3A_769 = arith.constant 0 : i32
    %dma_wait3A_770 = tpu.memref_slice %arg3[%dma_wait3A_768, %dma_wait3A_769] : memref<1000000x32xf32, #tpu.memory_space<hbm>> -> memref<1x32xf32, #tpu.memory_space<hbm>>
    tpu.wait_dma2 semaphore(%arg7 : memref<!tpu.dma_semaphore, #tpu.memory_space<semaphore_mem>>) src(%dma_wait3A_770 : memref<1x32xf32, #tpu.memory_space<hbm>>) dst(%dma_wait3A_767 : memref<1x32xf32, #tpu.memory_space<vmem>>)
    %dma_wait3A_771 = arith.constant 0 : i32
    %dma_wait3A_772 = arith.constant 0 : i32
    %dma_wait3A_773 = tpu.memref_slice %arg6[%dma_wait3A_771, %dma_wait3A_772] : memref<256x32xf32, #tpu.memory_space<vmem>> -> memref<1x32xf32, #tpu.memory_space<vmem>>
    %dma_wait3A_774 = arith.constant 0 : i32
    %dma_wait3A_775 = arith.constant 0 : i32
    %dma_wait3A_776 = tpu.memref_slice %arg3[%dma_wait3A_774, %dma_wait3A_775] : memref<1000000x32xf32, #tpu.memory_space<hbm>> -> memref<1x32xf32, #tpu.memory_space<hbm>>
    %dma_wait3A_777 = arith.constant 0 : i32
    %dma_wait3A_778 = arith.constant 0 : i32
    %dma_wait3A_779 = tpu.memref_slice %arg6[%dma_wait3A_777, %dma_wait3A_778] : memref<256x32xf32, #tpu.memory_space<vmem>> -> memref<1x32xf32, #tpu.memory_space<vmem>>
    %dma_wait3A_780 = arith.constant 0 : i32
    %dma_wait3A_781 = arith.constant 0 : i32
    %dma_wait3A_782 = tpu.memref_slice %arg3[%dma_wait3A_780, %dma_wait3A_781] : memref<1000000x32xf32, #tpu.memory_space<hbm>> -> memref<1x32xf32, #tpu.memory_space<hbm>>
    tpu.wait_dma2 semaphore(%arg7 : memref<!tpu.dma_semaphore, #tpu.memory_space<semaphore_mem>>) src(%dma_wait3A_782 : memref<1x32xf32, #tpu.memory_space<hbm>>) dst(%dma_wait3A_779 : memref<1x32xf32, #tpu.memory_space<vmem>>)
    %add3A_783 = arith.constant 256 : i32
    %add3A_784 = arith.addi %mul3A_2, %add3A_783 : i32
    "tpu.region"() ({
      %run_scoped3A = tpu.sem_alloc : memref<!tpu.dma_semaphore, #tpu.memory_space<semaphore_mem>>
      %dma_start3A_785 = arith.constant 0 : i32
      %dma_start3A_786 = tpu.memref_slice %arg4[%add3A_784, %dma_start3A_785] : memref<16384x32xf32, #tpu.memory_space<hbm>> -> memref<256x32xf32, #tpu.memory_space<hbm>>
      %dma_start3A_787 = arith.constant 0 : i32
      %dma_start3A_788 = tpu.memref_slice %arg4[%add3A_784, %dma_start3A_787] : memref<16384x32xf32, #tpu.memory_space<hbm>> -> memref<256x32xf32, #tpu.memory_space<hbm>>
      tpu.enqueue_dma source(%arg6 : memref<256x32xf32, #tpu.memory_space<vmem>>) target(%dma_start3A_788 : memref<256x32xf32, #tpu.memory_space<hbm>>) target_semaphore(%run_scoped3A : memref<!tpu.dma_semaphore, #tpu.memory_space<semaphore_mem>>)
      %dma_wait3A_789 = arith.constant 0 : i32
      %dma_wait3A_790 = tpu.memref_slice %arg4[%add3A_784, %dma_wait3A_789] : memref<16384x32xf32, #tpu.memory_space<hbm>> -> memref<256x32xf32, #tpu.memory_space<hbm>>
      %dma_wait3A_791 = arith.constant 0 : i32
      %dma_wait3A_792 = tpu.memref_slice %arg4[%add3A_784, %dma_wait3A_791] : memref<16384x32xf32, #tpu.memory_space<hbm>> -> memref<256x32xf32, #tpu.memory_space<hbm>>
      tpu.wait_dma2 semaphore(%run_scoped3A : memref<!tpu.dma_semaphore, #tpu.memory_space<semaphore_mem>>) src(%arg6 : memref<256x32xf32, #tpu.memory_space<vmem>>) dst(%dma_wait3A_792 : memref<256x32xf32, #tpu.memory_space<hbm>>)
      tpu.yield
    }) : () -> ()
    return
  }
}

module attributes {stable_mosaic.version = 14 : i64} {
  func.func @_mlp_body(%arg0: i32, %arg1: memref<4096x32xf32, #tpu.memory_space<vmem>>, %arg2: memref<4096x32xf32, #tpu.memory_space<vmem>>, %arg3: memref<32x128xf32, #tpu.memory_space<vmem>>, %arg4: memref<32x128xf32, #tpu.memory_space<vmem>>, %arg5: memref<1x128xf32, #tpu.memory_space<vmem>>, %arg6: memref<128x64xf32, #tpu.memory_space<vmem>>, %arg7: memref<1x64xf32, #tpu.memory_space<vmem>>, %arg8: memref<1x64xf32, #tpu.memory_space<vmem>>, %arg9: memref<1x1xf32, #tpu.memory_space<vmem>>, %arg10: memref<4096xf32, #tpu.memory_space<vmem>>) attributes {dimension_semantics = [#tpu.dimension_semantics<arbitrary>], iteration_bounds = array<i64: 4>, scalar_prefetch = 0 : i64, scratch_operands = 0 : i64, tpu.core_type = #tpu.core_type<tc>, window_params = [{transform_indices = @transform_0, window_bounds = array<i64: 4096, 32>}, {transform_indices = @transform_1, window_bounds = array<i64: 4096, 32>}, {pipeline_mode = #tpu.pipeline_mode<synchronous>, transform_indices = @transform_2, window_bounds = array<i64: 32, 128>}, {pipeline_mode = #tpu.pipeline_mode<synchronous>, transform_indices = @transform_3, window_bounds = array<i64: 32, 128>}, {pipeline_mode = #tpu.pipeline_mode<synchronous>, transform_indices = @transform_4, window_bounds = array<i64: 1, 128>}, {pipeline_mode = #tpu.pipeline_mode<synchronous>, transform_indices = @transform_5, window_bounds = array<i64: 128, 64>}, {pipeline_mode = #tpu.pipeline_mode<synchronous>, transform_indices = @transform_6, window_bounds = array<i64: 1, 64>}, {pipeline_mode = #tpu.pipeline_mode<synchronous>, transform_indices = @transform_7, window_bounds = array<i64: 1, 64>}, {pipeline_mode = #tpu.pipeline_mode<synchronous>, transform_indices = @transform_8, window_bounds = array<i64: 1, 1>}, {transform_indices = @transform_9, window_bounds = array<i64: 4096>}]} {
    %get3A = arith.constant 0 : index
    %get3A_0 = arith.constant 0 : index
    %get3A_1 = vector.load %arg1[%get3A, %get3A_0] : memref<4096x32xf32, #tpu.memory_space<vmem>>, vector<4096x32xf32>
    %get3A_2 = arith.constant 0 : index
    %get3A_3 = arith.constant 0 : index
    %get3A_4 = vector.load %arg3[%get3A_2, %get3A_3] : memref<32x128xf32, #tpu.memory_space<vmem>>, vector<32x128xf32>
    %dot_general3A = arith.constant dense<0.000000e+00> : vector<4096x128xf32>
    %dot_general3A_5 = tpu.matmul %get3A_1, %get3A_4, %dot_general3A {dimension_numbers = #tpu.dot_dimension_numbers<[1], [0], [0], [1], [0, 0, 1, 1], [], []>, transpose_lhs_hint = false} : vector<4096x32xf32>, vector<32x128xf32>, vector<4096x128xf32> -> vector<4096x128xf32>
    %get3A_6 = arith.constant 0 : index
    %get3A_7 = arith.constant 0 : index
    %get3A_8 = vector.load %arg2[%get3A_6, %get3A_7] : memref<4096x32xf32, #tpu.memory_space<vmem>>, vector<4096x32xf32>
    %get3A_9 = arith.constant 0 : index
    %get3A_10 = arith.constant 0 : index
    %get3A_11 = vector.load %arg4[%get3A_9, %get3A_10] : memref<32x128xf32, #tpu.memory_space<vmem>>, vector<32x128xf32>
    %dot_general3A_12 = arith.constant dense<0.000000e+00> : vector<4096x128xf32>
    %dot_general3A_13 = tpu.matmul %get3A_8, %get3A_11, %dot_general3A_12 {dimension_numbers = #tpu.dot_dimension_numbers<[1], [0], [0], [1], [0, 0, 1, 1], [], []>, transpose_lhs_hint = false} : vector<4096x32xf32>, vector<32x128xf32>, vector<4096x128xf32> -> vector<4096x128xf32>
    %add3A = arith.addf %dot_general3A_5, %dot_general3A_13 : vector<4096x128xf32>
    %get3A_14 = arith.constant 0 : index
    %get3A_15 = arith.constant 0 : index
    %get3A_16 = vector.load %arg5[%get3A_14, %get3A_15] : memref<1x128xf32, #tpu.memory_space<vmem>>, vector<1x128xf32>
    %add3A_17 = vector.broadcast %get3A_16 : vector<1x128xf32> to vector<4096x128xf32>
    %add3A_18 = arith.addf %add3A, %add3A_17 : vector<4096x128xf32>
    %max3A = arith.constant 0.000000e+00 : f32
    %max3A_19 = vector.broadcast %max3A : f32 to vector<4096x128xf32>
    %max3A_20 = arith.maximumf %add3A_18, %max3A_19 : vector<4096x128xf32>
    %get3A_21 = arith.constant 0 : index
    %get3A_22 = arith.constant 0 : index
    %get3A_23 = vector.load %arg6[%get3A_21, %get3A_22] : memref<128x64xf32, #tpu.memory_space<vmem>>, vector<128x64xf32>
    %dot_general3A_24 = arith.constant dense<0.000000e+00> : vector<4096x64xf32>
    %dot_general3A_25 = tpu.matmul %max3A_20, %get3A_23, %dot_general3A_24 {dimension_numbers = #tpu.dot_dimension_numbers<[1], [0], [0], [1], [0, 0, 1, 1], [], []>, transpose_lhs_hint = false} : vector<4096x128xf32>, vector<128x64xf32>, vector<4096x64xf32> -> vector<4096x64xf32>
    %get3A_26 = arith.constant 0 : index
    %get3A_27 = arith.constant 0 : index
    %get3A_28 = vector.load %arg7[%get3A_26, %get3A_27] : memref<1x64xf32, #tpu.memory_space<vmem>>, vector<1x64xf32>
    %add3A_29 = vector.broadcast %get3A_28 : vector<1x64xf32> to vector<4096x64xf32>
    %add3A_30 = arith.addf %dot_general3A_25, %add3A_29 : vector<4096x64xf32>
    %max3A_31 = arith.constant 0.000000e+00 : f32
    %max3A_32 = vector.broadcast %max3A_31 : f32 to vector<4096x64xf32>
    %max3A_33 = arith.maximumf %add3A_30, %max3A_32 : vector<4096x64xf32>
    %get3A_34 = arith.constant 0 : index
    %get3A_35 = arith.constant 0 : index
    %get3A_36 = vector.load %arg8[%get3A_34, %get3A_35] : memref<1x64xf32, #tpu.memory_space<vmem>>, vector<1x64xf32>
    %mul3A = vector.broadcast %get3A_36 : vector<1x64xf32> to vector<4096x64xf32>
    %mul3A_37 = arith.mulf %max3A_33, %mul3A : vector<4096x64xf32>
    %reduce_sum3A = arith.constant dense<0.000000e+00> : vector<4096xf32>
    %reduce_sum3A_38 = vector.multi_reduction <add>, %mul3A_37, %reduce_sum3A [1] : vector<4096x64xf32> to vector<4096xf32>
    %get3A_39 = arith.constant 0 : index
    %get3A_40 = arith.constant 0 : index
    %get3A_41 = vector.load %arg9[%get3A_39, %get3A_40] : memref<1x1xf32, #tpu.memory_space<vmem>>, vector<1x1xf32>
    %get3A_42 = vector.extract %get3A_41[0, 0] : f32 from vector<1x1xf32>
    %add3A_43 = vector.broadcast %get3A_42 : f32 to vector<4096xf32>
    %add3A_44 = arith.addf %reduce_sum3A_38, %add3A_43 : vector<4096xf32>
    %swap3A = arith.constant 0 : index
    %swap3A_45 = vector.load %arg10[%swap3A] : memref<4096xf32, #tpu.memory_space<vmem>>, vector<4096xf32>
    tpu.vector_store %arg10[%swap3A], %add3A_44 {strides = array<i32>} : memref<4096xf32, #tpu.memory_space<vmem>>, vector<4096xf32>,
    return
  }
  func.func @transform_0(%arg0: i32) -> (i32, i32) {
    %c0_i32 = arith.constant 0 : i32
    %c0_i32_0 = arith.constant 0 : i32
    return %arg0, %c0_i32 : i32, i32
  }
  func.func @transform_1(%arg0: i32) -> (i32, i32) {
    %c0_i32 = arith.constant 0 : i32
    %c0_i32_0 = arith.constant 0 : i32
    return %arg0, %c0_i32 : i32, i32
  }
  func.func @transform_2(%arg0: i32) -> (i32, i32) {
    %c0_i32 = arith.constant 0 : i32
    %c0_i32_0 = arith.constant 0 : i32
    %c0_i32_1 = arith.constant 0 : i32
    return %c0_i32, %c0_i32_0 : i32, i32
  }
  func.func @transform_3(%arg0: i32) -> (i32, i32) {
    %c0_i32 = arith.constant 0 : i32
    %c0_i32_0 = arith.constant 0 : i32
    %c0_i32_1 = arith.constant 0 : i32
    return %c0_i32, %c0_i32_0 : i32, i32
  }
  func.func @transform_4(%arg0: i32) -> (i32, i32) {
    %c0_i32 = arith.constant 0 : i32
    %c0_i32_0 = arith.constant 0 : i32
    %c0_i32_1 = arith.constant 0 : i32
    return %c0_i32, %c0_i32_0 : i32, i32
  }
  func.func @transform_5(%arg0: i32) -> (i32, i32) {
    %c0_i32 = arith.constant 0 : i32
    %c0_i32_0 = arith.constant 0 : i32
    %c0_i32_1 = arith.constant 0 : i32
    return %c0_i32, %c0_i32_0 : i32, i32
  }
  func.func @transform_6(%arg0: i32) -> (i32, i32) {
    %c0_i32 = arith.constant 0 : i32
    %c0_i32_0 = arith.constant 0 : i32
    %c0_i32_1 = arith.constant 0 : i32
    return %c0_i32, %c0_i32_0 : i32, i32
  }
  func.func @transform_7(%arg0: i32) -> (i32, i32) {
    %c0_i32 = arith.constant 0 : i32
    %c0_i32_0 = arith.constant 0 : i32
    %c0_i32_1 = arith.constant 0 : i32
    return %c0_i32, %c0_i32_0 : i32, i32
  }
  func.func @transform_8(%arg0: i32) -> (i32, i32) {
    %c0_i32 = arith.constant 0 : i32
    %c0_i32_0 = arith.constant 0 : i32
    %c0_i32_1 = arith.constant 0 : i32
    return %c0_i32, %c0_i32_0 : i32, i32
  }
  func.func @transform_9(%arg0: i32) -> i32 {
    %c0_i32 = arith.constant 0 : i32
    return %arg0 : i32
  }
}

</mosaic_0001>

<sc_bundles>
// kernel: kernel.5.cloned.1.call-start
scs
__scs_entry_jumppad:
0x0: {  	(pc) =	sbr.rel $0x88, $3  }
0x1: {  	(tag) =	ssettag $0x0;
	lr =	simm.s32 $0x1  }
0x2: {  	[smem:$0x3F97] =	sst lr;
	_ =	strace $0xD0000000  }
0x3: {  	_ = 	snop  }
0x4: {  	_ = 	snop  }
0x5: {  	_ = 	snop  }
0x6: {  	_ = 	snop  }
0x7: {  	_ = 	snop  }
__scs_overlays_trampoline_lowered:
0x8: {  	[smem:$0x3FA6] =	sst s0  }
0x9: {  	[smem:$0x3FA7] =	sst s1  }
0xa: {  	[smem:$0x3FA8] =	sst s2  }
0xb: {  	[smem:$0x3FA9] =	sst s3  }
0xc: {  	[smem:$0x3FAA] =	sst s4  }
0xd: {  	[smem:$0x3FAB] =	sst s5  }
0xe: {  	[smem:$0x3FAC] =	sst s6  }
0xf: {  	[smem:$0x3FAD] =	sst s7  }
0x10: {  	[smem:$0x3FAE] =	sst s8  }
0x11: {  	[smem:$0x3FAF] =	sst s9;
	s0 =	simm.s32 @!p0 $0x0  }
0x12: {  	s1 =	sld [smem:$0x3F95];
	s0 =	simm.s32 @p0 $0x1  }
0x13: {  	[smem:$0x3FB0] =	sst s0;
	s0 =	simm.s32 @!p1 $0x0  }
0x14: {  	s2 =	sld [smem:$0x3F94];
	s0 =	simm.s32 @p1 $0x1  }
0x15: {  	[smem:$0x3FB1] =	sst s0;
	s0 =	simm.s32 @!p2 $0x0  }
0x16: {  	s3 =	sld [smem:$0x3FDB];
	s0 =	simm.s32 @p2 $0x1  }
0x17: {  	s4 =	simm.s32 $0x1BF5;
	[smem:$0x3FB3] =	sst s0  }
0x18: {  	s0 =	sld [smem:$0x3F96];
	_ =	swait.ge [sflag:s4], $0x0  }
0x19: {  	s7 =	sld [smem:$0x3F97]  }
0x1a: {  	s8 =	sadd.s32 $0xFFFFE003, lr  }
0x1b: {  	s9 =	sadd.s32 $0xFFFFFEF7, lr;
	s5 =	simm.s32 $0xFFFFFFFF;
	p2 =	slt.u32 s8, $0xFFFFF086  }
0x1c: {  	p1 =	slt.u32 s9, $0xF7A;
	s5 =	simm.s32 @!p2 $0x0  }
0x1d: {  	s5 =	simm.s32 @p1 $0x1;
	p0 =	seq.s32 s7, s2  }
0x1e: {  	s7 =	smul.u32 @!p0 $0xF7A, s2;
	p2 =	seq.s32 @!p0 s5, $0x0  }
0x1f: {  	s9 =	smul.u32 $0xF7A, s1;
	s8 =	simm.s32 @!p0 $0x1BF5;
	p2 =	por !p2, p0  }
0x20: {  	[sflag:s8] =	ssyncset.s32 @!p0 $0xFFFFF086;
	s6 =	sadd.s32 @!p0 s3, s7;
	s7 =	simm.s32 @!p0 $0x108  }
0x21: {  	s3 =	sadd.s32 s3, s9;
	s6 =	sadd.s32 @!p0 $0x88, s6;
	s7 =	simm.s32 @p2 $0x1082  }
0x22: {  	[simem:s7], [sflag:s8] =	dma.local @!p0 [hbm:s6], $0xF7A  }
0x23: {  	s9 =	sor.u32 $0xD0000000, s2;
	s6 =	simm.s32 $0x108;
	_ =	swait.ge @!p0 [sflag:s8], $0x0  }
0x24: {  	s3 =	sadd.s32 $0x88, s3;
	s6 =	simm.s32 @!p1 $0x1082;
	[sflag:s4] =	ssyncset.s32 $0xFFFFF086  }
0x25: {  	[simem:s6], [sflag:s4] =	dma.local [hbm:s3], $0xF7A  }
0x26: {  	[smem:$0x3F97] =	sst s1;
	(tag) =	ssettag s2;
	_ =	strace s9  }
0x27: {  	s1 =	sld [smem:$0x3FA7]  }
0x28: {  	s2 =	sld [smem:$0x3FA8]  }
0x29: {  	s4 =	sld [smem:$0x3FAA]  }
0x2a: {  	p0 =	seq.s32 s5, $0x0;
	s5 =	sld [smem:$0x3FAB]  }
0x2b: {  	s6 =	sld [smem:$0x3FAC]  }
0x2c: {  	s7 =	sld [smem:$0x3FAD]  }
0x2d: {  	s3 =	simm.s32 $0x108;
	s8 =	sld [smem:$0x3FAE]  }
0x2e: {  	s3 =	simm.s32 @!p0 $0x1082;
	s9 =	sld [smem:$0x3FAF]  }
0x2f: {  	lr =	sadd.s32 s0, s3;
	s0 =	sld [smem:$0x3FA6]  }
0x30: {  	s3 =	sld [smem:$0x3FA9]  }
0x31: {  	[smem:$0x3FB2] =	sst s10  }
0x32: {  	s10 =	sld [smem:$0x3FB0];
	_ =	sdelay $0x3  }
0x33: {  	p0 =	seq.s32 s10, $0x1;
	s10 =	sld [smem:$0x3FB2];
	_ =	sdelay $0x3  }
0x34: {  	[smem:$0x3FB2] =	sst s10  }
0x35: {  	s10 =	sld [smem:$0x3FB1];
	_ =	sdelay $0x3  }
0x36: {  	p1 =	seq.s32 s10, $0x1;
	s10 =	sld [smem:$0x3FB2];
	_ =	sdelay $0x3  }
0x37: {  	[smem:$0x3FB2] =	sst s10  }
0x38: {  	s10 =	sld [smem:$0x3FB3]  }
0x39: {  	_ = 	snop;
	(pc) =	sbr.ind lr, $3  }
0x3a: {  	_ = 	snop  }
0x3b: {  	_ = 	snop  }
0x3c: {  	p2 =	seq.s32 s10, $0x1;
	s10 =	sld [smem:$0x3FB2]  }
0x3d: {  	_ =	shalt  }
0x3e: {  	_ =	shalt  }
0x3f: {  	_ =	shalt  }
0x40: {  	_ =	shalt  }
0x41: {  	_ =	shalt  }
0x42: {  	_ =	shalt  }
0x43: {  	_ =	shalt  }
0x44: {  	_ =	shalt  }
0x45: {  	_ =	shalt  }
0x46: {  	_ =	shalt  }
0x47: {  	_ =	shalt  }
0x48: {  	_ =	shalt  }
0x49: {  	_ =	shalt  }
0x4a: {  	_ =	shalt  }
0x4b: {  	_ =	shalt  }
0x4c: {  	_ =	shalt  }
0x4d: {  	_ =	shalt  }
0x4e: {  	_ =	shalt  }
0x4f: {  	_ =	shalt  }
0x50: {  	_ =	shalt  }
0x51: {  	_ =	shalt  }
0x52: {  	_ =	shalt  }
0x53: {  	_ =	shalt  }
0x54: {  	_ =	shalt  }
0x55: {  	_ =	shalt  }
0x56: {  	_ =	shalt  }
0x57: {  	_ =	shalt  }
0x58: {  	_ =	shalt  }
0x59: {  	_ =	shalt  }
0x5a: {  	_ =	shalt  }
0x5b: {  	_ =	shalt  }
0x5c: {  	_ =	shalt  }
0x5d: {  	_ =	shalt  }
0x5e: {  	_ =	shalt  }
0x5f: {  	_ =	shalt  }
0x60: {  	_ =	shalt  }
0x61: {  	_ =	shalt  }
0x62: {  	_ =	shalt  }
0x63: {  	_ =	shalt  }
0x64: {  	_ =	shalt  }
0x65: {  	_ =	shalt  }
0x66: {  	_ =	shalt  }
0x67: {  	_ =	shalt  }
0x68: {  	_ =	shalt  }
0x69: {  	_ =	shalt  }
0x6a: {  	_ =	shalt  }
0x6b: {  	_ =	shalt  }
0x6c: {  	_ =	shalt  }
0x6d: {  	_ =	shalt  }
0x6e: {  	_ =	shalt  }
0x6f: {  	_ =	shalt  }
0x70: {  	_ =	shalt  }
0x71: {  	_ =	shalt  }
0x72: {  	_ =	shalt  }
0x73: {  	_ =	shalt  }
0x74: {  	_ =	shalt  }
0x75: {  	_ =	shalt  }
0x76: {  	_ =	shalt  }
0x77: {  	_ =	shalt  }
0x78: {  	_ =	shalt  }
0x79: {  	_ =	shalt  }
0x7a: {  	_ =	shalt  }
0x7b: {  	_ =	shalt  }
0x7c: {  	_ =	shalt  }
0x7d: {  	_ =	shalt  }
0x7e: {  	_ =	shalt  }
0x7f: {  	_ =	shalt  }
0x80: {  	_ =	shalt  }
0x81: {  	_ =	shalt  }
0x82: {  	_ =	shalt  }
0x83: {  	_ =	shalt  }
0x84: {  	_ =	shalt  }
0x85: {  	_ =	shalt  }
0x86: {  	_ =	shalt  }
0x87: {  	_ =	shalt  }
.Lfunc_end0:
.L_simem_size_0:
called_computation_lowered:
.L_overlay_start_0:
0x88: {  	s2 =	sld [smem:$0x3FD9]  }
0x89: {  	s3 =	sld [smem:$0x3FFE];
	_ =	sdelay $0x1  }
0x8a: {  	s1 =	srdreg.scid  }
0x8b: {  	s0 =	sand.u32 $0x1, s1  }
0x8c: {  	s17 =	sshll.u32 s0, $0xA;
	s2 =	sadd.s32 s3, s2  }
0x8d: {  	s2 =	sadd.s32 s2, s17  }
0x8e: {  	[smem:$0x3FBE] =	sst s2  }
0x8f: {  	_ = 	snop  }
0x90: {  	s18 =	sld [smem:$0x3FC8];
	(tm) =	ssettm $0x1  }
0x91: {  	s19 =	sld [smem:$0x3FFB];
	_ =	sdelay $0x3  }
0x92: {  	_ =	strace s19  }
0x93: {  	s2 =	sld [smem:$0x3FFC];
	_ =	sdelay $0x3  }
0x94: {  	_ =	strace s2  }
0x95: {  	s2 =	sld [smem:$0x3FFD];
	_ =	sdelay $0x3  }
0x96: {  	_ =	strace s2  }
0x97: {  	_ =	strace $0x8FFFFFFF  }
0x98: {  	s20 =	sld [smem:$0x3FDB];
	_ =	sdelay $0x1  }
0x99: {  	s4 =	simm.s32 $_scs_section_size  }
0x9a: {  	s5 =	simm.s32 $_size__tile_overlayer_lowered;
	s6 =	simm.s32 $_tile_overlayer_lowered  }
0x9b: {  	s7 =	simm.s32 $0x1BFF;
	s21 =	sshll.u32 s6, $0x1;
	s4 =	sadd.s32 s4, s20  }
0x9c: {  	s22 =	simm.s32 $0x0;
	s5 =	sshll.u32 s5, $0x1;
	s6 =	sadd.s32 s21, s4  }
0x9d: {  	[timem:s22], [sflag:s7] =	dma.local [hbm:s6], s5  }
0x9e: {  	_ =	swait.ge [sflag:s7], s5  }
0x9f: {  	s5 =	ssub.s32 $0x0, s5;
	[sflag:s7] =	ssyncset.done $0x0  }
0xa0: {  	[sflag:s7] =	ssyncadd.s32 s5;
	_ =	sdelay $0x1  }
0xa1: {  	s23 =	simm.s32 $0x1B8B  }
0xa2: {  	_ =	swait.ge [sflag:s23], $0x1  }
0xa3: {  	[sflag:s23] =	ssyncset.done $0x0  }
0xa4: {  	[sflag:s23] =	ssyncadd.s32 $0xFFFFFFFF  }
0xa5: {  	s5 =	sld [smem:$0x0]  }
0xa6: {  	s6 =	sand.u32 $0xFFFFFFFE, s1  }
0xa7: {  	p0 =	sne.s32 s1, s6  }
0xa8: {  	s6 =	sshll.u32 @p0 s6, $0xE  }
0xa9: {  	s6 =	sadd.s32 @p0 $0x11B8D, s6;
	s7 =	sshll.u32 @p0 s5, $0x11  }
0xaa: {  	s6 =	sor.u32 @p0 s7, s6  }
0xab: {  	[sflag:s6] =	ssyncadd.remote.s32 @p0 $0x1;
	_ =	sdelay $0x1  }
0xac: {  	s6 =	simm.s32 @p0 $0x1B8D  }
0xad: {  	_ =	swait.eq @p0 [sflag:s6], $0x1  }
0xae: {  	[sflag:s6] =	ssyncadd.s32 @p0 $0xFFFFFFFF  }
0xaf: {  	s7 =	sshll.u32 @!p0 s1, $0xE  }
0xb0: {  	s7 =	sor.u32 @!p0 $0x4000, s7;
	s6 =	simm.s32 @!p0 $0x1B8D  }
0xb1: {  	s5 =	sshll.u32 @!p0 s5, $0x11;
	s7 =	sadd.s32 @!p0 $0x11B8D, s7;
	_ =	swait.eq @!p0 [sflag:s6], $0x1  }
0xb2: {  	s5 =	sor.u32 @!p0 s5, s7;
	[sflag:s6] =	ssyncadd.s32 @!p0 $0xFFFFFFFF  }
0xb3: {  	s25 =	simm.s32 $0x1B8E;
	s24 =	sld [smem:$0x3FFE];
	[sflag:s5] =	ssyncadd.remote.s32 @!p0 $0x1  }
0xb4: {  	s26 =	simm.s32 $execute0_lowered;
	[smem:$0x3FD2] =	sst s25  }
0xb5: {  	s6 =	sshll.u32 s26, $0x1;
	_ =	strace $0x80000049;
	[dreg:$0x1] =	wrdreg $0xFFFFFFFF  }
0xb6: {  	s28 =	simm.s32 $_size_execute0_lowered;
	s4 =	sadd.s32 s4, s6;
	[dreg:$0x0] =	wrdreg $0x0  }
0xb7: {  	s6 =	sshll.u32 s28, $0x1;
	[dreg:$0x2] =	wrdreg s4  }
0xb8: {  	[dreg:$0x3] =	wrdreg s6  }
0xb9: {  	[dreg:$0x4] =	wrdreg $0xC0  }
0xba: {  	_ =	task [dreg:s22], $0x5FFFF  }
0xbb: {  	[dreg:$0x1] =	wrdreg $0xFFFFFFFF  }
0xbc: {  	[dreg:$0x0] =	wrdreg $0x60  }
0xbd: {  	[dreg:$0x2] =	wrdreg s18  }
0xbe: {  	[dreg:$0x3] =	wrdreg s24  }
0xbf: {  	[dreg:$0x4] =	wrdreg $0x9  }
0xc0: {  	_ =	task.clear_ibuf [dreg:s22], $0x5FFFF;
	_ =	strace $0x90000049  }
0xc1: {  	s29 =	simm.s32 $0x9;
	_ =	strace $0x8000004B  }
0xc2: {  	_ =	swait.ge [sflag:s29], $0x1  }
0xc3: {  	[sflag:s29] =	ssyncadd.s32 $0xFFFFFFFF  }
0xc4: {  	_ =	strace $0x9000004B  }
0xc5: {  	_ =	sfence  }
0xc6: {  	s30 =	sld [smem:$0x0];
	_ =	sdelay $0x2  }
0xc7: {  	s31 =	sshll.u32 s1, $0xD;
	s1 =	sshrl.u32 s1, $0x2  }
0xc8: {  	s4 =	sand.u32 $0x4000, s31;
	s1 =	sadd.s32 s1, s30  }
0xc9: {  	s0 =	sor.u32 s4, s0;
	s1 =	sshll.u32 s1, $0x11  }
0xca: {  	s0 =	sor.u32 s1, s0  }
0xcb: {  	s0 =	sadd.s32 $0x8F2B, s0  }
0xcc: {  	[sflag:s0] =	ssyncadd.remote.s32 $0x1  }
0xcd: {  	_ =	sfence.sel $0xFFFF  }
0xce: {  	[dreg:$0x0] =	wrdreg $0xFFFFFFFF;
	(pc) =	sbr.abs _section_cstart, $3  }
0xcf: {  	[dreg:$0x1] =	wrdreg $0xFFFFFFFF  }
0xd0: {  	_ =	task.clear_ibuf [dreg:s22], $0x2FFFF;
	_ =	strace $0x9FFFFFFF  }
0xd1: {  	(tm) =	ssettm $0x7FFFFFFF  }
tec
execute0_lowered:
.L_overlay_start_1:
0x0: {  	(tag) =	ssettag $0x1  }
0x1: {  	s0 =	rddreg [dreg:$0x0]  }
0x2: {  	s1 =	rddreg [dreg:$0x1];
	s3 =	srdreg.scid;
	s2 =	simm.s32 $0x0  }
0x3: {  	s5 =	stileid.u32;
	s8 =	simm.s32 $0x2;
	s9 =	simm.s32 $0x200  }
0x4: {  	s24 =	simm.s32 $0x280;
	s25 =	simm.s32 $0x1;
	s26 =	simm.s32 $0x0  }
0x5: {  	s4 =	sand.u32 $0x1, s3;
	[smem:$0x7FF] =	sst s2;
	s29 =	sshll.u32 s5, $0xA  }
0x6: {  	s3 =	sadd.s32 $0xF83E00, s1;
	s30 =	sshll.u32 s4, $0x9;
	s4 =	ssub.s32 $0x2, s4  }
0x7: {  	_ =	strace $0x8000004A;
	s5 =	sor.u32 s30, s29;
	s31 =	sshrl.u32 s4, $0x1  }
0x8: {  	s6 =	sshll.u32 s5, $0x4;
	s5 =	sshrl.u32 s5, $0x3;
	s7 =	ssub.s32 s4, s31  }
0x9: {  	s1 =	sadd.s32 s6, s1;
	s0 =	sadd.s32 s0, s5;
	s7 =	smax.u32 s7, $0x1  }
0xa: {  	[dreg:$0x3] =	wrdreg s0;
	s5 =	sadd.s32 $0x110A800, s1;
	s6 =	sadd.s32 $0x110B800, s1  }
.LBB2_1:
0xb: {  	s0 =	rddreg [dreg:$0x3]  }
0xc: {  	[tilespmem:s2], [sflag:$0x2] =	stream.linear.gather [hbm4b:s0+s2], $0x200, $0x38;
	[tilespmem:$0x8200] =	vst v63  }
0xd: {  	_ =	swait.ge [sflag:s8], $0x200  }
0xe: {  	[sflag:s8] =	ssyncset.done $0x0  }
0xf: {  	[sflag:s8] =	ssyncadd.s32 $0xFFFFFE00  }
0x10: {  	v0 =	vld [tilespmem:$0x0];
	_ =	sdelay $0x4  }
0x11: {  	v0 =	vshll.u32 v0, $0x4  }
0x12: {  	(v2sf) =	vpush v0, $0x0;
	_ =	sdelay $0x1  }
0x13: {  	(v2sf) =	vpush v0, $0x1;
	_ =	sdelay $0x1  }
0x14: {  	(v2sf) =	vpush v0, $0x2;
	_ =	sdelay $0x2  }
0x15: {  	(v2sf) =	vpush v0, $0x3;
	_ =	sdelay $0x7  }
0x16: {  	s19 =	spop (v2sf);
	(v2sf) =	vpush v0, $0x4;
	_ =	sdelay $0x1  }
0x17: {  	s20 =	spop (v2sf);
	(v2sf) =	vpush v0, $0x5;
	_ =	sdelay $0x1  }
0x18: {  	s21 =	spop (v2sf);
	(v2sf) =	vpush v0, $0x6;
	_ =	sdelay $0x1  }
0x19: {  	s0 =	sand.u32 $0x1FFFFFF0, s19  }
0x1a: {  	s0 =	sadd.s32 s3, s0;
	s22 =	spop (v2sf);
	(v2sf) =	vpush v0, $0x7  }
0x1b: {  	[tilespmem:s9], [sflag:$0x1] =	stream.linear.gather [hbm4b:s0+s2], $0x80, $0x38;
	[tilespmem:$0x8200] =	vst v63  }
0x1c: {  	s0 =	sand.u32 $0x1FFFFFF0, s20  }
0x1d: {  	s0 =	sadd.s32 s3, s0  }
0x1e: {  	[tilespmem:s24], [sflag:$0x1] =	stream.linear.gather [hbm4b:s0+s2], $0x80, $0x38;
	[tilespmem:$0x8200] =	vst v63  }
0x1f: {  	s0 =	sand.u32 $0x1FFFFFF0, s21  }
0x20: {  	s1 =	simm.s32 $0x300;
	s0 =	sadd.s32 s3, s0  }
0x21: {  	[tilespmem:s1], [sflag:$0x1] =	stream.linear.gather [hbm4b:s0+s2], $0x80, $0x38;
	[tilespmem:$0x8200] =	vst v63  }
0x22: {  	s30 =	spop (v2sf);
	(v2sf) =	vpush v0, $0x8  }
0x23: {  	s0 =	sand.u32 $0x1FFFFFF0, s22  }
0x24: {  	s23 =	simm.s32 $0x380;
	s0 =	sadd.s32 s3, s0;
	s1 =	spop (v2sf);
	(v2sf) =	vpush v0, $0x9  }
0x25: {  	[tilespmem:s23], [sflag:$0x1] =	stream.linear.gather [hbm4b:s0+s2], $0x80, $0x38;
	[tilespmem:$0x8200] =	vst v63  }
0x26: {  	s0 =	sand.u32 $0x1FFFFFF0, s30;
	s10 =	spop (v2sf);
	(v2sf) =	vpush v0, $0xA  }
0x27: {  	s31 =	simm.s32 $0x400;
	s0 =	sadd.s32 s3, s0  }
0x28: {  	[tilespmem:s31], [sflag:$0x1] =	stream.linear.gather [hbm4b:s0+s2], $0x80, $0x38;
	[tilespmem:$0x8200] =	vst v63  }
0x29: {  	s12 =	spop (v2sf);
	(v2sf) =	vpush v0, $0xB  }
0x2a: {  	s0 =	sand.u32 $0x1FFFFFF0, s1  }
0x2b: {  	s4 =	simm.s32 $0x480;
	s0 =	sadd.s32 s3, s0  }
0x2c: {  	[tilespmem:s4], [sflag:$0x1] =	stream.linear.gather [hbm4b:s0+s2], $0x80, $0x38;
	[tilespmem:$0x8200] =	vst v63  }
0x2d: {  	s0 =	sand.u32 $0x1FFFFFF0, s10  }
0x2e: {  	s11 =	simm.s32 $0x500;
	s0 =	sadd.s32 s3, s0  }
0x2f: {  	[tilespmem:s11], [sflag:$0x1] =	stream.linear.gather [hbm4b:s0+s2], $0x80, $0x38;
	[tilespmem:$0x8200] =	vst v63  }
0x30: {  	s0 =	sand.u32 $0x1FFFFFF0, s12  }
0x31: {  	s13 =	simm.s32 $0x580;
	s0 =	sadd.s32 s3, s0;
	s14 =	spop (v2sf);
	(v2sf) =	vpush v0, $0xC  }
0x32: {  	[tilespmem:s13], [sflag:$0x1] =	stream.linear.gather [hbm4b:s0+s2], $0x80, $0x38;
	[tilespmem:$0x8200] =	vst v63  }
0x33: {  	s16 =	spop (v2sf);
	(v2sf) =	vpush v0, $0xD  }
0x34: {  	s0 =	sand.u32 $0x1FFFFFF0, s14  }
0x35: {  	s15 =	simm.s32 $0x600;
	s0 =	sadd.s32 s3, s0;
	s18 =	spop (v2sf)  }
0x36: {  	(v2sf) =	vpush v0, $0xE;
	[tilespmem:s15], [sflag:$0x1] =	stream.linear.gather [hbm4b:s0+s2], $0x80, $0x38;
	[tilespmem:$0x8200] =	vst v63  }
0x37: {  	s0 =	sand.u32 $0x1FFFFFF0, s16  }
0x38: {  	s17 =	simm.s32 $0x680;
	s20 =	spop (v2sf);
	s0 =	sadd.s32 s3, s0  }
0x39: {  	(v2sf) =	vpush v0, $0xF;
	[tilespmem:s17], [sflag:$0x1] =	stream.linear.gather [hbm4b:s0+s2], $0x80, $0x38;
	[tilespmem:$0x8200] =	vst v63  }
0x3a: {  	s0 =	sand.u32 $0x1FFFFFF0, s18  }
0x3b: {  	s19 =	simm.s32 $0x700;
	s0 =	sadd.s32 s3, s0  }
0x3c: {  	[tilespmem:s19], [sflag:$0x1] =	stream.linear.gather [hbm4b:s0+s2], $0x80, $0x38;
	[tilespmem:$0x8200] =	vst v63  }
0x3d: {  	s0 =	sand.u32 $0x1FFFFFF0, s20  }
0x3e: {  	s21 =	simm.s32 $0x780;
	s0 =	sadd.s32 s3, s0  }
0x3f: {  	[tilespmem:s21], [sflag:$0x1] =	stream.linear.gather [hbm4b:s0+s2], $0x80, $0x38;
	[tilespmem:$0x8200] =	vst v63  }
0x40: {  	s22 =	spop (v2sf)  }
0x41: {  	s0 =	sand.u32 $0x1FFFFFF0, s22  }
0x42: {  	s23 =	simm.s32 $0x800;
	s30 =	spop (v2sf);
	s0 =	sadd.s32 s3, s0  }
0x43: {  	[tilespmem:s23], [sflag:$0x1] =	stream.linear.gather [hbm4b:s0+s2], $0x80, $0x38;
	[tilespmem:$0x8200] =	vst v63  }
0x44: {  	s0 =	sand.u32 $0x1FFFFFF0, s30  }
0x45: {  	s31 =	simm.s32 $0x880;
	s1 =	spop (v2sf);
	s0 =	sadd.s32 s3, s0  }
0x46: {  	[tilespmem:s31], [sflag:$0x1] =	stream.linear.gather [hbm4b:s0+s2], $0x80, $0x38;
	[tilespmem:$0x8200] =	vst v63  }
0x47: {  	s0 =	sand.u32 $0x1FFFFFF0, s1  }
0x48: {  	s4 =	simm.s32 $0x900;
	s10 =	spop (v2sf);
	s0 =	sadd.s32 s3, s0  }
0x49: {  	[tilespmem:s4], [sflag:$0x1] =	stream.linear.gather [hbm4b:s0+s2], $0x80, $0x38;
	[tilespmem:$0x8200] =	vst v63  }
0x4a: {  	s0 =	sand.u32 $0x1FFFFFF0, s10  }
0x4b: {  	s28 =	simm.s32 $0x10;
	s11 =	simm.s32 $0x980;
	s0 =	sadd.s32 s3, s0  }
0x4c: {  	[tilespmem:s11], [sflag:$0x1] =	stream.linear.gather [hbm4b:s0+s2], $0x80, $0x38;
	[tilespmem:$0x8200] =	vst v63  }
0x4d: {  	v63 =	vld [tilespmem:s28+$0x0];
	_ =	sdelay $0x4  }
0x4e: {  	v0 =	vshll.u32 v63, $0x4  }
0x4f: {  	(v2sf) =	vpush v0, $0x0;
	_ =	sdelay $0x1  }
0x50: {  	(v2sf) =	vpush v0, $0x1;
	_ =	sdelay $0x1  }
0x51: {  	(v2sf) =	vpush v0, $0x2;
	_ =	sdelay $0x2  }
0x52: {  	(v2sf) =	vpush v0, $0x3;
	_ =	sdelay $0x7  }
0x53: {  	s12 =	spop (v2sf);
	(v2sf) =	vpush v0, $0x4;
	_ =	sdelay $0x1  }
0x54: {  	s14 =	spop (v2sf);
	(v2sf) =	vpush v0, $0x5;
	_ =	sdelay $0x1  }
0x55: {  	s16 =	spop (v2sf);
	(v2sf) =	vpush v0, $0x6;
	_ =	sdelay $0x1  }
0x56: {  	s0 =	sand.u32 $0x1FFFFFF0, s12  }
0x57: {  	s13 =	simm.s32 $0xA00;
	s0 =	sadd.s32 s3, s0;
	s18 =	spop (v2sf);
	(v2sf) =	vpush v0, $0x7  }
0x58: {  	[tilespmem:s13], [sflag:$0x1] =	stream.linear.gather [hbm4b:s0+s2], $0x80, $0x38;
	[tilespmem:$0x8200] =	vst v63  }
0x59: {  	s0 =	sand.u32 $0x1FFFFFF0, s14  }
0x5a: {  	s15 =	simm.s32 $0xA80;
	s0 =	sadd.s32 s3, s0  }
0x5b: {  	[tilespmem:s15], [sflag:$0x1] =	stream.linear.gather [hbm4b:s0+s2], $0x80, $0x38;
	[tilespmem:$0x8200] =	vst v63  }
0x5c: {  	s0 =	sand.u32 $0x1FFFFFF0, s16  }
0x5d: {  	s17 =	simm.s32 $0xB00;
	s0 =	sadd.s32 s3, s0  }
0x5e: {  	[tilespmem:s17], [sflag:$0x1] =	stream.linear.gather [hbm4b:s0+s2], $0x80, $0x38;
	[tilespmem:$0x8200] =	vst v63  }
0x5f: {  	s20 =	spop (v2sf);
	(v2sf) =	vpush v0, $0x8  }
0x60: {  	s0 =	sand.u32 $0x1FFFFFF0, s18  }
0x61: {  	s19 =	simm.s32 $0xB80;
	s0 =	sadd.s32 s3, s0;
	s22 =	spop (v2sf);
	(v2sf) =	vpush v0, $0x9  }
0x62: {  	[tilespmem:s19], [sflag:$0x1] =	stream.linear.gather [hbm4b:s0+s2], $0x80, $0x38;
	[tilespmem:$0x8200] =	vst v63  }
0x63: {  	s0 =	sand.u32 $0x1FFFFFF0, s20;
	s30 =	spop (v2sf);
	(v2sf) =	vpush v0, $0xA  }
0x64: {  	s21 =	simm.s32 $0xC00;
	s0 =	sadd.s32 s3, s0  }
0x65: {  	[tilespmem:s21], [sflag:$0x1] =	stream.linear.gather [hbm4b:s0+s2], $0x80, $0x38;
	[tilespmem:$0x8200] =	vst v63  }
0x66: {  	s1 =	spop (v2sf);
	(v2sf) =	vpush v0, $0xB  }
0x67: {  	s0 =	sand.u32 $0x1FFFFFF0, s22  }
0x68: {  	s23 =	simm.s32 $0xC80;
	s0 =	sadd.s32 s3, s0  }
0x69: {  	[tilespmem:s23], [sflag:$0x1] =	stream.linear.gather [hbm4b:s0+s2], $0x80, $0x38;
	[tilespmem:$0x8200] =	vst v63  }
0x6a: {  	s0 =	sand.u32 $0x1FFFFFF0, s30  }
0x6b: {  	s31 =	simm.s32 $0xD00;
	s0 =	sadd.s32 s3, s0  }
0x6c: {  	[tilespmem:s31], [sflag:$0x1] =	stream.linear.gather [hbm4b:s0+s2], $0x80, $0x38;
	[tilespmem:$0x8200] =	vst v63  }
0x6d: {  	s0 =	sand.u32 $0x1FFFFFF0, s1  }
0x6e: {  	s4 =	simm.s32 $0xD80;
	s0 =	sadd.s32 s3, s0;
	s10 =	spop (v2sf);
	(v2sf) =	vpush v0, $0xC  }
0x6f: {  	[tilespmem:s4], [sflag:$0x1] =	stream.linear.gather [hbm4b:s0+s2], $0x80, $0x38;
	[tilespmem:$0x8200] =	vst v63  }
0x70: {  	s12 =	spop (v2sf);
	(v2sf) =	vpush v0, $0xD  }
0x71: {  	s0 =	sand.u32 $0x1FFFFFF0, s10  }
0x72: {  	s11 =	simm.s32 $0xE00;
	s0 =	sadd.s32 s3, s0;
	s14 =	spop (v2sf)  }
0x73: {  	(v2sf) =	vpush v0, $0xE;
	[tilespmem:s11], [sflag:$0x1] =	stream.linear.gather [hbm4b:s0+s2], $0x80, $0x38;
	[tilespmem:$0x8200] =	vst v63  }
0x74: {  	s0 =	sand.u32 $0x1FFFFFF0, s12  }
0x75: {  	s13 =	simm.s32 $0xE80;
	s16 =	spop (v2sf);
	s0 =	sadd.s32 s3, s0  }
0x76: {  	(v2sf) =	vpush v0, $0xF;
	[tilespmem:s13], [sflag:$0x1] =	stream.linear.gather [hbm4b:s0+s2], $0x80, $0x38;
	[tilespmem:$0x8200] =	vst v63  }
0x77: {  	s0 =	sand.u32 $0x1FFFFFF0, s14  }
0x78: {  	s15 =	simm.s32 $0xF00;
	s0 =	sadd.s32 s3, s0  }
0x79: {  	[tilespmem:s15], [sflag:$0x1] =	stream.linear.gather [hbm4b:s0+s2], $0x80, $0x38;
	[tilespmem:$0x8200] =	vst v63  }
0x7a: {  	s0 =	sand.u32 $0x1FFFFFF0, s16  }
0x7b: {  	s17 =	simm.s32 $0xF80;
	s0 =	sadd.s32 s3, s0  }
0x7c: {  	[tilespmem:s17], [sflag:$0x1] =	stream.linear.gather [hbm4b:s0+s2], $0x80, $0x38;
	[tilespmem:$0x8200] =	vst v63  }
0x7d: {  	s18 =	spop (v2sf)  }
0x7e: {  	s0 =	sand.u32 $0x1FFFFFF0, s18  }
0x7f: {  	s19 =	simm.s32 $0x1000;
	s20 =	spop (v2sf);
	s0 =	sadd.s32 s3, s0  }
0x80: {  	[tilespmem:s19], [sflag:$0x1] =	stream.linear.gather [hbm4b:s0+s2], $0x80, $0x38;
	[tilespmem:$0x8200] =	vst v63  }
0x81: {  	s0 =	sand.u32 $0x1FFFFFF0, s20  }
0x82: {  	s21 =	simm.s32 $0x1080;
	s22 =	spop (v2sf);
	s0 =	sadd.s32 s3, s0  }
0x83: {  	[tilespmem:s21], [sflag:$0x1] =	stream.linear.gather [hbm4b:s0+s2], $0x80, $0x38;
	[tilespmem:$0x8200] =	vst v63  }
0x84: {  	s0 =	sand.u32 $0x1FFFFFF0, s22  }
0x85: {  	s23 =	simm.s32 $0x1100;
	s30 =	spop (v2sf);
	s0 =	sadd.s32 s3, s0  }
0x86: {  	[tilespmem:s23], [sflag:$0x1] =	stream.linear.gather [hbm4b:s0+s2], $0x80, $0x38;
	[tilespmem:$0x8200] =	vst v63  }
0x87: {  	s0 =	sand.u32 $0x1FFFFFF0, s30  }
0x88: {  	s31 =	simm.s32 $0x1180;
	s0 =	sadd.s32 s3, s0  }
0x89: {  	[tilespmem:s31], [sflag:$0x1] =	stream.linear.gather [hbm4b:s0+s2], $0x80, $0x38;
	[tilespmem:$0x8200] =	vst v63  }
0x8a: {  	_ =	swait.ge [sflag:s25], $0x80  }
0x8b: {  	[sflag:s25] =	ssyncset.done $0x0  }
0x8c: {  	[sflag:s25] =	ssyncadd.s32 $0xFFFFFF80  }
0x8d: {  	_ =	swait.ge [sflag:s25], $0x80  }
0x8e: {  	[sflag:s25] =	ssyncset.done $0x0  }
0x8f: {  	[sflag:s25] =	ssyncadd.s32 $0xFFFFFF80  }
0x90: {  	_ =	swait.ge [sflag:s25], $0x80  }
0x91: {  	[sflag:s25] =	ssyncset.done $0x0  }
0x92: {  	[sflag:s25] =	ssyncadd.s32 $0xFFFFFF80  }
0x93: {  	_ =	swait.ge [sflag:s25], $0x80  }
0x94: {  	[sflag:s25] =	ssyncset.done $0x0  }
0x95: {  	[sflag:s25] =	ssyncadd.s32 $0xFFFFFF80  }
0x96: {  	_ =	swait.ge [sflag:s25], $0x80  }
0x97: {  	[sflag:s25] =	ssyncset.done $0x0  }
0x98: {  	[sflag:s25] =	ssyncadd.s32 $0xFFFFFF80  }
0x99: {  	_ =	swait.ge [sflag:s25], $0x80  }
0x9a: {  	[sflag:s25] =	ssyncset.done $0x0  }
0x9b: {  	[sflag:s25] =	ssyncadd.s32 $0xFFFFFF80  }
0x9c: {  	_ =	swait.ge [sflag:s25], $0x80  }
0x9d: {  	[sflag:s25] =	ssyncset.done $0x0  }
0x9e: {  	[sflag:s25] =	ssyncadd.s32 $0xFFFFFF80  }
0x9f: {  	_ =	swait.ge [sflag:s25], $0x80  }
0xa0: {  	[sflag:s25] =	ssyncset.done $0x0  }
0xa1: {  	[sflag:s25] =	ssyncadd.s32 $0xFFFFFF80  }
0xa2: {  	_ =	swait.ge [sflag:s25], $0x80  }
0xa3: {  	[sflag:s25] =	ssyncset.done $0x0  }
0xa4: {  	[sflag:s25] =	ssyncadd.s32 $0xFFFFFF80  }
0xa5: {  	_ =	swait.ge [sflag:s25], $0x80  }
0xa6: {  	[sflag:s25] =	ssyncset.done $0x0  }
0xa7: {  	[sflag:s25] =	ssyncadd.s32 $0xFFFFFF80  }
0xa8: {  	_ =	swait.ge [sflag:s25], $0x80  }
0xa9: {  	[sflag:s25] =	ssyncset.done $0x0  }
0xaa: {  	[sflag:s25] =	ssyncadd.s32 $0xFFFFFF80  }
0xab: {  	_ =	swait.ge [sflag:s25], $0x80  }
0xac: {  	[sflag:s25] =	ssyncset.done $0x0  }
0xad: {  	[sflag:s25] =	ssyncadd.s32 $0xFFFFFF80  }
0xae: {  	_ =	swait.ge [sflag:s25], $0x80  }
0xaf: {  	[sflag:s25] =	ssyncset.done $0x0  }
0xb0: {  	[sflag:s25] =	ssyncadd.s32 $0xFFFFFF80  }
0xb1: {  	s29 =	simm.s32 $0x2000;
	_ =	swait.ge [sflag:s25], $0x80  }
.LBB2_2:
0xb2: {  	p0 =	sne.s32 s29, $0x1C000;
	[sflag:s25] =	ssyncset.done $0x0;
	s28 =	sadd.s32 $0x10, s28  }
0xb3: {  	s0 =	smov.u32 s29;
	s29 =	sadd.s32 $0x2000, s29;
	[sflag:s25] =	ssyncadd.s32 $0xFFFFFF80  }
0xb4: {  	_ =	swait.ge [sflag:s25], $0x80  }
0xb5: {  	[sflag:s25] =	ssyncset.done $0x0  }
0xb6: {  	[sflag:s25] =	ssyncadd.s32 $0xFFFFFF80  }
0xb7: {  	_ =	swait.ge [sflag:s25], $0x80  }
0xb8: {  	[sflag:s25] =	ssyncset.done $0x0  }
0xb9: {  	[sflag:s25] =	ssyncadd.s32 $0xFFFFFF80  }
0xba: {  	v0 =	vld [tilespmem:s28+$0x0];
	_ =	sdelay $0x4  }
0xbb: {  	v0 =	vshll.u32 v0, $0x4  }
0xbc: {  	(v2sf) =	vpush v0, $0x0  }
0xbd: {  	(v2sf) =	vpush v0, $0x1  }
0xbe: {  	(v2sf) =	vpush v0, $0x2;
	_ =	sdelay $0x1  }
0xbf: {  	(v2sf) =	vpush v0, $0x3;
	_ =	sdelay $0x1  }
0xc0: {  	(v2sf) =	vpush v0, $0x4;
	_ =	sdelay $0x1  }
0xc1: {  	(v2sf) =	vpush v0, $0x5  }
0xc2: {  	s30 =	sshra.s32 s0, $0x2  }
0xc3: {  	s14 =	sadd.s32 $0xA80, s30;
	s15 =	sadd.s32 $0xB80, s30;
	s16 =	sadd.s32 $0xC00, s30;
	(v2sf) =	vpush v0, $0x6  }
0xc4: {  	s17 =	sadd.s32 $0xA00, s30;
	s18 =	sadd.s32 $0xB00, s30  }
0xc5: {  	s19 =	sadd.s32 $0xC80, s30;
	(v2sf) =	vpush v0, $0x7  }
0xc6: {  	s1 =	sadd.s32 $0x1000, s30;
	s0 =	sadd.s32 $0x1080, s30;
	s31 =	sadd.s32 $0x1180, s30  }
0xc7: {  	s20 =	sadd.s32 $0xD00, s30;
	s11 =	sadd.s32 $0xF00, s30;
	s10 =	sadd.s32 $0xF80, s30;
	(v2sf) =	vpush v0, $0x8  }
0xc8: {  	s13 =	sadd.s32 $0xE00, s30;
	s12 =	sadd.s32 $0xE80, s30;
	s21 =	spop (v2sf)  }
0xc9: {  	s22 =	sadd.s32 $0xD80, s30;
	s21 =	sand.u32 $0x1FFFFFF0, s21;
	s23 =	spop (v2sf);
	(v2sf) =	vpush v0, $0x9  }
0xca: {  	s21 =	sadd.s32 s3, s21;
	s23 =	sand.u32 $0x1FFFFFF0, s23;
	s4 =	spop (v2sf)  }
0xcb: {  	[tilespmem:s17], [sflag:$0x1] =	stream.linear.gather [hbm4b:s21+s2], $0x80, $0x38;
	(v2sf) =	vpush v0, $0xA;
	[tilespmem:$0x8200] =	vst v63  }
0xcc: {  	s17 =	sadd.s32 s3, s23;
	s4 =	sand.u32 $0x1FFFFFF0, s4;
	s21 =	spop (v2sf)  }
0xcd: {  	[tilespmem:s14], [sflag:$0x1] =	stream.linear.gather [hbm4b:s17+s2], $0x80, $0x38;
	(v2sf) =	vpush v0, $0xB;
	[tilespmem:$0x8200] =	vst v63  }
0xce: {  	s4 =	sadd.s32 s3, s4;
	s14 =	sand.u32 $0x1FFFFFF0, s21;
	s17 =	spop (v2sf)  }
0xcf: {  	[tilespmem:s18], [sflag:$0x1] =	stream.linear.gather [hbm4b:s4+s2], $0x80, $0x38;
	(v2sf) =	vpush v0, $0xC;
	[tilespmem:$0x8200] =	vst v63  }
0xd0: {  	s4 =	sadd.s32 s3, s14;
	s14 =	sand.u32 $0x1FFFFFF0, s17;
	s17 =	spop (v2sf)  }
0xd1: {  	[tilespmem:s15], [sflag:$0x1] =	stream.linear.gather [hbm4b:s4+s2], $0x80, $0x38;
	(v2sf) =	vpush v0, $0xD;
	[tilespmem:$0x8200] =	vst v63  }
0xd2: {  	s4 =	sadd.s32 s3, s14;
	s14 =	sand.u32 $0x1FFFFFF0, s17;
	s15 =	spop (v2sf)  }
0xd3: {  	[tilespmem:s16], [sflag:$0x1] =	stream.linear.gather [hbm4b:s4+s2], $0x80, $0x38;
	(v2sf) =	vpush v0, $0xE;
	[tilespmem:$0x8200] =	vst v63  }
0xd4: {  	s4 =	sadd.s32 s3, s14;
	s14 =	sand.u32 $0x1FFFFFF0, s15;
	s15 =	spop (v2sf)  }
0xd5: {  	[tilespmem:s19], [sflag:$0x1] =	stream.linear.gather [hbm4b:s4+s2], $0x80, $0x38;
	(v2sf) =	vpush v0, $0xF;
	[tilespmem:$0x8200] =	vst v63  }
0xd6: {  	s4 =	sadd.s32 s3, s14;
	s14 =	sand.u32 $0x1FFFFFF0, s15;
	s15 =	spop (v2sf)  }
0xd7: {  	[tilespmem:s20], [sflag:$0x1] =	stream.linear.gather [hbm4b:s4+s2], $0x80, $0x38;
	[tilespmem:$0x8200] =	vst v63  }
0xd8: {  	s4 =	sadd.s32 s3, s14;
	s14 =	sand.u32 $0x1FFFFFF0, s15;
	s15 =	spop (v2sf)  }
0xd9: {  	[tilespmem:s22], [sflag:$0x1] =	stream.linear.gather [hbm4b:s4+s2], $0x80, $0x38;
	[tilespmem:$0x8200] =	vst v63  }
0xda: {  	s4 =	sadd.s32 s3, s14;
	s14 =	sand.u32 $0x1FFFFFF0, s15;
	s15 =	spop (v2sf)  }
0xdb: {  	[tilespmem:s13], [sflag:$0x1] =	stream.linear.gather [hbm4b:s4+s2], $0x80, $0x38;
	[tilespmem:$0x8200] =	vst v63  }
0xdc: {  	s4 =	sadd.s32 s3, s14;
	s13 =	sand.u32 $0x1FFFFFF0, s15;
	s14 =	spop (v2sf)  }
0xdd: {  	[tilespmem:s12], [sflag:$0x1] =	stream.linear.gather [hbm4b:s4+s2], $0x80, $0x38;
	[tilespmem:$0x8200] =	vst v63  }
0xde: {  	s4 =	sadd.s32 s3, s13;
	s12 =	sand.u32 $0x1FFFFFF0, s14;
	s13 =	spop (v2sf)  }
0xdf: {  	[tilespmem:s11], [sflag:$0x1] =	stream.linear.gather [hbm4b:s4+s2], $0x80, $0x38;
	[tilespmem:$0x8200] =	vst v63  }
0xe0: {  	s4 =	sadd.s32 s3, s12;
	s11 =	sand.u32 $0x1FFFFFF0, s13;
	s12 =	spop (v2sf)  }
0xe1: {  	[tilespmem:s10], [sflag:$0x1] =	stream.linear.gather [hbm4b:s4+s2], $0x80, $0x38;
	[tilespmem:$0x8200] =	vst v63  }
0xe2: {  	s4 =	sadd.s32 s3, s11;
	s10 =	sand.u32 $0x1FFFFFF0, s12;
	s11 =	spop (v2sf)  }
0xe3: {  	[tilespmem:s1], [sflag:$0x1] =	stream.linear.gather [hbm4b:s4+s2], $0x80, $0x38;
	[tilespmem:$0x8200] =	vst v63  }
0xe4: {  	s1 =	sadd.s32 s3, s10;
	s4 =	sand.u32 $0x1FFFFFF0, s11;
	s10 =	spop (v2sf)  }
0xe5: {  	[tilespmem:s0], [sflag:$0x1] =	stream.linear.gather [hbm4b:s1+s2], $0x80, $0x38;
	[tilespmem:$0x8200] =	vst v63  }
0xe6: {  	s0 =	sadd.s32 $0x1100, s30;
	s1 =	sadd.s32 s3, s4;
	s4 =	sand.u32 $0x1FFFFFF0, s10  }
0xe7: {  	[tilespmem:s0], [sflag:$0x1] =	stream.linear.gather [hbm4b:s1+s2], $0x80, $0x38;
	[tilespmem:$0x8200] =	vst v63  }
0xe8: {  	s0 =	sadd.s32 s3, s4  }
0xe9: {  	[tilespmem:s31], [sflag:$0x1] =	stream.linear.gather [hbm4b:s0+s2], $0x80, $0x38;
	[tilespmem:$0x8200] =	vst v63  }
0xea: {  	_ =	swait.ge [sflag:s25], $0x80  }
0xeb: {  	[sflag:s25] =	ssyncset.done $0x0  }
0xec: {  	[sflag:s25] =	ssyncadd.s32 $0xFFFFFF80  }
0xed: {  	_ =	swait.ge [sflag:s25], $0x80  }
0xee: {  	[sflag:s25] =	ssyncset.done $0x0  }
0xef: {  	[sflag:s25] =	ssyncadd.s32 $0xFFFFFF80  }
0xf0: {  	_ =	swait.ge [sflag:s25], $0x80  }
0xf1: {  	[sflag:s25] =	ssyncset.done $0x0  }
0xf2: {  	[sflag:s25] =	ssyncadd.s32 $0xFFFFFF80  }
0xf3: {  	_ =	swait.ge [sflag:s25], $0x80  }
0xf4: {  	[sflag:s25] =	ssyncset.done $0x0  }
0xf5: {  	[sflag:s25] =	ssyncadd.s32 $0xFFFFFF80  }
0xf6: {  	_ =	swait.ge [sflag:s25], $0x80  }
0xf7: {  	[sflag:s25] =	ssyncset.done $0x0  }
0xf8: {  	[sflag:s25] =	ssyncadd.s32 $0xFFFFFF80  }
0xf9: {  	_ =	swait.ge [sflag:s25], $0x80  }
0xfa: {  	[sflag:s25] =	ssyncset.done $0x0  }
0xfb: {  	[sflag:s25] =	ssyncadd.s32 $0xFFFFFF80  }
0xfc: {  	_ =	swait.ge [sflag:s25], $0x80  }
0xfd: {  	[sflag:s25] =	ssyncset.done $0x0  }
0xfe: {  	[sflag:s25] =	ssyncadd.s32 $0xFFFFFF80  }
0xff: {  	_ =	swait.ge [sflag:s25], $0x80  }
0x100: {  	[sflag:s25] =	ssyncset.done $0x0  }
0x101: {  	[sflag:s25] =	ssyncadd.s32 $0xFFFFFF80  }
0x102: {  	_ =	swait.ge [sflag:s25], $0x80  }
0x103: {  	[sflag:s25] =	ssyncset.done $0x0  }
0x104: {  	[sflag:s25] =	ssyncadd.s32 $0xFFFFFF80  }
0x105: {  	_ =	swait.ge [sflag:s25], $0x80  }
0x106: {  	[sflag:s25] =	ssyncset.done $0x0  }
0x107: {  	[sflag:s25] =	ssyncadd.s32 $0xFFFFFF80  }
0x108: {  	_ =	swait.ge [sflag:s25], $0x80  }
0x109: {  	[sflag:s25] =	ssyncset.done $0x0  }
0x10a: {  	[sflag:s25] =	ssyncadd.s32 $0xFFFFFF80  }
0x10b: {  	_ =	swait.ge [sflag:s25], $0x80  }
0x10c: {  	[sflag:s25] =	ssyncset.done $0x0  }
.Ltmp0:
0x10d: {  	[sflag:s25] =	ssyncadd.s32 $0xFFFFFF80;
	(pc) =	sbr.rel @p0 .LBB2_2-.Ltmp0, $4  }
0x10e: {  	_ =	swait.ge [sflag:s25], $0x80  }
0x10f: {  	[sflag:s25] =	ssyncset.done $0x0  }
0x110: {  	[sflag:s25] =	ssyncadd.s32 $0xFFFFFF80  }
0x111: {  	_ =	swait.ge [sflag:s25], $0x80  }
0x112: {  	[sflag:s25] =	ssyncset.done $0x0  }
0x113: {  	[sflag:s25] =	ssyncadd.s32 $0xFFFFFF80  }
0x114: {  	_ =	swait.ge [sflag:s25], $0x80  }
0x115: {  	[sflag:s25] =	ssyncset.done $0x0  }
0x116: {  	[sflag:s25] =	ssyncadd.s32 $0xFFFFFF80  }
0x117: {  	_ =	swait.ge [sflag:s25], $0x80  }
0x118: {  	[sflag:s25] =	ssyncset.done $0x0  }
0x119: {  	[sflag:s25] =	ssyncadd.s32 $0xFFFFFF80  }
0x11a: {  	_ =	swait.ge [sflag:s25], $0x80  }
0x11b: {  	[sflag:s25] =	ssyncset.done $0x0  }
0x11c: {  	[sflag:s25] =	ssyncadd.s32 $0xFFFFFF80  }
0x11d: {  	_ =	swait.ge [sflag:s25], $0x80  }
0x11e: {  	[sflag:s25] =	ssyncset.done $0x0  }
0x11f: {  	[sflag:s25] =	ssyncadd.s32 $0xFFFFFF80  }
0x120: {  	_ =	swait.ge [sflag:s25], $0x80  }
0x121: {  	[sflag:s25] =	ssyncset.done $0x0  }
0x122: {  	[sflag:s25] =	ssyncadd.s32 $0xFFFFFF80  }
0x123: {  	_ =	swait.ge [sflag:s25], $0x80  }
0x124: {  	[sflag:s25] =	ssyncset.done $0x0  }
0x125: {  	[sflag:s25] =	ssyncadd.s32 $0xFFFFFF80  }
0x126: {  	_ =	swait.ge [sflag:s25], $0x80  }
0x127: {  	[sflag:s25] =	ssyncset.done $0x0  }
0x128: {  	[sflag:s25] =	ssyncadd.s32 $0xFFFFFF80  }
0x129: {  	_ =	swait.ge [sflag:s25], $0x80  }
0x12a: {  	[sflag:s25] =	ssyncset.done $0x0  }
0x12b: {  	[sflag:s25] =	ssyncadd.s32 $0xFFFFFF80  }
0x12c: {  	_ =	swait.ge [sflag:s25], $0x80  }
0x12d: {  	[sflag:s25] =	ssyncset.done $0x0  }
0x12e: {  	[sflag:s25] =	ssyncadd.s32 $0xFFFFFF80  }
0x12f: {  	_ =	swait.ge [sflag:s25], $0x80  }
0x130: {  	[sflag:s25] =	ssyncset.done $0x0  }
0x131: {  	[sflag:s25] =	ssyncadd.s32 $0xFFFFFF80  }
0x132: {  	_ =	swait.ge [sflag:s25], $0x80  }
0x133: {  	[sflag:s25] =	ssyncset.done $0x0  }
0x134: {  	[sflag:s25] =	ssyncadd.s32 $0xFFFFFF80  }
0x135: {  	_ =	swait.ge [sflag:s25], $0x80  }
0x136: {  	[sflag:s25] =	ssyncset.done $0x0  }
0x137: {  	[sflag:s25] =	ssyncadd.s32 $0xFFFFFF80  }
0x138: {  	_ =	swait.ge [sflag:s25], $0x80  }
0x139: {  	[sflag:s25] =	ssyncset.done $0x0  }
0x13a: {  	[sflag:s25] =	ssyncadd.s32 $0xFFFFFF80  }
0x13b: {  	_ =	swait.ge [sflag:s25], $0x80  }
0x13c: {  	[sflag:s25] =	ssyncset.done $0x0  }
0x13d: {  	[sflag:s25] =	ssyncadd.s32 $0xFFFFFF80  }
0x13e: {  	_ =	swait.ge [sflag:s25], $0x80  }
0x13f: {  	[sflag:s25] =	ssyncset.done $0x0  }
0x140: {  	[sflag:s25] =	ssyncadd.s32 $0xFFFFFF80  }
0x141: {  	_ =	swait.ge [sflag:s25], $0x80  }
0x142: {  	[sflag:s25] =	ssyncset.done $0x0  }
0x143: {  	[sflag:s25] =	ssyncadd.s32 $0xFFFFFF80  }
0x144: {  	_ =	swait.ge [sflag:s25], $0x80  }
0x145: {  	[sflag:s25] =	ssyncset.done $0x0  }
0x146: {  	[sflag:s25] =	ssyncadd.s32 $0xFFFFFF80  }
0x147: {  	_ =	swait.ge [sflag:s25], $0x80  }
0x148: {  	[sflag:s25] =	ssyncset.done $0x0  }
0x149: {  	s0 =	simm.s32 $0x0;
	[sflag:s25] =	ssyncadd.s32 $0xFFFFFF80  }
0x14a: {  	[hbm4b:s5+s0] =	stream.linear.scatter [tilespmem:s9], [sflag:$0x2], $0x8000, $0x38;
	[tilespmem:$0x8200] =	vst v63  }
0x14b: {  	_ =	swait.ge [sflag:s8], $0x8000  }
0x14c: {  	[sflag:s8] =	ssyncset.done $0x0  }
0x14d: {  	[sflag:s8] =	ssyncadd.s32 $0xFFFF8000  }
0x14e: {  	v0 =	vld [tilespmem:$0x100];
	_ =	sdelay $0x4  }
0x14f: {  	v0 =	vshll.u32 v0, $0x4  }
0x150: {  	(v2sf) =	vpush v0, $0x0;
	_ =	sdelay $0x6  }
0x151: {  	(v2sf) =	vpush v0, $0x1;
	_ =	sdelay $0x2  }
0x152: {  	(v2sf) =	vpush v0, $0x2;
	_ =	sdelay $0x2  }
0x153: {  	(v2sf) =	vpush v0, $0x3;
	_ =	sdelay $0x1  }
0x154: {  	s1 =	spop (v2sf);
	(v2sf) =	vpush v0, $0x4;
	_ =	sdelay $0x1  }
0x155: {  	(v2sf) =	vpush v0, $0x5;
	_ =	sdelay $0x1  }
0x156: {  	(v2sf) =	vpush v0, $0x6;
	_ =	sdelay $0x1  }
0x157: {  	s1 =	sand.u32 $0x1FFFFFF0, s1  }
0x158: {  	s31 =	spop (v2sf);
	s1 =	sadd.s32 s3, s1;
	(v2sf) =	vpush v0, $0x7  }
0x159: {  	[tilespmem:s9], [sflag:$0x1] =	stream.linear.gather [hbm4b:s1+s0], $0x80, $0x38;
	[tilespmem:$0x8200] =	vst v63  }
0x15a: {  	s1 =	sand.u32 $0x1FFFFFF0, s31  }
0x15b: {  	s4 =	spop (v2sf);
	s1 =	sadd.s32 s3, s1  }
0x15c: {  	[tilespmem:s24], [sflag:$0x1] =	stream.linear.gather [hbm4b:s1+s0], $0x80, $0x38;
	[tilespmem:$0x8200] =	vst v63  }
0x15d: {  	s1 =	sand.u32 $0x1FFFFFF0, s4  }
0x15e: {  	s10 =	spop (v2sf);
	s4 =	simm.s32 $0x300;
	s1 =	sadd.s32 s3, s1  }
0x15f: {  	[tilespmem:s4], [sflag:$0x1] =	stream.linear.gather [hbm4b:s1+s0], $0x80, $0x38;
	[tilespmem:$0x8200] =	vst v63  }
0x160: {  	s12 =	spop (v2sf);
	(v2sf) =	vpush v0, $0x8  }
0x161: {  	s1 =	sand.u32 $0x1FFFFFF0, s10  }
0x162: {  	s11 =	simm.s32 $0x380;
	s1 =	sadd.s32 s3, s1;
	s14 =	spop (v2sf);
	(v2sf) =	vpush v0, $0x9  }
0x163: {  	[tilespmem:s11], [sflag:$0x1] =	stream.linear.gather [hbm4b:s1+s0], $0x80, $0x38;
	[tilespmem:$0x8200] =	vst v63  }
0x164: {  	s1 =	sand.u32 $0x1FFFFFF0, s12;
	s16 =	spop (v2sf);
	(v2sf) =	vpush v0, $0xA  }
0x165: {  	s13 =	simm.s32 $0x400;
	s1 =	sadd.s32 s3, s1  }
0x166: {  	[tilespmem:s13], [sflag:$0x1] =	stream.linear.gather [hbm4b:s1+s0], $0x80, $0x38;
	[tilespmem:$0x8200] =	vst v63  }
0x167: {  	s18 =	spop (v2sf);
	(v2sf) =	vpush v0, $0xB  }
0x168: {  	s1 =	sand.u32 $0x1FFFFFF0, s14  }
0x169: {  	s15 =	simm.s32 $0x480;
	s1 =	sadd.s32 s3, s1  }
0x16a: {  	[tilespmem:s15], [sflag:$0x1] =	stream.linear.gather [hbm4b:s1+s0], $0x80, $0x38;
	[tilespmem:$0x8200] =	vst v63  }
0x16b: {  	s1 =	sand.u32 $0x1FFFFFF0, s16  }
0x16c: {  	s17 =	simm.s32 $0x500;
	s1 =	sadd.s32 s3, s1  }
0x16d: {  	[tilespmem:s17], [sflag:$0x1] =	stream.linear.gather [hbm4b:s1+s0], $0x80, $0x38;
	[tilespmem:$0x8200] =	vst v63  }
0x16e: {  	s1 =	sand.u32 $0x1FFFFFF0, s18  }
0x16f: {  	s19 =	simm.s32 $0x580;
	s1 =	sadd.s32 s3, s1;
	s20 =	spop (v2sf);
	(v2sf) =	vpush v0, $0xC  }
0x170: {  	[tilespmem:s19], [sflag:$0x1] =	stream.linear.gather [hbm4b:s1+s0], $0x80, $0x38;
	[tilespmem:$0x8200] =	vst v63  }
0x171: {  	s22 =	spop (v2sf);
	(v2sf) =	vpush v0, $0xD  }
0x172: {  	s1 =	sand.u32 $0x1FFFFFF0, s20  }
0x173: {  	s21 =	simm.s32 $0x600;
	s1 =	sadd.s32 s3, s1;
	s24 =	spop (v2sf)  }
0x174: {  	(v2sf) =	vpush v0, $0xE;
	[tilespmem:s21], [sflag:$0x1] =	stream.linear.gather [hbm4b:s1+s0], $0x80, $0x38;
	[tilespmem:$0x8200] =	vst v63  }
0x175: {  	s1 =	sand.u32 $0x1FFFFFF0, s22  }
0x176: {  	s23 =	simm.s32 $0x680;
	s10 =	spop (v2sf);
	s1 =	sadd.s32 s3, s1  }
0x177: {  	(v2sf) =	vpush v0, $0xF;
	[tilespmem:s23], [sflag:$0x1] =	stream.linear.gather [hbm4b:s1+s0], $0x80, $0x38;
	[tilespmem:$0x8200] =	vst v63  }
0x178: {  	s1 =	sand.u32 $0x1FFFFFF0, s24  }
0x179: {  	s31 =	simm.s32 $0x700;
	s1 =	sadd.s32 s3, s1  }
0x17a: {  	[tilespmem:s31], [sflag:$0x1] =	stream.linear.gather [hbm4b:s1+s0], $0x80, $0x38;
	[tilespmem:$0x8200] =	vst v63  }
0x17b: {  	s1 =	sand.u32 $0x1FFFFFF0, s10  }
0x17c: {  	s11 =	simm.s32 $0x780;
	s1 =	sadd.s32 s3, s1  }
0x17d: {  	[tilespmem:s11], [sflag:$0x1] =	stream.linear.gather [hbm4b:s1+s0], $0x80, $0x38;
	[tilespmem:$0x8200] =	vst v63  }
0x17e: {  	s12 =	spop (v2sf)  }
0x17f: {  	s1 =	sand.u32 $0x1FFFFFF0, s12  }
0x180: {  	s13 =	simm.s32 $0x800;
	s14 =	spop (v2sf);
	s1 =	sadd.s32 s3, s1  }
0x181: {  	[tilespmem:s13], [sflag:$0x1] =	stream.linear.gather [hbm4b:s1+s0], $0x80, $0x38;
	[tilespmem:$0x8200] =	vst v63  }
0x182: {  	s1 =	sand.u32 $0x1FFFFFF0, s14  }
0x183: {  	s15 =	simm.s32 $0x880;
	s16 =	spop (v2sf);
	s1 =	sadd.s32 s3, s1  }
0x184: {  	[tilespmem:s15], [sflag:$0x1] =	stream.linear.gather [hbm4b:s1+s0], $0x80, $0x38;
	[tilespmem:$0x8200] =	vst v63  }
0x185: {  	s1 =	sand.u32 $0x1FFFFFF0, s16  }
0x186: {  	s17 =	simm.s32 $0x900;
	s18 =	spop (v2sf);
	s1 =	sadd.s32 s3, s1  }
0x187: {  	[tilespmem:s17], [sflag:$0x1] =	stream.linear.gather [hbm4b:s1+s0], $0x80, $0x38;
	[tilespmem:$0x8200] =	vst v63  }
0x188: {  	s1 =	sand.u32 $0x1FFFFFF0, s18  }
0x189: {  	s19 =	simm.s32 $0x980;
	s20 =	simm.s32 $0x10;
	s1 =	sadd.s32 s3, s1  }
0x18a: {  	[tilespmem:s19], [sflag:$0x1] =	stream.linear.gather [hbm4b:s1+s0], $0x80, $0x38;
	[tilespmem:$0x8200] =	vst v63  }
0x18b: {  	s0 =	sand.u32 $0xF0, s20  }
0x18c: {  	v63 =	vld [tilespmem:s0+$0x100];
	_ =	sdelay $0x4  }
0x18d: {  	v0 =	vshll.u32 v63, $0x4  }
0x18e: {  	(v2sf) =	vpush v0, $0x0  }
0x18f: {  	(v2sf) =	vpush v0, $0x1  }
0x190: {  	(v2sf) =	vpush v0, $0x2;
	_ =	sdelay $0x1  }
0x191: {  	(v2sf) =	vpush v0, $0x3;
	_ =	sdelay $0x1  }
0x192: {  	(v2sf) =	vpush v0, $0x4;
	_ =	sdelay $0x2  }
0x193: {  	(v2sf) =	vpush v0, $0x5;
	_ =	sdelay $0x1  }
0x194: {  	(v2sf) =	vpush v0, $0x6;
	_ =	sdelay $0x2  }
0x195: {  	s23 =	simm.s32 $0xA00;
	s24 =	simm.s32 $0xA80;
	s10 =	simm.s32 $0xB00  }
0x196: {  	s11 =	simm.s32 $0xB80;
	s15 =	simm.s32 $0xC00;
	s21 =	spop (v2sf);
	(v2sf) =	vpush v0, $0x7  }
0x197: {  	s16 =	simm.s32 $0xC80;
	s0 =	sand.u32 $0x1FFFFFF0, s21;
	s22 =	spop (v2sf)  }
0x198: {  	(v2sf) =	vpush v0, $0x8;
	s0 =	sadd.s32 s3, s0;
	s1 =	sand.u32 $0x1FFFFFF0, s22;
	s31 =	spop (v2sf)  }
0x199: {  	(v2sf) =	vpush v0, $0x9;
	[tilespmem:s23], [sflag:$0x1] =	stream.linear.gather [hbm4b:s0+s2], $0x80, $0x38;
	[tilespmem:$0x8200] =	vst v63  }
0x19a: {  	s20 =	simm.s32 $0xD00;
	s1 =	sadd.s32 s3, s1;
	s4 =	spop (v2sf)  }
0x19b: {  	(v2sf) =	vpush v0, $0xA;
	[tilespmem:s24], [sflag:$0x1] =	stream.linear.gather [hbm4b:s1+s2], $0x80, $0x38;
	[tilespmem:$0x8200] =	vst v63  }
0x19c: {  	s21 =	simm.s32 $0xD80;
	s12 =	spop (v2sf);
	s1 =	sand.u32 $0x1FFFFFF0, s31  }
0x19d: {  	(v2sf) =	vpush v0, $0xB;
	s13 =	sand.u32 $0x1FFFFFF0, s12;
	s0 =	sadd.s32 s3, s1;
	s1 =	sand.u32 $0x1FFFFFF0, s4  }
0x19e: {  	[tilespmem:s10], [sflag:$0x1] =	stream.linear.gather [hbm4b:s0+s2], $0x80, $0x38;
	[tilespmem:$0x8200] =	vst v63  }
0x19f: {  	s14 =	spop (v2sf);
	(v2sf) =	vpush v0, $0xC;
	s31 =	simm.s32 $0xE00;
	s1 =	sadd.s32 s3, s1  }
0x1a0: {  	[tilespmem:s11], [sflag:$0x1] =	stream.linear.gather [hbm4b:s1+s2], $0x80, $0x38;
	[tilespmem:$0x8200] =	vst v63  }
0x1a1: {  	s17 =	spop (v2sf);
	(v2sf) =	vpush v0, $0xD;
	s0 =	sadd.s32 s3, s13;
	s1 =	sand.u32 $0x1FFFFFF0, s14  }
0x1a2: {  	[tilespmem:s15], [sflag:$0x1] =	stream.linear.gather [hbm4b:s0+s2], $0x80, $0x38;
	[tilespmem:$0x8200] =	vst v63  }
0x1a3: {  	s18 =	sand.u32 $0x1FFFFFF0, s17;
	s10 =	simm.s32 $0xE80;
	s1 =	sadd.s32 s3, s1  }
0x1a4: {  	[tilespmem:s16], [sflag:$0x1] =	stream.linear.gather [hbm4b:s1+s2], $0x80, $0x38;
	[tilespmem:$0x8200] =	vst v63  }
0x1a5: {  	s14 =	simm.s32 $0xF00;
	s0 =	sadd.s32 s3, s18;
	s19 =	spop (v2sf);
	(v2sf) =	vpush v0, $0xE  }
0x1a6: {  	[tilespmem:s20], [sflag:$0x1] =	stream.linear.gather [hbm4b:s0+s2], $0x80, $0x38;
	[tilespmem:$0x8200] =	vst v63  }
0x1a7: {  	s15 =	simm.s32 $0xF80;
	s1 =	sand.u32 $0x1FFFFFF0, s19;
	s22 =	spop (v2sf);
	(v2sf) =	vpush v0, $0xF  }
0x1a8: {  	s1 =	sadd.s32 s3, s1;
	s23 =	sand.u32 $0x1FFFFFF0, s22;
	s24 =	spop (v2sf)  }
0x1a9: {  	[tilespmem:s21], [sflag:$0x1] =	stream.linear.gather [hbm4b:s1+s2], $0x80, $0x38;
	[tilespmem:$0x8200] =	vst v63  }
0x1aa: {  	s0 =	sadd.s32 s3, s23;
	s1 =	sand.u32 $0x1FFFFFF0, s24;
	s11 =	spop (v2sf)  }
0x1ab: {  	[tilespmem:s31], [sflag:$0x1] =	stream.linear.gather [hbm4b:s0+s2], $0x80, $0x38;
	[tilespmem:$0x8200] =	vst v63  }
0x1ac: {  	s1 =	sadd.s32 s3, s1;
	s12 =	sand.u32 $0x1FFFFFF0, s11;
	s13 =	spop (v2sf)  }
0x1ad: {  	[tilespmem:s10], [sflag:$0x1] =	stream.linear.gather [hbm4b:s1+s2], $0x80, $0x38;
	[tilespmem:$0x8200] =	vst v63  }
0x1ae: {  	s0 =	sadd.s32 s3, s12;
	s16 =	spop (v2sf);
	s1 =	sand.u32 $0x1FFFFFF0, s13  }
0x1af: {  	[tilespmem:s14], [sflag:$0x1] =	stream.linear.gather [hbm4b:s0+s2], $0x80, $0x38;
	[tilespmem:$0x8200] =	vst v63  }
0x1b0: {  	s17 =	sand.u32 $0x1FFFFFF0, s16;
	s18 =	spop (v2sf);
	s1 =	sadd.s32 s3, s1  }
0x1b1: {  	[tilespmem:s15], [sflag:$0x1] =	stream.linear.gather [hbm4b:s1+s2], $0x80, $0x38;
	[tilespmem:$0x8200] =	vst v63  }
0x1b2: {  	s19 =	simm.s32 $0x1000;
	s0 =	sadd.s32 s3, s17;
	s1 =	sand.u32 $0x1FFFFFF0, s18  }
0x1b3: {  	[tilespmem:s19], [sflag:$0x1] =	stream.linear.gather [hbm4b:s0+s2], $0x80, $0x38;
	[tilespmem:$0x8200] =	vst v63  }
0x1b4: {  	s20 =	simm.s32 $0x1080;
	s1 =	sadd.s32 s3, s1;
	s21 =	spop (v2sf)  }
0x1b5: {  	[tilespmem:s20], [sflag:$0x1] =	stream.linear.gather [hbm4b:s1+s2], $0x80, $0x38;
	[tilespmem:$0x8200] =	vst v63  }
0x1b6: {  	s22 =	sand.u32 $0x1FFFFFF0, s21;
	s23 =	spop (v2sf)  }
0x1b7: {  	s24 =	simm.s32 $0x1100;
	s0 =	sadd.s32 s3, s22;
	s1 =	sand.u32 $0x1FFFFFF0, s23  }
0x1b8: {  	[tilespmem:s24], [sflag:$0x1] =	stream.linear.gather [hbm4b:s0+s2], $0x80, $0x38;
	[tilespmem:$0x8200] =	vst v63  }
0x1b9: {  	s31 =	simm.s32 $0x1180;
	s1 =	sadd.s32 s3, s1  }
0x1ba: {  	[tilespmem:s31], [sflag:$0x1] =	stream.linear.gather [hbm4b:s1+s2], $0x80, $0x38;
	[tilespmem:$0x8200] =	vst v63  }
0x1bb: {  	_ =	swait.ge [sflag:s25], $0x80  }
0x1bc: {  	[sflag:s25] =	ssyncset.done $0x0  }
0x1bd: {  	[sflag:s25] =	ssyncadd.s32 $0xFFFFFF80  }
0x1be: {  	_ =	swait.ge [sflag:s25], $0x80  }
0x1bf: {  	[sflag:s25] =	ssyncset.done $0x0  }
0x1c0: {  	[sflag:s25] =	ssyncadd.s32 $0xFFFFFF80  }
0x1c1: {  	_ =	swait.ge [sflag:s25], $0x80  }
0x1c2: {  	[sflag:s25] =	ssyncset.done $0x0  }
0x1c3: {  	[sflag:s25] =	ssyncadd.s32 $0xFFFFFF80  }
0x1c4: {  	_ =	swait.ge [sflag:s25], $0x80  }
0x1c5: {  	[sflag:s25] =	ssyncset.done $0x0  }
0x1c6: {  	[sflag:s25] =	ssyncadd.s32 $0xFFFFFF80  }
0x1c7: {  	_ =	swait.ge [sflag:s25], $0x80  }
0x1c8: {  	[sflag:s25] =	ssyncset.done $0x0  }
0x1c9: {  	[sflag:s25] =	ssyncadd.s32 $0xFFFFFF80  }
0x1ca: {  	_ =	swait.ge [sflag:s25], $0x80  }
0x1cb: {  	[sflag:s25] =	ssyncset.done $0x0  }
0x1cc: {  	[sflag:s25] =	ssyncadd.s32 $0xFFFFFF80  }
0x1cd: {  	_ =	swait.ge [sflag:s25], $0x80  }
0x1ce: {  	[sflag:s25] =	ssyncset.done $0x0  }
0x1cf: {  	[sflag:s25] =	ssyncadd.s32 $0xFFFFFF80  }
0x1d0: {  	_ =	swait.ge [sflag:s25], $0x80  }
0x1d1: {  	[sflag:s25] =	ssyncset.done $0x0  }
0x1d2: {  	[sflag:s25] =	ssyncadd.s32 $0xFFFFFF80  }
0x1d3: {  	_ =	swait.ge [sflag:s25], $0x80  }
0x1d4: {  	[sflag:s25] =	ssyncset.done $0x0  }
0x1d5: {  	[sflag:s25] =	ssyncadd.s32 $0xFFFFFF80  }
0x1d6: {  	_ =	swait.ge [sflag:s25], $0x80  }
0x1d7: {  	[sflag:s25] =	ssyncset.done $0x0  }
0x1d8: {  	[sflag:s25] =	ssyncadd.s32 $0xFFFFFF80  }
0x1d9: {  	_ =	swait.ge [sflag:s25], $0x80  }
0x1da: {  	[sflag:s25] =	ssyncset.done $0x0  }
0x1db: {  	[sflag:s25] =	ssyncadd.s32 $0xFFFFFF80  }
0x1dc: {  	_ =	swait.ge [sflag:s25], $0x80  }
0x1dd: {  	[sflag:s25] =	ssyncset.done $0x0  }
0x1de: {  	[sflag:s25] =	ssyncadd.s32 $0xFFFFFF80  }
0x1df: {  	_ =	swait.ge [sflag:s25], $0x80  }
0x1e0: {  	[sflag:s25] =	ssyncset.done $0x0  }
0x1e1: {  	s28 =	simm.s32 $0x2000;
	[sflag:s25] =	ssyncadd.s32 $0xFFFFFF80  }
0x1e2: {  	s30 =	simm.s32 $0x4000;
	s29 =	simm.s32 $0x20;
	_ =	swait.ge [sflag:s25], $0x80  }
.LBB2_4:
0x1e3: {  	p0 =	sne.s32 s30, $0x1C000;
	s0 =	sand.u32 $0xF0, s29;
	[sflag:s25] =	ssyncset.done $0x0  }
0x1e4: {  	s1 =	smov.u32 s30;
	s30 =	sadd.s32 $0x2000, s30;
	[sflag:s25] =	ssyncadd.s32 $0xFFFFFF80  }
0x1e5: {  	_ =	swait.ge [sflag:s25], $0x80  }
0x1e6: {  	[sflag:s25] =	ssyncset.done $0x0  }
0x1e7: {  	[sflag:s25] =	ssyncadd.s32 $0xFFFFFF80  }
0x1e8: {  	_ =	swait.ge [sflag:s25], $0x80  }
0x1e9: {  	[sflag:s25] =	ssyncset.done $0x0  }
0x1ea: {  	[sflag:s25] =	ssyncadd.s32 $0xFFFFFF80  }
0x1eb: {  	v0 =	vld [tilespmem:s0+$0x100];
	_ =	sdelay $0x4  }
0x1ec: {  	v0 =	vshll.u32 v0, $0x4  }
0x1ed: {  	(v2sf) =	vpush v0, $0x0  }
0x1ee: {  	(v2sf) =	vpush v0, $0x1  }
0x1ef: {  	(v2sf) =	vpush v0, $0x2;
	_ =	sdelay $0x1  }
0x1f0: {  	(v2sf) =	vpush v0, $0x3;
	_ =	sdelay $0x1  }
0x1f1: {  	(v2sf) =	vpush v0, $0x4;
	_ =	sdelay $0x1  }
0x1f2: {  	(v2sf) =	vpush v0, $0x5  }
0x1f3: {  	s31 =	sshra.s32 s28, $0x2;
	s28 =	smov.u32 s1  }
0x1f4: {  	s4 =	sadd.s32 $0xA80, s31;
	s15 =	sadd.s32 $0xB80, s31;
	s16 =	sadd.s32 $0xC00, s31;
	(v2sf) =	vpush v0, $0x6  }
0x1f5: {  	s17 =	sadd.s32 $0xA00, s31;
	s18 =	sadd.s32 $0xB00, s31  }
0x1f6: {  	s19 =	sadd.s32 $0xC80, s31;
	(v2sf) =	vpush v0, $0x7  }
0x1f7: {  	s10 =	sadd.s32 $0x1000, s31;
	s1 =	sadd.s32 $0x1080, s31;
	s0 =	sadd.s32 $0x1180, s31  }
0x1f8: {  	s20 =	sadd.s32 $0xD00, s31;
	s12 =	sadd.s32 $0xF00, s31;
	s11 =	sadd.s32 $0xF80, s31;
	(v2sf) =	vpush v0, $0x8  }
0x1f9: {  	s14 =	sadd.s32 $0xE00, s31;
	s13 =	sadd.s32 $0xE80, s31;
	s21 =	spop (v2sf)  }
0x1fa: {  	s22 =	sadd.s32 $0xD80, s31;
	s21 =	sand.u32 $0x1FFFFFF0, s21;
	s23 =	spop (v2sf);
	(v2sf) =	vpush v0, $0x9  }
0x1fb: {  	s21 =	sadd.s32 s3, s21;
	s23 =	sand.u32 $0x1FFFFFF0, s23;
	s24 =	spop (v2sf)  }
0x1fc: {  	[tilespmem:s17], [sflag:$0x1] =	stream.linear.gather [hbm4b:s21+s2], $0x80, $0x38;
	(v2sf) =	vpush v0, $0xA;
	[tilespmem:$0x8200] =	vst v63  }
0x1fd: {  	s17 =	sadd.s32 s3, s23;
	s21 =	sand.u32 $0x1FFFFFF0, s24;
	s23 =	spop (v2sf)  }
0x1fe: {  	[tilespmem:s4], [sflag:$0x1] =	stream.linear.gather [hbm4b:s17+s2], $0x80, $0x38;
	(v2sf) =	vpush v0, $0xB;
	[tilespmem:$0x8200] =	vst v63  }
0x1ff: {  	s4 =	sadd.s32 s3, s21;
	s17 =	sand.u32 $0x1FFFFFF0, s23;
	s21 =	spop (v2sf)  }
0x200: {  	[tilespmem:s18], [sflag:$0x1] =	stream.linear.gather [hbm4b:s4+s2], $0x80, $0x38;
	(v2sf) =	vpush v0, $0xC;
	[tilespmem:$0x8200] =	vst v63  }
0x201: {  	s4 =	sadd.s32 s3, s17;
	s17 =	sand.u32 $0x1FFFFFF0, s21;
	s18 =	spop (v2sf)  }
0x202: {  	[tilespmem:s15], [sflag:$0x1] =	stream.linear.gather [hbm4b:s4+s2], $0x80, $0x38;
	(v2sf) =	vpush v0, $0xD;
	[tilespmem:$0x8200] =	vst v63  }
0x203: {  	s4 =	sadd.s32 s3, s17;
	s15 =	sand.u32 $0x1FFFFFF0, s18;
	s17 =	spop (v2sf)  }
0x204: {  	[tilespmem:s16], [sflag:$0x1] =	stream.linear.gather [hbm4b:s4+s2], $0x80, $0x38;
	(v2sf) =	vpush v0, $0xE;
	[tilespmem:$0x8200] =	vst v63  }
0x205: {  	s4 =	sadd.s32 s3, s15;
	s15 =	sand.u32 $0x1FFFFFF0, s17;
	s16 =	spop (v2sf)  }
0x206: {  	[tilespmem:s19], [sflag:$0x1] =	stream.linear.gather [hbm4b:s4+s2], $0x80, $0x38;
	(v2sf) =	vpush v0, $0xF;
	[tilespmem:$0x8200] =	vst v63  }
0x207: {  	s4 =	sadd.s32 s3, s15;
	s15 =	sand.u32 $0x1FFFFFF0, s16;
	s16 =	spop (v2sf)  }
0x208: {  	[tilespmem:s20], [sflag:$0x1] =	stream.linear.gather [hbm4b:s4+s2], $0x80, $0x38;
	[tilespmem:$0x8200] =	vst v63  }
0x209: {  	s4 =	sadd.s32 s3, s15;
	s15 =	sand.u32 $0x1FFFFFF0, s16;
	s16 =	spop (v2sf)  }
0x20a: {  	[tilespmem:s22], [sflag:$0x1] =	stream.linear.gather [hbm4b:s4+s2], $0x80, $0x38;
	[tilespmem:$0x8200] =	vst v63  }
0x20b: {  	s4 =	sadd.s32 s3, s15;
	s15 =	sand.u32 $0x1FFFFFF0, s16;
	s16 =	spop (v2sf)  }
0x20c: {  	[tilespmem:s14], [sflag:$0x1] =	stream.linear.gather [hbm4b:s4+s2], $0x80, $0x38;
	[tilespmem:$0x8200] =	vst v63  }
0x20d: {  	s4 =	sadd.s32 s3, s15;
	s14 =	sand.u32 $0x1FFFFFF0, s16;
	s15 =	spop (v2sf)  }
0x20e: {  	[tilespmem:s13], [sflag:$0x1] =	stream.linear.gather [hbm4b:s4+s2], $0x80, $0x38;
	[tilespmem:$0x8200] =	vst v63  }
0x20f: {  	s4 =	sadd.s32 s3, s14;
	s13 =	sand.u32 $0x1FFFFFF0, s15;
	s14 =	spop (v2sf)  }
0x210: {  	[tilespmem:s12], [sflag:$0x1] =	stream.linear.gather [hbm4b:s4+s2], $0x80, $0x38;
	[tilespmem:$0x8200] =	vst v63  }
0x211: {  	s4 =	sadd.s32 s3, s13;
	s12 =	sand.u32 $0x1FFFFFF0, s14;
	s13 =	spop (v2sf)  }
0x212: {  	[tilespmem:s11], [sflag:$0x1] =	stream.linear.gather [hbm4b:s4+s2], $0x80, $0x38;
	[tilespmem:$0x8200] =	vst v63  }
0x213: {  	s4 =	sadd.s32 s3, s12;
	s11 =	sand.u32 $0x1FFFFFF0, s13;
	s12 =	spop (v2sf)  }
0x214: {  	[tilespmem:s10], [sflag:$0x1] =	stream.linear.gather [hbm4b:s4+s2], $0x80, $0x38;
	[tilespmem:$0x8200] =	vst v63  }
0x215: {  	s4 =	sadd.s32 s3, s11;
	s10 =	sand.u32 $0x1FFFFFF0, s12;
	s11 =	spop (v2sf)  }
0x216: {  	[tilespmem:s1], [sflag:$0x1] =	stream.linear.gather [hbm4b:s4+s2], $0x80, $0x38;
	[tilespmem:$0x8200] =	vst v63  }
0x217: {  	s1 =	sadd.s32 $0x1100, s31;
	s4 =	sadd.s32 s3, s10;
	s10 =	sand.u32 $0x1FFFFFF0, s11  }
0x218: {  	[tilespmem:s1], [sflag:$0x1] =	stream.linear.gather [hbm4b:s4+s2], $0x80, $0x38;
	[tilespmem:$0x8200] =	vst v63  }
0x219: {  	s1 =	sadd.s32 s3, s10  }
0x21a: {  	[tilespmem:s0], [sflag:$0x1] =	stream.linear.gather [hbm4b:s1+s2], $0x80, $0x38;
	[tilespmem:$0x8200] =	vst v63  }
0x21b: {  	_ =	swait.ge [sflag:s25], $0x80  }
0x21c: {  	[sflag:s25] =	ssyncset.done $0x0  }
0x21d: {  	[sflag:s25] =	ssyncadd.s32 $0xFFFFFF80  }
0x21e: {  	_ =	swait.ge [sflag:s25], $0x80  }
0x21f: {  	[sflag:s25] =	ssyncset.done $0x0  }
0x220: {  	[sflag:s25] =	ssyncadd.s32 $0xFFFFFF80  }
0x221: {  	_ =	swait.ge [sflag:s25], $0x80  }
0x222: {  	[sflag:s25] =	ssyncset.done $0x0  }
0x223: {  	[sflag:s25] =	ssyncadd.s32 $0xFFFFFF80  }
0x224: {  	_ =	swait.ge [sflag:s25], $0x80  }
0x225: {  	[sflag:s25] =	ssyncset.done $0x0  }
0x226: {  	[sflag:s25] =	ssyncadd.s32 $0xFFFFFF80  }
0x227: {  	_ =	swait.ge [sflag:s25], $0x80  }
0x228: {  	[sflag:s25] =	ssyncset.done $0x0  }
0x229: {  	[sflag:s25] =	ssyncadd.s32 $0xFFFFFF80  }
0x22a: {  	_ =	swait.ge [sflag:s25], $0x80  }
0x22b: {  	[sflag:s25] =	ssyncset.done $0x0  }
0x22c: {  	[sflag:s25] =	ssyncadd.s32 $0xFFFFFF80  }
0x22d: {  	_ =	swait.ge [sflag:s25], $0x80  }
0x22e: {  	[sflag:s25] =	ssyncset.done $0x0  }
0x22f: {  	[sflag:s25] =	ssyncadd.s32 $0xFFFFFF80  }
0x230: {  	_ =	swait.ge [sflag:s25], $0x80  }
0x231: {  	[sflag:s25] =	ssyncset.done $0x0  }
0x232: {  	[sflag:s25] =	ssyncadd.s32 $0xFFFFFF80  }
0x233: {  	_ =	swait.ge [sflag:s25], $0x80  }
0x234: {  	[sflag:s25] =	ssyncset.done $0x0  }
0x235: {  	[sflag:s25] =	ssyncadd.s32 $0xFFFFFF80  }
0x236: {  	_ =	swait.ge [sflag:s25], $0x80  }
0x237: {  	[sflag:s25] =	ssyncset.done $0x0  }
0x238: {  	[sflag:s25] =	ssyncadd.s32 $0xFFFFFF80  }
0x239: {  	_ =	swait.ge [sflag:s25], $0x80  }
0x23a: {  	[sflag:s25] =	ssyncset.done $0x0  }
0x23b: {  	[sflag:s25] =	ssyncadd.s32 $0xFFFFFF80  }
0x23c: {  	_ =	swait.ge [sflag:s25], $0x80  }
0x23d: {  	[sflag:s25] =	ssyncset.done $0x0  }
.Ltmp1:
0x23e: {  	[sflag:s25] =	ssyncadd.s32 $0xFFFFFF80;
	(pc) =	sbr.rel @p0 .LBB2_4-.Ltmp1, $4  }
0x23f: {  	_ =	swait.ge [sflag:s25], $0x80  }
0x240: {  	[sflag:s25] =	ssyncset.done $0x0  }
0x241: {  	[sflag:s25] =	ssyncadd.s32 $0xFFFFFF80  }
0x242: {  	s29 =	sadd.s32 $0x10, s29;
	_ =	swait.ge [sflag:s25], $0x80  }
0x243: {  	[sflag:s25] =	ssyncset.done $0x0  }
0x244: {  	[sflag:s25] =	ssyncadd.s32 $0xFFFFFF80  }
0x245: {  	_ =	swait.ge [sflag:s25], $0x80  }
0x246: {  	[sflag:s25] =	ssyncset.done $0x0  }
0x247: {  	[sflag:s25] =	ssyncadd.s32 $0xFFFFFF80  }
0x248: {  	_ =	swait.ge [sflag:s25], $0x80  }
0x249: {  	[sflag:s25] =	ssyncset.done $0x0  }
0x24a: {  	s0 =	sand.u32 $0xF0, s29;
	[sflag:s25] =	ssyncadd.s32 $0xFFFFFF80  }
0x24b: {  	v0 =	vld [tilespmem:s0+$0x100];
	_ =	sdelay $0x4  }
0x24c: {  	v0 =	vshll.u32 v0, $0x4  }
0x24d: {  	(v2sf) =	vpush v0, $0x0;
	_ =	sdelay $0x1  }
0x24e: {  	(v2sf) =	vpush v0, $0x1;
	_ =	sdelay $0x1  }
0x24f: {  	(v2sf) =	vpush v0, $0x2;
	_ =	sdelay $0x2  }
0x250: {  	(v2sf) =	vpush v0, $0x3;
	_ =	sdelay $0x7  }
0x251: {  	s1 =	spop (v2sf);
	(v2sf) =	vpush v0, $0x4;
	_ =	sdelay $0x1  }
0x252: {  	s19 =	spop (v2sf);
	(v2sf) =	vpush v0, $0x5;
	_ =	sdelay $0x1  }
0x253: {  	s21 =	spop (v2sf);
	(v2sf) =	vpush v0, $0x6;
	_ =	sdelay $0x1  }
0x254: {  	s0 =	sshra.s32 s28, $0x2;
	s1 =	sand.u32 $0x1FFFFFF0, s1  }
0x255: {  	s4 =	sadd.s32 $0xA00, s0;
	s1 =	sadd.s32 s3, s1;
	s23 =	spop (v2sf);
	(v2sf) =	vpush v0, $0x7  }
0x256: {  	[tilespmem:s4], [sflag:$0x1] =	stream.linear.gather [hbm4b:s1+s2], $0x80, $0x38;
	[tilespmem:$0x8200] =	vst v63  }
0x257: {  	s1 =	sand.u32 $0x1FFFFFF0, s19  }
0x258: {  	s20 =	sadd.s32 $0xA80, s0;
	s1 =	sadd.s32 s3, s1  }
0x259: {  	[tilespmem:s20], [sflag:$0x1] =	stream.linear.gather [hbm4b:s1+s2], $0x80, $0x38;
	[tilespmem:$0x8200] =	vst v63  }
0x25a: {  	s1 =	sand.u32 $0x1FFFFFF0, s21  }
0x25b: {  	s22 =	sadd.s32 $0xB00, s0;
	s1 =	sadd.s32 s3, s1  }
0x25c: {  	[tilespmem:s22], [sflag:$0x1] =	stream.linear.gather [hbm4b:s1+s2], $0x80, $0x38;
	[tilespmem:$0x8200] =	vst v63  }
0x25d: {  	s28 =	spop (v2sf);
	(v2sf) =	vpush v0, $0x8  }
0x25e: {  	s1 =	sand.u32 $0x1FFFFFF0, s23  }
0x25f: {  	s24 =	sadd.s32 $0xB80, s0;
	s1 =	sadd.s32 s3, s1;
	s30 =	spop (v2sf);
	(v2sf) =	vpush v0, $0x9  }
0x260: {  	[tilespmem:s24], [sflag:$0x1] =	stream.linear.gather [hbm4b:s1+s2], $0x80, $0x38;
	[tilespmem:$0x8200] =	vst v63  }
0x261: {  	s1 =	sand.u32 $0x1FFFFFF0, s28;
	s10 =	spop (v2sf);
	(v2sf) =	vpush v0, $0xA  }
0x262: {  	s29 =	sadd.s32 $0xC00, s0;
	s1 =	sadd.s32 s3, s1  }
0x263: {  	[tilespmem:s29], [sflag:$0x1] =	stream.linear.gather [hbm4b:s1+s2], $0x80, $0x38;
	[tilespmem:$0x8200] =	vst v63  }
0x264: {  	s12 =	spop (v2sf);
	(v2sf) =	vpush v0, $0xB  }
0x265: {  	s1 =	sand.u32 $0x1FFFFFF0, s30  }
0x266: {  	s31 =	sadd.s32 $0xC80, s0;
	s1 =	sadd.s32 s3, s1  }
0x267: {  	[tilespmem:s31], [sflag:$0x1] =	stream.linear.gather [hbm4b:s1+s2], $0x80, $0x38;
	[tilespmem:$0x8200] =	vst v63  }
0x268: {  	s1 =	sand.u32 $0x1FFFFFF0, s10  }
0x269: {  	s11 =	sadd.s32 $0xD00, s0;
	s1 =	sadd.s32 s3, s1  }
0x26a: {  	[tilespmem:s11], [sflag:$0x1] =	stream.linear.gather [hbm4b:s1+s2], $0x80, $0x38;
	[tilespmem:$0x8200] =	vst v63  }
0x26b: {  	s1 =	sand.u32 $0x1FFFFFF0, s12  }
0x26c: {  	s13 =	sadd.s32 $0xD80, s0;
	s1 =	sadd.s32 s3, s1;
	s14 =	spop (v2sf);
	(v2sf) =	vpush v0, $0xC  }
0x26d: {  	[tilespmem:s13], [sflag:$0x1] =	stream.linear.gather [hbm4b:s1+s2], $0x80, $0x38;
	[tilespmem:$0x8200] =	vst v63  }
0x26e: {  	s16 =	spop (v2sf);
	(v2sf) =	vpush v0, $0xD  }
0x26f: {  	s1 =	sand.u32 $0x1FFFFFF0, s14  }
0x270: {  	s15 =	sadd.s32 $0xE00, s0;
	s1 =	sadd.s32 s3, s1;
	s18 =	spop (v2sf)  }
0x271: {  	(v2sf) =	vpush v0, $0xE;
	[tilespmem:s15], [sflag:$0x1] =	stream.linear.gather [hbm4b:s1+s2], $0x80, $0x38;
	[tilespmem:$0x8200] =	vst v63  }
0x272: {  	s1 =	sand.u32 $0x1FFFFFF0, s16  }
0x273: {  	s17 =	sadd.s32 $0xE80, s0;
	s20 =	spop (v2sf);
	s1 =	sadd.s32 s3, s1  }
0x274: {  	(v2sf) =	vpush v0, $0xF;
	[tilespmem:s17], [sflag:$0x1] =	stream.linear.gather [hbm4b:s1+s2], $0x80, $0x38;
	[tilespmem:$0x8200] =	vst v63  }
0x275: {  	s1 =	sand.u32 $0x1FFFFFF0, s18  }
0x276: {  	s19 =	sadd.s32 $0xF00, s0;
	s1 =	sadd.s32 s3, s1  }
0x277: {  	[tilespmem:s19], [sflag:$0x1] =	stream.linear.gather [hbm4b:s1+s2], $0x80, $0x38;
	[tilespmem:$0x8200] =	vst v63  }
0x278: {  	s1 =	sand.u32 $0x1FFFFFF0, s20  }
0x279: {  	s21 =	sadd.s32 $0xF80, s0;
	s1 =	sadd.s32 s3, s1  }
0x27a: {  	[tilespmem:s21], [sflag:$0x1] =	stream.linear.gather [hbm4b:s1+s2], $0x80, $0x38;
	[tilespmem:$0x8200] =	vst v63  }
0x27b: {  	s22 =	spop (v2sf)  }
0x27c: {  	s1 =	sand.u32 $0x1FFFFFF0, s22  }
0x27d: {  	s23 =	sadd.s32 $0x1000, s0;
	s24 =	spop (v2sf);
	s1 =	sadd.s32 s3, s1  }
0x27e: {  	[tilespmem:s23], [sflag:$0x1] =	stream.linear.gather [hbm4b:s1+s2], $0x80, $0x38;
	[tilespmem:$0x8200] =	vst v63  }
0x27f: {  	s1 =	sand.u32 $0x1FFFFFF0, s24  }
0x280: {  	s28 =	sadd.s32 $0x1080, s0;
	s29 =	spop (v2sf);
	s1 =	sadd.s32 s3, s1  }
0x281: {  	[tilespmem:s28], [sflag:$0x1] =	stream.linear.gather [hbm4b:s1+s2], $0x80, $0x38;
	[tilespmem:$0x8200] =	vst v63  }
0x282: {  	s1 =	sand.u32 $0x1FFFFFF0, s29  }
0x283: {  	s30 =	sadd.s32 $0x1100, s0;
	s31 =	spop (v2sf);
	s1 =	sadd.s32 s3, s1  }
0x284: {  	[tilespmem:s30], [sflag:$0x1] =	stream.linear.gather [hbm4b:s1+s2], $0x80, $0x38;
	[tilespmem:$0x8200] =	vst v63  }
0x285: {  	s1 =	sand.u32 $0x1FFFFFF0, s31  }
0x286: {  	s0 =	sadd.s32 $0x1180, s0;
	s1 =	sadd.s32 s3, s1  }
0x287: {  	[tilespmem:s0], [sflag:$0x1] =	stream.linear.gather [hbm4b:s1+s2], $0x80, $0x38;
	[tilespmem:$0x8200] =	vst v63  }
0x288: {  	_ =	swait.ge [sflag:s25], $0x80  }
0x289: {  	[sflag:s25] =	ssyncset.done $0x0  }
0x28a: {  	[sflag:s25] =	ssyncadd.s32 $0xFFFFFF80  }
0x28b: {  	_ =	swait.ge [sflag:s25], $0x80  }
0x28c: {  	[sflag:s25] =	ssyncset.done $0x0  }
0x28d: {  	[sflag:s25] =	ssyncadd.s32 $0xFFFFFF80  }
0x28e: {  	_ =	swait.ge [sflag:s25], $0x80  }
0x28f: {  	[sflag:s25] =	ssyncset.done $0x0  }
0x290: {  	[sflag:s25] =	ssyncadd.s32 $0xFFFFFF80  }
0x291: {  	_ =	swait.ge [sflag:s25], $0x80  }
0x292: {  	[sflag:s25] =	ssyncset.done $0x0  }
0x293: {  	[sflag:s25] =	ssyncadd.s32 $0xFFFFFF80  }
0x294: {  	_ =	swait.ge [sflag:s25], $0x80  }
0x295: {  	[sflag:s25] =	ssyncset.done $0x0  }
0x296: {  	[sflag:s25] =	ssyncadd.s32 $0xFFFFFF80  }
0x297: {  	_ =	swait.ge [sflag:s25], $0x80  }
0x298: {  	[sflag:s25] =	ssyncset.done $0x0  }
0x299: {  	[sflag:s25] =	ssyncadd.s32 $0xFFFFFF80  }
0x29a: {  	_ =	swait.ge [sflag:s25], $0x80  }
0x29b: {  	[sflag:s25] =	ssyncset.done $0x0  }
0x29c: {  	[sflag:s25] =	ssyncadd.s32 $0xFFFFFF80  }
0x29d: {  	_ =	swait.ge [sflag:s25], $0x80  }
0x29e: {  	[sflag:s25] =	ssyncset.done $0x0  }
0x29f: {  	[sflag:s25] =	ssyncadd.s32 $0xFFFFFF80  }
0x2a0: {  	_ =	swait.ge [sflag:s25], $0x80  }
0x2a1: {  	[sflag:s25] =	ssyncset.done $0x0  }
0x2a2: {  	[sflag:s25] =	ssyncadd.s32 $0xFFFFFF80  }
0x2a3: {  	_ =	swait.ge [sflag:s25], $0x80  }
0x2a4: {  	[sflag:s25] =	ssyncset.done $0x0  }
0x2a5: {  	[sflag:s25] =	ssyncadd.s32 $0xFFFFFF80  }
0x2a6: {  	_ =	swait.ge [sflag:s25], $0x80  }
0x2a7: {  	[sflag:s25] =	ssyncset.done $0x0  }
0x2a8: {  	[sflag:s25] =	ssyncadd.s32 $0xFFFFFF80  }
0x2a9: {  	_ =	swait.ge [sflag:s25], $0x80  }
0x2aa: {  	[sflag:s25] =	ssyncset.done $0x0  }
0x2ab: {  	[sflag:s25] =	ssyncadd.s32 $0xFFFFFF80  }
0x2ac: {  	_ =	swait.ge [sflag:s25], $0x80  }
0x2ad: {  	[sflag:s25] =	ssyncset.done $0x0  }
0x2ae: {  	[sflag:s25] =	ssyncadd.s32 $0xFFFFFF80  }
0x2af: {  	_ =	swait.ge [sflag:s25], $0x80  }
0x2b0: {  	[sflag:s25] =	ssyncset.done $0x0  }
0x2b1: {  	[sflag:s25] =	ssyncadd.s32 $0xFFFFFF80  }
0x2b2: {  	_ =	swait.ge [sflag:s25], $0x80  }
0x2b3: {  	[sflag:s25] =	ssyncset.done $0x0  }
0x2b4: {  	[sflag:s25] =	ssyncadd.s32 $0xFFFFFF80  }
0x2b5: {  	_ =	swait.ge [sflag:s25], $0x80  }
0x2b6: {  	[sflag:s25] =	ssyncset.done $0x0  }
0x2b7: {  	[sflag:s25] =	ssyncadd.s32 $0xFFFFFF80  }
0x2b8: {  	_ =	swait.ge [sflag:s25], $0x80  }
0x2b9: {  	[sflag:s25] =	ssyncset.done $0x0  }
0x2ba: {  	[sflag:s25] =	ssyncadd.s32 $0xFFFFFF80  }
0x2bb: {  	_ =	swait.ge [sflag:s25], $0x80  }
0x2bc: {  	[sflag:s25] =	ssyncset.done $0x0  }
0x2bd: {  	[sflag:s25] =	ssyncadd.s32 $0xFFFFFF80  }
0x2be: {  	_ =	swait.ge [sflag:s25], $0x80  }
0x2bf: {  	[sflag:s25] =	ssyncset.done $0x0  }
0x2c0: {  	[sflag:s25] =	ssyncadd.s32 $0xFFFFFF80  }
0x2c1: {  	_ =	swait.ge [sflag:s25], $0x80  }
0x2c2: {  	[sflag:s25] =	ssyncset.done $0x0  }
0x2c3: {  	[sflag:s25] =	ssyncadd.s32 $0xFFFFFF80  }
0x2c4: {  	_ =	swait.ge [sflag:s25], $0x80  }
0x2c5: {  	[sflag:s25] =	ssyncset.done $0x0  }
0x2c6: {  	[sflag:s25] =	ssyncadd.s32 $0xFFFFFF80  }
0x2c7: {  	_ =	swait.ge [sflag:s25], $0x80  }
0x2c8: {  	[sflag:s25] =	ssyncset.done $0x0  }
0x2c9: {  	[sflag:s25] =	ssyncadd.s32 $0xFFFFFF80  }
0x2ca: {  	_ =	swait.ge [sflag:s25], $0x80  }
0x2cb: {  	[sflag:s25] =	ssyncset.done $0x0  }
0x2cc: {  	[sflag:s25] =	ssyncadd.s32 $0xFFFFFF80  }
0x2cd: {  	_ =	swait.ge [sflag:s25], $0x80  }
0x2ce: {  	[sflag:s25] =	ssyncset.done $0x0  }
0x2cf: {  	[sflag:s25] =	ssyncadd.s32 $0xFFFFFF80  }
0x2d0: {  	_ =	swait.ge [sflag:s25], $0x80  }
0x2d1: {  	[sflag:s25] =	ssyncset.done $0x0  }
0x2d2: {  	[sflag:s25] =	ssyncadd.s32 $0xFFFFFF80  }
0x2d3: {  	_ =	swait.ge [sflag:s25], $0x80  }
0x2d4: {  	[sflag:s25] =	ssyncset.done $0x0  }
0x2d5: {  	[sflag:s25] =	ssyncadd.s32 $0xFFFFFF80  }
0x2d6: {  	_ =	swait.ge [sflag:s25], $0x80  }
0x2d7: {  	[sflag:s25] =	ssyncset.done $0x0  }
0x2d8: {  	[sflag:s25] =	ssyncadd.s32 $0xFFFFFF80  }
0x2d9: {  	_ =	swait.ge [sflag:s25], $0x80  }
0x2da: {  	[sflag:s25] =	ssyncset.done $0x0  }
0x2db: {  	[sflag:s25] =	ssyncadd.s32 $0xFFFFFF80  }
0x2dc: {  	_ =	swait.ge [sflag:s25], $0x80  }
0x2dd: {  	[sflag:s25] =	ssyncset.done $0x0  }
0x2de: {  	[sflag:s25] =	ssyncadd.s32 $0xFFFFFF80  }
0x2df: {  	_ =	swait.ge [sflag:s25], $0x80  }
0x2e0: {  	[sflag:s25] =	ssyncset.done $0x0  }
0x2e1: {  	[sflag:s25] =	ssyncadd.s32 $0xFFFFFF80  }
0x2e2: {  	_ =	swait.ge [sflag:s25], $0x80  }
0x2e3: {  	[sflag:s25] =	ssyncset.done $0x0  }
0x2e4: {  	[sflag:s25] =	ssyncadd.s32 $0xFFFFFF80  }
0x2e5: {  	s26 =	sadd.s32 $0x1, s26;
	_ =	swait.ge [sflag:s25], $0x80  }
0x2e6: {  	p0 =	sne.s32 s26, s7;
	[sflag:s25] =	ssyncset.done $0x0  }
.Ltmp2:
0x2e7: {  	[sflag:s25] =	ssyncadd.s32 $0xFFFFFF80;
	(pc) =	sbr.rel @p0 .LBB2_1-.Ltmp2, $4  }
0x2e8: {  	[hbm4b:s6+s2] =	stream.linear.scatter [tilespmem:s9], [sflag:$0x2], $0x8000, $0x38;
	[tilespmem:$0x8200] =	vst v63  }
0x2e9: {  	_ =	swait.ge [sflag:s8], $0x8000  }
0x2ea: {  	[sflag:s8] =	ssyncset.done $0x0  }
0x2eb: {  	s24 =	simm.s32 $0x280;
	[sflag:s8] =	ssyncadd.s32 $0xFFFF8000  }
0x2ec: {  	_ =	sfence.sel $0x180000  }
0x2ed: {  	[bflag:$0x0] =	sbarrier.arrive $0xFFFF  }
0x2ee: {  	_ =	strace $0x9000004A  }
0x2ef: {  	s0 =	stileid.u32;
	[bflag:$0x2] =	sbarrier.arrive $0xFFFF  }
0x2f0: {  	p0 =	sne.s32 s0, $0x0;
	s0 =	rddreg [dreg:$0x2]  }
0x2f1: {  	s0 =	sadd.s32 @!p0 $0x100000, s0  }
0x2f2: {  	[sflag:s0] =	ssyncadd.tile.s32 @!p0 $0x1;
	_ =	shalt  }
.Lfunc_end2:
_tile_overlayer_lowered:
.L_overlay_start_2:
0x2f3: {  	(tag) =	ssettag $0x2  }
0x2f4: {  	s0 =	rddreg [dreg:$0x0];
	s2 =	stileid.u32  }
0x2f5: {  	s1 =	rddreg [dreg:$0x1];
	p0 =	sne.s32 s2, $0x0  }
0x2f6: {  	s3 =	rddreg [dreg:$0x2];
	[bflag:$0x3] =	sbarrier.arrive $0xFFFF;
	s2 =	simm.s32 @!p0 $0x1C02  }
0x2f7: {  	[timem:s3], [sflag:s2] =	dma.local @!p0 [hbm:s0], s1  }
0x2f8: {  	s0 =	simm.s32 @!p0 $0x2  }
0x2f9: {  	_ =	swait.ge @!p0 [sflag:s0], s1  }
0x2fa: {  	s1 =	ssub.s32 @!p0 $0x0, s1;
	[sflag:s0] =	ssyncset.done @!p0 $0x0  }
0x2fb: {  	[sflag:s0] =	ssyncadd.s32 @!p0 s1  }
0x2fc: {  	[bflag:$0x3] =	sbarrier.arrive $0xFFFF  }
0x2fd: {  	_ =	shalt  }

// kernel: kernel.8.cloned.1.call-start
scs
__scs_entry_jumppad:
0x0: {  	(pc) =	sbr.rel $0x88, $3  }
0x1: {  	(tag) =	ssettag $0x0;
	lr =	simm.s32 $0x1  }
0x2: {  	[smem:$0x3F97] =	sst lr;
	_ =	strace $0xD0000000  }
0x3: {  	_ = 	snop  }
0x4: {  	_ = 	snop  }
0x5: {  	_ = 	snop  }
0x6: {  	_ = 	snop  }
0x7: {  	_ = 	snop  }
__scs_overlays_trampoline_lowered:
0x8: {  	[smem:$0x3FA6] =	sst s0  }
0x9: {  	[smem:$0x3FA7] =	sst s1  }
0xa: {  	[smem:$0x3FA8] =	sst s2  }
0xb: {  	[smem:$0x3FA9] =	sst s3  }
0xc: {  	[smem:$0x3FAA] =	sst s4  }
0xd: {  	[smem:$0x3FAB] =	sst s5  }
0xe: {  	[smem:$0x3FAC] =	sst s6  }
0xf: {  	[smem:$0x3FAD] =	sst s7  }
0x10: {  	[smem:$0x3FAE] =	sst s8  }
0x11: {  	[smem:$0x3FAF] =	sst s9;
	s0 =	simm.s32 @!p0 $0x0  }
0x12: {  	s1 =	sld [smem:$0x3F95];
	s0 =	simm.s32 @p0 $0x1  }
0x13: {  	[smem:$0x3FB0] =	sst s0;
	s0 =	simm.s32 @!p1 $0x0  }
0x14: {  	s2 =	sld [smem:$0x3F94];
	s0 =	simm.s32 @p1 $0x1  }
0x15: {  	[smem:$0x3FB1] =	sst s0;
	s0 =	simm.s32 @!p2 $0x0  }
0x16: {  	s3 =	sld [smem:$0x3FDB];
	s0 =	simm.s32 @p2 $0x1  }
0x17: {  	s4 =	simm.s32 $0x1BF5;
	[smem:$0x3FB3] =	sst s0  }
0x18: {  	s0 =	sld [smem:$0x3F96];
	_ =	swait.ge [sflag:s4], $0x0  }
0x19: {  	s7 =	sld [smem:$0x3F97]  }
0x1a: {  	s8 =	sadd.s32 $0xFFFFE003, lr  }
0x1b: {  	s9 =	sadd.s32 $0xFFFFFEF7, lr;
	s5 =	simm.s32 $0xFFFFFFFF;
	p2 =	slt.u32 s8, $0xFFFFF086  }
0x1c: {  	p1 =	slt.u32 s9, $0xF7A;
	s5 =	simm.s32 @!p2 $0x0  }
0x1d: {  	s5 =	simm.s32 @p1 $0x1;
	p0 =	seq.s32 s7, s2  }
0x1e: {  	s7 =	smul.u32 @!p0 $0xF7A, s2;
	p2 =	seq.s32 @!p0 s5, $0x0  }
0x1f: {  	s9 =	smul.u32 $0xF7A, s1;
	s8 =	simm.s32 @!p0 $0x1BF5;
	p2 =	por !p2, p0  }
0x20: {  	[sflag:s8] =	ssyncset.s32 @!p0 $0xFFFFF086;
	s6 =	sadd.s32 @!p0 s3, s7;
	s7 =	simm.s32 @!p0 $0x108  }
0x21: {  	s3 =	sadd.s32 s3, s9;
	s6 =	sadd.s32 @!p0 $0x88, s6;
	s7 =	simm.s32 @p2 $0x1082  }
0x22: {  	[simem:s7], [sflag:s8] =	dma.local @!p0 [hbm:s6], $0xF7A  }
0x23: {  	s9 =	sor.u32 $0xD0000000, s2;
	s6 =	simm.s32 $0x108;
	_ =	swait.ge @!p0 [sflag:s8], $0x0  }
0x24: {  	s3 =	sadd.s32 $0x88, s3;
	s6 =	simm.s32 @!p1 $0x1082;
	[sflag:s4] =	ssyncset.s32 $0xFFFFF086  }
0x25: {  	[simem:s6], [sflag:s4] =	dma.local [hbm:s3], $0xF7A  }
0x26: {  	[smem:$0x3F97] =	sst s1;
	(tag) =	ssettag s2;
	_ =	strace s9  }
0x27: {  	s1 =	sld [smem:$0x3FA7]  }
0x28: {  	s2 =	sld [smem:$0x3FA8]  }
0x29: {  	s4 =	sld [smem:$0x3FAA]  }
0x2a: {  	p0 =	seq.s32 s5, $0x0;
	s5 =	sld [smem:$0x3FAB]  }
0x2b: {  	s6 =	sld [smem:$0x3FAC]  }
0x2c: {  	s7 =	sld [smem:$0x3FAD]  }
0x2d: {  	s3 =	simm.s32 $0x108;
	s8 =	sld [smem:$0x3FAE]  }
0x2e: {  	s3 =	simm.s32 @!p0 $0x1082;
	s9 =	sld [smem:$0x3FAF]  }
0x2f: {  	lr =	sadd.s32 s0, s3;
	s0 =	sld [smem:$0x3FA6]  }
0x30: {  	s3 =	sld [smem:$0x3FA9]  }
0x31: {  	[smem:$0x3FB2] =	sst s10  }
0x32: {  	s10 =	sld [smem:$0x3FB0];
	_ =	sdelay $0x3  }
0x33: {  	p0 =	seq.s32 s10, $0x1;
	s10 =	sld [smem:$0x3FB2];
	_ =	sdelay $0x3  }
0x34: {  	[smem:$0x3FB2] =	sst s10  }
0x35: {  	s10 =	sld [smem:$0x3FB1];
	_ =	sdelay $0x3  }
0x36: {  	p1 =	seq.s32 s10, $0x1;
	s10 =	sld [smem:$0x3FB2];
	_ =	sdelay $0x3  }
0x37: {  	[smem:$0x3FB2] =	sst s10  }
0x38: {  	s10 =	sld [smem:$0x3FB3]  }
0x39: {  	_ = 	snop;
	(pc) =	sbr.ind lr, $3  }
0x3a: {  	_ = 	snop  }
0x3b: {  	_ = 	snop  }
0x3c: {  	p2 =	seq.s32 s10, $0x1;
	s10 =	sld [smem:$0x3FB2]  }
0x3d: {  	_ =	shalt  }
0x3e: {  	_ =	shalt  }
0x3f: {  	_ =	shalt  }
0x40: {  	_ =	shalt  }
0x41: {  	_ =	shalt  }
0x42: {  	_ =	shalt  }
0x43: {  	_ =	shalt  }
0x44: {  	_ =	shalt  }
0x45: {  	_ =	shalt  }
0x46: {  	_ =	shalt  }
0x47: {  	_ =	shalt  }
0x48: {  	_ =	shalt  }
0x49: {  	_ =	shalt  }
0x4a: {  	_ =	shalt  }
0x4b: {  	_ =	shalt  }
0x4c: {  	_ =	shalt  }
0x4d: {  	_ =	shalt  }
0x4e: {  	_ =	shalt  }
0x4f: {  	_ =	shalt  }
0x50: {  	_ =	shalt  }
0x51: {  	_ =	shalt  }
0x52: {  	_ =	shalt  }
0x53: {  	_ =	shalt  }
0x54: {  	_ =	shalt  }
0x55: {  	_ =	shalt  }
0x56: {  	_ =	shalt  }
0x57: {  	_ =	shalt  }
0x58: {  	_ =	shalt  }
0x59: {  	_ =	shalt  }
0x5a: {  	_ =	shalt  }
0x5b: {  	_ =	shalt  }
0x5c: {  	_ =	shalt  }
0x5d: {  	_ =	shalt  }
0x5e: {  	_ =	shalt  }
0x5f: {  	_ =	shalt  }
0x60: {  	_ =	shalt  }
0x61: {  	_ =	shalt  }
0x62: {  	_ =	shalt  }
0x63: {  	_ =	shalt  }
0x64: {  	_ =	shalt  }
0x65: {  	_ =	shalt  }
0x66: {  	_ =	shalt  }
0x67: {  	_ =	shalt  }
0x68: {  	_ =	shalt  }
0x69: {  	_ =	shalt  }
0x6a: {  	_ =	shalt  }
0x6b: {  	_ =	shalt  }
0x6c: {  	_ =	shalt  }
0x6d: {  	_ =	shalt  }
0x6e: {  	_ =	shalt  }
0x6f: {  	_ =	shalt  }
0x70: {  	_ =	shalt  }
0x71: {  	_ =	shalt  }
0x72: {  	_ =	shalt  }
0x73: {  	_ =	shalt  }
0x74: {  	_ =	shalt  }
0x75: {  	_ =	shalt  }
0x76: {  	_ =	shalt  }
0x77: {  	_ =	shalt  }
0x78: {  	_ =	shalt  }
0x79: {  	_ =	shalt  }
0x7a: {  	_ =	shalt  }
0x7b: {  	_ =	shalt  }
0x7c: {  	_ =	shalt  }
0x7d: {  	_ =	shalt  }
0x7e: {  	_ =	shalt  }
0x7f: {  	_ =	shalt  }
0x80: {  	_ =	shalt  }
0x81: {  	_ =	shalt  }
0x82: {  	_ =	shalt  }
0x83: {  	_ =	shalt  }
0x84: {  	_ =	shalt  }
0x85: {  	_ =	shalt  }
0x86: {  	_ =	shalt  }
0x87: {  	_ =	shalt  }
.Lfunc_end0:
.L_simem_size_0:
called_computation.1_lowered:
.L_overlay_start_0:
0x88: {  	s2 =	sld [smem:$0x3FD9]  }
0x89: {  	s3 =	sld [smem:$0x3FFE];
	_ =	sdelay $0x1  }
0x8a: {  	s1 =	srdreg.scid  }
0x8b: {  	s0 =	sand.u32 $0x1, s1  }
0x8c: {  	s17 =	sshll.u32 s0, $0xA;
	s2 =	sadd.s32 s3, s2  }
0x8d: {  	s2 =	sadd.s32 s2, s17  }
0x8e: {  	[smem:$0x3FBE] =	sst s2  }
0x8f: {  	_ = 	snop  }
0x90: {  	s2 =	sld [smem:$0x3FC9];
	(tm) =	ssettm $0x1  }
0x91: {  	s18 =	sld [smem:$0x3FFB];
	_ =	sdelay $0x3  }
0x92: {  	_ =	strace s18  }
0x93: {  	s3 =	sld [smem:$0x3FFC];
	_ =	sdelay $0x3  }
0x94: {  	_ =	strace s3  }
0x95: {  	s3 =	sld [smem:$0x3FFD];
	_ =	sdelay $0x3  }
0x96: {  	_ =	strace s3  }
0x97: {  	_ =	strace $0x8FFFFFFF  }
0x98: {  	s19 =	sld [smem:$0x3FDB];
	_ =	sdelay $0x1  }
0x99: {  	s4 =	simm.s32 $_scs_section_size  }
0x9a: {  	s5 =	simm.s32 $_size__tile_overlayer_lowered;
	s6 =	simm.s32 $_tile_overlayer_lowered  }
0x9b: {  	s22 =	simm.s32 $0x1BFF;
	s21 =	sshll.u32 s6, $0x1;
	s3 =	sadd.s32 s4, s19  }
0x9c: {  	s7 =	simm.s32 $0x0;
	s20 =	sshll.u32 s5, $0x1;
	s5 =	sadd.s32 s21, s3  }
0x9d: {  	[timem:s7], [sflag:s22] =	dma.local [hbm:s5], s20  }
0x9e: {  	_ =	swait.ge [sflag:s22], s20  }
0x9f: {  	s4 =	ssub.s32 $0x0, s20;
	[sflag:s22] =	ssyncset.done $0x0  }
0xa0: {  	[sflag:s22] =	ssyncadd.s32 s4;
	_ =	sdelay $0x1  }
0xa1: {  	s23 =	simm.s32 $0x1B8B  }
0xa2: {  	_ =	swait.ge [sflag:s23], $0x1  }
0xa3: {  	[sflag:s23] =	ssyncset.done $0x0  }
0xa4: {  	s25 =	simm.s32 $0x1B8E;
	s24 =	sld [smem:$0x3FFE];
	[sflag:s23] =	ssyncadd.s32 $0xFFFFFFFF  }
0xa5: {  	s26 =	simm.s32 $execute0_lowered;
	[smem:$0x3FD2] =	sst s25  }
0xa6: {  	s5 =	sshll.u32 s26, $0x1;
	_ =	strace $0x80000046;
	[dreg:$0x1] =	wrdreg $0xFFFFFFFF  }
0xa7: {  	s28 =	simm.s32 $_size_execute0_lowered;
	s3 =	sadd.s32 s3, s5;
	[dreg:$0x0] =	wrdreg $0x0  }
0xa8: {  	s5 =	sshll.u32 s28, $0x1;
	[dreg:$0x2] =	wrdreg s3  }
0xa9: {  	[dreg:$0x3] =	wrdreg s5  }
0xaa: {  	[dreg:$0x4] =	wrdreg $0xC0  }
0xab: {  	_ =	task [dreg:s7], $0x5FFFF  }
0xac: {  	[dreg:$0x1] =	wrdreg $0xFFFFFFFF  }
0xad: {  	[dreg:$0x0] =	wrdreg $0x60  }
0xae: {  	[dreg:$0x2] =	wrdreg s2  }
0xaf: {  	[dreg:$0x3] =	wrdreg s24  }
0xb0: {  	[dreg:$0x4] =	wrdreg $0xA  }
0xb1: {  	_ =	task.clear_ibuf [dreg:s7], $0x5FFFF;
	_ =	strace $0x90000046  }
0xb2: {  	s29 =	simm.s32 $0xA;
	_ =	strace $0x80000048  }
0xb3: {  	_ =	swait.ge [sflag:s29], $0x1  }
0xb4: {  	[sflag:s29] =	ssyncadd.s32 $0xFFFFFFFF  }
0xb5: {  	_ =	strace $0x90000048  }
0xb6: {  	_ =	sfence  }
0xb7: {  	s30 =	sld [smem:$0x0];
	_ =	sdelay $0x2  }
0xb8: {  	s31 =	sshll.u32 s1, $0xD;
	s1 =	sshrl.u32 s1, $0x2  }
0xb9: {  	s3 =	sand.u32 $0x4000, s31;
	s1 =	sadd.s32 s1, s30  }
0xba: {  	s0 =	sor.u32 s3, s0;
	s1 =	sshll.u32 s1, $0x11  }
0xbb: {  	s0 =	sor.u32 s1, s0  }
0xbc: {  	s0 =	sadd.s32 $0x8F2B, s0  }
0xbd: {  	[sflag:s0] =	ssyncadd.remote.s32 $0x1  }
0xbe: {  	_ =	sfence.sel $0xFFFF  }
0xbf: {  	[dreg:$0x0] =	wrdreg $0xFFFFFFFF;
	(pc) =	sbr.abs _section_cstart, $3  }
0xc0: {  	[dreg:$0x1] =	wrdreg $0xFFFFFFFF  }
0xc1: {  	_ =	task.clear_ibuf [dreg:s7], $0x2FFFF;
	_ =	strace $0x9FFFFFFF  }
0xc2: {  	(tm) =	ssettm $0x7FFFFFFF  }
0xc3: {  	_ =	shalt  }
tec
execute0_lowered:
.L_overlay_start_1:
0x0: {  	(tag) =	ssettag $0x1  }
0x1: {  	s0 =	rddreg [dreg:$0x0]  }
0x2: {  	s1 =	rddreg [dreg:$0x1];
	s3 =	srdreg.scid;
	s2 =	simm.s32 $0x0  }
0x3: {  	s5 =	stileid.u32;
	s8 =	simm.s32 $0x2;
	s9 =	simm.s32 $0x200  }
0x4: {  	s24 =	simm.s32 $0x280;
	s25 =	simm.s32 $0x1;
	s26 =	simm.s32 $0x0  }
0x5: {  	s4 =	sand.u32 $0x1, s3;
	[smem:$0x7FF] =	sst s2;
	s29 =	sshll.u32 s5, $0xA  }
0x6: {  	s3 =	sadd.s32 $0x1A00, s1;
	s30 =	sshll.u32 s4, $0x9;
	s4 =	ssub.s32 $0x2, s4  }
0x7: {  	_ =	strace $0x80000047;
	s5 =	sor.u32 s30, s29;
	s31 =	sshrl.u32 s4, $0x1  }
0x8: {  	s6 =	sshll.u32 s5, $0x4;
	s5 =	sshrl.u32 s5, $0x3;
	s7 =	ssub.s32 s4, s31  }
0x9: {  	s1 =	sadd.s32 s6, s1;
	s0 =	sadd.s32 s0, s5;
	s7 =	smax.u32 s7, $0x1  }
0xa: {  	[dreg:$0x3] =	wrdreg s0;
	s5 =	sadd.s32 $0xF43E00, s1;
	s6 =	sadd.s32 $0xF44E00, s1  }
.LBB2_1:
0xb: {  	s0 =	rddreg [dreg:$0x3]  }
0xc: {  	[tilespmem:s2], [sflag:$0x2] =	stream.linear.gather [hbm4b:s0+s2], $0x200, $0x38;
	[tilespmem:$0x8200] =	vst v63  }
0xd: {  	_ =	swait.ge [sflag:s8], $0x200  }
0xe: {  	[sflag:s8] =	ssyncset.done $0x0  }
0xf: {  	[sflag:s8] =	ssyncadd.s32 $0xFFFFFE00  }
0x10: {  	v0 =	vld [tilespmem:$0x0];
	_ =	sdelay $0x4  }
0x11: {  	v0 =	vshll.u32 v0, $0x4  }
0x12: {  	(v2sf) =	vpush v0, $0x0;
	_ =	sdelay $0x1  }
0x13: {  	(v2sf) =	vpush v0, $0x1;
	_ =	sdelay $0x1  }
0x14: {  	(v2sf) =	vpush v0, $0x2;
	_ =	sdelay $0x2  }
0x15: {  	(v2sf) =	vpush v0, $0x3;
	_ =	sdelay $0x7  }
0x16: {  	s19 =	spop (v2sf);
	(v2sf) =	vpush v0, $0x4;
	_ =	sdelay $0x1  }
0x17: {  	s20 =	spop (v2sf);
	(v2sf) =	vpush v0, $0x5;
	_ =	sdelay $0x1  }
0x18: {  	s21 =	spop (v2sf);
	(v2sf) =	vpush v0, $0x6;
	_ =	sdelay $0x1  }
0x19: {  	s0 =	sand.u32 $0x1FFFFFF0, s19  }
0x1a: {  	s0 =	sadd.s32 s3, s0;
	s22 =	spop (v2sf);
	(v2sf) =	vpush v0, $0x7  }
0x1b: {  	[tilespmem:s9], [sflag:$0x1] =	stream.linear.gather [hbm4b:s0+s2], $0x80, $0x38;
	[tilespmem:$0x8200] =	vst v63  }
0x1c: {  	s0 =	sand.u32 $0x1FFFFFF0, s20  }
0x1d: {  	s0 =	sadd.s32 s3, s0  }
0x1e: {  	[tilespmem:s24], [sflag:$0x1] =	stream.linear.gather [hbm4b:s0+s2], $0x80, $0x38;
	[tilespmem:$0x8200] =	vst v63  }
0x1f: {  	s0 =	sand.u32 $0x1FFFFFF0, s21  }
0x20: {  	s1 =	simm.s32 $0x300;
	s0 =	sadd.s32 s3, s0  }
0x21: {  	[tilespmem:s1], [sflag:$0x1] =	stream.linear.gather [hbm4b:s0+s2], $0x80, $0x38;
	[tilespmem:$0x8200] =	vst v63  }
0x22: {  	s30 =	spop (v2sf);
	(v2sf) =	vpush v0, $0x8  }
0x23: {  	s0 =	sand.u32 $0x1FFFFFF0, s22  }
0x24: {  	s23 =	simm.s32 $0x380;
	s0 =	sadd.s32 s3, s0;
	s1 =	spop (v2sf);
	(v2sf) =	vpush v0, $0x9  }
0x25: {  	[tilespmem:s23], [sflag:$0x1] =	stream.linear.gather [hbm4b:s0+s2], $0x80, $0x38;
	[tilespmem:$0x8200] =	vst v63  }
0x26: {  	s0 =	sand.u32 $0x1FFFFFF0, s30;
	s10 =	spop (v2sf);
	(v2sf) =	vpush v0, $0xA  }
0x27: {  	s31 =	simm.s32 $0x400;
	s0 =	sadd.s32 s3, s0  }
0x28: {  	[tilespmem:s31], [sflag:$0x1] =	stream.linear.gather [hbm4b:s0+s2], $0x80, $0x38;
	[tilespmem:$0x8200] =	vst v63  }
0x29: {  	s12 =	spop (v2sf);
	(v2sf) =	vpush v0, $0xB  }
0x2a: {  	s0 =	sand.u32 $0x1FFFFFF0, s1  }
0x2b: {  	s4 =	simm.s32 $0x480;
	s0 =	sadd.s32 s3, s0  }
0x2c: {  	[tilespmem:s4], [sflag:$0x1] =	stream.linear.gather [hbm4b:s0+s2], $0x80, $0x38;
	[tilespmem:$0x8200] =	vst v63  }
0x2d: {  	s0 =	sand.u32 $0x1FFFFFF0, s10  }
0x2e: {  	s11 =	simm.s32 $0x500;
	s0 =	sadd.s32 s3, s0  }
0x2f: {  	[tilespmem:s11], [sflag:$0x1] =	stream.linear.gather [hbm4b:s0+s2], $0x80, $0x38;
	[tilespmem:$0x8200] =	vst v63  }
0x30: {  	s0 =	sand.u32 $0x1FFFFFF0, s12  }
0x31: {  	s13 =	simm.s32 $0x580;
	s0 =	sadd.s32 s3, s0;
	s14 =	spop (v2sf);
	(v2sf) =	vpush v0, $0xC  }
0x32: {  	[tilespmem:s13], [sflag:$0x1] =	stream.linear.gather [hbm4b:s0+s2], $0x80, $0x38;
	[tilespmem:$0x8200] =	vst v63  }
0x33: {  	s16 =	spop (v2sf);
	(v2sf) =	vpush v0, $0xD  }
0x34: {  	s0 =	sand.u32 $0x1FFFFFF0, s14  }
0x35: {  	s15 =	simm.s32 $0x600;
	s0 =	sadd.s32 s3, s0;
	s18 =	spop (v2sf)  }
0x36: {  	(v2sf) =	vpush v0, $0xE;
	[tilespmem:s15], [sflag:$0x1] =	stream.linear.gather [hbm4b:s0+s2], $0x80, $0x38;
	[tilespmem:$0x8200] =	vst v63  }
0x37: {  	s0 =	sand.u32 $0x1FFFFFF0, s16  }
0x38: {  	s17 =	simm.s32 $0x680;
	s20 =	spop (v2sf);
	s0 =	sadd.s32 s3, s0  }
0x39: {  	(v2sf) =	vpush v0, $0xF;
	[tilespmem:s17], [sflag:$0x1] =	stream.linear.gather [hbm4b:s0+s2], $0x80, $0x38;
	[tilespmem:$0x8200] =	vst v63  }
0x3a: {  	s0 =	sand.u32 $0x1FFFFFF0, s18  }
0x3b: {  	s19 =	simm.s32 $0x700;
	s0 =	sadd.s32 s3, s0  }
0x3c: {  	[tilespmem:s19], [sflag:$0x1] =	stream.linear.gather [hbm4b:s0+s2], $0x80, $0x38;
	[tilespmem:$0x8200] =	vst v63  }
0x3d: {  	s0 =	sand.u32 $0x1FFFFFF0, s20  }
0x3e: {  	s21 =	simm.s32 $0x780;
	s0 =	sadd.s32 s3, s0  }
0x3f: {  	[tilespmem:s21], [sflag:$0x1] =	stream.linear.gather [hbm4b:s0+s2], $0x80, $0x38;
	[tilespmem:$0x8200] =	vst v63  }
0x40: {  	s22 =	spop (v2sf)  }
0x41: {  	s0 =	sand.u32 $0x1FFFFFF0, s22  }
0x42: {  	s23 =	simm.s32 $0x800;
	s30 =	spop (v2sf);
	s0 =	sadd.s32 s3, s0  }
0x43: {  	[tilespmem:s23], [sflag:$0x1] =	stream.linear.gather [hbm4b:s0+s2], $0x80, $0x38;
	[tilespmem:$0x8200] =	vst v63  }
0x44: {  	s0 =	sand.u32 $0x1FFFFFF0, s30  }
0x45: {  	s31 =	simm.s32 $0x880;
	s1 =	spop (v2sf);
	s0 =	sadd.s32 s3, s0  }
0x46: {  	[tilespmem:s31], [sflag:$0x1] =	stream.linear.gather [hbm4b:s0+s2], $0x80, $0x38;
	[tilespmem:$0x8200] =	vst v63  }
0x47: {  	s0 =	sand.u32 $0x1FFFFFF0, s1  }
0x48: {  	s4 =	simm.s32 $0x900;
	s10 =	spop (v2sf);
	s0 =	sadd.s32 s3, s0  }
0x49: {  	[tilespmem:s4], [sflag:$0x1] =	stream.linear.gather [hbm4b:s0+s2], $0x80, $0x38;
	[tilespmem:$0x8200] =	vst v63  }
0x4a: {  	s0 =	sand.u32 $0x1FFFFFF0, s10  }
0x4b: {  	s28 =	simm.s32 $0x10;
	s11 =	simm.s32 $0x980;
	s0 =	sadd.s32 s3, s0  }
0x4c: {  	[tilespmem:s11], [sflag:$0x1] =	stream.linear.gather [hbm4b:s0+s2], $0x80, $0x38;
	[tilespmem:$0x8200] =	vst v63  }
0x4d: {  	v63 =	vld [tilespmem:s28+$0x0];
	_ =	sdelay $0x4  }
0x4e: {  	v0 =	vshll.u32 v63, $0x4  }
0x4f: {  	(v2sf) =	vpush v0, $0x0;
	_ =	sdelay $0x1  }
0x50: {  	(v2sf) =	vpush v0, $0x1;
	_ =	sdelay $0x1  }
0x51: {  	(v2sf) =	vpush v0, $0x2;
	_ =	sdelay $0x2  }
0x52: {  	(v2sf) =	vpush v0, $0x3;
	_ =	sdelay $0x7  }
0x53: {  	s12 =	spop (v2sf);
	(v2sf) =	vpush v0, $0x4;
	_ =	sdelay $0x1  }
0x54: {  	s14 =	spop (v2sf);
	(v2sf) =	vpush v0, $0x5;
	_ =	sdelay $0x1  }
0x55: {  	s16 =	spop (v2sf);
	(v2sf) =	vpush v0, $0x6;
	_ =	sdelay $0x1  }
0x56: {  	s0 =	sand.u32 $0x1FFFFFF0, s12  }
0x57: {  	s13 =	simm.s32 $0xA00;
	s0 =	sadd.s32 s3, s0;
	s18 =	spop (v2sf);
	(v2sf) =	vpush v0, $0x7  }
0x58: {  	[tilespmem:s13], [sflag:$0x1] =	stream.linear.gather [hbm4b:s0+s2], $0x80, $0x38;
	[tilespmem:$0x8200] =	vst v63  }
0x59: {  	s0 =	sand.u32 $0x1FFFFFF0, s14  }
0x5a: {  	s15 =	simm.s32 $0xA80;
	s0 =	sadd.s32 s3, s0  }
0x5b: {  	[tilespmem:s15], [sflag:$0x1] =	stream.linear.gather [hbm4b:s0+s2], $0x80, $0x38;
	[tilespmem:$0x8200] =	vst v63  }
0x5c: {  	s0 =	sand.u32 $0x1FFFFFF0, s16  }
0x5d: {  	s17 =	simm.s32 $0xB00;
	s0 =	sadd.s32 s3, s0  }
0x5e: {  	[tilespmem:s17], [sflag:$0x1] =	stream.linear.gather [hbm4b:s0+s2], $0x80, $0x38;
	[tilespmem:$0x8200] =	vst v63  }
0x5f: {  	s20 =	spop (v2sf);
	(v2sf) =	vpush v0, $0x8  }
0x60: {  	s0 =	sand.u32 $0x1FFFFFF0, s18  }
0x61: {  	s19 =	simm.s32 $0xB80;
	s0 =	sadd.s32 s3, s0;
	s22 =	spop (v2sf);
	(v2sf) =	vpush v0, $0x9  }
0x62: {  	[tilespmem:s19], [sflag:$0x1] =	stream.linear.gather [hbm4b:s0+s2], $0x80, $0x38;
	[tilespmem:$0x8200] =	vst v63  }
0x63: {  	s0 =	sand.u32 $0x1FFFFFF0, s20;
	s30 =	spop (v2sf);
	(v2sf) =	vpush v0, $0xA  }
0x64: {  	s21 =	simm.s32 $0xC00;
	s0 =	sadd.s32 s3, s0  }
0x65: {  	[tilespmem:s21], [sflag:$0x1] =	stream.linear.gather [hbm4b:s0+s2], $0x80, $0x38;
	[tilespmem:$0x8200] =	vst v63  }
0x66: {  	s1 =	spop (v2sf);
	(v2sf) =	vpush v0, $0xB  }
0x67: {  	s0 =	sand.u32 $0x1FFFFFF0, s22  }
0x68: {  	s23 =	simm.s32 $0xC80;
	s0 =	sadd.s32 s3, s0  }
0x69: {  	[tilespmem:s23], [sflag:$0x1] =	stream.linear.gather [hbm4b:s0+s2], $0x80, $0x38;
	[tilespmem:$0x8200] =	vst v63  }
0x6a: {  	s0 =	sand.u32 $0x1FFFFFF0, s30  }
0x6b: {  	s31 =	simm.s32 $0xD00;
	s0 =	sadd.s32 s3, s0  }
0x6c: {  	[tilespmem:s31], [sflag:$0x1] =	stream.linear.gather [hbm4b:s0+s2], $0x80, $0x38;
	[tilespmem:$0x8200] =	vst v63  }
0x6d: {  	s0 =	sand.u32 $0x1FFFFFF0, s1  }
0x6e: {  	s4 =	simm.s32 $0xD80;
	s0 =	sadd.s32 s3, s0;
	s10 =	spop (v2sf);
	(v2sf) =	vpush v0, $0xC  }
0x6f: {  	[tilespmem:s4], [sflag:$0x1] =	stream.linear.gather [hbm4b:s0+s2], $0x80, $0x38;
	[tilespmem:$0x8200] =	vst v63  }
0x70: {  	s12 =	spop (v2sf);
	(v2sf) =	vpush v0, $0xD  }
0x71: {  	s0 =	sand.u32 $0x1FFFFFF0, s10  }
0x72: {  	s11 =	simm.s32 $0xE00;
	s0 =	sadd.s32 s3, s0;
	s14 =	spop (v2sf)  }
0x73: {  	(v2sf) =	vpush v0, $0xE;
	[tilespmem:s11], [sflag:$0x1] =	stream.linear.gather [hbm4b:s0+s2], $0x80, $0x38;
	[tilespmem:$0x8200] =	vst v63  }
0x74: {  	s0 =	sand.u32 $0x1FFFFFF0, s12  }
0x75: {  	s13 =	simm.s32 $0xE80;
	s16 =	spop (v2sf);
	s0 =	sadd.s32 s3, s0  }
0x76: {  	(v2sf) =	vpush v0, $0xF;
	[tilespmem:s13], [sflag:$0x1] =	stream.linear.gather [hbm4b:s0+s2], $0x80, $0x38;
	[tilespmem:$0x8200] =	vst v63  }
0x77: {  	s0 =	sand.u32 $0x1FFFFFF0, s14  }
0x78: {  	s15 =	simm.s32 $0xF00;
	s0 =	sadd.s32 s3, s0  }
0x79: {  	[tilespmem:s15], [sflag:$0x1] =	stream.linear.gather [hbm4b:s0+s2], $0x80, $0x38;
	[tilespmem:$0x8200] =	vst v63  }
0x7a: {  	s0 =	sand.u32 $0x1FFFFFF0, s16  }
0x7b: {  	s17 =	simm.s32 $0xF80;
	s0 =	sadd.s32 s3, s0  }
0x7c: {  	[tilespmem:s17], [sflag:$0x1] =	stream.linear.gather [hbm4b:s0+s2], $0x80, $0x38;
	[tilespmem:$0x8200] =	vst v63  }
0x7d: {  	s18 =	spop (v2sf)  }
0x7e: {  	s0 =	sand.u32 $0x1FFFFFF0, s18  }
0x7f: {  	s19 =	simm.s32 $0x1000;
	s20 =	spop (v2sf);
	s0 =	sadd.s32 s3, s0  }
0x80: {  	[tilespmem:s19], [sflag:$0x1] =	stream.linear.gather [hbm4b:s0+s2], $0x80, $0x38;
	[tilespmem:$0x8200] =	vst v63  }
0x81: {  	s0 =	sand.u32 $0x1FFFFFF0, s20  }
0x82: {  	s21 =	simm.s32 $0x1080;
	s22 =	spop (v2sf);
	s0 =	sadd.s32 s3, s0  }
0x83: {  	[tilespmem:s21], [sflag:$0x1] =	stream.linear.gather [hbm4b:s0+s2], $0x80, $0x38;
	[tilespmem:$0x8200] =	vst v63  }
0x84: {  	s0 =	sand.u32 $0x1FFFFFF0, s22  }
0x85: {  	s23 =	simm.s32 $0x1100;
	s30 =	spop (v2sf);
	s0 =	sadd.s32 s3, s0  }
0x86: {  	[tilespmem:s23], [sflag:$0x1] =	stream.linear.gather [hbm4b:s0+s2], $0x80, $0x38;
	[tilespmem:$0x8200] =	vst v63  }
0x87: {  	s0 =	sand.u32 $0x1FFFFFF0, s30  }
0x88: {  	s31 =	simm.s32 $0x1180;
	s0 =	sadd.s32 s3, s0  }
0x89: {  	[tilespmem:s31], [sflag:$0x1] =	stream.linear.gather [hbm4b:s0+s2], $0x80, $0x38;
	[tilespmem:$0x8200] =	vst v63  }
0x8a: {  	_ =	swait.ge [sflag:s25], $0x80  }
0x8b: {  	[sflag:s25] =	ssyncset.done $0x0  }
0x8c: {  	[sflag:s25] =	ssyncadd.s32 $0xFFFFFF80  }
0x8d: {  	_ =	swait.ge [sflag:s25], $0x80  }
0x8e: {  	[sflag:s25] =	ssyncset.done $0x0  }
0x8f: {  	[sflag:s25] =	ssyncadd.s32 $0xFFFFFF80  }
0x90: {  	_ =	swait.ge [sflag:s25], $0x80  }
0x91: {  	[sflag:s25] =	ssyncset.done $0x0  }
0x92: {  	[sflag:s25] =	ssyncadd.s32 $0xFFFFFF80  }
0x93: {  	_ =	swait.ge [sflag:s25], $0x80  }
0x94: {  	[sflag:s25] =	ssyncset.done $0x0  }
0x95: {  	[sflag:s25] =	ssyncadd.s32 $0xFFFFFF80  }
0x96: {  	_ =	swait.ge [sflag:s25], $0x80  }
0x97: {  	[sflag:s25] =	ssyncset.done $0x0  }
0x98: {  	[sflag:s25] =	ssyncadd.s32 $0xFFFFFF80  }
0x99: {  	_ =	swait.ge [sflag:s25], $0x80  }
0x9a: {  	[sflag:s25] =	ssyncset.done $0x0  }
0x9b: {  	[sflag:s25] =	ssyncadd.s32 $0xFFFFFF80  }
0x9c: {  	_ =	swait.ge [sflag:s25], $0x80  }
0x9d: {  	[sflag:s25] =	ssyncset.done $0x0  }
0x9e: {  	[sflag:s25] =	ssyncadd.s32 $0xFFFFFF80  }
0x9f: {  	_ =	swait.ge [sflag:s25], $0x80  }
0xa0: {  	[sflag:s25] =	ssyncset.done $0x0  }
0xa1: {  	[sflag:s25] =	ssyncadd.s32 $0xFFFFFF80  }
0xa2: {  	_ =	swait.ge [sflag:s25], $0x80  }
0xa3: {  	[sflag:s25] =	ssyncset.done $0x0  }
0xa4: {  	[sflag:s25] =	ssyncadd.s32 $0xFFFFFF80  }
0xa5: {  	_ =	swait.ge [sflag:s25], $0x80  }
0xa6: {  	[sflag:s25] =	ssyncset.done $0x0  }
0xa7: {  	[sflag:s25] =	ssyncadd.s32 $0xFFFFFF80  }
0xa8: {  	_ =	swait.ge [sflag:s25], $0x80  }
0xa9: {  	[sflag:s25] =	ssyncset.done $0x0  }
0xaa: {  	[sflag:s25] =	ssyncadd.s32 $0xFFFFFF80  }
0xab: {  	_ =	swait.ge [sflag:s25], $0x80  }
0xac: {  	[sflag:s25] =	ssyncset.done $0x0  }
0xad: {  	[sflag:s25] =	ssyncadd.s32 $0xFFFFFF80  }
0xae: {  	_ =	swait.ge [sflag:s25], $0x80  }
0xaf: {  	[sflag:s25] =	ssyncset.done $0x0  }
0xb0: {  	[sflag:s25] =	ssyncadd.s32 $0xFFFFFF80  }
0xb1: {  	s29 =	simm.s32 $0x2000;
	_ =	swait.ge [sflag:s25], $0x80  }
.LBB2_2:
0xb2: {  	p0 =	sne.s32 s29, $0x1C000;
	[sflag:s25] =	ssyncset.done $0x0;
	s28 =	sadd.s32 $0x10, s28  }
0xb3: {  	s0 =	smov.u32 s29;
	s29 =	sadd.s32 $0x2000, s29;
	[sflag:s25] =	ssyncadd.s32 $0xFFFFFF80  }
0xb4: {  	_ =	swait.ge [sflag:s25], $0x80  }
0xb5: {  	[sflag:s25] =	ssyncset.done $0x0  }
0xb6: {  	[sflag:s25] =	ssyncadd.s32 $0xFFFFFF80  }
0xb7: {  	_ =	swait.ge [sflag:s25], $0x80  }
0xb8: {  	[sflag:s25] =	ssyncset.done $0x0  }
0xb9: {  	[sflag:s25] =	ssyncadd.s32 $0xFFFFFF80  }
0xba: {  	v0 =	vld [tilespmem:s28+$0x0];
	_ =	sdelay $0x4  }
0xbb: {  	v0 =	vshll.u32 v0, $0x4  }
0xbc: {  	(v2sf) =	vpush v0, $0x0  }
0xbd: {  	(v2sf) =	vpush v0, $0x1  }
0xbe: {  	(v2sf) =	vpush v0, $0x2;
	_ =	sdelay $0x1  }
0xbf: {  	(v2sf) =	vpush v0, $0x3;
	_ =	sdelay $0x1  }
0xc0: {  	(v2sf) =	vpush v0, $0x4;
	_ =	sdelay $0x1  }
0xc1: {  	(v2sf) =	vpush v0, $0x5  }
0xc2: {  	s30 =	sshra.s32 s0, $0x2  }
0xc3: {  	s14 =	sadd.s32 $0xA80, s30;
	s15 =	sadd.s32 $0xB80, s30;
	s16 =	sadd.s32 $0xC00, s30;
	(v2sf) =	vpush v0, $0x6  }
0xc4: {  	s17 =	sadd.s32 $0xA00, s30;
	s18 =	sadd.s32 $0xB00, s30  }
0xc5: {  	s19 =	sadd.s32 $0xC80, s30;
	(v2sf) =	vpush v0, $0x7  }
0xc6: {  	s1 =	sadd.s32 $0x1000, s30;
	s0 =	sadd.s32 $0x1080, s30;
	s31 =	sadd.s32 $0x1180, s30  }
0xc7: {  	s20 =	sadd.s32 $0xD00, s30;
	s11 =	sadd.s32 $0xF00, s30;
	s10 =	sadd.s32 $0xF80, s30;
	(v2sf) =	vpush v0, $0x8  }
0xc8: {  	s13 =	sadd.s32 $0xE00, s30;
	s12 =	sadd.s32 $0xE80, s30;
	s21 =	spop (v2sf)  }
0xc9: {  	s22 =	sadd.s32 $0xD80, s30;
	s21 =	sand.u32 $0x1FFFFFF0, s21;
	s23 =	spop (v2sf);
	(v2sf) =	vpush v0, $0x9  }
0xca: {  	s21 =	sadd.s32 s3, s21;
	s23 =	sand.u32 $0x1FFFFFF0, s23;
	s4 =	spop (v2sf)  }
0xcb: {  	[tilespmem:s17], [sflag:$0x1] =	stream.linear.gather [hbm4b:s21+s2], $0x80, $0x38;
	(v2sf) =	vpush v0, $0xA;
	[tilespmem:$0x8200] =	vst v63  }
0xcc: {  	s17 =	sadd.s32 s3, s23;
	s4 =	sand.u32 $0x1FFFFFF0, s4;
	s21 =	spop (v2sf)  }
0xcd: {  	[tilespmem:s14], [sflag:$0x1] =	stream.linear.gather [hbm4b:s17+s2], $0x80, $0x38;
	(v2sf) =	vpush v0, $0xB;
	[tilespmem:$0x8200] =	vst v63  }
0xce: {  	s4 =	sadd.s32 s3, s4;
	s14 =	sand.u32 $0x1FFFFFF0, s21;
	s17 =	spop (v2sf)  }
0xcf: {  	[tilespmem:s18], [sflag:$0x1] =	stream.linear.gather [hbm4b:s4+s2], $0x80, $0x38;
	(v2sf) =	vpush v0, $0xC;
	[tilespmem:$0x8200] =	vst v63  }
0xd0: {  	s4 =	sadd.s32 s3, s14;
	s14 =	sand.u32 $0x1FFFFFF0, s17;
	s17 =	spop (v2sf)  }
0xd1: {  	[tilespmem:s15], [sflag:$0x1] =	stream.linear.gather [hbm4b:s4+s2], $0x80, $0x38;
	(v2sf) =	vpush v0, $0xD;
	[tilespmem:$0x8200] =	vst v63  }
0xd2: {  	s4 =	sadd.s32 s3, s14;
	s14 =	sand.u32 $0x1FFFFFF0, s17;
	s15 =	spop (v2sf)  }
0xd3: {  	[tilespmem:s16], [sflag:$0x1] =	stream.linear.gather [hbm4b:s4+s2], $0x80, $0x38;
	(v2sf) =	vpush v0, $0xE;
	[tilespmem:$0x8200] =	vst v63  }
0xd4: {  	s4 =	sadd.s32 s3, s14;
	s14 =	sand.u32 $0x1FFFFFF0, s15;
	s15 =	spop (v2sf)  }
0xd5: {  	[tilespmem:s19], [sflag:$0x1] =	stream.linear.gather [hbm4b:s4+s2], $0x80, $0x38;
	(v2sf) =	vpush v0, $0xF;
	[tilespmem:$0x8200] =	vst v63  }
0xd6: {  	s4 =	sadd.s32 s3, s14;
	s14 =	sand.u32 $0x1FFFFFF0, s15;
	s15 =	spop (v2sf)  }
0xd7: {  	[tilespmem:s20], [sflag:$0x1] =	stream.linear.gather [hbm4b:s4+s2], $0x80, $0x38;
	[tilespmem:$0x8200] =	vst v63  }
0xd8: {  	s4 =	sadd.s32 s3, s14;
	s14 =	sand.u32 $0x1FFFFFF0, s15;
	s15 =	spop (v2sf)  }
0xd9: {  	[tilespmem:s22], [sflag:$0x1] =	stream.linear.gather [hbm4b:s4+s2], $0x80, $0x38;
	[tilespmem:$0x8200] =	vst v63  }
0xda: {  	s4 =	sadd.s32 s3, s14;
	s14 =	sand.u32 $0x1FFFFFF0, s15;
	s15 =	spop (v2sf)  }
0xdb: {  	[tilespmem:s13], [sflag:$0x1] =	stream.linear.gather [hbm4b:s4+s2], $0x80, $0x38;
	[tilespmem:$0x8200] =	vst v63  }
0xdc: {  	s4 =	sadd.s32 s3, s14;
	s13 =	sand.u32 $0x1FFFFFF0, s15;
	s14 =	spop (v2sf)  }
0xdd: {  	[tilespmem:s12], [sflag:$0x1] =	stream.linear.gather [hbm4b:s4+s2], $0x80, $0x38;
	[tilespmem:$0x8200] =	vst v63  }
0xde: {  	s4 =	sadd.s32 s3, s13;
	s12 =	sand.u32 $0x1FFFFFF0, s14;
	s13 =	spop (v2sf)  }
0xdf: {  	[tilespmem:s11], [sflag:$0x1] =	stream.linear.gather [hbm4b:s4+s2], $0x80, $0x38;
	[tilespmem:$0x8200] =	vst v63  }
0xe0: {  	s4 =	sadd.s32 s3, s12;
	s11 =	sand.u32 $0x1FFFFFF0, s13;
	s12 =	spop (v2sf)  }
0xe1: {  	[tilespmem:s10], [sflag:$0x1] =	stream.linear.gather [hbm4b:s4+s2], $0x80, $0x38;
	[tilespmem:$0x8200] =	vst v63  }
0xe2: {  	s4 =	sadd.s32 s3, s11;
	s10 =	sand.u32 $0x1FFFFFF0, s12;
	s11 =	spop (v2sf)  }
0xe3: {  	[tilespmem:s1], [sflag:$0x1] =	stream.linear.gather [hbm4b:s4+s2], $0x80, $0x38;
	[tilespmem:$0x8200] =	vst v63  }
0xe4: {  	s1 =	sadd.s32 s3, s10;
	s4 =	sand.u32 $0x1FFFFFF0, s11;
	s10 =	spop (v2sf)  }
0xe5: {  	[tilespmem:s0], [sflag:$0x1] =	stream.linear.gather [hbm4b:s1+s2], $0x80, $0x38;
	[tilespmem:$0x8200] =	vst v63  }
0xe6: {  	s0 =	sadd.s32 $0x1100, s30;
	s1 =	sadd.s32 s3, s4;
	s4 =	sand.u32 $0x1FFFFFF0, s10  }
0xe7: {  	[tilespmem:s0], [sflag:$0x1] =	stream.linear.gather [hbm4b:s1+s2], $0x80, $0x38;
	[tilespmem:$0x8200] =	vst v63  }
0xe8: {  	s0 =	sadd.s32 s3, s4  }
0xe9: {  	[tilespmem:s31], [sflag:$0x1] =	stream.linear.gather [hbm4b:s0+s2], $0x80, $0x38;
	[tilespmem:$0x8200] =	vst v63  }
0xea: {  	_ =	swait.ge [sflag:s25], $0x80  }
0xeb: {  	[sflag:s25] =	ssyncset.done $0x0  }
0xec: {  	[sflag:s25] =	ssyncadd.s32 $0xFFFFFF80  }
0xed: {  	_ =	swait.ge [sflag:s25], $0x80  }
0xee: {  	[sflag:s25] =	ssyncset.done $0x0  }
0xef: {  	[sflag:s25] =	ssyncadd.s32 $0xFFFFFF80  }
0xf0: {  	_ =	swait.ge [sflag:s25], $0x80  }
0xf1: {  	[sflag:s25] =	ssyncset.done $0x0  }
0xf2: {  	[sflag:s25] =	ssyncadd.s32 $0xFFFFFF80  }
0xf3: {  	_ =	swait.ge [sflag:s25], $0x80  }
0xf4: {  	[sflag:s25] =	ssyncset.done $0x0  }
0xf5: {  	[sflag:s25] =	ssyncadd.s32 $0xFFFFFF80  }
0xf6: {  	_ =	swait.ge [sflag:s25], $0x80  }
0xf7: {  	[sflag:s25] =	ssyncset.done $0x0  }
0xf8: {  	[sflag:s25] =	ssyncadd.s32 $0xFFFFFF80  }
0xf9: {  	_ =	swait.ge [sflag:s25], $0x80  }
0xfa: {  	[sflag:s25] =	ssyncset.done $0x0  }
0xfb: {  	[sflag:s25] =	ssyncadd.s32 $0xFFFFFF80  }
0xfc: {  	_ =	swait.ge [sflag:s25], $0x80  }
0xfd: {  	[sflag:s25] =	ssyncset.done $0x0  }
0xfe: {  	[sflag:s25] =	ssyncadd.s32 $0xFFFFFF80  }
0xff: {  	_ =	swait.ge [sflag:s25], $0x80  }
0x100: {  	[sflag:s25] =	ssyncset.done $0x0  }
0x101: {  	[sflag:s25] =	ssyncadd.s32 $0xFFFFFF80  }
0x102: {  	_ =	swait.ge [sflag:s25], $0x80  }
0x103: {  	[sflag:s25] =	ssyncset.done $0x0  }
0x104: {  	[sflag:s25] =	ssyncadd.s32 $0xFFFFFF80  }
0x105: {  	_ =	swait.ge [sflag:s25], $0x80  }
0x106: {  	[sflag:s25] =	ssyncset.done $0x0  }
0x107: {  	[sflag:s25] =	ssyncadd.s32 $0xFFFFFF80  }
0x108: {  	_ =	swait.ge [sflag:s25], $0x80  }
0x109: {  	[sflag:s25] =	ssyncset.done $0x0  }
0x10a: {  	[sflag:s25] =	ssyncadd.s32 $0xFFFFFF80  }
0x10b: {  	_ =	swait.ge [sflag:s25], $0x80  }
0x10c: {  	[sflag:s25] =	ssyncset.done $0x0  }
.Ltmp0:
0x10d: {  	[sflag:s25] =	ssyncadd.s32 $0xFFFFFF80;
	(pc) =	sbr.rel @p0 .LBB2_2-.Ltmp0, $4  }
0x10e: {  	_ =	swait.ge [sflag:s25], $0x80  }
0x10f: {  	[sflag:s25] =	ssyncset.done $0x0  }
0x110: {  	[sflag:s25] =	ssyncadd.s32 $0xFFFFFF80  }
0x111: {  	_ =	swait.ge [sflag:s25], $0x80  }
0x112: {  	[sflag:s25] =	ssyncset.done $0x0  }
0x113: {  	[sflag:s25] =	ssyncadd.s32 $0xFFFFFF80  }
0x114: {  	_ =	swait.ge [sflag:s25], $0x80  }
0x115: {  	[sflag:s25] =	ssyncset.done $0x0  }
0x116: {  	[sflag:s25] =	ssyncadd.s32 $0xFFFFFF80  }
0x117: {  	_ =	swait.ge [sflag:s25], $0x80  }
0x118: {  	[sflag:s25] =	ssyncset.done $0x0  }
0x119: {  	[sflag:s25] =	ssyncadd.s32 $0xFFFFFF80  }
0x11a: {  	_ =	swait.ge [sflag:s25], $0x80  }
0x11b: {  	[sflag:s25] =	ssyncset.done $0x0  }
0x11c: {  	[sflag:s25] =	ssyncadd.s32 $0xFFFFFF80  }
0x11d: {  	_ =	swait.ge [sflag:s25], $0x80  }
0x11e: {  	[sflag:s25] =	ssyncset.done $0x0  }
0x11f: {  	[sflag:s25] =	ssyncadd.s32 $0xFFFFFF80  }
0x120: {  	_ =	swait.ge [sflag:s25], $0x80  }
0x121: {  	[sflag:s25] =	ssyncset.done $0x0  }
0x122: {  	[sflag:s25] =	ssyncadd.s32 $0xFFFFFF80  }
0x123: {  	_ =	swait.ge [sflag:s25], $0x80  }
0x124: {  	[sflag:s25] =	ssyncset.done $0x0  }
0x125: {  	[sflag:s25] =	ssyncadd.s32 $0xFFFFFF80  }
0x126: {  	_ =	swait.ge [sflag:s25], $0x80  }
0x127: {  	[sflag:s25] =	ssyncset.done $0x0  }
0x128: {  	[sflag:s25] =	ssyncadd.s32 $0xFFFFFF80  }
0x129: {  	_ =	swait.ge [sflag:s25], $0x80  }
0x12a: {  	[sflag:s25] =	ssyncset.done $0x0  }
0x12b: {  	[sflag:s25] =	ssyncadd.s32 $0xFFFFFF80  }
0x12c: {  	_ =	swait.ge [sflag:s25], $0x80  }
0x12d: {  	[sflag:s25] =	ssyncset.done $0x0  }
0x12e: {  	[sflag:s25] =	ssyncadd.s32 $0xFFFFFF80  }
0x12f: {  	_ =	swait.ge [sflag:s25], $0x80  }
0x130: {  	[sflag:s25] =	ssyncset.done $0x0  }
0x131: {  	[sflag:s25] =	ssyncadd.s32 $0xFFFFFF80  }
0x132: {  	_ =	swait.ge [sflag:s25], $0x80  }
0x133: {  	[sflag:s25] =	ssyncset.done $0x0  }
0x134: {  	[sflag:s25] =	ssyncadd.s32 $0xFFFFFF80  }
0x135: {  	_ =	swait.ge [sflag:s25], $0x80  }
0x136: {  	[sflag:s25] =	ssyncset.done $0x0  }
0x137: {  	[sflag:s25] =	ssyncadd.s32 $0xFFFFFF80  }
0x138: {  	_ =	swait.ge [sflag:s25], $0x80  }
0x139: {  	[sflag:s25] =	ssyncset.done $0x0  }
0x13a: {  	[sflag:s25] =	ssyncadd.s32 $0xFFFFFF80  }
0x13b: {  	_ =	swait.ge [sflag:s25], $0x80  }
0x13c: {  	[sflag:s25] =	ssyncset.done $0x0  }
0x13d: {  	[sflag:s25] =	ssyncadd.s32 $0xFFFFFF80  }
0x13e: {  	_ =	swait.ge [sflag:s25], $0x80  }
0x13f: {  	[sflag:s25] =	ssyncset.done $0x0  }
0x140: {  	[sflag:s25] =	ssyncadd.s32 $0xFFFFFF80  }
0x141: {  	_ =	swait.ge [sflag:s25], $0x80  }
0x142: {  	[sflag:s25] =	ssyncset.done $0x0  }
0x143: {  	[sflag:s25] =	ssyncadd.s32 $0xFFFFFF80  }
0x144: {  	_ =	swait.ge [sflag:s25], $0x80  }
0x145: {  	[sflag:s25] =	ssyncset.done $0x0  }
0x146: {  	[sflag:s25] =	ssyncadd.s32 $0xFFFFFF80  }
0x147: {  	_ =	swait.ge [sflag:s25], $0x80  }
0x148: {  	[sflag:s25] =	ssyncset.done $0x0  }
0x149: {  	s0 =	simm.s32 $0x0;
	[sflag:s25] =	ssyncadd.s32 $0xFFFFFF80  }
0x14a: {  	[hbm4b:s5+s0] =	stream.linear.scatter [tilespmem:s9], [sflag:$0x2], $0x8000, $0x38;
	[tilespmem:$0x8200] =	vst v63  }
0x14b: {  	_ =	swait.ge [sflag:s8], $0x8000  }
0x14c: {  	[sflag:s8] =	ssyncset.done $0x0  }
0x14d: {  	[sflag:s8] =	ssyncadd.s32 $0xFFFF8000  }
0x14e: {  	v0 =	vld [tilespmem:$0x100];
	_ =	sdelay $0x4  }
0x14f: {  	v0 =	vshll.u32 v0, $0x4  }
0x150: {  	(v2sf) =	vpush v0, $0x0;
	_ =	sdelay $0x6  }
0x151: {  	(v2sf) =	vpush v0, $0x1;
	_ =	sdelay $0x2  }
0x152: {  	(v2sf) =	vpush v0, $0x2;
	_ =	sdelay $0x2  }
0x153: {  	(v2sf) =	vpush v0, $0x3;
	_ =	sdelay $0x1  }
0x154: {  	s1 =	spop (v2sf);
	(v2sf) =	vpush v0, $0x4;
	_ =	sdelay $0x1  }
0x155: {  	(v2sf) =	vpush v0, $0x5;
	_ =	sdelay $0x1  }
0x156: {  	(v2sf) =	vpush v0, $0x6;
	_ =	sdelay $0x1  }
0x157: {  	s1 =	sand.u32 $0x1FFFFFF0, s1  }
0x158: {  	s31 =	spop (v2sf);
	s1 =	sadd.s32 s3, s1;
	(v2sf) =	vpush v0, $0x7  }
0x159: {  	[tilespmem:s9], [sflag:$0x1] =	stream.linear.gather [hbm4b:s1+s0], $0x80, $0x38;
	[tilespmem:$0x8200] =	vst v63  }
0x15a: {  	s1 =	sand.u32 $0x1FFFFFF0, s31  }
0x15b: {  	s4 =	spop (v2sf);
	s1 =	sadd.s32 s3, s1  }
0x15c: {  	[tilespmem:s24], [sflag:$0x1] =	stream.linear.gather [hbm4b:s1+s0], $0x80, $0x38;
	[tilespmem:$0x8200] =	vst v63  }
0x15d: {  	s1 =	sand.u32 $0x1FFFFFF0, s4  }
0x15e: {  	s10 =	spop (v2sf);
	s4 =	simm.s32 $0x300;
	s1 =	sadd.s32 s3, s1  }
0x15f: {  	[tilespmem:s4], [sflag:$0x1] =	stream.linear.gather [hbm4b:s1+s0], $0x80, $0x38;
	[tilespmem:$0x8200] =	vst v63  }
0x160: {  	s12 =	spop (v2sf);
	(v2sf) =	vpush v0, $0x8  }
0x161: {  	s1 =	sand.u32 $0x1FFFFFF0, s10  }
0x162: {  	s11 =	simm.s32 $0x380;
	s1 =	sadd.s32 s3, s1;
	s14 =	spop (v2sf);
	(v2sf) =	vpush v0, $0x9  }
0x163: {  	[tilespmem:s11], [sflag:$0x1] =	stream.linear.gather [hbm4b:s1+s0], $0x80, $0x38;
	[tilespmem:$0x8200] =	vst v63  }
0x164: {  	s1 =	sand.u32 $0x1FFFFFF0, s12;
	s16 =	spop (v2sf);
	(v2sf) =	vpush v0, $0xA  }
0x165: {  	s13 =	simm.s32 $0x400;
	s1 =	sadd.s32 s3, s1  }
0x166: {  	[tilespmem:s13], [sflag:$0x1] =	stream.linear.gather [hbm4b:s1+s0], $0x80, $0x38;
	[tilespmem:$0x8200] =	vst v63  }
0x167: {  	s18 =	spop (v2sf);
	(v2sf) =	vpush v0, $0xB  }
0x168: {  	s1 =	sand.u32 $0x1FFFFFF0, s14  }
0x169: {  	s15 =	simm.s32 $0x480;
	s1 =	sadd.s32 s3, s1  }
0x16a: {  	[tilespmem:s15], [sflag:$0x1] =	stream.linear.gather [hbm4b:s1+s0], $0x80, $0x38;
	[tilespmem:$0x8200] =	vst v63  }
0x16b: {  	s1 =	sand.u32 $0x1FFFFFF0, s16  }
0x16c: {  	s17 =	simm.s32 $0x500;
	s1 =	sadd.s32 s3, s1  }
0x16d: {  	[tilespmem:s17], [sflag:$0x1] =	stream.linear.gather [hbm4b:s1+s0], $0x80, $0x38;
	[tilespmem:$0x8200] =	vst v63  }
0x16e: {  	s1 =	sand.u32 $0x1FFFFFF0, s18  }
0x16f: {  	s19 =	simm.s32 $0x580;
	s1 =	sadd.s32 s3, s1;
	s20 =	spop (v2sf);
	(v2sf) =	vpush v0, $0xC  }
0x170: {  	[tilespmem:s19], [sflag:$0x1] =	stream.linear.gather [hbm4b:s1+s0], $0x80, $0x38;
	[tilespmem:$0x8200] =	vst v63  }
0x171: {  	s22 =	spop (v2sf);
	(v2sf) =	vpush v0, $0xD  }
0x172: {  	s1 =	sand.u32 $0x1FFFFFF0, s20  }
0x173: {  	s21 =	simm.s32 $0x600;
	s1 =	sadd.s32 s3, s1;
	s24 =	spop (v2sf)  }
0x174: {  	(v2sf) =	vpush v0, $0xE;
	[tilespmem:s21], [sflag:$0x1] =	stream.linear.gather [hbm4b:s1+s0], $0x80, $0x38;
	[tilespmem:$0x8200] =	vst v63  }
0x175: {  	s1 =	sand.u32 $0x1FFFFFF0, s22  }
0x176: {  	s23 =	simm.s32 $0x680;
	s10 =	spop (v2sf);
	s1 =	sadd.s32 s3, s1  }
0x177: {  	(v2sf) =	vpush v0, $0xF;
	[tilespmem:s23], [sflag:$0x1] =	stream.linear.gather [hbm4b:s1+s0], $0x80, $0x38;
	[tilespmem:$0x8200] =	vst v63  }
0x178: {  	s1 =	sand.u32 $0x1FFFFFF0, s24  }
0x179: {  	s31 =	simm.s32 $0x700;
	s1 =	sadd.s32 s3, s1  }
0x17a: {  	[tilespmem:s31], [sflag:$0x1] =	stream.linear.gather [hbm4b:s1+s0], $0x80, $0x38;
	[tilespmem:$0x8200] =	vst v63  }
0x17b: {  	s1 =	sand.u32 $0x1FFFFFF0, s10  }
0x17c: {  	s11 =	simm.s32 $0x780;
	s1 =	sadd.s32 s3, s1  }
0x17d: {  	[tilespmem:s11], [sflag:$0x1] =	stream.linear.gather [hbm4b:s1+s0], $0x80, $0x38;
	[tilespmem:$0x8200] =	vst v63  }
0x17e: {  	s12 =	spop (v2sf)  }
0x17f: {  	s1 =	sand.u32 $0x1FFFFFF0, s12  }
0x180: {  	s13 =	simm.s32 $0x800;
	s14 =	spop (v2sf);
	s1 =	sadd.s32 s3, s1  }
0x181: {  	[tilespmem:s13], [sflag:$0x1] =	stream.linear.gather [hbm4b:s1+s0], $0x80, $0x38;
	[tilespmem:$0x8200] =	vst v63  }
0x182: {  	s1 =	sand.u32 $0x1FFFFFF0, s14  }
0x183: {  	s15 =	simm.s32 $0x880;
	s16 =	spop (v2sf);
	s1 =	sadd.s32 s3, s1  }
0x184: {  	[tilespmem:s15], [sflag:$0x1] =	stream.linear.gather [hbm4b:s1+s0], $0x80, $0x38;
	[tilespmem:$0x8200] =	vst v63  }
0x185: {  	s1 =	sand.u32 $0x1FFFFFF0, s16  }
0x186: {  	s17 =	simm.s32 $0x900;
	s18 =	spop (v2sf);
	s1 =	sadd.s32 s3, s1  }
0x187: {  	[tilespmem:s17], [sflag:$0x1] =	stream.linear.gather [hbm4b:s1+s0], $0x80, $0x38;
	[tilespmem:$0x8200] =	vst v63  }
0x188: {  	s1 =	sand.u32 $0x1FFFFFF0, s18  }
0x189: {  	s19 =	simm.s32 $0x980;
	s20 =	simm.s32 $0x10;
	s1 =	sadd.s32 s3, s1  }
0x18a: {  	[tilespmem:s19], [sflag:$0x1] =	stream.linear.gather [hbm4b:s1+s0], $0x80, $0x38;
	[tilespmem:$0x8200] =	vst v63  }
0x18b: {  	s0 =	sand.u32 $0xF0, s20  }
0x18c: {  	v63 =	vld [tilespmem:s0+$0x100];
	_ =	sdelay $0x4  }
0x18d: {  	v0 =	vshll.u32 v63, $0x4  }
0x18e: {  	(v2sf) =	vpush v0, $0x0  }
0x18f: {  	(v2sf) =	vpush v0, $0x1  }
0x190: {  	(v2sf) =	vpush v0, $0x2;
	_ =	sdelay $0x1  }
0x191: {  	(v2sf) =	vpush v0, $0x3;
	_ =	sdelay $0x1  }
0x192: {  	(v2sf) =	vpush v0, $0x4;
	_ =	sdelay $0x2  }
0x193: {  	(v2sf) =	vpush v0, $0x5;
	_ =	sdelay $0x1  }
0x194: {  	(v2sf) =	vpush v0, $0x6;
	_ =	sdelay $0x2  }
0x195: {  	s23 =	simm.s32 $0xA00;
	s24 =	simm.s32 $0xA80;
	s10 =	simm.s32 $0xB00  }
0x196: {  	s11 =	simm.s32 $0xB80;
	s15 =	simm.s32 $0xC00;
	s21 =	spop (v2sf);
	(v2sf) =	vpush v0, $0x7  }
0x197: {  	s16 =	simm.s32 $0xC80;
	s0 =	sand.u32 $0x1FFFFFF0, s21;
	s22 =	spop (v2sf)  }
0x198: {  	(v2sf) =	vpush v0, $0x8;
	s0 =	sadd.s32 s3, s0;
	s1 =	sand.u32 $0x1FFFFFF0, s22;
	s31 =	spop (v2sf)  }
0x199: {  	(v2sf) =	vpush v0, $0x9;
	[tilespmem:s23], [sflag:$0x1] =	stream.linear.gather [hbm4b:s0+s2], $0x80, $0x38;
	[tilespmem:$0x8200] =	vst v63  }
0x19a: {  	s20 =	simm.s32 $0xD00;
	s1 =	sadd.s32 s3, s1;
	s4 =	spop (v2sf)  }
0x19b: {  	(v2sf) =	vpush v0, $0xA;
	[tilespmem:s24], [sflag:$0x1] =	stream.linear.gather [hbm4b:s1+s2], $0x80, $0x38;
	[tilespmem:$0x8200] =	vst v63  }
0x19c: {  	s21 =	simm.s32 $0xD80;
	s12 =	spop (v2sf);
	s1 =	sand.u32 $0x1FFFFFF0, s31  }
0x19d: {  	(v2sf) =	vpush v0, $0xB;
	s13 =	sand.u32 $0x1FFFFFF0, s12;
	s0 =	sadd.s32 s3, s1;
	s1 =	sand.u32 $0x1FFFFFF0, s4  }
0x19e: {  	[tilespmem:s10], [sflag:$0x1] =	stream.linear.gather [hbm4b:s0+s2], $0x80, $0x38;
	[tilespmem:$0x8200] =	vst v63  }
0x19f: {  	s14 =	spop (v2sf);
	(v2sf) =	vpush v0, $0xC;
	s31 =	simm.s32 $0xE00;
	s1 =	sadd.s32 s3, s1  }
0x1a0: {  	[tilespmem:s11], [sflag:$0x1] =	stream.linear.gather [hbm4b:s1+s2], $0x80, $0x38;
	[tilespmem:$0x8200] =	vst v63  }
0x1a1: {  	s17 =	spop (v2sf);
	(v2sf) =	vpush v0, $0xD;
	s0 =	sadd.s32 s3, s13;
	s1 =	sand.u32 $0x1FFFFFF0, s14  }
0x1a2: {  	[tilespmem:s15], [sflag:$0x1] =	stream.linear.gather [hbm4b:s0+s2], $0x80, $0x38;
	[tilespmem:$0x8200] =	vst v63  }
0x1a3: {  	s18 =	sand.u32 $0x1FFFFFF0, s17;
	s10 =	simm.s32 $0xE80;
	s1 =	sadd.s32 s3, s1  }
0x1a4: {  	[tilespmem:s16], [sflag:$0x1] =	stream.linear.gather [hbm4b:s1+s2], $0x80, $0x38;
	[tilespmem:$0x8200] =	vst v63  }
0x1a5: {  	s14 =	simm.s32 $0xF00;
	s0 =	sadd.s32 s3, s18;
	s19 =	spop (v2sf);
	(v2sf) =	vpush v0, $0xE  }
0x1a6: {  	[tilespmem:s20], [sflag:$0x1] =	stream.linear.gather [hbm4b:s0+s2], $0x80, $0x38;
	[tilespmem:$0x8200] =	vst v63  }
0x1a7: {  	s15 =	simm.s32 $0xF80;
	s1 =	sand.u32 $0x1FFFFFF0, s19;
	s22 =	spop (v2sf);
	(v2sf) =	vpush v0, $0xF  }
0x1a8: {  	s1 =	sadd.s32 s3, s1;
	s23 =	sand.u32 $0x1FFFFFF0, s22;
	s24 =	spop (v2sf)  }
0x1a9: {  	[tilespmem:s21], [sflag:$0x1] =	stream.linear.gather [hbm4b:s1+s2], $0x80, $0x38;
	[tilespmem:$0x8200] =	vst v63  }
0x1aa: {  	s0 =	sadd.s32 s3, s23;
	s1 =	sand.u32 $0x1FFFFFF0, s24;
	s11 =	spop (v2sf)  }
0x1ab: {  	[tilespmem:s31], [sflag:$0x1] =	stream.linear.gather [hbm4b:s0+s2], $0x80, $0x38;
	[tilespmem:$0x8200] =	vst v63  }
0x1ac: {  	s1 =	sadd.s32 s3, s1;
	s12 =	sand.u32 $0x1FFFFFF0, s11;
	s13 =	spop (v2sf)  }
0x1ad: {  	[tilespmem:s10], [sflag:$0x1] =	stream.linear.gather [hbm4b:s1+s2], $0x80, $0x38;
	[tilespmem:$0x8200] =	vst v63  }
0x1ae: {  	s0 =	sadd.s32 s3, s12;
	s16 =	spop (v2sf);
	s1 =	sand.u32 $0x1FFFFFF0, s13  }
0x1af: {  	[tilespmem:s14], [sflag:$0x1] =	stream.linear.gather [hbm4b:s0+s2], $0x80, $0x38;
	[tilespmem:$0x8200] =	vst v63  }
0x1b0: {  	s17 =	sand.u32 $0x1FFFFFF0, s16;
	s18 =	spop (v2sf);
	s1 =	sadd.s32 s3, s1  }
0x1b1: {  	[tilespmem:s15], [sflag:$0x1] =	stream.linear.gather [hbm4b:s1+s2], $0x80, $0x38;
	[tilespmem:$0x8200] =	vst v63  }
0x1b2: {  	s19 =	simm.s32 $0x1000;
	s0 =	sadd.s32 s3, s17;
	s1 =	sand.u32 $0x1FFFFFF0, s18  }
0x1b3: {  	[tilespmem:s19], [sflag:$0x1] =	stream.linear.gather [hbm4b:s0+s2], $0x80, $0x38;
	[tilespmem:$0x8200] =	vst v63  }
0x1b4: {  	s20 =	simm.s32 $0x1080;
	s1 =	sadd.s32 s3, s1;
	s21 =	spop (v2sf)  }
0x1b5: {  	[tilespmem:s20], [sflag:$0x1] =	stream.linear.gather [hbm4b:s1+s2], $0x80, $0x38;
	[tilespmem:$0x8200] =	vst v63  }
0x1b6: {  	s22 =	sand.u32 $0x1FFFFFF0, s21;
	s23 =	spop (v2sf)  }
0x1b7: {  	s24 =	simm.s32 $0x1100;
	s0 =	sadd.s32 s3, s22;
	s1 =	sand.u32 $0x1FFFFFF0, s23  }
0x1b8: {  	[tilespmem:s24], [sflag:$0x1] =	stream.linear.gather [hbm4b:s0+s2], $0x80, $0x38;
	[tilespmem:$0x8200] =	vst v63  }
0x1b9: {  	s31 =	simm.s32 $0x1180;
	s1 =	sadd.s32 s3, s1  }
0x1ba: {  	[tilespmem:s31], [sflag:$0x1] =	stream.linear.gather [hbm4b:s1+s2], $0x80, $0x38;
	[tilespmem:$0x8200] =	vst v63  }
0x1bb: {  	_ =	swait.ge [sflag:s25], $0x80  }
0x1bc: {  	[sflag:s25] =	ssyncset.done $0x0  }
0x1bd: {  	[sflag:s25] =	ssyncadd.s32 $0xFFFFFF80  }
0x1be: {  	_ =	swait.ge [sflag:s25], $0x80  }
0x1bf: {  	[sflag:s25] =	ssyncset.done $0x0  }
0x1c0: {  	[sflag:s25] =	ssyncadd.s32 $0xFFFFFF80  }
0x1c1: {  	_ =	swait.ge [sflag:s25], $0x80  }
0x1c2: {  	[sflag:s25] =	ssyncset.done $0x0  }
0x1c3: {  	[sflag:s25] =	ssyncadd.s32 $0xFFFFFF80  }
0x1c4: {  	_ =	swait.ge [sflag:s25], $0x80  }
0x1c5: {  	[sflag:s25] =	ssyncset.done $0x0  }
0x1c6: {  	[sflag:s25] =	ssyncadd.s32 $0xFFFFFF80  }
0x1c7: {  	_ =	swait.ge [sflag:s25], $0x80  }
0x1c8: {  	[sflag:s25] =	ssyncset.done $0x0  }
0x1c9: {  	[sflag:s25] =	ssyncadd.s32 $0xFFFFFF80  }
0x1ca: {  	_ =	swait.ge [sflag:s25], $0x80  }
0x1cb: {  	[sflag:s25] =	ssyncset.done $0x0  }
0x1cc: {  	[sflag:s25] =	ssyncadd.s32 $0xFFFFFF80  }
0x1cd: {  	_ =	swait.ge [sflag:s25], $0x80  }
0x1ce: {  	[sflag:s25] =	ssyncset.done $0x0  }
0x1cf: {  	[sflag:s25] =	ssyncadd.s32 $0xFFFFFF80  }
0x1d0: {  	_ =	swait.ge [sflag:s25], $0x80  }
0x1d1: {  	[sflag:s25] =	ssyncset.done $0x0  }
0x1d2: {  	[sflag:s25] =	ssyncadd.s32 $0xFFFFFF80  }
0x1d3: {  	_ =	swait.ge [sflag:s25], $0x80  }
0x1d4: {  	[sflag:s25] =	ssyncset.done $0x0  }
0x1d5: {  	[sflag:s25] =	ssyncadd.s32 $0xFFFFFF80  }
0x1d6: {  	_ =	swait.ge [sflag:s25], $0x80  }
0x1d7: {  	[sflag:s25] =	ssyncset.done $0x0  }
0x1d8: {  	[sflag:s25] =	ssyncadd.s32 $0xFFFFFF80  }
0x1d9: {  	_ =	swait.ge [sflag:s25], $0x80  }
0x1da: {  	[sflag:s25] =	ssyncset.done $0x0  }
0x1db: {  	[sflag:s25] =	ssyncadd.s32 $0xFFFFFF80  }
0x1dc: {  	_ =	swait.ge [sflag:s25], $0x80  }
0x1dd: {  	[sflag:s25] =	ssyncset.done $0x0  }
0x1de: {  	[sflag:s25] =	ssyncadd.s32 $0xFFFFFF80  }
0x1df: {  	_ =	swait.ge [sflag:s25], $0x80  }
0x1e0: {  	[sflag:s25] =	ssyncset.done $0x0  }
0x1e1: {  	s28 =	simm.s32 $0x2000;
	[sflag:s25] =	ssyncadd.s32 $0xFFFFFF80  }
0x1e2: {  	s30 =	simm.s32 $0x4000;
	s29 =	simm.s32 $0x20;
	_ =	swait.ge [sflag:s25], $0x80  }
.LBB2_4:
0x1e3: {  	p0 =	sne.s32 s30, $0x1C000;
	s0 =	sand.u32 $0xF0, s29;
	[sflag:s25] =	ssyncset.done $0x0  }
0x1e4: {  	s1 =	smov.u32 s30;
	s30 =	sadd.s32 $0x2000, s30;
	[sflag:s25] =	ssyncadd.s32 $0xFFFFFF80  }
0x1e5: {  	_ =	swait.ge [sflag:s25], $0x80  }
0x1e6: {  	[sflag:s25] =	ssyncset.done $0x0  }
0x1e7: {  	[sflag:s25] =	ssyncadd.s32 $0xFFFFFF80  }
0x1e8: {  	_ =	swait.ge [sflag:s25], $0x80  }
0x1e9: {  	[sflag:s25] =	ssyncset.done $0x0  }
0x1ea: {  	[sflag:s25] =	ssyncadd.s32 $0xFFFFFF80  }
0x1eb: {  	v0 =	vld [tilespmem:s0+$0x100];
	_ =	sdelay $0x4  }
0x1ec: {  	v0 =	vshll.u32 v0, $0x4  }
0x1ed: {  	(v2sf) =	vpush v0, $0x0  }
0x1ee: {  	(v2sf) =	vpush v0, $0x1  }
0x1ef: {  	(v2sf) =	vpush v0, $0x2;
	_ =	sdelay $0x1  }
0x1f0: {  	(v2sf) =	vpush v0, $0x3;
	_ =	sdelay $0x1  }
0x1f1: {  	(v2sf) =	vpush v0, $0x4;
	_ =	sdelay $0x1  }
0x1f2: {  	(v2sf) =	vpush v0, $0x5  }
0x1f3: {  	s31 =	sshra.s32 s28, $0x2;
	s28 =	smov.u32 s1  }
0x1f4: {  	s4 =	sadd.s32 $0xA80, s31;
	s15 =	sadd.s32 $0xB80, s31;
	s16 =	sadd.s32 $0xC00, s31;
	(v2sf) =	vpush v0, $0x6  }
0x1f5: {  	s17 =	sadd.s32 $0xA00, s31;
	s18 =	sadd.s32 $0xB00, s31  }
0x1f6: {  	s19 =	sadd.s32 $0xC80, s31;
	(v2sf) =	vpush v0, $0x7  }
0x1f7: {  	s10 =	sadd.s32 $0x1000, s31;
	s1 =	sadd.s32 $0x1080, s31;
	s0 =	sadd.s32 $0x1180, s31  }
0x1f8: {  	s20 =	sadd.s32 $0xD00, s31;
	s12 =	sadd.s32 $0xF00, s31;
	s11 =	sadd.s32 $0xF80, s31;
	(v2sf) =	vpush v0, $0x8  }
0x1f9: {  	s14 =	sadd.s32 $0xE00, s31;
	s13 =	sadd.s32 $0xE80, s31;
	s21 =	spop (v2sf)  }
0x1fa: {  	s22 =	sadd.s32 $0xD80, s31;
	s21 =	sand.u32 $0x1FFFFFF0, s21;
	s23 =	spop (v2sf);
	(v2sf) =	vpush v0, $0x9  }
0x1fb: {  	s21 =	sadd.s32 s3, s21;
	s23 =	sand.u32 $0x1FFFFFF0, s23;
	s24 =	spop (v2sf)  }
0x1fc: {  	[tilespmem:s17], [sflag:$0x1] =	stream.linear.gather [hbm4b:s21+s2], $0x80, $0x38;
	(v2sf) =	vpush v0, $0xA;
	[tilespmem:$0x8200] =	vst v63  }
0x1fd: {  	s17 =	sadd.s32 s3, s23;
	s21 =	sand.u32 $0x1FFFFFF0, s24;
	s23 =	spop (v2sf)  }
0x1fe: {  	[tilespmem:s4], [sflag:$0x1] =	stream.linear.gather [hbm4b:s17+s2], $0x80, $0x38;
	(v2sf) =	vpush v0, $0xB;
	[tilespmem:$0x8200] =	vst v63  }
0x1ff: {  	s4 =	sadd.s32 s3, s21;
	s17 =	sand.u32 $0x1FFFFFF0, s23;
	s21 =	spop (v2sf)  }
0x200: {  	[tilespmem:s18], [sflag:$0x1] =	stream.linear.gather [hbm4b:s4+s2], $0x80, $0x38;
	(v2sf) =	vpush v0, $0xC;
	[tilespmem:$0x8200] =	vst v63  }
0x201: {  	s4 =	sadd.s32 s3, s17;
	s17 =	sand.u32 $0x1FFFFFF0, s21;
	s18 =	spop (v2sf)  }
0x202: {  	[tilespmem:s15], [sflag:$0x1] =	stream.linear.gather [hbm4b:s4+s2], $0x80, $0x38;
	(v2sf) =	vpush v0, $0xD;
	[tilespmem:$0x8200] =	vst v63  }
0x203: {  	s4 =	sadd.s32 s3, s17;
	s15 =	sand.u32 $0x1FFFFFF0, s18;
	s17 =	spop (v2sf)  }
0x204: {  	[tilespmem:s16], [sflag:$0x1] =	stream.linear.gather [hbm4b:s4+s2], $0x80, $0x38;
	(v2sf) =	vpush v0, $0xE;
	[tilespmem:$0x8200] =	vst v63  }
0x205: {  	s4 =	sadd.s32 s3, s15;
	s15 =	sand.u32 $0x1FFFFFF0, s17;
	s16 =	spop (v2sf)  }
0x206: {  	[tilespmem:s19], [sflag:$0x1] =	stream.linear.gather [hbm4b:s4+s2], $0x80, $0x38;
	(v2sf) =	vpush v0, $0xF;
	[tilespmem:$0x8200] =	vst v63  }
0x207: {  	s4 =	sadd.s32 s3, s15;
	s15 =	sand.u32 $0x1FFFFFF0, s16;
	s16 =	spop (v2sf)  }
0x208: {  	[tilespmem:s20], [sflag:$0x1] =	stream.linear.gather [hbm4b:s4+s2], $0x80, $0x38;
	[tilespmem:$0x8200] =	vst v63  }
0x209: {  	s4 =	sadd.s32 s3, s15;
	s15 =	sand.u32 $0x1FFFFFF0, s16;
	s16 =	spop (v2sf)  }
0x20a: {  	[tilespmem:s22], [sflag:$0x1] =	stream.linear.gather [hbm4b:s4+s2], $0x80, $0x38;
	[tilespmem:$0x8200] =	vst v63  }
0x20b: {  	s4 =	sadd.s32 s3, s15;
	s15 =	sand.u32 $0x1FFFFFF0, s16;
	s16 =	spop (v2sf)  }
0x20c: {  	[tilespmem:s14], [sflag:$0x1] =	stream.linear.gather [hbm4b:s4+s2], $0x80, $0x38;
	[tilespmem:$0x8200] =	vst v63  }
0x20d: {  	s4 =	sadd.s32 s3, s15;
	s14 =	sand.u32 $0x1FFFFFF0, s16;
	s15 =	spop (v2sf)  }
0x20e: {  	[tilespmem:s13], [sflag:$0x1] =	stream.linear.gather [hbm4b:s4+s2], $0x80, $0x38;
	[tilespmem:$0x8200] =	vst v63  }
0x20f: {  	s4 =	sadd.s32 s3, s14;
	s13 =	sand.u32 $0x1FFFFFF0, s15;
	s14 =	spop (v2sf)  }
0x210: {  	[tilespmem:s12], [sflag:$0x1] =	stream.linear.gather [hbm4b:s4+s2], $0x80, $0x38;
	[tilespmem:$0x8200] =	vst v63  }
0x211: {  	s4 =	sadd.s32 s3, s13;
	s12 =	sand.u32 $0x1FFFFFF0, s14;
	s13 =	spop (v2sf)  }
0x212: {  	[tilespmem:s11], [sflag:$0x1] =	stream.linear.gather [hbm4b:s4+s2], $0x80, $0x38;
	[tilespmem:$0x8200] =	vst v63  }
0x213: {  	s4 =	sadd.s32 s3, s12;
	s11 =	sand.u32 $0x1FFFFFF0, s13;
	s12 =	spop (v2sf)  }
0x214: {  	[tilespmem:s10], [sflag:$0x1] =	stream.linear.gather [hbm4b:s4+s2], $0x80, $0x38;
	[tilespmem:$0x8200] =	vst v63  }
0x215: {  	s4 =	sadd.s32 s3, s11;
	s10 =	sand.u32 $0x1FFFFFF0, s12;
	s11 =	spop (v2sf)  }
0x216: {  	[tilespmem:s1], [sflag:$0x1] =	stream.linear.gather [hbm4b:s4+s2], $0x80, $0x38;
	[tilespmem:$0x8200] =	vst v63  }
0x217: {  	s1 =	sadd.s32 $0x1100, s31;
	s4 =	sadd.s32 s3, s10;
	s10 =	sand.u32 $0x1FFFFFF0, s11  }
0x218: {  	[tilespmem:s1], [sflag:$0x1] =	stream.linear.gather [hbm4b:s4+s2], $0x80, $0x38;
	[tilespmem:$0x8200] =	vst v63  }
0x219: {  	s1 =	sadd.s32 s3, s10  }
0x21a: {  	[tilespmem:s0], [sflag:$0x1] =	stream.linear.gather [hbm4b:s1+s2], $0x80, $0x38;
	[tilespmem:$0x8200] =	vst v63  }
0x21b: {  	_ =	swait.ge [sflag:s25], $0x80  }
0x21c: {  	[sflag:s25] =	ssyncset.done $0x0  }
0x21d: {  	[sflag:s25] =	ssyncadd.s32 $0xFFFFFF80  }
0x21e: {  	_ =	swait.ge [sflag:s25], $0x80  }
0x21f: {  	[sflag:s25] =	ssyncset.done $0x0  }
0x220: {  	[sflag:s25] =	ssyncadd.s32 $0xFFFFFF80  }
0x221: {  	_ =	swait.ge [sflag:s25], $0x80  }
0x222: {  	[sflag:s25] =	ssyncset.done $0x0  }
0x223: {  	[sflag:s25] =	ssyncadd.s32 $0xFFFFFF80  }
0x224: {  	_ =	swait.ge [sflag:s25], $0x80  }
0x225: {  	[sflag:s25] =	ssyncset.done $0x0  }
0x226: {  	[sflag:s25] =	ssyncadd.s32 $0xFFFFFF80  }
0x227: {  	_ =	swait.ge [sflag:s25], $0x80  }
0x228: {  	[sflag:s25] =	ssyncset.done $0x0  }
0x229: {  	[sflag:s25] =	ssyncadd.s32 $0xFFFFFF80  }
0x22a: {  	_ =	swait.ge [sflag:s25], $0x80  }
0x22b: {  	[sflag:s25] =	ssyncset.done $0x0  }
0x22c: {  	[sflag:s25] =	ssyncadd.s32 $0xFFFFFF80  }
0x22d: {  	_ =	swait.ge [sflag:s25], $0x80  }
0x22e: {  	[sflag:s25] =	ssyncset.done $0x0  }
0x22f: {  	[sflag:s25] =	ssyncadd.s32 $0xFFFFFF80  }
0x230: {  	_ =	swait.ge [sflag:s25], $0x80  }
0x231: {  	[sflag:s25] =	ssyncset.done $0x0  }
0x232: {  	[sflag:s25] =	ssyncadd.s32 $0xFFFFFF80  }
0x233: {  	_ =	swait.ge [sflag:s25], $0x80  }
0x234: {  	[sflag:s25] =	ssyncset.done $0x0  }
0x235: {  	[sflag:s25] =	ssyncadd.s32 $0xFFFFFF80  }
0x236: {  	_ =	swait.ge [sflag:s25], $0x80  }
0x237: {  	[sflag:s25] =	ssyncset.done $0x0  }
0x238: {  	[sflag:s25] =	ssyncadd.s32 $0xFFFFFF80  }
0x239: {  	_ =	swait.ge [sflag:s25], $0x80  }
0x23a: {  	[sflag:s25] =	ssyncset.done $0x0  }
0x23b: {  	[sflag:s25] =	ssyncadd.s32 $0xFFFFFF80  }
0x23c: {  	_ =	swait.ge [sflag:s25], $0x80  }
0x23d: {  	[sflag:s25] =	ssyncset.done $0x0  }
.Ltmp1:
0x23e: {  	[sflag:s25] =	ssyncadd.s32 $0xFFFFFF80;
	(pc) =	sbr.rel @p0 .LBB2_4-.Ltmp1, $4  }
0x23f: {  	_ =	swait.ge [sflag:s25], $0x80  }
0x240: {  	[sflag:s25] =	ssyncset.done $0x0  }
0x241: {  	[sflag:s25] =	ssyncadd.s32 $0xFFFFFF80  }
0x242: {  	s29 =	sadd.s32 $0x10, s29;
	_ =	swait.ge [sflag:s25], $0x80  }
0x243: {  	[sflag:s25] =	ssyncset.done $0x0  }
0x244: {  	[sflag:s25] =	ssyncadd.s32 $0xFFFFFF80  }
0x245: {  	_ =	swait.ge [sflag:s25], $0x80  }
0x246: {  	[sflag:s25] =	ssyncset.done $0x0  }
0x247: {  	[sflag:s25] =	ssyncadd.s32 $0xFFFFFF80  }
0x248: {  	_ =	swait.ge [sflag:s25], $0x80  }
0x249: {  	[sflag:s25] =	ssyncset.done $0x0  }
0x24a: {  	s0 =	sand.u32 $0xF0, s29;
	[sflag:s25] =	ssyncadd.s32 $0xFFFFFF80  }
0x24b: {  	v0 =	vld [tilespmem:s0+$0x100];
	_ =	sdelay $0x4  }
0x24c: {  	v0 =	vshll.u32 v0, $0x4  }
0x24d: {  	(v2sf) =	vpush v0, $0x0;
	_ =	sdelay $0x1  }
0x24e: {  	(v2sf) =	vpush v0, $0x1;
	_ =	sdelay $0x1  }
0x24f: {  	(v2sf) =	vpush v0, $0x2;
	_ =	sdelay $0x2  }
0x250: {  	(v2sf) =	vpush v0, $0x3;
	_ =	sdelay $0x7  }
0x251: {  	s1 =	spop (v2sf);
	(v2sf) =	vpush v0, $0x4;
	_ =	sdelay $0x1  }
0x252: {  	s19 =	spop (v2sf);
	(v2sf) =	vpush v0, $0x5;
	_ =	sdelay $0x1  }
0x253: {  	s21 =	spop (v2sf);
	(v2sf) =	vpush v0, $0x6;
	_ =	sdelay $0x1  }
0x254: {  	s0 =	sshra.s32 s28, $0x2;
	s1 =	sand.u32 $0x1FFFFFF0, s1  }
0x255: {  	s4 =	sadd.s32 $0xA00, s0;
	s1 =	sadd.s32 s3, s1;
	s23 =	spop (v2sf);
	(v2sf) =	vpush v0, $0x7  }
0x256: {  	[tilespmem:s4], [sflag:$0x1] =	stream.linear.gather [hbm4b:s1+s2], $0x80, $0x38;
	[tilespmem:$0x8200] =	vst v63  }
0x257: {  	s1 =	sand.u32 $0x1FFFFFF0, s19  }
0x258: {  	s20 =	sadd.s32 $0xA80, s0;
	s1 =	sadd.s32 s3, s1  }
0x259: {  	[tilespmem:s20], [sflag:$0x1] =	stream.linear.gather [hbm4b:s1+s2], $0x80, $0x38;
	[tilespmem:$0x8200] =	vst v63  }
0x25a: {  	s1 =	sand.u32 $0x1FFFFFF0, s21  }
0x25b: {  	s22 =	sadd.s32 $0xB00, s0;
	s1 =	sadd.s32 s3, s1  }
0x25c: {  	[tilespmem:s22], [sflag:$0x1] =	stream.linear.gather [hbm4b:s1+s2], $0x80, $0x38;
	[tilespmem:$0x8200] =	vst v63  }
0x25d: {  	s28 =	spop (v2sf);
	(v2sf) =	vpush v0, $0x8  }
0x25e: {  	s1 =	sand.u32 $0x1FFFFFF0, s23  }
0x25f: {  	s24 =	sadd.s32 $0xB80, s0;
	s1 =	sadd.s32 s3, s1;
	s30 =	spop (v2sf);
	(v2sf) =	vpush v0, $0x9  }
0x260: {  	[tilespmem:s24], [sflag:$0x1] =	stream.linear.gather [hbm4b:s1+s2], $0x80, $0x38;
	[tilespmem:$0x8200] =	vst v63  }
0x261: {  	s1 =	sand.u32 $0x1FFFFFF0, s28;
	s10 =	spop (v2sf);
	(v2sf) =	vpush v0, $0xA  }
0x262: {  	s29 =	sadd.s32 $0xC00, s0;
	s1 =	sadd.s32 s3, s1  }
0x263: {  	[tilespmem:s29], [sflag:$0x1] =	stream.linear.gather [hbm4b:s1+s2], $0x80, $0x38;
	[tilespmem:$0x8200] =	vst v63  }
0x264: {  	s12 =	spop (v2sf);
	(v2sf) =	vpush v0, $0xB  }
0x265: {  	s1 =	sand.u32 $0x1FFFFFF0, s30  }
0x266: {  	s31 =	sadd.s32 $0xC80, s0;
	s1 =	sadd.s32 s3, s1  }
0x267: {  	[tilespmem:s31], [sflag:$0x1] =	stream.linear.gather [hbm4b:s1+s2], $0x80, $0x38;
	[tilespmem:$0x8200] =	vst v63  }
0x268: {  	s1 =	sand.u32 $0x1FFFFFF0, s10  }
0x269: {  	s11 =	sadd.s32 $0xD00, s0;
	s1 =	sadd.s32 s3, s1  }
0x26a: {  	[tilespmem:s11], [sflag:$0x1] =	stream.linear.gather [hbm4b:s1+s2], $0x80, $0x38;
	[tilespmem:$0x8200] =	vst v63  }
0x26b: {  	s1 =	sand.u32 $0x1FFFFFF0, s12  }
0x26c: {  	s13 =	sadd.s32 $0xD80, s0;
	s1 =	sadd.s32 s3, s1;
	s14 =	spop (v2sf);
	(v2sf) =	vpush v0, $0xC  }
0x26d: {  	[tilespmem:s13], [sflag:$0x1] =	stream.linear.gather [hbm4b:s1+s2], $0x80, $0x38;
	[tilespmem:$0x8200] =	vst v63  }
0x26e: {  	s16 =	spop (v2sf);
	(v2sf) =	vpush v0, $0xD  }
0x26f: {  	s1 =	sand.u32 $0x1FFFFFF0, s14  }
0x270: {  	s15 =	sadd.s32 $0xE00, s0;
	s1 =	sadd.s32 s3, s1;
	s18 =	spop (v2sf)  }
0x271: {  	(v2sf) =	vpush v0, $0xE;
	[tilespmem:s15], [sflag:$0x1] =	stream.linear.gather [hbm4b:s1+s2], $0x80, $0x38;
	[tilespmem:$0x8200] =	vst v63  }
0x272: {  	s1 =	sand.u32 $0x1FFFFFF0, s16  }
0x273: {  	s17 =	sadd.s32 $0xE80, s0;
	s20 =	spop (v2sf);
	s1 =	sadd.s32 s3, s1  }
0x274: {  	(v2sf) =	vpush v0, $0xF;
	[tilespmem:s17], [sflag:$0x1] =	stream.linear.gather [hbm4b:s1+s2], $0x80, $0x38;
	[tilespmem:$0x8200] =	vst v63  }
0x275: {  	s1 =	sand.u32 $0x1FFFFFF0, s18  }
0x276: {  	s19 =	sadd.s32 $0xF00, s0;
	s1 =	sadd.s32 s3, s1  }
0x277: {  	[tilespmem:s19], [sflag:$0x1] =	stream.linear.gather [hbm4b:s1+s2], $0x80, $0x38;
	[tilespmem:$0x8200] =	vst v63  }
0x278: {  	s1 =	sand.u32 $0x1FFFFFF0, s20  }
0x279: {  	s21 =	sadd.s32 $0xF80, s0;
	s1 =	sadd.s32 s3, s1  }
0x27a: {  	[tilespmem:s21], [sflag:$0x1] =	stream.linear.gather [hbm4b:s1+s2], $0x80, $0x38;
	[tilespmem:$0x8200] =	vst v63  }
0x27b: {  	s22 =	spop (v2sf)  }
0x27c: {  	s1 =	sand.u32 $0x1FFFFFF0, s22  }
0x27d: {  	s23 =	sadd.s32 $0x1000, s0;
	s24 =	spop (v2sf);
	s1 =	sadd.s32 s3, s1  }
0x27e: {  	[tilespmem:s23], [sflag:$0x1] =	stream.linear.gather [hbm4b:s1+s2], $0x80, $0x38;
	[tilespmem:$0x8200] =	vst v63  }
0x27f: {  	s1 =	sand.u32 $0x1FFFFFF0, s24  }
0x280: {  	s28 =	sadd.s32 $0x1080, s0;
	s29 =	spop (v2sf);
	s1 =	sadd.s32 s3, s1  }
0x281: {  	[tilespmem:s28], [sflag:$0x1] =	stream.linear.gather [hbm4b:s1+s2], $0x80, $0x38;
	[tilespmem:$0x8200] =	vst v63  }
0x282: {  	s1 =	sand.u32 $0x1FFFFFF0, s29  }
0x283: {  	s30 =	sadd.s32 $0x1100, s0;
	s31 =	spop (v2sf);
	s1 =	sadd.s32 s3, s1  }
0x284: {  	[tilespmem:s30], [sflag:$0x1] =	stream.linear.gather [hbm4b:s1+s2], $0x80, $0x38;
	[tilespmem:$0x8200] =	vst v63  }
0x285: {  	s1 =	sand.u32 $0x1FFFFFF0, s31  }
0x286: {  	s0 =	sadd.s32 $0x1180, s0;
	s1 =	sadd.s32 s3, s1  }
0x287: {  	[tilespmem:s0], [sflag:$0x1] =	stream.linear.gather [hbm4b:s1+s2], $0x80, $0x38;
	[tilespmem:$0x8200] =	vst v63  }
0x288: {  	_ =	swait.ge [sflag:s25], $0x80  }
0x289: {  	[sflag:s25] =	ssyncset.done $0x0  }
0x28a: {  	[sflag:s25] =	ssyncadd.s32 $0xFFFFFF80  }
0x28b: {  	_ =	swait.ge [sflag:s25], $0x80  }
0x28c: {  	[sflag:s25] =	ssyncset.done $0x0  }
0x28d: {  	[sflag:s25] =	ssyncadd.s32 $0xFFFFFF80  }
0x28e: {  	_ =	swait.ge [sflag:s25], $0x80  }
0x28f: {  	[sflag:s25] =	ssyncset.done $0x0  }
0x290: {  	[sflag:s25] =	ssyncadd.s32 $0xFFFFFF80  }
0x291: {  	_ =	swait.ge [sflag:s25], $0x80  }
0x292: {  	[sflag:s25] =	ssyncset.done $0x0  }
0x293: {  	[sflag:s25] =	ssyncadd.s32 $0xFFFFFF80  }
0x294: {  	_ =	swait.ge [sflag:s25], $0x80  }
0x295: {  	[sflag:s25] =	ssyncset.done $0x0  }
0x296: {  	[sflag:s25] =	ssyncadd.s32 $0xFFFFFF80  }
0x297: {  	_ =	swait.ge [sflag:s25], $0x80  }
0x298: {  	[sflag:s25] =	ssyncset.done $0x0  }
0x299: {  	[sflag:s25] =	ssyncadd.s32 $0xFFFFFF80  }
0x29a: {  	_ =	swait.ge [sflag:s25], $0x80  }
0x29b: {  	[sflag:s25] =	ssyncset.done $0x0  }
0x29c: {  	[sflag:s25] =	ssyncadd.s32 $0xFFFFFF80  }
0x29d: {  	_ =	swait.ge [sflag:s25], $0x80  }
0x29e: {  	[sflag:s25] =	ssyncset.done $0x0  }
0x29f: {  	[sflag:s25] =	ssyncadd.s32 $0xFFFFFF80  }
0x2a0: {  	_ =	swait.ge [sflag:s25], $0x80  }
0x2a1: {  	[sflag:s25] =	ssyncset.done $0x0  }
0x2a2: {  	[sflag:s25] =	ssyncadd.s32 $0xFFFFFF80  }
0x2a3: {  	_ =	swait.ge [sflag:s25], $0x80  }
0x2a4: {  	[sflag:s25] =	ssyncset.done $0x0  }
0x2a5: {  	[sflag:s25] =	ssyncadd.s32 $0xFFFFFF80  }
0x2a6: {  	_ =	swait.ge [sflag:s25], $0x80  }
0x2a7: {  	[sflag:s25] =	ssyncset.done $0x0  }
0x2a8: {  	[sflag:s25] =	ssyncadd.s32 $0xFFFFFF80  }
0x2a9: {  	_ =	swait.ge [sflag:s25], $0x80  }
0x2aa: {  	[sflag:s25] =	ssyncset.done $0x0  }
0x2ab: {  	[sflag:s25] =	ssyncadd.s32 $0xFFFFFF80  }
0x2ac: {  	_ =	swait.ge [sflag:s25], $0x80  }
0x2ad: {  	[sflag:s25] =	ssyncset.done $0x0  }
0x2ae: {  	[sflag:s25] =	ssyncadd.s32 $0xFFFFFF80  }
0x2af: {  	_ =	swait.ge [sflag:s25], $0x80  }
0x2b0: {  	[sflag:s25] =	ssyncset.done $0x0  }
0x2b1: {  	[sflag:s25] =	ssyncadd.s32 $0xFFFFFF80  }
0x2b2: {  	_ =	swait.ge [sflag:s25], $0x80  }
0x2b3: {  	[sflag:s25] =	ssyncset.done $0x0  }
0x2b4: {  	[sflag:s25] =	ssyncadd.s32 $0xFFFFFF80  }
0x2b5: {  	_ =	swait.ge [sflag:s25], $0x80  }
0x2b6: {  	[sflag:s25] =	ssyncset.done $0x0  }
0x2b7: {  	[sflag:s25] =	ssyncadd.s32 $0xFFFFFF80  }
0x2b8: {  	_ =	swait.ge [sflag:s25], $0x80  }
0x2b9: {  	[sflag:s25] =	ssyncset.done $0x0  }
0x2ba: {  	[sflag:s25] =	ssyncadd.s32 $0xFFFFFF80  }
0x2bb: {  	_ =	swait.ge [sflag:s25], $0x80  }
0x2bc: {  	[sflag:s25] =	ssyncset.done $0x0  }
0x2bd: {  	[sflag:s25] =	ssyncadd.s32 $0xFFFFFF80  }
0x2be: {  	_ =	swait.ge [sflag:s25], $0x80  }
0x2bf: {  	[sflag:s25] =	ssyncset.done $0x0  }
0x2c0: {  	[sflag:s25] =	ssyncadd.s32 $0xFFFFFF80  }
0x2c1: {  	_ =	swait.ge [sflag:s25], $0x80  }
0x2c2: {  	[sflag:s25] =	ssyncset.done $0x0  }
0x2c3: {  	[sflag:s25] =	ssyncadd.s32 $0xFFFFFF80  }
0x2c4: {  	_ =	swait.ge [sflag:s25], $0x80  }
0x2c5: {  	[sflag:s25] =	ssyncset.done $0x0  }
0x2c6: {  	[sflag:s25] =	ssyncadd.s32 $0xFFFFFF80  }
0x2c7: {  	_ =	swait.ge [sflag:s25], $0x80  }
0x2c8: {  	[sflag:s25] =	ssyncset.done $0x0  }
0x2c9: {  	[sflag:s25] =	ssyncadd.s32 $0xFFFFFF80  }
0x2ca: {  	_ =	swait.ge [sflag:s25], $0x80  }
0x2cb: {  	[sflag:s25] =	ssyncset.done $0x0  }
0x2cc: {  	[sflag:s25] =	ssyncadd.s32 $0xFFFFFF80  }
0x2cd: {  	_ =	swait.ge [sflag:s25], $0x80  }
0x2ce: {  	[sflag:s25] =	ssyncset.done $0x0  }
0x2cf: {  	[sflag:s25] =	ssyncadd.s32 $0xFFFFFF80  }
0x2d0: {  	_ =	swait.ge [sflag:s25], $0x80  }
0x2d1: {  	[sflag:s25] =	ssyncset.done $0x0  }
0x2d2: {  	[sflag:s25] =	ssyncadd.s32 $0xFFFFFF80  }
0x2d3: {  	_ =	swait.ge [sflag:s25], $0x80  }
0x2d4: {  	[sflag:s25] =	ssyncset.done $0x0  }
0x2d5: {  	[sflag:s25] =	ssyncadd.s32 $0xFFFFFF80  }
0x2d6: {  	_ =	swait.ge [sflag:s25], $0x80  }
0x2d7: {  	[sflag:s25] =	ssyncset.done $0x0  }
0x2d8: {  	[sflag:s25] =	ssyncadd.s32 $0xFFFFFF80  }
0x2d9: {  	_ =	swait.ge [sflag:s25], $0x80  }
0x2da: {  	[sflag:s25] =	ssyncset.done $0x0  }
0x2db: {  	[sflag:s25] =	ssyncadd.s32 $0xFFFFFF80  }
0x2dc: {  	_ =	swait.ge [sflag:s25], $0x80  }
0x2dd: {  	[sflag:s25] =	ssyncset.done $0x0  }
0x2de: {  	[sflag:s25] =	ssyncadd.s32 $0xFFFFFF80  }
0x2df: {  	_ =	swait.ge [sflag:s25], $0x80  }
0x2e0: {  	[sflag:s25] =	ssyncset.done $0x0  }
0x2e1: {  	[sflag:s25] =	ssyncadd.s32 $0xFFFFFF80  }
0x2e2: {  	_ =	swait.ge [sflag:s25], $0x80  }
0x2e3: {  	[sflag:s25] =	ssyncset.done $0x0  }
0x2e4: {  	[sflag:s25] =	ssyncadd.s32 $0xFFFFFF80  }
0x2e5: {  	s26 =	sadd.s32 $0x1, s26;
	_ =	swait.ge [sflag:s25], $0x80  }
0x2e6: {  	p0 =	sne.s32 s26, s7;
	[sflag:s25] =	ssyncset.done $0x0  }
.Ltmp2:
0x2e7: {  	[sflag:s25] =	ssyncadd.s32 $0xFFFFFF80;
	(pc) =	sbr.rel @p0 .LBB2_1-.Ltmp2, $4  }
0x2e8: {  	[hbm4b:s6+s2] =	stream.linear.scatter [tilespmem:s9], [sflag:$0x2], $0x8000, $0x38;
	[tilespmem:$0x8200] =	vst v63  }
0x2e9: {  	_ =	swait.ge [sflag:s8], $0x8000  }
0x2ea: {  	[sflag:s8] =	ssyncset.done $0x0  }
0x2eb: {  	s24 =	simm.s32 $0x280;
	[sflag:s8] =	ssyncadd.s32 $0xFFFF8000  }
0x2ec: {  	_ =	sfence.sel $0x180000  }
0x2ed: {  	[bflag:$0x0] =	sbarrier.arrive $0xFFFF  }
0x2ee: {  	_ =	strace $0x90000047  }
0x2ef: {  	s0 =	stileid.u32;
	[bflag:$0x2] =	sbarrier.arrive $0xFFFF  }
0x2f0: {  	p0 =	sne.s32 s0, $0x0;
	s0 =	rddreg [dreg:$0x2]  }
0x2f1: {  	s0 =	sadd.s32 @!p0 $0x100000, s0  }
0x2f2: {  	[sflag:s0] =	ssyncadd.tile.s32 @!p0 $0x1;
	_ =	shalt  }
.Lfunc_end2:
_tile_overlayer_lowered:
.L_overlay_start_2:
0x2f3: {  	(tag) =	ssettag $0x2  }
0x2f4: {  	s0 =	rddreg [dreg:$0x0];
	s2 =	stileid.u32  }
0x2f5: {  	s1 =	rddreg [dreg:$0x1];
	p0 =	sne.s32 s2, $0x0  }
0x2f6: {  	s3 =	rddreg [dreg:$0x2];
	[bflag:$0x3] =	sbarrier.arrive $0xFFFF;
	s2 =	simm.s32 @!p0 $0x1C02  }
0x2f7: {  	[timem:s3], [sflag:s2] =	dma.local @!p0 [hbm:s0], s1  }
0x2f8: {  	s0 =	simm.s32 @!p0 $0x2  }
0x2f9: {  	_ =	swait.ge @!p0 [sflag:s0], s1  }
0x2fa: {  	s1 =	ssub.s32 @!p0 $0x0, s1;
	[sflag:s0] =	ssyncset.done @!p0 $0x0  }
0x2fb: {  	[sflag:s0] =	ssyncadd.s32 @!p0 s1  }
0x2fc: {  	[bflag:$0x3] =	sbarrier.arrive $0xFFFF  }
0x2fd: {  	_ =	shalt  }

</sc_bundles>
